<compile_context>
chip_gen: v7x
topology: tpu7x:2x2x1
jax: 0.10.2.dev20260603
libtpu: 0.0.44.dev20260713+nightly
codegen_flags: <defaults>
</compile_context>

<pallas_src>
import jax
import jax.numpy as jnp
from jax import lax
from jax.experimental import pallas as pl
from jax.experimental.pallas import tpu as pltpu
from jax.experimental.pallas import tpu_sc as plsc

N_NODES = 10000
N_EDGES = 160000
D = 256
DH = 128

NC = 2
NS = 16
E_PAD = 163840
EDGES_PER_TILE = E_PAD // NS
CHUNK = 80
N_CHUNKS = EDGES_PER_TILE // CHUNK
N_PAD = 10240
ROWS_PER_TILE = N_PAD // NS

NBUF = 5
PREFETCH = NBUF - 1
IRING = PREFETCH + 2
SRING = 2


def _sc_body(xcat_ref, src_ref, dst_ref, att_ref, out_ref,
             sidxr, didxr, attr, rows, sbuf, acc, isem, gsem, ssem):
    c = lax.axis_index("c")
    s = lax.axis_index("s")

    chunk_base = s * N_CHUNKS

    def idx_start(ch):
        i = lax.rem(ch, IRING)
        pltpu.make_async_copy(src_ref.at[c, chunk_base + ch], sidxr.at[i],
                              isem.at[i]).start()
        pltpu.make_async_copy(dst_ref.at[chunk_base + ch], didxr.at[i],
                              isem.at[i]).start()
        pltpu.make_async_copy(att_ref.at[chunk_base + ch], attr.at[i],
                              isem.at[i]).start()

    def idx_wait(ch):
        i = lax.rem(ch, IRING)
        pltpu.make_async_copy(src_ref.at[c, chunk_base + ch], sidxr.at[i],
                              isem.at[i]).wait()
        pltpu.make_async_copy(dst_ref.at[chunk_base + ch], didxr.at[i],
                              isem.at[i]).wait()
        pltpu.make_async_copy(att_ref.at[chunk_base + ch], attr.at[i],
                              isem.at[i]).wait()

    def gather_start(ch, b):
        i = lax.rem(ch, IRING)
        pltpu.make_async_copy(xcat_ref.at[sidxr.at[i]],
                              rows.at[pl.ds(b * CHUNK, CHUNK)],
                              gsem.at[b]).start()

    def gather_wait(ch, b):
        i = lax.rem(ch, IRING)
        pltpu.make_async_copy(xcat_ref.at[sidxr.at[i]],
                              rows.at[pl.ds(b * CHUNK, CHUNK)],
                              gsem.at[b]).wait()

    def scatter_start(ch, sb):
        i = lax.rem(ch, IRING)
        pltpu.make_async_copy(sbuf.at[pl.ds(sb * CHUNK, CHUNK)],
                              acc.at[didxr.at[i]], ssem.at[sb]).start(add=True)

    def scatter_wait(ch, sb):
        i = lax.rem(ch, IRING)
        pltpu.make_async_copy(sbuf.at[pl.ds(sb * CHUNK, CHUNK)],
                              acc.at[didxr.at[i]], ssem.at[sb]).wait()

    def scale(ch, b, sb):
        i = lax.rem(ch, IRING)

        def scale_i(g, inner):
            av = attr[i, pl.ds(g * 16, 16)]
            for l in range(16):
                a = av[l]
                e = g * 16 + l
                er = b * CHUNK + e
                es = sb * CHUNK + e
                for k in range(DH // 32):
                    v = rows[er, pl.ds(k * 16, 16)]
                    lo = lax.bitcast_convert_type(v << 16, jnp.float32)
                    hi = lax.bitcast_convert_type(v & jnp.int32(-65536), jnp.float32)
                    sbuf[es, pl.ds(k * 32, 16)] = lo * a
                    sbuf[es, pl.ds(k * 32 + 16, 16)] = hi * a
            return inner
        lax.fori_loop(0, CHUNK // 16, scale_i, 0)

    for pch in range(PREFETCH + 1):
        idx_start(jnp.int32(pch))

    def zero_row(r, carry):
        for k in range(DH // 16):
            sbuf[r, pl.ds(k * 16, 16)] = jnp.zeros((16,), jnp.float32)
        return carry
    lax.fori_loop(0, CHUNK, zero_row, 0)

    base_n = s * ROWS_PER_TILE
    for z in range(ROWS_PER_TILE // CHUNK):
        pltpu.sync_copy(sbuf.at[pl.ds(0, CHUNK)],
                        acc.at[pl.ds(base_n + z * CHUNK, CHUNK)])
    plsc.subcore_barrier()

    for pch in range(PREFETCH):
        idx_wait(jnp.int32(pch))
        gather_start(jnp.int32(pch), pch % NBUF)

    def body(ch, carry):
        b = lax.rem(ch, NBUF)
        sb = lax.rem(ch, SRING)
        gather_wait(ch, b)
        scale(ch, b, sb)
        scatter_start(ch, sb)

        @pl.when(ch >= 1)
        def _():
            scatter_wait(ch - 1, lax.rem(ch + 1, SRING))

        nb = lax.rem(ch + PREFETCH, NBUF)

        @pl.when(ch + PREFETCH < N_CHUNKS)
        def _():
            idx_wait(ch + PREFETCH)
            gather_start(ch + PREFETCH, nb)

        @pl.when(ch + PREFETCH + 1 < N_CHUNKS)
        def _():
            idx_start(ch + PREFETCH + 1)
        return carry
    lax.fori_loop(0, N_CHUNKS, body, 0)

    scatter_wait(jnp.int32(N_CHUNKS - 1), (N_CHUNKS - 1) % SRING)

    plsc.subcore_barrier()
    pltpu.sync_copy(acc.at[pl.ds(base_n, ROWS_PER_TILE)],
                    out_ref.at[c, pl.ds(base_n, ROWS_PER_TILE)])


def _sc_segment_sum(xcat, src3, dst3, att3):
    mesh = plsc.VectorSubcoreMesh(core_axis_name="c", subcore_axis_name="s")
    return pl.kernel(
        _sc_body,
        out_type=jax.ShapeDtypeStruct((NC, N_PAD, DH), jnp.float32),
        mesh=mesh,
        compiler_params=pltpu.CompilerParams(use_tc_tiling_on_sc=False),
        scratch_types=[
            pltpu.VMEM((IRING, CHUNK), jnp.int32),
            pltpu.VMEM((IRING, CHUNK), jnp.int32),
            pltpu.VMEM((IRING, CHUNK), jnp.float32),
            pltpu.VMEM((NBUF * CHUNK, DH // 2), jnp.int32),
            pltpu.VMEM((SRING * CHUNK, DH), jnp.float32),
            pltpu.VMEM_SHARED((N_PAD, DH), jnp.float32),
            pltpu.SemaphoreType.DMA((IRING,)),
            pltpu.SemaphoreType.DMA((NBUF,)),
            pltpu.SemaphoreType.DMA((SRING,)),
        ],
    )(xcat, src3, dst3, att3)


def _tc_body(x_ref, nhlo_ref, nhhi_ref, w1_ref, w2_ref, b1_ref, b2_ref, o_ref):
    x = x_ref[...]
    nh = jnp.concatenate([nhlo_ref[0], nhhi_ref[0]], axis=1)
    dn = (((1,), (1,)), ((), ()))
    y1 = lax.dot_general(x + nh, w1_ref[...], dn,
                         preferred_element_type=jnp.float32) + b1_ref[...]
    y2 = lax.dot_general(x * nh, w2_ref[...], dn,
                         preferred_element_type=jnp.float32) + b2_ref[...]
    y1 = jnp.where(y1 > 0, y1, 0.01 * y1)
    y2 = jnp.where(y2 > 0, y2, 0.01 * y2)
    o_ref[...] = y1 + y2


def _tc_biinteract(x, nh2, W1, W2, b1, b2):
    R = 400
    grid = (N_NODES // R,)
    return pl.pallas_call(
        _tc_body,
        grid=grid,
        in_specs=[
            pl.BlockSpec((R, D), lambda i: (i, 0)),
            pl.BlockSpec((1, R, DH), lambda i: (0, i, 0)),
            pl.BlockSpec((1, R, DH), lambda i: (1, i, 0)),
            pl.BlockSpec((D, D), lambda i: (0, 0)),
            pl.BlockSpec((D, D), lambda i: (0, 0)),
            pl.BlockSpec((1, D), lambda i: (0, 0)),
            pl.BlockSpec((1, D), lambda i: (0, 0)),
        ],
        out_specs=pl.BlockSpec((R, D), lambda i: (i, 0)),
        out_shape=jax.ShapeDtypeStruct((N_NODES, D), jnp.float32),
    )(x, nh2, nh2, W1, W2, b1, b2)


def kernel(entity_embed, edge_index, edge_att, W1, b1, W2, b2):
    x = entity_embed
    src = edge_index[0].astype(jnp.int32)
    dst = edge_index[1].astype(jnp.int32)
    att = edge_att.astype(jnp.float32)

    pad = E_PAD - N_EDGES
    src_p = jnp.concatenate([src, jnp.zeros((pad,), jnp.int32)])
    dst_p = jnp.concatenate([dst, jnp.zeros((pad,), jnp.int32)])
    att_p = jnp.concatenate([att, jnp.zeros((pad,), jnp.float32)])

    src2 = jnp.stack([src_p, src_p + N_NODES])
    src3 = src2.reshape(NC, E_PAD // CHUNK, CHUNK)
    dst3 = dst_p.reshape(E_PAD // CHUNK, CHUNK)
    att3 = att_p.reshape(E_PAD // CHUNK, CHUNK)

    xcat = jnp.concatenate([x[:, :DH], x[:, DH:]], axis=0).astype(jnp.bfloat16)
    xperm = xcat.reshape(2 * N_NODES, DH // 32, 2, 16).transpose(0, 1, 3, 2)
    xperm = lax.bitcast_convert_type(xperm, jnp.int32)
    xperm = xperm.reshape(2 * N_NODES, DH // 2)

    nh2 = _sc_segment_sum(xperm, src3, dst3, att3)

    return _tc_biinteract(x, nh2, W1, W2,
                          b1.reshape(1, D), b2.reshape(1, D))

# --- scband reference (transcript-rebuilt; emitter-appended) ---
"""Pipeline reference for scband-ker-print-51075751084615 (READ-ONLY COPY).

The authoritative reference and input builder live on the scoring server;
editing this copy changes nothing except your own understanding.
"""

import jax, jax.numpy as jnp
import numpy as np

N_NODES = 10000
N_EDGES = 160000
D = 256

def setup_inputs(seed: int = 0) -> dict:
    key = jax.random.key(seed)
    k1, k2, k3, k4, k5 = jax.random.split(key, 5)
    entity_embed = jax.random.normal(k1, (N_NODES, D), dtype=jnp.float32)
    edge_index = jax.random.randint(k2, (2, N_EDGES), 0, N_NODES, dtype=jnp.int64)
    edge_att = jax.random.uniform(k3, (N_EDGES,), dtype=jnp.float32)
    # bi-interaction aggregator weights (xavier-like init)
    scale = float(np.sqrt(6.0 / (D + D)))
    W1 = jax.random.uniform(k4, (D, D), dtype=jnp.float32, minval=-scale, maxval=scale)
    W2 = jax.random.uniform(k5, (D, D), dtype=jnp.float32, minval=-scale, maxval=scale)
    b1 = jnp.zeros((D,), dtype=jnp.float32)
    b2 = jnp.zeros((D,), dtype=jnp.float32)
    return {"entity_embed": entity_embed, "edge_index": edge_index, "edge_att": edge_att,
            "W1": W1, "b1": b1, "W2": W2, "b2": b2}

def reference(entity_embed, edge_index, edge_att, W1, b1, W2, b2):
    # DGL update_all(u_mul_e('node','att','side'), sum('side','N_h')):
    # gather source node features, scale by edge attention, scatter-add to dst.
    src = edge_index[0]
    dst = edge_index[1]
    msgs = entity_embed[src] * edge_att[:, None]
    N_h = jax.ops.segment_sum(msgs, dst, num_segments=N_NODES)
    # bi-interaction aggregation
    out1 = jax.nn.leaky_relu((entity_embed + N_h) @ W1.T + b1, negative_slope=0.01)
    out2 = jax.nn.leaky_relu((entity_embed * N_h) @ W2.T + b2, negative_slope=0.01)
    out = out1 + out2
    # message_dropout is identity in eval mode
    return out

if __name__ == "__main__":
    import jax
    _d = setup_inputs()
    print(jax.jit(kernel)(*tuple(_d.values())))

</pallas_src>

<mosaic_0001>
#map = affine_map<(d0, d1) -> (0, 0)>
#map1 = affine_map<(d0, d1) -> (0, 0, 0)>
module attributes {stable_mosaic.version = 14 : i64} {
  func.func @_sc_body(%arg0: i32, %arg1: i32, %arg2: memref<20000x64xi32, #tpu.memory_space<hbm>>, %arg3: memref<2x2048x80xi32, #tpu.memory_space<hbm>>, %arg4: memref<2048x80xi32, #tpu.memory_space<hbm>>, %arg5: memref<2048x80xf32, #tpu.memory_space<hbm>>, %arg6: memref<2x10240x128xf32, #tpu.memory_space<hbm>>, %arg7: memref<6x80xi32, #tpu.memory_space<vmem>>, %arg8: memref<6x80xi32, #tpu.memory_space<vmem>>, %arg9: memref<6x80xf32, #tpu.memory_space<vmem>>, %arg10: memref<400x64xi32, #tpu.memory_space<vmem>>, %arg11: memref<160x128xf32, #tpu.memory_space<vmem>>, %arg12: memref<10240x128xf32, #tpu.memory_space<vmem_shared>>, %arg13: memref<6x!tpu.dma_semaphore, #tpu.memory_space<semaphore_mem>>, %arg14: memref<5x!tpu.dma_semaphore, #tpu.memory_space<semaphore_mem>>, %arg15: memref<2x!tpu.dma_semaphore, #tpu.memory_space<semaphore_mem>>) attributes {dimension_semantics = [#tpu.dimension_semantics<core_parallel>, #tpu.dimension_semantics<subcore_parallel>], iteration_bounds = array<i64: 2, 16>, scalar_prefetch = 0 : i64, scratch_operands = 9 : i64, tpu.core_type = #tpu.core_type<sc_vector_subcore>, window_params = [{transform_indices = #map}, {transform_indices = #map1}, {transform_indices = #map}, {transform_indices = #map}, {transform_indices = #map1}]} {
    %mul3A = arith.constant 128 : i32
    %mul3A_0 = arith.muli %arg1, %mul3A : i32
    %rem3A = arith.constant 0 : i32
    %rem3A_1 = arith.constant 6 : i32
    %rem3A_2 = arith.remsi %rem3A, %rem3A_1 : i32
    %add3A = arith.constant 0 : i32
    %add3A_3 = arith.addi %mul3A_0, %add3A : i32
    %dma_start3A = arith.constant 0 : i32
    %dma_start3A_4 = tpu.memref_slice %arg7[%rem3A_2, %dma_start3A] : memref<6x80xi32, #tpu.memory_space<vmem>> -> memref<1x80xi32, #tpu.memory_space<vmem>>
    %dma_start3A_5 = tpu.memref_squeeze %dma_start3A_4 : memref<1x80xi32, #tpu.memory_space<vmem>> -> memref<80xi32, #tpu.memory_space<vmem>>
    %dma_start3A_6 = arith.constant 0 : i32
    %dma_start3A_7 = tpu.memref_slice %arg3[%arg0, %add3A_3, %dma_start3A_6] : memref<2x2048x80xi32, #tpu.memory_space<hbm>> -> memref<1x1x80xi32, #tpu.memory_space<hbm>>
    %dma_start3A_8 = tpu.memref_squeeze %dma_start3A_7 : memref<1x1x80xi32, #tpu.memory_space<hbm>> -> memref<80xi32, #tpu.memory_space<hbm>>
    %dma_start3A_9 = tpu.memref_slice %arg13[%rem3A_2] : memref<6x!tpu.dma_semaphore, #tpu.memory_space<semaphore_mem>> -> memref<1x!tpu.dma_semaphore, #tpu.memory_space<semaphore_mem>>
    %dma_start3A_10 = tpu.memref_squeeze %dma_start3A_9 : memref<1x!tpu.dma_semaphore, #tpu.memory_space<semaphore_mem>> -> memref<!tpu.dma_semaphore, #tpu.memory_space<semaphore_mem>>
    %dma_start3A_11 = arith.constant 0 : i32
    %dma_start3A_12 = tpu.memref_slice %arg7[%rem3A_2, %dma_start3A_11] : memref<6x80xi32, #tpu.memory_space<vmem>> -> memref<1x80xi32, #tpu.memory_space<vmem>>
    %dma_start3A_13 = tpu.memref_squeeze %dma_start3A_12 : memref<1x80xi32, #tpu.memory_space<vmem>> -> memref<80xi32, #tpu.memory_space<vmem>>
    %dma_start3A_14 = arith.constant 0 : i32
    %dma_start3A_15 = tpu.memref_slice %arg3[%arg0, %add3A_3, %dma_start3A_14] : memref<2x2048x80xi32, #tpu.memory_space<hbm>> -> memref<1x1x80xi32, #tpu.memory_space<hbm>>
    %dma_start3A_16 = tpu.memref_squeeze %dma_start3A_15 : memref<1x1x80xi32, #tpu.memory_space<hbm>> -> memref<80xi32, #tpu.memory_space<hbm>>
    tpu.enqueue_dma source(%dma_start3A_16 : memref<80xi32, #tpu.memory_space<hbm>>) target(%dma_start3A_13 : memref<80xi32, #tpu.memory_space<vmem>>) target_semaphore(%dma_start3A_10 : memref<!tpu.dma_semaphore, #tpu.memory_space<semaphore_mem>>)
    %add3A_17 = arith.constant 0 : i32
    %add3A_18 = arith.addi %mul3A_0, %add3A_17 : i32
    %dma_start3A_19 = arith.constant 0 : i32
    %dma_start3A_20 = tpu.memref_slice %arg8[%rem3A_2, %dma_start3A_19] : memref<6x80xi32, #tpu.memory_space<vmem>> -> memref<1x80xi32, #tpu.memory_space<vmem>>
    %dma_start3A_21 = tpu.memref_squeeze %dma_start3A_20 : memref<1x80xi32, #tpu.memory_space<vmem>> -> memref<80xi32, #tpu.memory_space<vmem>>
    %dma_start3A_22 = arith.constant 0 : i32
    %dma_start3A_23 = tpu.memref_slice %arg4[%add3A_18, %dma_start3A_22] : memref<2048x80xi32, #tpu.memory_space<hbm>> -> memref<1x80xi32, #tpu.memory_space<hbm>>
    %dma_start3A_24 = tpu.memref_squeeze %dma_start3A_23 : memref<1x80xi32, #tpu.memory_space<hbm>> -> memref<80xi32, #tpu.memory_space<hbm>>
    %dma_start3A_25 = tpu.memref_slice %arg13[%rem3A_2] : memref<6x!tpu.dma_semaphore, #tpu.memory_space<semaphore_mem>> -> memref<1x!tpu.dma_semaphore, #tpu.memory_space<semaphore_mem>>
    %dma_start3A_26 = tpu.memref_squeeze %dma_start3A_25 : memref<1x!tpu.dma_semaphore, #tpu.memory_space<semaphore_mem>> -> memref<!tpu.dma_semaphore, #tpu.memory_space<semaphore_mem>>
    %dma_start3A_27 = arith.constant 0 : i32
    %dma_start3A_28 = tpu.memref_slice %arg8[%rem3A_2, %dma_start3A_27] : memref<6x80xi32, #tpu.memory_space<vmem>> -> memref<1x80xi32, #tpu.memory_space<vmem>>
    %dma_start3A_29 = tpu.memref_squeeze %dma_start3A_28 : memref<1x80xi32, #tpu.memory_space<vmem>> -> memref<80xi32, #tpu.memory_space<vmem>>
    %dma_start3A_30 = arith.constant 0 : i32
    %dma_start3A_31 = tpu.memref_slice %arg4[%add3A_18, %dma_start3A_30] : memref<2048x80xi32, #tpu.memory_space<hbm>> -> memref<1x80xi32, #tpu.memory_space<hbm>>
    %dma_start3A_32 = tpu.memref_squeeze %dma_start3A_31 : memref<1x80xi32, #tpu.memory_space<hbm>> -> memref<80xi32, #tpu.memory_space<hbm>>
    tpu.enqueue_dma source(%dma_start3A_32 : memref<80xi32, #tpu.memory_space<hbm>>) target(%dma_start3A_29 : memref<80xi32, #tpu.memory_space<vmem>>) target_semaphore(%dma_start3A_26 : memref<!tpu.dma_semaphore, #tpu.memory_space<semaphore_mem>>)
    %add3A_33 = arith.constant 0 : i32
    %add3A_34 = arith.addi %mul3A_0, %add3A_33 : i32
    %dma_start3A_35 = arith.constant 0 : i32
    %dma_start3A_36 = tpu.memref_slice %arg9[%rem3A_2, %dma_start3A_35] : memref<6x80xf32, #tpu.memory_space<vmem>> -> memref<1x80xf32, #tpu.memory_space<vmem>>
    %dma_start3A_37 = tpu.memref_squeeze %dma_start3A_36 : memref<1x80xf32, #tpu.memory_space<vmem>> -> memref<80xf32, #tpu.memory_space<vmem>>
    %dma_start3A_38 = arith.constant 0 : i32
    %dma_start3A_39 = tpu.memref_slice %arg5[%add3A_34, %dma_start3A_38] : memref<2048x80xf32, #tpu.memory_space<hbm>> -> memref<1x80xf32, #tpu.memory_space<hbm>>
    %dma_start3A_40 = tpu.memref_squeeze %dma_start3A_39 : memref<1x80xf32, #tpu.memory_space<hbm>> -> memref<80xf32, #tpu.memory_space<hbm>>
    %dma_start3A_41 = tpu.memref_slice %arg13[%rem3A_2] : memref<6x!tpu.dma_semaphore, #tpu.memory_space<semaphore_mem>> -> memref<1x!tpu.dma_semaphore, #tpu.memory_space<semaphore_mem>>
    %dma_start3A_42 = tpu.memref_squeeze %dma_start3A_41 : memref<1x!tpu.dma_semaphore, #tpu.memory_space<semaphore_mem>> -> memref<!tpu.dma_semaphore, #tpu.memory_space<semaphore_mem>>
    %dma_start3A_43 = arith.constant 0 : i32
    %dma_start3A_44 = tpu.memref_slice %arg9[%rem3A_2, %dma_start3A_43] : memref<6x80xf32, #tpu.memory_space<vmem>> -> memref<1x80xf32, #tpu.memory_space<vmem>>
    %dma_start3A_45 = tpu.memref_squeeze %dma_start3A_44 : memref<1x80xf32, #tpu.memory_space<vmem>> -> memref<80xf32, #tpu.memory_space<vmem>>
    %dma_start3A_46 = arith.constant 0 : i32
    %dma_start3A_47 = tpu.memref_slice %arg5[%add3A_34, %dma_start3A_46] : memref<2048x80xf32, #tpu.memory_space<hbm>> -> memref<1x80xf32, #tpu.memory_space<hbm>>
    %dma_start3A_48 = tpu.memref_squeeze %dma_start3A_47 : memref<1x80xf32, #tpu.memory_space<hbm>> -> memref<80xf32, #tpu.memory_space<hbm>>
    tpu.enqueue_dma source(%dma_start3A_48 : memref<80xf32, #tpu.memory_space<hbm>>) target(%dma_start3A_45 : memref<80xf32, #tpu.memory_space<vmem>>) target_semaphore(%dma_start3A_42 : memref<!tpu.dma_semaphore, #tpu.memory_space<semaphore_mem>>)
    %rem3A_49 = arith.constant 1 : i32
    %rem3A_50 = arith.constant 6 : i32
    %rem3A_51 = arith.remsi %rem3A_49, %rem3A_50 : i32
    %add3A_52 = arith.constant 1 : i32
    %add3A_53 = arith.addi %mul3A_0, %add3A_52 : i32
    %dma_start3A_54 = arith.constant 0 : i32
    %dma_start3A_55 = tpu.memref_slice %arg7[%rem3A_51, %dma_start3A_54] : memref<6x80xi32, #tpu.memory_space<vmem>> -> memref<1x80xi32, #tpu.memory_space<vmem>>
    %dma_start3A_56 = tpu.memref_squeeze %dma_start3A_55 : memref<1x80xi32, #tpu.memory_space<vmem>> -> memref<80xi32, #tpu.memory_space<vmem>>
    %dma_start3A_57 = arith.constant 0 : i32
    %dma_start3A_58 = tpu.memref_slice %arg3[%arg0, %add3A_53, %dma_start3A_57] : memref<2x2048x80xi32, #tpu.memory_space<hbm>> -> memref<1x1x80xi32, #tpu.memory_space<hbm>>
    %dma_start3A_59 = tpu.memref_squeeze %dma_start3A_58 : memref<1x1x80xi32, #tpu.memory_space<hbm>> -> memref<80xi32, #tpu.memory_space<hbm>>
    %dma_start3A_60 = tpu.memref_slice %arg13[%rem3A_51] : memref<6x!tpu.dma_semaphore, #tpu.memory_space<semaphore_mem>> -> memref<1x!tpu.dma_semaphore, #tpu.memory_space<semaphore_mem>>
    %dma_start3A_61 = tpu.memref_squeeze %dma_start3A_60 : memref<1x!tpu.dma_semaphore, #tpu.memory_space<semaphore_mem>> -> memref<!tpu.dma_semaphore, #tpu.memory_space<semaphore_mem>>
    %dma_start3A_62 = arith.constant 0 : i32
    %dma_start3A_63 = tpu.memref_slice %arg7[%rem3A_51, %dma_start3A_62] : memref<6x80xi32, #tpu.memory_space<vmem>> -> memref<1x80xi32, #tpu.memory_space<vmem>>
    %dma_start3A_64 = tpu.memref_squeeze %dma_start3A_63 : memref<1x80xi32, #tpu.memory_space<vmem>> -> memref<80xi32, #tpu.memory_space<vmem>>
    %dma_start3A_65 = arith.constant 0 : i32
    %dma_start3A_66 = tpu.memref_slice %arg3[%arg0, %add3A_53, %dma_start3A_65] : memref<2x2048x80xi32, #tpu.memory_space<hbm>> -> memref<1x1x80xi32, #tpu.memory_space<hbm>>
    %dma_start3A_67 = tpu.memref_squeeze %dma_start3A_66 : memref<1x1x80xi32, #tpu.memory_space<hbm>> -> memref<80xi32, #tpu.memory_space<hbm>>
    tpu.enqueue_dma source(%dma_start3A_67 : memref<80xi32, #tpu.memory_space<hbm>>) target(%dma_start3A_64 : memref<80xi32, #tpu.memory_space<vmem>>) target_semaphore(%dma_start3A_61 : memref<!tpu.dma_semaphore, #tpu.memory_space<semaphore_mem>>)
    %add3A_68 = arith.constant 1 : i32
    %add3A_69 = arith.addi %mul3A_0, %add3A_68 : i32
    %dma_start3A_70 = arith.constant 0 : i32
    %dma_start3A_71 = tpu.memref_slice %arg8[%rem3A_51, %dma_start3A_70] : memref<6x80xi32, #tpu.memory_space<vmem>> -> memref<1x80xi32, #tpu.memory_space<vmem>>
    %dma_start3A_72 = tpu.memref_squeeze %dma_start3A_71 : memref<1x80xi32, #tpu.memory_space<vmem>> -> memref<80xi32, #tpu.memory_space<vmem>>
    %dma_start3A_73 = arith.constant 0 : i32
    %dma_start3A_74 = tpu.memref_slice %arg4[%add3A_69, %dma_start3A_73] : memref<2048x80xi32, #tpu.memory_space<hbm>> -> memref<1x80xi32, #tpu.memory_space<hbm>>
    %dma_start3A_75 = tpu.memref_squeeze %dma_start3A_74 : memref<1x80xi32, #tpu.memory_space<hbm>> -> memref<80xi32, #tpu.memory_space<hbm>>
    %dma_start3A_76 = tpu.memref_slice %arg13[%rem3A_51] : memref<6x!tpu.dma_semaphore, #tpu.memory_space<semaphore_mem>> -> memref<1x!tpu.dma_semaphore, #tpu.memory_space<semaphore_mem>>
    %dma_start3A_77 = tpu.memref_squeeze %dma_start3A_76 : memref<1x!tpu.dma_semaphore, #tpu.memory_space<semaphore_mem>> -> memref<!tpu.dma_semaphore, #tpu.memory_space<semaphore_mem>>
    %dma_start3A_78 = arith.constant 0 : i32
    %dma_start3A_79 = tpu.memref_slice %arg8[%rem3A_51, %dma_start3A_78] : memref<6x80xi32, #tpu.memory_space<vmem>> -> memref<1x80xi32, #tpu.memory_space<vmem>>
    %dma_start3A_80 = tpu.memref_squeeze %dma_start3A_79 : memref<1x80xi32, #tpu.memory_space<vmem>> -> memref<80xi32, #tpu.memory_space<vmem>>
    %dma_start3A_81 = arith.constant 0 : i32
    %dma_start3A_82 = tpu.memref_slice %arg4[%add3A_69, %dma_start3A_81] : memref<2048x80xi32, #tpu.memory_space<hbm>> -> memref<1x80xi32, #tpu.memory_space<hbm>>
    %dma_start3A_83 = tpu.memref_squeeze %dma_start3A_82 : memref<1x80xi32, #tpu.memory_space<hbm>> -> memref<80xi32, #tpu.memory_space<hbm>>
    tpu.enqueue_dma source(%dma_start3A_83 : memref<80xi32, #tpu.memory_space<hbm>>) target(%dma_start3A_80 : memref<80xi32, #tpu.memory_space<vmem>>) target_semaphore(%dma_start3A_77 : memref<!tpu.dma_semaphore, #tpu.memory_space<semaphore_mem>>)
    %add3A_84 = arith.constant 1 : i32
    %add3A_85 = arith.addi %mul3A_0, %add3A_84 : i32
    %dma_start3A_86 = arith.constant 0 : i32
    %dma_start3A_87 = tpu.memref_slice %arg9[%rem3A_51, %dma_start3A_86] : memref<6x80xf32, #tpu.memory_space<vmem>> -> memref<1x80xf32, #tpu.memory_space<vmem>>
    %dma_start3A_88 = tpu.memref_squeeze %dma_start3A_87 : memref<1x80xf32, #tpu.memory_space<vmem>> -> memref<80xf32, #tpu.memory_space<vmem>>
    %dma_start3A_89 = arith.constant 0 : i32
    %dma_start3A_90 = tpu.memref_slice %arg5[%add3A_85, %dma_start3A_89] : memref<2048x80xf32, #tpu.memory_space<hbm>> -> memref<1x80xf32, #tpu.memory_space<hbm>>
    %dma_start3A_91 = tpu.memref_squeeze %dma_start3A_90 : memref<1x80xf32, #tpu.memory_space<hbm>> -> memref<80xf32, #tpu.memory_space<hbm>>
    %dma_start3A_92 = tpu.memref_slice %arg13[%rem3A_51] : memref<6x!tpu.dma_semaphore, #tpu.memory_space<semaphore_mem>> -> memref<1x!tpu.dma_semaphore, #tpu.memory_space<semaphore_mem>>
    %dma_start3A_93 = tpu.memref_squeeze %dma_start3A_92 : memref<1x!tpu.dma_semaphore, #tpu.memory_space<semaphore_mem>> -> memref<!tpu.dma_semaphore, #tpu.memory_space<semaphore_mem>>
    %dma_start3A_94 = arith.constant 0 : i32
    %dma_start3A_95 = tpu.memref_slice %arg9[%rem3A_51, %dma_start3A_94] : memref<6x80xf32, #tpu.memory_space<vmem>> -> memref<1x80xf32, #tpu.memory_space<vmem>>
    %dma_start3A_96 = tpu.memref_squeeze %dma_start3A_95 : memref<1x80xf32, #tpu.memory_space<vmem>> -> memref<80xf32, #tpu.memory_space<vmem>>
    %dma_start3A_97 = arith.constant 0 : i32
    %dma_start3A_98 = tpu.memref_slice %arg5[%add3A_85, %dma_start3A_97] : memref<2048x80xf32, #tpu.memory_space<hbm>> -> memref<1x80xf32, #tpu.memory_space<hbm>>
    %dma_start3A_99 = tpu.memref_squeeze %dma_start3A_98 : memref<1x80xf32, #tpu.memory_space<hbm>> -> memref<80xf32, #tpu.memory_space<hbm>>
    tpu.enqueue_dma source(%dma_start3A_99 : memref<80xf32, #tpu.memory_space<hbm>>) target(%dma_start3A_96 : memref<80xf32, #tpu.memory_space<vmem>>) target_semaphore(%dma_start3A_93 : memref<!tpu.dma_semaphore, #tpu.memory_space<semaphore_mem>>)
    %rem3A_100 = arith.constant 2 : i32
    %rem3A_101 = arith.constant 6 : i32
    %rem3A_102 = arith.remsi %rem3A_100, %rem3A_101 : i32
    %add3A_103 = arith.constant 2 : i32
    %add3A_104 = arith.addi %mul3A_0, %add3A_103 : i32
    %dma_start3A_105 = arith.constant 0 : i32
    %dma_start3A_106 = tpu.memref_slice %arg7[%rem3A_102, %dma_start3A_105] : memref<6x80xi32, #tpu.memory_space<vmem>> -> memref<1x80xi32, #tpu.memory_space<vmem>>
    %dma_start3A_107 = tpu.memref_squeeze %dma_start3A_106 : memref<1x80xi32, #tpu.memory_space<vmem>> -> memref<80xi32, #tpu.memory_space<vmem>>
    %dma_start3A_108 = arith.constant 0 : i32
    %dma_start3A_109 = tpu.memref_slice %arg3[%arg0, %add3A_104, %dma_start3A_108] : memref<2x2048x80xi32, #tpu.memory_space<hbm>> -> memref<1x1x80xi32, #tpu.memory_space<hbm>>
    %dma_start3A_110 = tpu.memref_squeeze %dma_start3A_109 : memref<1x1x80xi32, #tpu.memory_space<hbm>> -> memref<80xi32, #tpu.memory_space<hbm>>
    %dma_start3A_111 = tpu.memref_slice %arg13[%rem3A_102] : memref<6x!tpu.dma_semaphore, #tpu.memory_space<semaphore_mem>> -> memref<1x!tpu.dma_semaphore, #tpu.memory_space<semaphore_mem>>
    %dma_start3A_112 = tpu.memref_squeeze %dma_start3A_111 : memref<1x!tpu.dma_semaphore, #tpu.memory_space<semaphore_mem>> -> memref<!tpu.dma_semaphore, #tpu.memory_space<semaphore_mem>>
    %dma_start3A_113 = arith.constant 0 : i32
    %dma_start3A_114 = tpu.memref_slice %arg7[%rem3A_102, %dma_start3A_113] : memref<6x80xi32, #tpu.memory_space<vmem>> -> memref<1x80xi32, #tpu.memory_space<vmem>>
    %dma_start3A_115 = tpu.memref_squeeze %dma_start3A_114 : memref<1x80xi32, #tpu.memory_space<vmem>> -> memref<80xi32, #tpu.memory_space<vmem>>
    %dma_start3A_116 = arith.constant 0 : i32
    %dma_start3A_117 = tpu.memref_slice %arg3[%arg0, %add3A_104, %dma_start3A_116] : memref<2x2048x80xi32, #tpu.memory_space<hbm>> -> memref<1x1x80xi32, #tpu.memory_space<hbm>>
    %dma_start3A_118 = tpu.memref_squeeze %dma_start3A_117 : memref<1x1x80xi32, #tpu.memory_space<hbm>> -> memref<80xi32, #tpu.memory_space<hbm>>
    tpu.enqueue_dma source(%dma_start3A_118 : memref<80xi32, #tpu.memory_space<hbm>>) target(%dma_start3A_115 : memref<80xi32, #tpu.memory_space<vmem>>) target_semaphore(%dma_start3A_112 : memref<!tpu.dma_semaphore, #tpu.memory_space<semaphore_mem>>)
    %add3A_119 = arith.constant 2 : i32
    %add3A_120 = arith.addi %mul3A_0, %add3A_119 : i32
    %dma_start3A_121 = arith.constant 0 : i32
    %dma_start3A_122 = tpu.memref_slice %arg8[%rem3A_102, %dma_start3A_121] : memref<6x80xi32, #tpu.memory_space<vmem>> -> memref<1x80xi32, #tpu.memory_space<vmem>>
    %dma_start3A_123 = tpu.memref_squeeze %dma_start3A_122 : memref<1x80xi32, #tpu.memory_space<vmem>> -> memref<80xi32, #tpu.memory_space<vmem>>
    %dma_start3A_124 = arith.constant 0 : i32
    %dma_start3A_125 = tpu.memref_slice %arg4[%add3A_120, %dma_start3A_124] : memref<2048x80xi32, #tpu.memory_space<hbm>> -> memref<1x80xi32, #tpu.memory_space<hbm>>
    %dma_start3A_126 = tpu.memref_squeeze %dma_start3A_125 : memref<1x80xi32, #tpu.memory_space<hbm>> -> memref<80xi32, #tpu.memory_space<hbm>>
    %dma_start3A_127 = tpu.memref_slice %arg13[%rem3A_102] : memref<6x!tpu.dma_semaphore, #tpu.memory_space<semaphore_mem>> -> memref<1x!tpu.dma_semaphore, #tpu.memory_space<semaphore_mem>>
    %dma_start3A_128 = tpu.memref_squeeze %dma_start3A_127 : memref<1x!tpu.dma_semaphore, #tpu.memory_space<semaphore_mem>> -> memref<!tpu.dma_semaphore, #tpu.memory_space<semaphore_mem>>
    %dma_start3A_129 = arith.constant 0 : i32
    %dma_start3A_130 = tpu.memref_slice %arg8[%rem3A_102, %dma_start3A_129] : memref<6x80xi32, #tpu.memory_space<vmem>> -> memref<1x80xi32, #tpu.memory_space<vmem>>
    %dma_start3A_131 = tpu.memref_squeeze %dma_start3A_130 : memref<1x80xi32, #tpu.memory_space<vmem>> -> memref<80xi32, #tpu.memory_space<vmem>>
    %dma_start3A_132 = arith.constant 0 : i32
    %dma_start3A_133 = tpu.memref_slice %arg4[%add3A_120, %dma_start3A_132] : memref<2048x80xi32, #tpu.memory_space<hbm>> -> memref<1x80xi32, #tpu.memory_space<hbm>>
    %dma_start3A_134 = tpu.memref_squeeze %dma_start3A_133 : memref<1x80xi32, #tpu.memory_space<hbm>> -> memref<80xi32, #tpu.memory_space<hbm>>
    tpu.enqueue_dma source(%dma_start3A_134 : memref<80xi32, #tpu.memory_space<hbm>>) target(%dma_start3A_131 : memref<80xi32, #tpu.memory_space<vmem>>) target_semaphore(%dma_start3A_128 : memref<!tpu.dma_semaphore, #tpu.memory_space<semaphore_mem>>)
    %add3A_135 = arith.constant 2 : i32
    %add3A_136 = arith.addi %mul3A_0, %add3A_135 : i32
    %dma_start3A_137 = arith.constant 0 : i32
    %dma_start3A_138 = tpu.memref_slice %arg9[%rem3A_102, %dma_start3A_137] : memref<6x80xf32, #tpu.memory_space<vmem>> -> memref<1x80xf32, #tpu.memory_space<vmem>>
    %dma_start3A_139 = tpu.memref_squeeze %dma_start3A_138 : memref<1x80xf32, #tpu.memory_space<vmem>> -> memref<80xf32, #tpu.memory_space<vmem>>
    %dma_start3A_140 = arith.constant 0 : i32
    %dma_start3A_141 = tpu.memref_slice %arg5[%add3A_136, %dma_start3A_140] : memref<2048x80xf32, #tpu.memory_space<hbm>> -> memref<1x80xf32, #tpu.memory_space<hbm>>
    %dma_start3A_142 = tpu.memref_squeeze %dma_start3A_141 : memref<1x80xf32, #tpu.memory_space<hbm>> -> memref<80xf32, #tpu.memory_space<hbm>>
    %dma_start3A_143 = tpu.memref_slice %arg13[%rem3A_102] : memref<6x!tpu.dma_semaphore, #tpu.memory_space<semaphore_mem>> -> memref<1x!tpu.dma_semaphore, #tpu.memory_space<semaphore_mem>>
    %dma_start3A_144 = tpu.memref_squeeze %dma_start3A_143 : memref<1x!tpu.dma_semaphore, #tpu.memory_space<semaphore_mem>> -> memref<!tpu.dma_semaphore, #tpu.memory_space<semaphore_mem>>
    %dma_start3A_145 = arith.constant 0 : i32
    %dma_start3A_146 = tpu.memref_slice %arg9[%rem3A_102, %dma_start3A_145] : memref<6x80xf32, #tpu.memory_space<vmem>> -> memref<1x80xf32, #tpu.memory_space<vmem>>
    %dma_start3A_147 = tpu.memref_squeeze %dma_start3A_146 : memref<1x80xf32, #tpu.memory_space<vmem>> -> memref<80xf32, #tpu.memory_space<vmem>>
    %dma_start3A_148 = arith.constant 0 : i32
    %dma_start3A_149 = tpu.memref_slice %arg5[%add3A_136, %dma_start3A_148] : memref<2048x80xf32, #tpu.memory_space<hbm>> -> memref<1x80xf32, #tpu.memory_space<hbm>>
    %dma_start3A_150 = tpu.memref_squeeze %dma_start3A_149 : memref<1x80xf32, #tpu.memory_space<hbm>> -> memref<80xf32, #tpu.memory_space<hbm>>
    tpu.enqueue_dma source(%dma_start3A_150 : memref<80xf32, #tpu.memory_space<hbm>>) target(%dma_start3A_147 : memref<80xf32, #tpu.memory_space<vmem>>) target_semaphore(%dma_start3A_144 : memref<!tpu.dma_semaphore, #tpu.memory_space<semaphore_mem>>)
    %rem3A_151 = arith.constant 3 : i32
    %rem3A_152 = arith.constant 6 : i32
    %rem3A_153 = arith.remsi %rem3A_151, %rem3A_152 : i32
    %add3A_154 = arith.constant 3 : i32
    %add3A_155 = arith.addi %mul3A_0, %add3A_154 : i32
    %dma_start3A_156 = arith.constant 0 : i32
    %dma_start3A_157 = tpu.memref_slice %arg7[%rem3A_153, %dma_start3A_156] : memref<6x80xi32, #tpu.memory_space<vmem>> -> memref<1x80xi32, #tpu.memory_space<vmem>>
    %dma_start3A_158 = tpu.memref_squeeze %dma_start3A_157 : memref<1x80xi32, #tpu.memory_space<vmem>> -> memref<80xi32, #tpu.memory_space<vmem>>
    %dma_start3A_159 = arith.constant 0 : i32
    %dma_start3A_160 = tpu.memref_slice %arg3[%arg0, %add3A_155, %dma_start3A_159] : memref<2x2048x80xi32, #tpu.memory_space<hbm>> -> memref<1x1x80xi32, #tpu.memory_space<hbm>>
    %dma_start3A_161 = tpu.memref_squeeze %dma_start3A_160 : memref<1x1x80xi32, #tpu.memory_space<hbm>> -> memref<80xi32, #tpu.memory_space<hbm>>
    %dma_start3A_162 = tpu.memref_slice %arg13[%rem3A_153] : memref<6x!tpu.dma_semaphore, #tpu.memory_space<semaphore_mem>> -> memref<1x!tpu.dma_semaphore, #tpu.memory_space<semaphore_mem>>
    %dma_start3A_163 = tpu.memref_squeeze %dma_start3A_162 : memref<1x!tpu.dma_semaphore, #tpu.memory_space<semaphore_mem>> -> memref<!tpu.dma_semaphore, #tpu.memory_space<semaphore_mem>>
    %dma_start3A_164 = arith.constant 0 : i32
    %dma_start3A_165 = tpu.memref_slice %arg7[%rem3A_153, %dma_start3A_164] : memref<6x80xi32, #tpu.memory_space<vmem>> -> memref<1x80xi32, #tpu.memory_space<vmem>>
    %dma_start3A_166 = tpu.memref_squeeze %dma_start3A_165 : memref<1x80xi32, #tpu.memory_space<vmem>> -> memref<80xi32, #tpu.memory_space<vmem>>
    %dma_start3A_167 = arith.constant 0 : i32
    %dma_start3A_168 = tpu.memref_slice %arg3[%arg0, %add3A_155, %dma_start3A_167] : memref<2x2048x80xi32, #tpu.memory_space<hbm>> -> memref<1x1x80xi32, #tpu.memory_space<hbm>>
    %dma_start3A_169 = tpu.memref_squeeze %dma_start3A_168 : memref<1x1x80xi32, #tpu.memory_space<hbm>> -> memref<80xi32, #tpu.memory_space<hbm>>
    tpu.enqueue_dma source(%dma_start3A_169 : memref<80xi32, #tpu.memory_space<hbm>>) target(%dma_start3A_166 : memref<80xi32, #tpu.memory_space<vmem>>) target_semaphore(%dma_start3A_163 : memref<!tpu.dma_semaphore, #tpu.memory_space<semaphore_mem>>)
    %add3A_170 = arith.constant 3 : i32
    %add3A_171 = arith.addi %mul3A_0, %add3A_170 : i32
    %dma_start3A_172 = arith.constant 0 : i32
    %dma_start3A_173 = tpu.memref_slice %arg8[%rem3A_153, %dma_start3A_172] : memref<6x80xi32, #tpu.memory_space<vmem>> -> memref<1x80xi32, #tpu.memory_space<vmem>>
    %dma_start3A_174 = tpu.memref_squeeze %dma_start3A_173 : memref<1x80xi32, #tpu.memory_space<vmem>> -> memref<80xi32, #tpu.memory_space<vmem>>
    %dma_start3A_175 = arith.constant 0 : i32
    %dma_start3A_176 = tpu.memref_slice %arg4[%add3A_171, %dma_start3A_175] : memref<2048x80xi32, #tpu.memory_space<hbm>> -> memref<1x80xi32, #tpu.memory_space<hbm>>
    %dma_start3A_177 = tpu.memref_squeeze %dma_start3A_176 : memref<1x80xi32, #tpu.memory_space<hbm>> -> memref<80xi32, #tpu.memory_space<hbm>>
    %dma_start3A_178 = tpu.memref_slice %arg13[%rem3A_153] : memref<6x!tpu.dma_semaphore, #tpu.memory_space<semaphore_mem>> -> memref<1x!tpu.dma_semaphore, #tpu.memory_space<semaphore_mem>>
    %dma_start3A_179 = tpu.memref_squeeze %dma_start3A_178 : memref<1x!tpu.dma_semaphore, #tpu.memory_space<semaphore_mem>> -> memref<!tpu.dma_semaphore, #tpu.memory_space<semaphore_mem>>
    %dma_start3A_180 = arith.constant 0 : i32
    %dma_start3A_181 = tpu.memref_slice %arg8[%rem3A_153, %dma_start3A_180] : memref<6x80xi32, #tpu.memory_space<vmem>> -> memref<1x80xi32, #tpu.memory_space<vmem>>
    %dma_start3A_182 = tpu.memref_squeeze %dma_start3A_181 : memref<1x80xi32, #tpu.memory_space<vmem>> -> memref<80xi32, #tpu.memory_space<vmem>>
    %dma_start3A_183 = arith.constant 0 : i32
    %dma_start3A_184 = tpu.memref_slice %arg4[%add3A_171, %dma_start3A_183] : memref<2048x80xi32, #tpu.memory_space<hbm>> -> memref<1x80xi32, #tpu.memory_space<hbm>>
    %dma_start3A_185 = tpu.memref_squeeze %dma_start3A_184 : memref<1x80xi32, #tpu.memory_space<hbm>> -> memref<80xi32, #tpu.memory_space<hbm>>
    tpu.enqueue_dma source(%dma_start3A_185 : memref<80xi32, #tpu.memory_space<hbm>>) target(%dma_start3A_182 : memref<80xi32, #tpu.memory_space<vmem>>) target_semaphore(%dma_start3A_179 : memref<!tpu.dma_semaphore, #tpu.memory_space<semaphore_mem>>)
    %add3A_186 = arith.constant 3 : i32
    %add3A_187 = arith.addi %mul3A_0, %add3A_186 : i32
    %dma_start3A_188 = arith.constant 0 : i32
    %dma_start3A_189 = tpu.memref_slice %arg9[%rem3A_153, %dma_start3A_188] : memref<6x80xf32, #tpu.memory_space<vmem>> -> memref<1x80xf32, #tpu.memory_space<vmem>>
    %dma_start3A_190 = tpu.memref_squeeze %dma_start3A_189 : memref<1x80xf32, #tpu.memory_space<vmem>> -> memref<80xf32, #tpu.memory_space<vmem>>
    %dma_start3A_191 = arith.constant 0 : i32
    %dma_start3A_192 = tpu.memref_slice %arg5[%add3A_187, %dma_start3A_191] : memref<2048x80xf32, #tpu.memory_space<hbm>> -> memref<1x80xf32, #tpu.memory_space<hbm>>
    %dma_start3A_193 = tpu.memref_squeeze %dma_start3A_192 : memref<1x80xf32, #tpu.memory_space<hbm>> -> memref<80xf32, #tpu.memory_space<hbm>>
    %dma_start3A_194 = tpu.memref_slice %arg13[%rem3A_153] : memref<6x!tpu.dma_semaphore, #tpu.memory_space<semaphore_mem>> -> memref<1x!tpu.dma_semaphore, #tpu.memory_space<semaphore_mem>>
    %dma_start3A_195 = tpu.memref_squeeze %dma_start3A_194 : memref<1x!tpu.dma_semaphore, #tpu.memory_space<semaphore_mem>> -> memref<!tpu.dma_semaphore, #tpu.memory_space<semaphore_mem>>
    %dma_start3A_196 = arith.constant 0 : i32
    %dma_start3A_197 = tpu.memref_slice %arg9[%rem3A_153, %dma_start3A_196] : memref<6x80xf32, #tpu.memory_space<vmem>> -> memref<1x80xf32, #tpu.memory_space<vmem>>
    %dma_start3A_198 = tpu.memref_squeeze %dma_start3A_197 : memref<1x80xf32, #tpu.memory_space<vmem>> -> memref<80xf32, #tpu.memory_space<vmem>>
    %dma_start3A_199 = arith.constant 0 : i32
    %dma_start3A_200 = tpu.memref_slice %arg5[%add3A_187, %dma_start3A_199] : memref<2048x80xf32, #tpu.memory_space<hbm>> -> memref<1x80xf32, #tpu.memory_space<hbm>>
    %dma_start3A_201 = tpu.memref_squeeze %dma_start3A_200 : memref<1x80xf32, #tpu.memory_space<hbm>> -> memref<80xf32, #tpu.memory_space<hbm>>
    tpu.enqueue_dma source(%dma_start3A_201 : memref<80xf32, #tpu.memory_space<hbm>>) target(%dma_start3A_198 : memref<80xf32, #tpu.memory_space<vmem>>) target_semaphore(%dma_start3A_195 : memref<!tpu.dma_semaphore, #tpu.memory_space<semaphore_mem>>)
    %rem3A_202 = arith.constant 4 : i32
    %rem3A_203 = arith.constant 6 : i32
    %rem3A_204 = arith.remsi %rem3A_202, %rem3A_203 : i32
    %add3A_205 = arith.constant 4 : i32
    %add3A_206 = arith.addi %mul3A_0, %add3A_205 : i32
    %dma_start3A_207 = arith.constant 0 : i32
    %dma_start3A_208 = tpu.memref_slice %arg7[%rem3A_204, %dma_start3A_207] : memref<6x80xi32, #tpu.memory_space<vmem>> -> memref<1x80xi32, #tpu.memory_space<vmem>>
    %dma_start3A_209 = tpu.memref_squeeze %dma_start3A_208 : memref<1x80xi32, #tpu.memory_space<vmem>> -> memref<80xi32, #tpu.memory_space<vmem>>
    %dma_start3A_210 = arith.constant 0 : i32
    %dma_start3A_211 = tpu.memref_slice %arg3[%arg0, %add3A_206, %dma_start3A_210] : memref<2x2048x80xi32, #tpu.memory_space<hbm>> -> memref<1x1x80xi32, #tpu.memory_space<hbm>>
    %dma_start3A_212 = tpu.memref_squeeze %dma_start3A_211 : memref<1x1x80xi32, #tpu.memory_space<hbm>> -> memref<80xi32, #tpu.memory_space<hbm>>
    %dma_start3A_213 = tpu.memref_slice %arg13[%rem3A_204] : memref<6x!tpu.dma_semaphore, #tpu.memory_space<semaphore_mem>> -> memref<1x!tpu.dma_semaphore, #tpu.memory_space<semaphore_mem>>
    %dma_start3A_214 = tpu.memref_squeeze %dma_start3A_213 : memref<1x!tpu.dma_semaphore, #tpu.memory_space<semaphore_mem>> -> memref<!tpu.dma_semaphore, #tpu.memory_space<semaphore_mem>>
    %dma_start3A_215 = arith.constant 0 : i32
    %dma_start3A_216 = tpu.memref_slice %arg7[%rem3A_204, %dma_start3A_215] : memref<6x80xi32, #tpu.memory_space<vmem>> -> memref<1x80xi32, #tpu.memory_space<vmem>>
    %dma_start3A_217 = tpu.memref_squeeze %dma_start3A_216 : memref<1x80xi32, #tpu.memory_space<vmem>> -> memref<80xi32, #tpu.memory_space<vmem>>
    %dma_start3A_218 = arith.constant 0 : i32
    %dma_start3A_219 = tpu.memref_slice %arg3[%arg0, %add3A_206, %dma_start3A_218] : memref<2x2048x80xi32, #tpu.memory_space<hbm>> -> memref<1x1x80xi32, #tpu.memory_space<hbm>>
    %dma_start3A_220 = tpu.memref_squeeze %dma_start3A_219 : memref<1x1x80xi32, #tpu.memory_space<hbm>> -> memref<80xi32, #tpu.memory_space<hbm>>
    tpu.enqueue_dma source(%dma_start3A_220 : memref<80xi32, #tpu.memory_space<hbm>>) target(%dma_start3A_217 : memref<80xi32, #tpu.memory_space<vmem>>) target_semaphore(%dma_start3A_214 : memref<!tpu.dma_semaphore, #tpu.memory_space<semaphore_mem>>)
    %add3A_221 = arith.constant 4 : i32
    %add3A_222 = arith.addi %mul3A_0, %add3A_221 : i32
    %dma_start3A_223 = arith.constant 0 : i32
    %dma_start3A_224 = tpu.memref_slice %arg8[%rem3A_204, %dma_start3A_223] : memref<6x80xi32, #tpu.memory_space<vmem>> -> memref<1x80xi32, #tpu.memory_space<vmem>>
    %dma_start3A_225 = tpu.memref_squeeze %dma_start3A_224 : memref<1x80xi32, #tpu.memory_space<vmem>> -> memref<80xi32, #tpu.memory_space<vmem>>
    %dma_start3A_226 = arith.constant 0 : i32
    %dma_start3A_227 = tpu.memref_slice %arg4[%add3A_222, %dma_start3A_226] : memref<2048x80xi32, #tpu.memory_space<hbm>> -> memref<1x80xi32, #tpu.memory_space<hbm>>
    %dma_start3A_228 = tpu.memref_squeeze %dma_start3A_227 : memref<1x80xi32, #tpu.memory_space<hbm>> -> memref<80xi32, #tpu.memory_space<hbm>>
    %dma_start3A_229 = tpu.memref_slice %arg13[%rem3A_204] : memref<6x!tpu.dma_semaphore, #tpu.memory_space<semaphore_mem>> -> memref<1x!tpu.dma_semaphore, #tpu.memory_space<semaphore_mem>>
    %dma_start3A_230 = tpu.memref_squeeze %dma_start3A_229 : memref<1x!tpu.dma_semaphore, #tpu.memory_space<semaphore_mem>> -> memref<!tpu.dma_semaphore, #tpu.memory_space<semaphore_mem>>
    %dma_start3A_231 = arith.constant 0 : i32
    %dma_start3A_232 = tpu.memref_slice %arg8[%rem3A_204, %dma_start3A_231] : memref<6x80xi32, #tpu.memory_space<vmem>> -> memref<1x80xi32, #tpu.memory_space<vmem>>
    %dma_start3A_233 = tpu.memref_squeeze %dma_start3A_232 : memref<1x80xi32, #tpu.memory_space<vmem>> -> memref<80xi32, #tpu.memory_space<vmem>>
    %dma_start3A_234 = arith.constant 0 : i32
    %dma_start3A_235 = tpu.memref_slice %arg4[%add3A_222, %dma_start3A_234] : memref<2048x80xi32, #tpu.memory_space<hbm>> -> memref<1x80xi32, #tpu.memory_space<hbm>>
    %dma_start3A_236 = tpu.memref_squeeze %dma_start3A_235 : memref<1x80xi32, #tpu.memory_space<hbm>> -> memref<80xi32, #tpu.memory_space<hbm>>
    tpu.enqueue_dma source(%dma_start3A_236 : memref<80xi32, #tpu.memory_space<hbm>>) target(%dma_start3A_233 : memref<80xi32, #tpu.memory_space<vmem>>) target_semaphore(%dma_start3A_230 : memref<!tpu.dma_semaphore, #tpu.memory_space<semaphore_mem>>)
    %add3A_237 = arith.constant 4 : i32
    %add3A_238 = arith.addi %mul3A_0, %add3A_237 : i32
    %dma_start3A_239 = arith.constant 0 : i32
    %dma_start3A_240 = tpu.memref_slice %arg9[%rem3A_204, %dma_start3A_239] : memref<6x80xf32, #tpu.memory_space<vmem>> -> memref<1x80xf32, #tpu.memory_space<vmem>>
    %dma_start3A_241 = tpu.memref_squeeze %dma_start3A_240 : memref<1x80xf32, #tpu.memory_space<vmem>> -> memref<80xf32, #tpu.memory_space<vmem>>
    %dma_start3A_242 = arith.constant 0 : i32
    %dma_start3A_243 = tpu.memref_slice %arg5[%add3A_238, %dma_start3A_242] : memref<2048x80xf32, #tpu.memory_space<hbm>> -> memref<1x80xf32, #tpu.memory_space<hbm>>
    %dma_start3A_244 = tpu.memref_squeeze %dma_start3A_243 : memref<1x80xf32, #tpu.memory_space<hbm>> -> memref<80xf32, #tpu.memory_space<hbm>>
    %dma_start3A_245 = tpu.memref_slice %arg13[%rem3A_204] : memref<6x!tpu.dma_semaphore, #tpu.memory_space<semaphore_mem>> -> memref<1x!tpu.dma_semaphore, #tpu.memory_space<semaphore_mem>>
    %dma_start3A_246 = tpu.memref_squeeze %dma_start3A_245 : memref<1x!tpu.dma_semaphore, #tpu.memory_space<semaphore_mem>> -> memref<!tpu.dma_semaphore, #tpu.memory_space<semaphore_mem>>
    %dma_start3A_247 = arith.constant 0 : i32
    %dma_start3A_248 = tpu.memref_slice %arg9[%rem3A_204, %dma_start3A_247] : memref<6x80xf32, #tpu.memory_space<vmem>> -> memref<1x80xf32, #tpu.memory_space<vmem>>
    %dma_start3A_249 = tpu.memref_squeeze %dma_start3A_248 : memref<1x80xf32, #tpu.memory_space<vmem>> -> memref<80xf32, #tpu.memory_space<vmem>>
    %dma_start3A_250 = arith.constant 0 : i32
    %dma_start3A_251 = tpu.memref_slice %arg5[%add3A_238, %dma_start3A_250] : memref<2048x80xf32, #tpu.memory_space<hbm>> -> memref<1x80xf32, #tpu.memory_space<hbm>>
    %dma_start3A_252 = tpu.memref_squeeze %dma_start3A_251 : memref<1x80xf32, #tpu.memory_space<hbm>> -> memref<80xf32, #tpu.memory_space<hbm>>
    tpu.enqueue_dma source(%dma_start3A_252 : memref<80xf32, #tpu.memory_space<hbm>>) target(%dma_start3A_249 : memref<80xf32, #tpu.memory_space<vmem>>) target_semaphore(%dma_start3A_246 : memref<!tpu.dma_semaphore, #tpu.memory_space<semaphore_mem>>)
    %scan3A = arith.constant 0 : i32
    %scan3A_253 = arith.constant 0 : i32
    %scan3A_254 = arith.constant 80 : i32
    %scan3A_255 = arith.addi %scan3A_253, %scan3A_254 : i32
    %scan3A_256 = arith.constant 1 : i32
    scf.for %scan3A_561 = %scan3A_253 to %scan3A_255 step %scan3A_256  : i32 {
      %broadcast_in_dim3A = arith.constant 0.000000e+00 : f32
      %broadcast_in_dim3A_562 = vector.broadcast %broadcast_in_dim3A : f32 to vector<16xf32>
      %swap3A = arith.index_cast %scan3A_561 : i32 to index
      %swap3A_563 = arith.constant 0 : index
      %swap3A_564 = tpu.vector_load %arg11[%swap3A, %swap3A_563] {strides = array<i32>} : memref<160x128xf32, #tpu.memory_space<vmem>>, vector<1x16xf32>,
      %swap3A_565 = vector.shape_cast %swap3A_564 : vector<1x16xf32> to vector<16xf32>
      %swap3A_566 = vector.shape_cast %broadcast_in_dim3A_562 : vector<16xf32> to vector<1x16xf32>
      tpu.vector_store %arg11[%swap3A, %swap3A_563], %swap3A_566 {strides = array<i32>} : memref<160x128xf32, #tpu.memory_space<vmem>>, vector<1x16xf32>,
      %broadcast_in_dim3A_567 = arith.constant 0.000000e+00 : f32
      %broadcast_in_dim3A_568 = vector.broadcast %broadcast_in_dim3A_567 : f32 to vector<16xf32>
      %swap3A_569 = arith.index_cast %scan3A_561 : i32 to index
      %swap3A_570 = arith.constant 16 : index
      %swap3A_571 = tpu.vector_load %arg11[%swap3A_569, %swap3A_570] {strides = array<i32>} : memref<160x128xf32, #tpu.memory_space<vmem>>, vector<1x16xf32>,
      %swap3A_572 = vector.shape_cast %swap3A_571 : vector<1x16xf32> to vector<16xf32>
      %swap3A_573 = vector.shape_cast %broadcast_in_dim3A_568 : vector<16xf32> to vector<1x16xf32>
      tpu.vector_store %arg11[%swap3A_569, %swap3A_570], %swap3A_573 {strides = array<i32>} : memref<160x128xf32, #tpu.memory_space<vmem>>, vector<1x16xf32>,
      %broadcast_in_dim3A_574 = arith.constant 0.000000e+00 : f32
      %broadcast_in_dim3A_575 = vector.broadcast %broadcast_in_dim3A_574 : f32 to vector<16xf32>
      %swap3A_576 = arith.index_cast %scan3A_561 : i32 to index
      %swap3A_577 = arith.constant 32 : index
      %swap3A_578 = tpu.vector_load %arg11[%swap3A_576, %swap3A_577] {strides = array<i32>} : memref<160x128xf32, #tpu.memory_space<vmem>>, vector<1x16xf32>,
      %swap3A_579 = vector.shape_cast %swap3A_578 : vector<1x16xf32> to vector<16xf32>
      %swap3A_580 = vector.shape_cast %broadcast_in_dim3A_575 : vector<16xf32> to vector<1x16xf32>
      tpu.vector_store %arg11[%swap3A_576, %swap3A_577], %swap3A_580 {strides = array<i32>} : memref<160x128xf32, #tpu.memory_space<vmem>>, vector<1x16xf32>,
      %broadcast_in_dim3A_581 = arith.constant 0.000000e+00 : f32
      %broadcast_in_dim3A_582 = vector.broadcast %broadcast_in_dim3A_581 : f32 to vector<16xf32>
      %swap3A_583 = arith.index_cast %scan3A_561 : i32 to index
      %swap3A_584 = arith.constant 48 : index
      %swap3A_585 = tpu.vector_load %arg11[%swap3A_583, %swap3A_584] {strides = array<i32>} : memref<160x128xf32, #tpu.memory_space<vmem>>, vector<1x16xf32>,
      %swap3A_586 = vector.shape_cast %swap3A_585 : vector<1x16xf32> to vector<16xf32>
      %swap3A_587 = vector.shape_cast %broadcast_in_dim3A_582 : vector<16xf32> to vector<1x16xf32>
      tpu.vector_store %arg11[%swap3A_583, %swap3A_584], %swap3A_587 {strides = array<i32>} : memref<160x128xf32, #tpu.memory_space<vmem>>, vector<1x16xf32>,
      %broadcast_in_dim3A_588 = arith.constant 0.000000e+00 : f32
      %broadcast_in_dim3A_589 = vector.broadcast %broadcast_in_dim3A_588 : f32 to vector<16xf32>
      %swap3A_590 = arith.index_cast %scan3A_561 : i32 to index
      %swap3A_591 = arith.constant 64 : index
      %swap3A_592 = tpu.vector_load %arg11[%swap3A_590, %swap3A_591] {strides = array<i32>} : memref<160x128xf32, #tpu.memory_space<vmem>>, vector<1x16xf32>,
      %swap3A_593 = vector.shape_cast %swap3A_592 : vector<1x16xf32> to vector<16xf32>
      %swap3A_594 = vector.shape_cast %broadcast_in_dim3A_589 : vector<16xf32> to vector<1x16xf32>
      tpu.vector_store %arg11[%swap3A_590, %swap3A_591], %swap3A_594 {strides = array<i32>} : memref<160x128xf32, #tpu.memory_space<vmem>>, vector<1x16xf32>,
      %broadcast_in_dim3A_595 = arith.constant 0.000000e+00 : f32
      %broadcast_in_dim3A_596 = vector.broadcast %broadcast_in_dim3A_595 : f32 to vector<16xf32>
      %swap3A_597 = arith.index_cast %scan3A_561 : i32 to index
      %swap3A_598 = arith.constant 80 : index
      %swap3A_599 = tpu.vector_load %arg11[%swap3A_597, %swap3A_598] {strides = array<i32>} : memref<160x128xf32, #tpu.memory_space<vmem>>, vector<1x16xf32>,
      %swap3A_600 = vector.shape_cast %swap3A_599 : vector<1x16xf32> to vector<16xf32>
      %swap3A_601 = vector.shape_cast %broadcast_in_dim3A_596 : vector<16xf32> to vector<1x16xf32>
      tpu.vector_store %arg11[%swap3A_597, %swap3A_598], %swap3A_601 {strides = array<i32>} : memref<160x128xf32, #tpu.memory_space<vmem>>, vector<1x16xf32>,
      %broadcast_in_dim3A_602 = arith.constant 0.000000e+00 : f32
      %broadcast_in_dim3A_603 = vector.broadcast %broadcast_in_dim3A_602 : f32 to vector<16xf32>
      %swap3A_604 = arith.index_cast %scan3A_561 : i32 to index
      %swap3A_605 = arith.constant 96 : index
      %swap3A_606 = tpu.vector_load %arg11[%swap3A_604, %swap3A_605] {strides = array<i32>} : memref<160x128xf32, #tpu.memory_space<vmem>>, vector<1x16xf32>,
      %swap3A_607 = vector.shape_cast %swap3A_606 : vector<1x16xf32> to vector<16xf32>
      %swap3A_608 = vector.shape_cast %broadcast_in_dim3A_603 : vector<16xf32> to vector<1x16xf32>
      tpu.vector_store %arg11[%swap3A_604, %swap3A_605], %swap3A_608 {strides = array<i32>} : memref<160x128xf32, #tpu.memory_space<vmem>>, vector<1x16xf32>,
      %broadcast_in_dim3A_609 = arith.constant 0.000000e+00 : f32
      %broadcast_in_dim3A_610 = vector.broadcast %broadcast_in_dim3A_609 : f32 to vector<16xf32>
      %swap3A_611 = arith.index_cast %scan3A_561 : i32 to index
      %swap3A_612 = arith.constant 112 : index
      %swap3A_613 = tpu.vector_load %arg11[%swap3A_611, %swap3A_612] {strides = array<i32>} : memref<160x128xf32, #tpu.memory_space<vmem>>, vector<1x16xf32>,
      %swap3A_614 = vector.shape_cast %swap3A_613 : vector<1x16xf32> to vector<16xf32>
      %swap3A_615 = vector.shape_cast %broadcast_in_dim3A_610 : vector<16xf32> to vector<1x16xf32>
      tpu.vector_store %arg11[%swap3A_611, %swap3A_612], %swap3A_615 {strides = array<i32>} : memref<160x128xf32, #tpu.memory_space<vmem>>, vector<1x16xf32>,
    }
    %scan3A_257 = arith.constant 80 : i32
    %mul3A_258 = arith.constant 640 : i32
    %mul3A_259 = arith.muli %arg1, %mul3A_258 : i32
    %add3A_260 = arith.constant 0 : i32
    %add3A_261 = arith.addi %mul3A_259, %add3A_260 : i32
    "tpu.region"() ({
      %run_scoped3A = tpu.sem_alloc : memref<!tpu.dma_semaphore, #tpu.memory_space<semaphore_mem>>
      %dma_start3A_561 = arith.constant 0 : i32
      %dma_start3A_562 = arith.constant 0 : i32
      %dma_start3A_563 = tpu.memref_slice %arg11[%dma_start3A_561, %dma_start3A_562] : memref<160x128xf32, #tpu.memory_space<vmem>> -> memref<80x128xf32, #tpu.memory_space<vmem>>
      %dma_start3A_564 = arith.constant 0 : i32
      %dma_start3A_565 = tpu.memref_slice %arg12[%add3A_261, %dma_start3A_564] : memref<10240x128xf32, #tpu.memory_space<vmem_shared>> -> memref<80x128xf32, #tpu.memory_space<vmem_shared>>
      %dma_start3A_566 = arith.constant 0 : i32
      %dma_start3A_567 = tpu.memref_slice %arg12[%add3A_261, %dma_start3A_566] : memref<10240x128xf32, #tpu.memory_space<vmem_shared>> -> memref<80x128xf32, #tpu.memory_space<vmem_shared>>
      %dma_start3A_568 = arith.constant 0 : i32
      %dma_start3A_569 = arith.constant 0 : i32
      %dma_start3A_570 = tpu.memref_slice %arg11[%dma_start3A_568, %dma_start3A_569] : memref<160x128xf32, #tpu.memory_space<vmem>> -> memref<80x128xf32, #tpu.memory_space<vmem>>
      tpu.enqueue_dma source(%dma_start3A_570 : memref<80x128xf32, #tpu.memory_space<vmem>>) target(%dma_start3A_567 : memref<80x128xf32, #tpu.memory_space<vmem_shared>>) target_semaphore(%run_scoped3A : memref<!tpu.dma_semaphore, #tpu.memory_space<semaphore_mem>>)
      %dma_wait3A_571 = arith.constant 0 : i32
      %dma_wait3A_572 = arith.constant 0 : i32
      %dma_wait3A_573 = tpu.memref_slice %arg11[%dma_wait3A_571, %dma_wait3A_572] : memref<160x128xf32, #tpu.memory_space<vmem>> -> memref<80x128xf32, #tpu.memory_space<vmem>>
      %dma_wait3A_574 = arith.constant 0 : i32
      %dma_wait3A_575 = tpu.memref_slice %arg12[%add3A_261, %dma_wait3A_574] : memref<10240x128xf32, #tpu.memory_space<vmem_shared>> -> memref<80x128xf32, #tpu.memory_space<vmem_shared>>
      %dma_wait3A_576 = arith.constant 0 : i32
      %dma_wait3A_577 = tpu.memref_slice %arg12[%add3A_261, %dma_wait3A_576] : memref<10240x128xf32, #tpu.memory_space<vmem_shared>> -> memref<80x128xf32, #tpu.memory_space<vmem_shared>>
      %dma_wait3A_578 = arith.constant 0 : i32
      %dma_wait3A_579 = arith.constant 0 : i32
      %dma_wait3A_580 = tpu.memref_slice %arg11[%dma_wait3A_578, %dma_wait3A_579] : memref<160x128xf32, #tpu.memory_space<vmem>> -> memref<80x128xf32, #tpu.memory_space<vmem>>
      tpu.wait_dma2 semaphore(%run_scoped3A : memref<!tpu.dma_semaphore, #tpu.memory_space<semaphore_mem>>) src(%dma_wait3A_580 : memref<80x128xf32, #tpu.memory_space<vmem>>) dst(%dma_wait3A_577 : memref<80x128xf32, #tpu.memory_space<vmem_shared>>)
      tpu.yield
    }) : () -> ()
    %add3A_262 = arith.constant 80 : i32
    %add3A_263 = arith.addi %mul3A_259, %add3A_262 : i32
    "tpu.region"() ({
      %run_scoped3A = tpu.sem_alloc : memref<!tpu.dma_semaphore, #tpu.memory_space<semaphore_mem>>
      %dma_start3A_561 = arith.constant 0 : i32
      %dma_start3A_562 = arith.constant 0 : i32
      %dma_start3A_563 = tpu.memref_slice %arg11[%dma_start3A_561, %dma_start3A_562] : memref<160x128xf32, #tpu.memory_space<vmem>> -> memref<80x128xf32, #tpu.memory_space<vmem>>
      %dma_start3A_564 = arith.constant 0 : i32
      %dma_start3A_565 = tpu.memref_slice %arg12[%add3A_263, %dma_start3A_564] : memref<10240x128xf32, #tpu.memory_space<vmem_shared>> -> memref<80x128xf32, #tpu.memory_space<vmem_shared>>
      %dma_start3A_566 = arith.constant 0 : i32
      %dma_start3A_567 = tpu.memref_slice %arg12[%add3A_263, %dma_start3A_566] : memref<10240x128xf32, #tpu.memory_space<vmem_shared>> -> memref<80x128xf32, #tpu.memory_space<vmem_shared>>
      %dma_start3A_568 = arith.constant 0 : i32
      %dma_start3A_569 = arith.constant 0 : i32
      %dma_start3A_570 = tpu.memref_slice %arg11[%dma_start3A_568, %dma_start3A_569] : memref<160x128xf32, #tpu.memory_space<vmem>> -> memref<80x128xf32, #tpu.memory_space<vmem>>
      tpu.enqueue_dma source(%dma_start3A_570 : memref<80x128xf32, #tpu.memory_space<vmem>>) target(%dma_start3A_567 : memref<80x128xf32, #tpu.memory_space<vmem_shared>>) target_semaphore(%run_scoped3A : memref<!tpu.dma_semaphore, #tpu.memory_space<semaphore_mem>>)
      %dma_wait3A_571 = arith.constant 0 : i32
      %dma_wait3A_572 = arith.constant 0 : i32
      %dma_wait3A_573 = tpu.memref_slice %arg11[%dma_wait3A_571, %dma_wait3A_572] : memref<160x128xf32, #tpu.memory_space<vmem>> -> memref<80x128xf32, #tpu.memory_space<vmem>>
      %dma_wait3A_574 = arith.constant 0 : i32
      %dma_wait3A_575 = tpu.memref_slice %arg12[%add3A_263, %dma_wait3A_574] : memref<10240x128xf32, #tpu.memory_space<vmem_shared>> -> memref<80x128xf32, #tpu.memory_space<vmem_shared>>
      %dma_wait3A_576 = arith.constant 0 : i32
      %dma_wait3A_577 = tpu.memref_slice %arg12[%add3A_263, %dma_wait3A_576] : memref<10240x128xf32, #tpu.memory_space<vmem_shared>> -> memref<80x128xf32, #tpu.memory_space<vmem_shared>>
      %dma_wait3A_578 = arith.constant 0 : i32
      %dma_wait3A_579 = arith.constant 0 : i32
      %dma_wait3A_580 = tpu.memref_slice %arg11[%dma_wait3A_578, %dma_wait3A_579] : memref<160x128xf32, #tpu.memory_space<vmem>> -> memref<80x128xf32, #tpu.memory_space<vmem>>
      tpu.wait_dma2 semaphore(%run_scoped3A : memref<!tpu.dma_semaphore, #tpu.memory_space<semaphore_mem>>) src(%dma_wait3A_580 : memref<80x128xf32, #tpu.memory_space<vmem>>) dst(%dma_wait3A_577 : memref<80x128xf32, #tpu.memory_space<vmem_shared>>)
      tpu.yield
    }) : () -> ()
    %add3A_264 = arith.constant 160 : i32
    %add3A_265 = arith.addi %mul3A_259, %add3A_264 : i32
    "tpu.region"() ({
      %run_scoped3A = tpu.sem_alloc : memref<!tpu.dma_semaphore, #tpu.memory_space<semaphore_mem>>
      %dma_start3A_561 = arith.constant 0 : i32
      %dma_start3A_562 = arith.constant 0 : i32
      %dma_start3A_563 = tpu.memref_slice %arg11[%dma_start3A_561, %dma_start3A_562] : memref<160x128xf32, #tpu.memory_space<vmem>> -> memref<80x128xf32, #tpu.memory_space<vmem>>
      %dma_start3A_564 = arith.constant 0 : i32
      %dma_start3A_565 = tpu.memref_slice %arg12[%add3A_265, %dma_start3A_564] : memref<10240x128xf32, #tpu.memory_space<vmem_shared>> -> memref<80x128xf32, #tpu.memory_space<vmem_shared>>
      %dma_start3A_566 = arith.constant 0 : i32
      %dma_start3A_567 = tpu.memref_slice %arg12[%add3A_265, %dma_start3A_566] : memref<10240x128xf32, #tpu.memory_space<vmem_shared>> -> memref<80x128xf32, #tpu.memory_space<vmem_shared>>
      %dma_start3A_568 = arith.constant 0 : i32
      %dma_start3A_569 = arith.constant 0 : i32
      %dma_start3A_570 = tpu.memref_slice %arg11[%dma_start3A_568, %dma_start3A_569] : memref<160x128xf32, #tpu.memory_space<vmem>> -> memref<80x128xf32, #tpu.memory_space<vmem>>
      tpu.enqueue_dma source(%dma_start3A_570 : memref<80x128xf32, #tpu.memory_space<vmem>>) target(%dma_start3A_567 : memref<80x128xf32, #tpu.memory_space<vmem_shared>>) target_semaphore(%run_scoped3A : memref<!tpu.dma_semaphore, #tpu.memory_space<semaphore_mem>>)
      %dma_wait3A_571 = arith.constant 0 : i32
      %dma_wait3A_572 = arith.constant 0 : i32
      %dma_wait3A_573 = tpu.memref_slice %arg11[%dma_wait3A_571, %dma_wait3A_572] : memref<160x128xf32, #tpu.memory_space<vmem>> -> memref<80x128xf32, #tpu.memory_space<vmem>>
      %dma_wait3A_574 = arith.constant 0 : i32
      %dma_wait3A_575 = tpu.memref_slice %arg12[%add3A_265, %dma_wait3A_574] : memref<10240x128xf32, #tpu.memory_space<vmem_shared>> -> memref<80x128xf32, #tpu.memory_space<vmem_shared>>
      %dma_wait3A_576 = arith.constant 0 : i32
      %dma_wait3A_577 = tpu.memref_slice %arg12[%add3A_265, %dma_wait3A_576] : memref<10240x128xf32, #tpu.memory_space<vmem_shared>> -> memref<80x128xf32, #tpu.memory_space<vmem_shared>>
      %dma_wait3A_578 = arith.constant 0 : i32
      %dma_wait3A_579 = arith.constant 0 : i32
      %dma_wait3A_580 = tpu.memref_slice %arg11[%dma_wait3A_578, %dma_wait3A_579] : memref<160x128xf32, #tpu.memory_space<vmem>> -> memref<80x128xf32, #tpu.memory_space<vmem>>
      tpu.wait_dma2 semaphore(%run_scoped3A : memref<!tpu.dma_semaphore, #tpu.memory_space<semaphore_mem>>) src(%dma_wait3A_580 : memref<80x128xf32, #tpu.memory_space<vmem>>) dst(%dma_wait3A_577 : memref<80x128xf32, #tpu.memory_space<vmem_shared>>)
      tpu.yield
    }) : () -> ()
    %add3A_266 = arith.constant 240 : i32
    %add3A_267 = arith.addi %mul3A_259, %add3A_266 : i32
    "tpu.region"() ({
      %run_scoped3A = tpu.sem_alloc : memref<!tpu.dma_semaphore, #tpu.memory_space<semaphore_mem>>
      %dma_start3A_561 = arith.constant 0 : i32
      %dma_start3A_562 = arith.constant 0 : i32
      %dma_start3A_563 = tpu.memref_slice %arg11[%dma_start3A_561, %dma_start3A_562] : memref<160x128xf32, #tpu.memory_space<vmem>> -> memref<80x128xf32, #tpu.memory_space<vmem>>
      %dma_start3A_564 = arith.constant 0 : i32
      %dma_start3A_565 = tpu.memref_slice %arg12[%add3A_267, %dma_start3A_564] : memref<10240x128xf32, #tpu.memory_space<vmem_shared>> -> memref<80x128xf32, #tpu.memory_space<vmem_shared>>
      %dma_start3A_566 = arith.constant 0 : i32
      %dma_start3A_567 = tpu.memref_slice %arg12[%add3A_267, %dma_start3A_566] : memref<10240x128xf32, #tpu.memory_space<vmem_shared>> -> memref<80x128xf32, #tpu.memory_space<vmem_shared>>
      %dma_start3A_568 = arith.constant 0 : i32
      %dma_start3A_569 = arith.constant 0 : i32
      %dma_start3A_570 = tpu.memref_slice %arg11[%dma_start3A_568, %dma_start3A_569] : memref<160x128xf32, #tpu.memory_space<vmem>> -> memref<80x128xf32, #tpu.memory_space<vmem>>
      tpu.enqueue_dma source(%dma_start3A_570 : memref<80x128xf32, #tpu.memory_space<vmem>>) target(%dma_start3A_567 : memref<80x128xf32, #tpu.memory_space<vmem_shared>>) target_semaphore(%run_scoped3A : memref<!tpu.dma_semaphore, #tpu.memory_space<semaphore_mem>>)
      %dma_wait3A_571 = arith.constant 0 : i32
      %dma_wait3A_572 = arith.constant 0 : i32
      %dma_wait3A_573 = tpu.memref_slice %arg11[%dma_wait3A_571, %dma_wait3A_572] : memref<160x128xf32, #tpu.memory_space<vmem>> -> memref<80x128xf32, #tpu.memory_space<vmem>>
      %dma_wait3A_574 = arith.constant 0 : i32
      %dma_wait3A_575 = tpu.memref_slice %arg12[%add3A_267, %dma_wait3A_574] : memref<10240x128xf32, #tpu.memory_space<vmem_shared>> -> memref<80x128xf32, #tpu.memory_space<vmem_shared>>
      %dma_wait3A_576 = arith.constant 0 : i32
      %dma_wait3A_577 = tpu.memref_slice %arg12[%add3A_267, %dma_wait3A_576] : memref<10240x128xf32, #tpu.memory_space<vmem_shared>> -> memref<80x128xf32, #tpu.memory_space<vmem_shared>>
      %dma_wait3A_578 = arith.constant 0 : i32
      %dma_wait3A_579 = arith.constant 0 : i32
      %dma_wait3A_580 = tpu.memref_slice %arg11[%dma_wait3A_578, %dma_wait3A_579] : memref<160x128xf32, #tpu.memory_space<vmem>> -> memref<80x128xf32, #tpu.memory_space<vmem>>
      tpu.wait_dma2 semaphore(%run_scoped3A : memref<!tpu.dma_semaphore, #tpu.memory_space<semaphore_mem>>) src(%dma_wait3A_580 : memref<80x128xf32, #tpu.memory_space<vmem>>) dst(%dma_wait3A_577 : memref<80x128xf32, #tpu.memory_space<vmem_shared>>)
      tpu.yield
    }) : () -> ()
    %add3A_268 = arith.constant 320 : i32
    %add3A_269 = arith.addi %mul3A_259, %add3A_268 : i32
    "tpu.region"() ({
      %run_scoped3A = tpu.sem_alloc : memref<!tpu.dma_semaphore, #tpu.memory_space<semaphore_mem>>
      %dma_start3A_561 = arith.constant 0 : i32
      %dma_start3A_562 = arith.constant 0 : i32
      %dma_start3A_563 = tpu.memref_slice %arg11[%dma_start3A_561, %dma_start3A_562] : memref<160x128xf32, #tpu.memory_space<vmem>> -> memref<80x128xf32, #tpu.memory_space<vmem>>
      %dma_start3A_564 = arith.constant 0 : i32
      %dma_start3A_565 = tpu.memref_slice %arg12[%add3A_269, %dma_start3A_564] : memref<10240x128xf32, #tpu.memory_space<vmem_shared>> -> memref<80x128xf32, #tpu.memory_space<vmem_shared>>
      %dma_start3A_566 = arith.constant 0 : i32
      %dma_start3A_567 = tpu.memref_slice %arg12[%add3A_269, %dma_start3A_566] : memref<10240x128xf32, #tpu.memory_space<vmem_shared>> -> memref<80x128xf32, #tpu.memory_space<vmem_shared>>
      %dma_start3A_568 = arith.constant 0 : i32
      %dma_start3A_569 = arith.constant 0 : i32
      %dma_start3A_570 = tpu.memref_slice %arg11[%dma_start3A_568, %dma_start3A_569] : memref<160x128xf32, #tpu.memory_space<vmem>> -> memref<80x128xf32, #tpu.memory_space<vmem>>
      tpu.enqueue_dma source(%dma_start3A_570 : memref<80x128xf32, #tpu.memory_space<vmem>>) target(%dma_start3A_567 : memref<80x128xf32, #tpu.memory_space<vmem_shared>>) target_semaphore(%run_scoped3A : memref<!tpu.dma_semaphore, #tpu.memory_space<semaphore_mem>>)
      %dma_wait3A_571 = arith.constant 0 : i32
      %dma_wait3A_572 = arith.constant 0 : i32
      %dma_wait3A_573 = tpu.memref_slice %arg11[%dma_wait3A_571, %dma_wait3A_572] : memref<160x128xf32, #tpu.memory_space<vmem>> -> memref<80x128xf32, #tpu.memory_space<vmem>>
      %dma_wait3A_574 = arith.constant 0 : i32
      %dma_wait3A_575 = tpu.memref_slice %arg12[%add3A_269, %dma_wait3A_574] : memref<10240x128xf32, #tpu.memory_space<vmem_shared>> -> memref<80x128xf32, #tpu.memory_space<vmem_shared>>
      %dma_wait3A_576 = arith.constant 0 : i32
      %dma_wait3A_577 = tpu.memref_slice %arg12[%add3A_269, %dma_wait3A_576] : memref<10240x128xf32, #tpu.memory_space<vmem_shared>> -> memref<80x128xf32, #tpu.memory_space<vmem_shared>>
      %dma_wait3A_578 = arith.constant 0 : i32
      %dma_wait3A_579 = arith.constant 0 : i32
      %dma_wait3A_580 = tpu.memref_slice %arg11[%dma_wait3A_578, %dma_wait3A_579] : memref<160x128xf32, #tpu.memory_space<vmem>> -> memref<80x128xf32, #tpu.memory_space<vmem>>
      tpu.wait_dma2 semaphore(%run_scoped3A : memref<!tpu.dma_semaphore, #tpu.memory_space<semaphore_mem>>) src(%dma_wait3A_580 : memref<80x128xf32, #tpu.memory_space<vmem>>) dst(%dma_wait3A_577 : memref<80x128xf32, #tpu.memory_space<vmem_shared>>)
      tpu.yield
    }) : () -> ()
    %add3A_270 = arith.constant 400 : i32
    %add3A_271 = arith.addi %mul3A_259, %add3A_270 : i32
    "tpu.region"() ({
      %run_scoped3A = tpu.sem_alloc : memref<!tpu.dma_semaphore, #tpu.memory_space<semaphore_mem>>
      %dma_start3A_561 = arith.constant 0 : i32
      %dma_start3A_562 = arith.constant 0 : i32
      %dma_start3A_563 = tpu.memref_slice %arg11[%dma_start3A_561, %dma_start3A_562] : memref<160x128xf32, #tpu.memory_space<vmem>> -> memref<80x128xf32, #tpu.memory_space<vmem>>
      %dma_start3A_564 = arith.constant 0 : i32
      %dma_start3A_565 = tpu.memref_slice %arg12[%add3A_271, %dma_start3A_564] : memref<10240x128xf32, #tpu.memory_space<vmem_shared>> -> memref<80x128xf32, #tpu.memory_space<vmem_shared>>
      %dma_start3A_566 = arith.constant 0 : i32
      %dma_start3A_567 = tpu.memref_slice %arg12[%add3A_271, %dma_start3A_566] : memref<10240x128xf32, #tpu.memory_space<vmem_shared>> -> memref<80x128xf32, #tpu.memory_space<vmem_shared>>
      %dma_start3A_568 = arith.constant 0 : i32
      %dma_start3A_569 = arith.constant 0 : i32
      %dma_start3A_570 = tpu.memref_slice %arg11[%dma_start3A_568, %dma_start3A_569] : memref<160x128xf32, #tpu.memory_space<vmem>> -> memref<80x128xf32, #tpu.memory_space<vmem>>
      tpu.enqueue_dma source(%dma_start3A_570 : memref<80x128xf32, #tpu.memory_space<vmem>>) target(%dma_start3A_567 : memref<80x128xf32, #tpu.memory_space<vmem_shared>>) target_semaphore(%run_scoped3A : memref<!tpu.dma_semaphore, #tpu.memory_space<semaphore_mem>>)
      %dma_wait3A_571 = arith.constant 0 : i32
      %dma_wait3A_572 = arith.constant 0 : i32
      %dma_wait3A_573 = tpu.memref_slice %arg11[%dma_wait3A_571, %dma_wait3A_572] : memref<160x128xf32, #tpu.memory_space<vmem>> -> memref<80x128xf32, #tpu.memory_space<vmem>>
      %dma_wait3A_574 = arith.constant 0 : i32
      %dma_wait3A_575 = tpu.memref_slice %arg12[%add3A_271, %dma_wait3A_574] : memref<10240x128xf32, #tpu.memory_space<vmem_shared>> -> memref<80x128xf32, #tpu.memory_space<vmem_shared>>
      %dma_wait3A_576 = arith.constant 0 : i32
      %dma_wait3A_577 = tpu.memref_slice %arg12[%add3A_271, %dma_wait3A_576] : memref<10240x128xf32, #tpu.memory_space<vmem_shared>> -> memref<80x128xf32, #tpu.memory_space<vmem_shared>>
      %dma_wait3A_578 = arith.constant 0 : i32
      %dma_wait3A_579 = arith.constant 0 : i32
      %dma_wait3A_580 = tpu.memref_slice %arg11[%dma_wait3A_578, %dma_wait3A_579] : memref<160x128xf32, #tpu.memory_space<vmem>> -> memref<80x128xf32, #tpu.memory_space<vmem>>
      tpu.wait_dma2 semaphore(%run_scoped3A : memref<!tpu.dma_semaphore, #tpu.memory_space<semaphore_mem>>) src(%dma_wait3A_580 : memref<80x128xf32, #tpu.memory_space<vmem>>) dst(%dma_wait3A_577 : memref<80x128xf32, #tpu.memory_space<vmem_shared>>)
      tpu.yield
    }) : () -> ()
    %add3A_272 = arith.constant 480 : i32
    %add3A_273 = arith.addi %mul3A_259, %add3A_272 : i32
    "tpu.region"() ({
      %run_scoped3A = tpu.sem_alloc : memref<!tpu.dma_semaphore, #tpu.memory_space<semaphore_mem>>
      %dma_start3A_561 = arith.constant 0 : i32
      %dma_start3A_562 = arith.constant 0 : i32
      %dma_start3A_563 = tpu.memref_slice %arg11[%dma_start3A_561, %dma_start3A_562] : memref<160x128xf32, #tpu.memory_space<vmem>> -> memref<80x128xf32, #tpu.memory_space<vmem>>
      %dma_start3A_564 = arith.constant 0 : i32
      %dma_start3A_565 = tpu.memref_slice %arg12[%add3A_273, %dma_start3A_564] : memref<10240x128xf32, #tpu.memory_space<vmem_shared>> -> memref<80x128xf32, #tpu.memory_space<vmem_shared>>
      %dma_start3A_566 = arith.constant 0 : i32
      %dma_start3A_567 = tpu.memref_slice %arg12[%add3A_273, %dma_start3A_566] : memref<10240x128xf32, #tpu.memory_space<vmem_shared>> -> memref<80x128xf32, #tpu.memory_space<vmem_shared>>
      %dma_start3A_568 = arith.constant 0 : i32
      %dma_start3A_569 = arith.constant 0 : i32
      %dma_start3A_570 = tpu.memref_slice %arg11[%dma_start3A_568, %dma_start3A_569] : memref<160x128xf32, #tpu.memory_space<vmem>> -> memref<80x128xf32, #tpu.memory_space<vmem>>
      tpu.enqueue_dma source(%dma_start3A_570 : memref<80x128xf32, #tpu.memory_space<vmem>>) target(%dma_start3A_567 : memref<80x128xf32, #tpu.memory_space<vmem_shared>>) target_semaphore(%run_scoped3A : memref<!tpu.dma_semaphore, #tpu.memory_space<semaphore_mem>>)
      %dma_wait3A_571 = arith.constant 0 : i32
      %dma_wait3A_572 = arith.constant 0 : i32
      %dma_wait3A_573 = tpu.memref_slice %arg11[%dma_wait3A_571, %dma_wait3A_572] : memref<160x128xf32, #tpu.memory_space<vmem>> -> memref<80x128xf32, #tpu.memory_space<vmem>>
      %dma_wait3A_574 = arith.constant 0 : i32
      %dma_wait3A_575 = tpu.memref_slice %arg12[%add3A_273, %dma_wait3A_574] : memref<10240x128xf32, #tpu.memory_space<vmem_shared>> -> memref<80x128xf32, #tpu.memory_space<vmem_shared>>
      %dma_wait3A_576 = arith.constant 0 : i32
      %dma_wait3A_577 = tpu.memref_slice %arg12[%add3A_273, %dma_wait3A_576] : memref<10240x128xf32, #tpu.memory_space<vmem_shared>> -> memref<80x128xf32, #tpu.memory_space<vmem_shared>>
      %dma_wait3A_578 = arith.constant 0 : i32
      %dma_wait3A_579 = arith.constant 0 : i32
      %dma_wait3A_580 = tpu.memref_slice %arg11[%dma_wait3A_578, %dma_wait3A_579] : memref<160x128xf32, #tpu.memory_space<vmem>> -> memref<80x128xf32, #tpu.memory_space<vmem>>
      tpu.wait_dma2 semaphore(%run_scoped3A : memref<!tpu.dma_semaphore, #tpu.memory_space<semaphore_mem>>) src(%dma_wait3A_580 : memref<80x128xf32, #tpu.memory_space<vmem>>) dst(%dma_wait3A_577 : memref<80x128xf32, #tpu.memory_space<vmem_shared>>)
      tpu.yield
    }) : () -> ()
    %add3A_274 = arith.constant 560 : i32
    %add3A_275 = arith.addi %mul3A_259, %add3A_274 : i32
    "tpu.region"() ({
      %run_scoped3A = tpu.sem_alloc : memref<!tpu.dma_semaphore, #tpu.memory_space<semaphore_mem>>
      %dma_start3A_561 = arith.constant 0 : i32
      %dma_start3A_562 = arith.constant 0 : i32
      %dma_start3A_563 = tpu.memref_slice %arg11[%dma_start3A_561, %dma_start3A_562] : memref<160x128xf32, #tpu.memory_space<vmem>> -> memref<80x128xf32, #tpu.memory_space<vmem>>
      %dma_start3A_564 = arith.constant 0 : i32
      %dma_start3A_565 = tpu.memref_slice %arg12[%add3A_275, %dma_start3A_564] : memref<10240x128xf32, #tpu.memory_space<vmem_shared>> -> memref<80x128xf32, #tpu.memory_space<vmem_shared>>
      %dma_start3A_566 = arith.constant 0 : i32
      %dma_start3A_567 = tpu.memref_slice %arg12[%add3A_275, %dma_start3A_566] : memref<10240x128xf32, #tpu.memory_space<vmem_shared>> -> memref<80x128xf32, #tpu.memory_space<vmem_shared>>
      %dma_start3A_568 = arith.constant 0 : i32
      %dma_start3A_569 = arith.constant 0 : i32
      %dma_start3A_570 = tpu.memref_slice %arg11[%dma_start3A_568, %dma_start3A_569] : memref<160x128xf32, #tpu.memory_space<vmem>> -> memref<80x128xf32, #tpu.memory_space<vmem>>
      tpu.enqueue_dma source(%dma_start3A_570 : memref<80x128xf32, #tpu.memory_space<vmem>>) target(%dma_start3A_567 : memref<80x128xf32, #tpu.memory_space<vmem_shared>>) target_semaphore(%run_scoped3A : memref<!tpu.dma_semaphore, #tpu.memory_space<semaphore_mem>>)
      %dma_wait3A_571 = arith.constant 0 : i32
      %dma_wait3A_572 = arith.constant 0 : i32
      %dma_wait3A_573 = tpu.memref_slice %arg11[%dma_wait3A_571, %dma_wait3A_572] : memref<160x128xf32, #tpu.memory_space<vmem>> -> memref<80x128xf32, #tpu.memory_space<vmem>>
      %dma_wait3A_574 = arith.constant 0 : i32
      %dma_wait3A_575 = tpu.memref_slice %arg12[%add3A_275, %dma_wait3A_574] : memref<10240x128xf32, #tpu.memory_space<vmem_shared>> -> memref<80x128xf32, #tpu.memory_space<vmem_shared>>
      %dma_wait3A_576 = arith.constant 0 : i32
      %dma_wait3A_577 = tpu.memref_slice %arg12[%add3A_275, %dma_wait3A_576] : memref<10240x128xf32, #tpu.memory_space<vmem_shared>> -> memref<80x128xf32, #tpu.memory_space<vmem_shared>>
      %dma_wait3A_578 = arith.constant 0 : i32
      %dma_wait3A_579 = arith.constant 0 : i32
      %dma_wait3A_580 = tpu.memref_slice %arg11[%dma_wait3A_578, %dma_wait3A_579] : memref<160x128xf32, #tpu.memory_space<vmem>> -> memref<80x128xf32, #tpu.memory_space<vmem>>
      tpu.wait_dma2 semaphore(%run_scoped3A : memref<!tpu.dma_semaphore, #tpu.memory_space<semaphore_mem>>) src(%dma_wait3A_580 : memref<80x128xf32, #tpu.memory_space<vmem>>) dst(%dma_wait3A_577 : memref<80x128xf32, #tpu.memory_space<vmem_shared>>)
      tpu.yield
    }) : () -> ()
    %barrier3A = arith.constant 0 : index
    tpu.barrier barrier_id(%barrier3A)
    %rem3A_276 = arith.constant 0 : i32
    %rem3A_277 = arith.constant 6 : i32
    %rem3A_278 = arith.remsi %rem3A_276, %rem3A_277 : i32
    %add3A_279 = arith.constant 0 : i32
    %add3A_280 = arith.addi %mul3A_0, %add3A_279 : i32
    %dma_wait3A = arith.constant 0 : i32
    %dma_wait3A_281 = tpu.memref_slice %arg7[%rem3A_278, %dma_wait3A] : memref<6x80xi32, #tpu.memory_space<vmem>> -> memref<1x80xi32, #tpu.memory_space<vmem>>
    %dma_wait3A_282 = tpu.memref_squeeze %dma_wait3A_281 : memref<1x80xi32, #tpu.memory_space<vmem>> -> memref<80xi32, #tpu.memory_space<vmem>>
    %dma_wait3A_283 = arith.constant 0 : i32
    %dma_wait3A_284 = tpu.memref_slice %arg3[%arg0, %add3A_280, %dma_wait3A_283] : memref<2x2048x80xi32, #tpu.memory_space<hbm>> -> memref<1x1x80xi32, #tpu.memory_space<hbm>>
    %dma_wait3A_285 = tpu.memref_squeeze %dma_wait3A_284 : memref<1x1x80xi32, #tpu.memory_space<hbm>> -> memref<80xi32, #tpu.memory_space<hbm>>
    %dma_wait3A_286 = tpu.memref_slice %arg13[%rem3A_278] : memref<6x!tpu.dma_semaphore, #tpu.memory_space<semaphore_mem>> -> memref<1x!tpu.dma_semaphore, #tpu.memory_space<semaphore_mem>>
    %dma_wait3A_287 = tpu.memref_squeeze %dma_wait3A_286 : memref<1x!tpu.dma_semaphore, #tpu.memory_space<semaphore_mem>> -> memref<!tpu.dma_semaphore, #tpu.memory_space<semaphore_mem>>
    %dma_wait3A_288 = arith.constant 0 : i32
    %dma_wait3A_289 = tpu.memref_slice %arg7[%rem3A_278, %dma_wait3A_288] : memref<6x80xi32, #tpu.memory_space<vmem>> -> memref<1x80xi32, #tpu.memory_space<vmem>>
    %dma_wait3A_290 = tpu.memref_squeeze %dma_wait3A_289 : memref<1x80xi32, #tpu.memory_space<vmem>> -> memref<80xi32, #tpu.memory_space<vmem>>
    %dma_wait3A_291 = arith.constant 0 : i32
    %dma_wait3A_292 = tpu.memref_slice %arg3[%arg0, %add3A_280, %dma_wait3A_291] : memref<2x2048x80xi32, #tpu.memory_space<hbm>> -> memref<1x1x80xi32, #tpu.memory_space<hbm>>
    %dma_wait3A_293 = tpu.memref_squeeze %dma_wait3A_292 : memref<1x1x80xi32, #tpu.memory_space<hbm>> -> memref<80xi32, #tpu.memory_space<hbm>>
    tpu.wait_dma2 semaphore(%dma_wait3A_287 : memref<!tpu.dma_semaphore, #tpu.memory_space<semaphore_mem>>) src(%dma_wait3A_293 : memref<80xi32, #tpu.memory_space<hbm>>) dst(%dma_wait3A_290 : memref<80xi32, #tpu.memory_space<vmem>>)
    %add3A_294 = arith.constant 0 : i32
    %add3A_295 = arith.addi %mul3A_0, %add3A_294 : i32
    %dma_wait3A_296 = arith.constant 0 : i32
    %dma_wait3A_297 = tpu.memref_slice %arg8[%rem3A_278, %dma_wait3A_296] : memref<6x80xi32, #tpu.memory_space<vmem>> -> memref<1x80xi32, #tpu.memory_space<vmem>>
    %dma_wait3A_298 = tpu.memref_squeeze %dma_wait3A_297 : memref<1x80xi32, #tpu.memory_space<vmem>> -> memref<80xi32, #tpu.memory_space<vmem>>
    %dma_wait3A_299 = arith.constant 0 : i32
    %dma_wait3A_300 = tpu.memref_slice %arg4[%add3A_295, %dma_wait3A_299] : memref<2048x80xi32, #tpu.memory_space<hbm>> -> memref<1x80xi32, #tpu.memory_space<hbm>>
    %dma_wait3A_301 = tpu.memref_squeeze %dma_wait3A_300 : memref<1x80xi32, #tpu.memory_space<hbm>> -> memref<80xi32, #tpu.memory_space<hbm>>
    %dma_wait3A_302 = tpu.memref_slice %arg13[%rem3A_278] : memref<6x!tpu.dma_semaphore, #tpu.memory_space<semaphore_mem>> -> memref<1x!tpu.dma_semaphore, #tpu.memory_space<semaphore_mem>>
    %dma_wait3A_303 = tpu.memref_squeeze %dma_wait3A_302 : memref<1x!tpu.dma_semaphore, #tpu.memory_space<semaphore_mem>> -> memref<!tpu.dma_semaphore, #tpu.memory_space<semaphore_mem>>
    %dma_wait3A_304 = arith.constant 0 : i32
    %dma_wait3A_305 = tpu.memref_slice %arg8[%rem3A_278, %dma_wait3A_304] : memref<6x80xi32, #tpu.memory_space<vmem>> -> memref<1x80xi32, #tpu.memory_space<vmem>>
    %dma_wait3A_306 = tpu.memref_squeeze %dma_wait3A_305 : memref<1x80xi32, #tpu.memory_space<vmem>> -> memref<80xi32, #tpu.memory_space<vmem>>
    %dma_wait3A_307 = arith.constant 0 : i32
    %dma_wait3A_308 = tpu.memref_slice %arg4[%add3A_295, %dma_wait3A_307] : memref<2048x80xi32, #tpu.memory_space<hbm>> -> memref<1x80xi32, #tpu.memory_space<hbm>>
    %dma_wait3A_309 = tpu.memref_squeeze %dma_wait3A_308 : memref<1x80xi32, #tpu.memory_space<hbm>> -> memref<80xi32, #tpu.memory_space<hbm>>
    tpu.wait_dma2 semaphore(%dma_wait3A_303 : memref<!tpu.dma_semaphore, #tpu.memory_space<semaphore_mem>>) src(%dma_wait3A_309 : memref<80xi32, #tpu.memory_space<hbm>>) dst(%dma_wait3A_306 : memref<80xi32, #tpu.memory_space<vmem>>)
    %add3A_310 = arith.constant 0 : i32
    %add3A_311 = arith.addi %mul3A_0, %add3A_310 : i32
    %dma_wait3A_312 = arith.constant 0 : i32
    %dma_wait3A_313 = tpu.memref_slice %arg9[%rem3A_278, %dma_wait3A_312] : memref<6x80xf32, #tpu.memory_space<vmem>> -> memref<1x80xf32, #tpu.memory_space<vmem>>
    %dma_wait3A_314 = tpu.memref_squeeze %dma_wait3A_313 : memref<1x80xf32, #tpu.memory_space<vmem>> -> memref<80xf32, #tpu.memory_space<vmem>>
    %dma_wait3A_315 = arith.constant 0 : i32
    %dma_wait3A_316 = tpu.memref_slice %arg5[%add3A_311, %dma_wait3A_315] : memref<2048x80xf32, #tpu.memory_space<hbm>> -> memref<1x80xf32, #tpu.memory_space<hbm>>
    %dma_wait3A_317 = tpu.memref_squeeze %dma_wait3A_316 : memref<1x80xf32, #tpu.memory_space<hbm>> -> memref<80xf32, #tpu.memory_space<hbm>>
    %dma_wait3A_318 = tpu.memref_slice %arg13[%rem3A_278] : memref<6x!tpu.dma_semaphore, #tpu.memory_space<semaphore_mem>> -> memref<1x!tpu.dma_semaphore, #tpu.memory_space<semaphore_mem>>
    %dma_wait3A_319 = tpu.memref_squeeze %dma_wait3A_318 : memref<1x!tpu.dma_semaphore, #tpu.memory_space<semaphore_mem>> -> memref<!tpu.dma_semaphore, #tpu.memory_space<semaphore_mem>>
    %dma_wait3A_320 = arith.constant 0 : i32
    %dma_wait3A_321 = tpu.memref_slice %arg9[%rem3A_278, %dma_wait3A_320] : memref<6x80xf32, #tpu.memory_space<vmem>> -> memref<1x80xf32, #tpu.memory_space<vmem>>
    %dma_wait3A_322 = tpu.memref_squeeze %dma_wait3A_321 : memref<1x80xf32, #tpu.memory_space<vmem>> -> memref<80xf32, #tpu.memory_space<vmem>>
    %dma_wait3A_323 = arith.constant 0 : i32
    %dma_wait3A_324 = tpu.memref_slice %arg5[%add3A_311, %dma_wait3A_323] : memref<2048x80xf32, #tpu.memory_space<hbm>> -> memref<1x80xf32, #tpu.memory_space<hbm>>
    %dma_wait3A_325 = tpu.memref_squeeze %dma_wait3A_324 : memref<1x80xf32, #tpu.memory_space<hbm>> -> memref<80xf32, #tpu.memory_space<hbm>>
    tpu.wait_dma2 semaphore(%dma_wait3A_319 : memref<!tpu.dma_semaphore, #tpu.memory_space<semaphore_mem>>) src(%dma_wait3A_325 : memref<80xf32, #tpu.memory_space<hbm>>) dst(%dma_wait3A_322 : memref<80xf32, #tpu.memory_space<vmem>>)
    %rem3A_326 = arith.constant 0 : i32
    %rem3A_327 = arith.constant 6 : i32
    %rem3A_328 = arith.remsi %rem3A_326, %rem3A_327 : i32
    %dma_start3A_329 = arith.constant 0 : i32
    %dma_start3A_330 = arith.constant 0 : i32
    %dma_start3A_331 = arith.constant 0 : i32
    %dma_start3A_332 = tpu.memref_slice %arg10[%dma_start3A_330, %dma_start3A_331] : memref<400x64xi32, #tpu.memory_space<vmem>> -> memref<80x64xi32, #tpu.memory_space<vmem>>
    %dma_start3A_333 = arith.constant 0 : i32
    %dma_start3A_334 = tpu.memref_slice %arg7[%rem3A_328, %dma_start3A_333] : memref<6x80xi32, #tpu.memory_space<vmem>> -> memref<1x80xi32, #tpu.memory_space<vmem>>
    %dma_start3A_335 = tpu.memref_squeeze %dma_start3A_334 : memref<1x80xi32, #tpu.memory_space<vmem>> -> memref<80xi32, #tpu.memory_space<vmem>>
    %dma_start3A_336 = arith.constant 0 : i32
    %dma_start3A_337 = arith.constant 0 : i32
    %dma_start3A_338 = tpu.memref_slice %arg2[%dma_start3A_336, %dma_start3A_337] : memref<20000x64xi32, #tpu.memory_space<hbm>> -> memref<20000x64xi32, #tpu.memory_space<hbm>>
    %dma_start3A_339 = tpu.memref_slice %arg14[%dma_start3A_329] : memref<5x!tpu.dma_semaphore, #tpu.memory_space<semaphore_mem>> -> memref<1x!tpu.dma_semaphore, #tpu.memory_space<semaphore_mem>>
    %dma_start3A_340 = tpu.memref_squeeze %dma_start3A_339 : memref<1x!tpu.dma_semaphore, #tpu.memory_space<semaphore_mem>> -> memref<!tpu.dma_semaphore, #tpu.memory_space<semaphore_mem>>
    tpu.enqueue_indirect_dma source(%dma_start3A_338 : memref<20000x64xi32, #tpu.memory_space<hbm>>) target(%dma_start3A_332 : memref<80x64xi32, #tpu.memory_space<vmem>>) offsets(%dma_start3A_335 : memref<80xi32, #tpu.memory_space<vmem>>) semaphore(%dma_start3A_340 : memref<!tpu.dma_semaphore, #tpu.memory_space<semaphore_mem>>)
    %rem3A_341 = arith.constant 1 : i32
    %rem3A_342 = arith.constant 6 : i32
    %rem3A_343 = arith.remsi %rem3A_341, %rem3A_342 : i32
    %add3A_344 = arith.constant 1 : i32
    %add3A_345 = arith.addi %mul3A_0, %add3A_344 : i32
    %dma_wait3A_346 = arith.constant 0 : i32
    %dma_wait3A_347 = tpu.memref_slice %arg7[%rem3A_343, %dma_wait3A_346] : memref<6x80xi32, #tpu.memory_space<vmem>> -> memref<1x80xi32, #tpu.memory_space<vmem>>
    %dma_wait3A_348 = tpu.memref_squeeze %dma_wait3A_347 : memref<1x80xi32, #tpu.memory_space<vmem>> -> memref<80xi32, #tpu.memory_space<vmem>>
    %dma_wait3A_349 = arith.constant 0 : i32
    %dma_wait3A_350 = tpu.memref_slice %arg3[%arg0, %add3A_345, %dma_wait3A_349] : memref<2x2048x80xi32, #tpu.memory_space<hbm>> -> memref<1x1x80xi32, #tpu.memory_space<hbm>>
    %dma_wait3A_351 = tpu.memref_squeeze %dma_wait3A_350 : memref<1x1x80xi32, #tpu.memory_space<hbm>> -> memref<80xi32, #tpu.memory_space<hbm>>
    %dma_wait3A_352 = tpu.memref_slice %arg13[%rem3A_343] : memref<6x!tpu.dma_semaphore, #tpu.memory_space<semaphore_mem>> -> memref<1x!tpu.dma_semaphore, #tpu.memory_space<semaphore_mem>>
    %dma_wait3A_353 = tpu.memref_squeeze %dma_wait3A_352 : memref<1x!tpu.dma_semaphore, #tpu.memory_space<semaphore_mem>> -> memref<!tpu.dma_semaphore, #tpu.memory_space<semaphore_mem>>
    %dma_wait3A_354 = arith.constant 0 : i32
    %dma_wait3A_355 = tpu.memref_slice %arg7[%rem3A_343, %dma_wait3A_354] : memref<6x80xi32, #tpu.memory_space<vmem>> -> memref<1x80xi32, #tpu.memory_space<vmem>>
    %dma_wait3A_356 = tpu.memref_squeeze %dma_wait3A_355 : memref<1x80xi32, #tpu.memory_space<vmem>> -> memref<80xi32, #tpu.memory_space<vmem>>
    %dma_wait3A_357 = arith.constant 0 : i32
    %dma_wait3A_358 = tpu.memref_slice %arg3[%arg0, %add3A_345, %dma_wait3A_357] : memref<2x2048x80xi32, #tpu.memory_space<hbm>> -> memref<1x1x80xi32, #tpu.memory_space<hbm>>
    %dma_wait3A_359 = tpu.memref_squeeze %dma_wait3A_358 : memref<1x1x80xi32, #tpu.memory_space<hbm>> -> memref<80xi32, #tpu.memory_space<hbm>>
    tpu.wait_dma2 semaphore(%dma_wait3A_353 : memref<!tpu.dma_semaphore, #tpu.memory_space<semaphore_mem>>) src(%dma_wait3A_359 : memref<80xi32, #tpu.memory_space<hbm>>) dst(%dma_wait3A_356 : memref<80xi32, #tpu.memory_space<vmem>>)
    %add3A_360 = arith.constant 1 : i32
    %add3A_361 = arith.addi %mul3A_0, %add3A_360 : i32
    %dma_wait3A_362 = arith.constant 0 : i32
    %dma_wait3A_363 = tpu.memref_slice %arg8[%rem3A_343, %dma_wait3A_362] : memref<6x80xi32, #tpu.memory_space<vmem>> -> memref<1x80xi32, #tpu.memory_space<vmem>>
    %dma_wait3A_364 = tpu.memref_squeeze %dma_wait3A_363 : memref<1x80xi32, #tpu.memory_space<vmem>> -> memref<80xi32, #tpu.memory_space<vmem>>
    %dma_wait3A_365 = arith.constant 0 : i32
    %dma_wait3A_366 = tpu.memref_slice %arg4[%add3A_361, %dma_wait3A_365] : memref<2048x80xi32, #tpu.memory_space<hbm>> -> memref<1x80xi32, #tpu.memory_space<hbm>>
    %dma_wait3A_367 = tpu.memref_squeeze %dma_wait3A_366 : memref<1x80xi32, #tpu.memory_space<hbm>> -> memref<80xi32, #tpu.memory_space<hbm>>
    %dma_wait3A_368 = tpu.memref_slice %arg13[%rem3A_343] : memref<6x!tpu.dma_semaphore, #tpu.memory_space<semaphore_mem>> -> memref<1x!tpu.dma_semaphore, #tpu.memory_space<semaphore_mem>>
    %dma_wait3A_369 = tpu.memref_squeeze %dma_wait3A_368 : memref<1x!tpu.dma_semaphore, #tpu.memory_space<semaphore_mem>> -> memref<!tpu.dma_semaphore, #tpu.memory_space<semaphore_mem>>
    %dma_wait3A_370 = arith.constant 0 : i32
    %dma_wait3A_371 = tpu.memref_slice %arg8[%rem3A_343, %dma_wait3A_370] : memref<6x80xi32, #tpu.memory_space<vmem>> -> memref<1x80xi32, #tpu.memory_space<vmem>>
    %dma_wait3A_372 = tpu.memref_squeeze %dma_wait3A_371 : memref<1x80xi32, #tpu.memory_space<vmem>> -> memref<80xi32, #tpu.memory_space<vmem>>
    %dma_wait3A_373 = arith.constant 0 : i32
    %dma_wait3A_374 = tpu.memref_slice %arg4[%add3A_361, %dma_wait3A_373] : memref<2048x80xi32, #tpu.memory_space<hbm>> -> memref<1x80xi32, #tpu.memory_space<hbm>>
    %dma_wait3A_375 = tpu.memref_squeeze %dma_wait3A_374 : memref<1x80xi32, #tpu.memory_space<hbm>> -> memref<80xi32, #tpu.memory_space<hbm>>
    tpu.wait_dma2 semaphore(%dma_wait3A_369 : memref<!tpu.dma_semaphore, #tpu.memory_space<semaphore_mem>>) src(%dma_wait3A_375 : memref<80xi32, #tpu.memory_space<hbm>>) dst(%dma_wait3A_372 : memref<80xi32, #tpu.memory_space<vmem>>)
    %add3A_376 = arith.constant 1 : i32
    %add3A_377 = arith.addi %mul3A_0, %add3A_376 : i32
    %dma_wait3A_378 = arith.constant 0 : i32
    %dma_wait3A_379 = tpu.memref_slice %arg9[%rem3A_343, %dma_wait3A_378] : memref<6x80xf32, #tpu.memory_space<vmem>> -> memref<1x80xf32, #tpu.memory_space<vmem>>
    %dma_wait3A_380 = tpu.memref_squeeze %dma_wait3A_379 : memref<1x80xf32, #tpu.memory_space<vmem>> -> memref<80xf32, #tpu.memory_space<vmem>>
    %dma_wait3A_381 = arith.constant 0 : i32
    %dma_wait3A_382 = tpu.memref_slice %arg5[%add3A_377, %dma_wait3A_381] : memref<2048x80xf32, #tpu.memory_space<hbm>> -> memref<1x80xf32, #tpu.memory_space<hbm>>
    %dma_wait3A_383 = tpu.memref_squeeze %dma_wait3A_382 : memref<1x80xf32, #tpu.memory_space<hbm>> -> memref<80xf32, #tpu.memory_space<hbm>>
    %dma_wait3A_384 = tpu.memref_slice %arg13[%rem3A_343] : memref<6x!tpu.dma_semaphore, #tpu.memory_space<semaphore_mem>> -> memref<1x!tpu.dma_semaphore, #tpu.memory_space<semaphore_mem>>
    %dma_wait3A_385 = tpu.memref_squeeze %dma_wait3A_384 : memref<1x!tpu.dma_semaphore, #tpu.memory_space<semaphore_mem>> -> memref<!tpu.dma_semaphore, #tpu.memory_space<semaphore_mem>>
    %dma_wait3A_386 = arith.constant 0 : i32
    %dma_wait3A_387 = tpu.memref_slice %arg9[%rem3A_343, %dma_wait3A_386] : memref<6x80xf32, #tpu.memory_space<vmem>> -> memref<1x80xf32, #tpu.memory_space<vmem>>
    %dma_wait3A_388 = tpu.memref_squeeze %dma_wait3A_387 : memref<1x80xf32, #tpu.memory_space<vmem>> -> memref<80xf32, #tpu.memory_space<vmem>>
    %dma_wait3A_389 = arith.constant 0 : i32
    %dma_wait3A_390 = tpu.memref_slice %arg5[%add3A_377, %dma_wait3A_389] : memref<2048x80xf32, #tpu.memory_space<hbm>> -> memref<1x80xf32, #tpu.memory_space<hbm>>
    %dma_wait3A_391 = tpu.memref_squeeze %dma_wait3A_390 : memref<1x80xf32, #tpu.memory_space<hbm>> -> memref<80xf32, #tpu.memory_space<hbm>>
    tpu.wait_dma2 semaphore(%dma_wait3A_385 : memref<!tpu.dma_semaphore, #tpu.memory_space<semaphore_mem>>) src(%dma_wait3A_391 : memref<80xf32, #tpu.memory_space<hbm>>) dst(%dma_wait3A_388 : memref<80xf32, #tpu.memory_space<vmem>>)
    %rem3A_392 = arith.constant 1 : i32
    %rem3A_393 = arith.constant 6 : i32
    %rem3A_394 = arith.remsi %rem3A_392, %rem3A_393 : i32
    %dma_start3A_395 = arith.constant 1 : i32
    %dma_start3A_396 = arith.constant 80 : i32
    %dma_start3A_397 = arith.constant 0 : i32
    %dma_start3A_398 = tpu.memref_slice %arg10[%dma_start3A_396, %dma_start3A_397] : memref<400x64xi32, #tpu.memory_space<vmem>> -> memref<80x64xi32, #tpu.memory_space<vmem>>
    %dma_start3A_399 = arith.constant 0 : i32
    %dma_start3A_400 = tpu.memref_slice %arg7[%rem3A_394, %dma_start3A_399] : memref<6x80xi32, #tpu.memory_space<vmem>> -> memref<1x80xi32, #tpu.memory_space<vmem>>
    %dma_start3A_401 = tpu.memref_squeeze %dma_start3A_400 : memref<1x80xi32, #tpu.memory_space<vmem>> -> memref<80xi32, #tpu.memory_space<vmem>>
    %dma_start3A_402 = arith.constant 0 : i32
    %dma_start3A_403 = arith.constant 0 : i32
    %dma_start3A_404 = tpu.memref_slice %arg2[%dma_start3A_402, %dma_start3A_403] : memref<20000x64xi32, #tpu.memory_space<hbm>> -> memref<20000x64xi32, #tpu.memory_space<hbm>>
    %dma_start3A_405 = tpu.memref_slice %arg14[%dma_start3A_395] : memref<5x!tpu.dma_semaphore, #tpu.memory_space<semaphore_mem>> -> memref<1x!tpu.dma_semaphore, #tpu.memory_space<semaphore_mem>>
    %dma_start3A_406 = tpu.memref_squeeze %dma_start3A_405 : memref<1x!tpu.dma_semaphore, #tpu.memory_space<semaphore_mem>> -> memref<!tpu.dma_semaphore, #tpu.memory_space<semaphore_mem>>
    tpu.enqueue_indirect_dma source(%dma_start3A_404 : memref<20000x64xi32, #tpu.memory_space<hbm>>) target(%dma_start3A_398 : memref<80x64xi32, #tpu.memory_space<vmem>>) offsets(%dma_start3A_401 : memref<80xi32, #tpu.memory_space<vmem>>) semaphore(%dma_start3A_406 : memref<!tpu.dma_semaphore, #tpu.memory_space<semaphore_mem>>)
    %rem3A_407 = arith.constant 2 : i32
    %rem3A_408 = arith.constant 6 : i32
    %rem3A_409 = arith.remsi %rem3A_407, %rem3A_408 : i32
    %add3A_410 = arith.constant 2 : i32
    %add3A_411 = arith.addi %mul3A_0, %add3A_410 : i32
    %dma_wait3A_412 = arith.constant 0 : i32
    %dma_wait3A_413 = tpu.memref_slice %arg7[%rem3A_409, %dma_wait3A_412] : memref<6x80xi32, #tpu.memory_space<vmem>> -> memref<1x80xi32, #tpu.memory_space<vmem>>
    %dma_wait3A_414 = tpu.memref_squeeze %dma_wait3A_413 : memref<1x80xi32, #tpu.memory_space<vmem>> -> memref<80xi32, #tpu.memory_space<vmem>>
    %dma_wait3A_415 = arith.constant 0 : i32
    %dma_wait3A_416 = tpu.memref_slice %arg3[%arg0, %add3A_411, %dma_wait3A_415] : memref<2x2048x80xi32, #tpu.memory_space<hbm>> -> memref<1x1x80xi32, #tpu.memory_space<hbm>>
    %dma_wait3A_417 = tpu.memref_squeeze %dma_wait3A_416 : memref<1x1x80xi32, #tpu.memory_space<hbm>> -> memref<80xi32, #tpu.memory_space<hbm>>
    %dma_wait3A_418 = tpu.memref_slice %arg13[%rem3A_409] : memref<6x!tpu.dma_semaphore, #tpu.memory_space<semaphore_mem>> -> memref<1x!tpu.dma_semaphore, #tpu.memory_space<semaphore_mem>>
    %dma_wait3A_419 = tpu.memref_squeeze %dma_wait3A_418 : memref<1x!tpu.dma_semaphore, #tpu.memory_space<semaphore_mem>> -> memref<!tpu.dma_semaphore, #tpu.memory_space<semaphore_mem>>
    %dma_wait3A_420 = arith.constant 0 : i32
    %dma_wait3A_421 = tpu.memref_slice %arg7[%rem3A_409, %dma_wait3A_420] : memref<6x80xi32, #tpu.memory_space<vmem>> -> memref<1x80xi32, #tpu.memory_space<vmem>>
    %dma_wait3A_422 = tpu.memref_squeeze %dma_wait3A_421 : memref<1x80xi32, #tpu.memory_space<vmem>> -> memref<80xi32, #tpu.memory_space<vmem>>
    %dma_wait3A_423 = arith.constant 0 : i32
    %dma_wait3A_424 = tpu.memref_slice %arg3[%arg0, %add3A_411, %dma_wait3A_423] : memref<2x2048x80xi32, #tpu.memory_space<hbm>> -> memref<1x1x80xi32, #tpu.memory_space<hbm>>
    %dma_wait3A_425 = tpu.memref_squeeze %dma_wait3A_424 : memref<1x1x80xi32, #tpu.memory_space<hbm>> -> memref<80xi32, #tpu.memory_space<hbm>>
    tpu.wait_dma2 semaphore(%dma_wait3A_419 : memref<!tpu.dma_semaphore, #tpu.memory_space<semaphore_mem>>) src(%dma_wait3A_425 : memref<80xi32, #tpu.memory_space<hbm>>) dst(%dma_wait3A_422 : memref<80xi32, #tpu.memory_space<vmem>>)
    %add3A_426 = arith.constant 2 : i32
    %add3A_427 = arith.addi %mul3A_0, %add3A_426 : i32
    %dma_wait3A_428 = arith.constant 0 : i32
    %dma_wait3A_429 = tpu.memref_slice %arg8[%rem3A_409, %dma_wait3A_428] : memref<6x80xi32, #tpu.memory_space<vmem>> -> memref<1x80xi32, #tpu.memory_space<vmem>>
    %dma_wait3A_430 = tpu.memref_squeeze %dma_wait3A_429 : memref<1x80xi32, #tpu.memory_space<vmem>> -> memref<80xi32, #tpu.memory_space<vmem>>
    %dma_wait3A_431 = arith.constant 0 : i32
    %dma_wait3A_432 = tpu.memref_slice %arg4[%add3A_427, %dma_wait3A_431] : memref<2048x80xi32, #tpu.memory_space<hbm>> -> memref<1x80xi32, #tpu.memory_space<hbm>>
    %dma_wait3A_433 = tpu.memref_squeeze %dma_wait3A_432 : memref<1x80xi32, #tpu.memory_space<hbm>> -> memref<80xi32, #tpu.memory_space<hbm>>
    %dma_wait3A_434 = tpu.memref_slice %arg13[%rem3A_409] : memref<6x!tpu.dma_semaphore, #tpu.memory_space<semaphore_mem>> -> memref<1x!tpu.dma_semaphore, #tpu.memory_space<semaphore_mem>>
    %dma_wait3A_435 = tpu.memref_squeeze %dma_wait3A_434 : memref<1x!tpu.dma_semaphore, #tpu.memory_space<semaphore_mem>> -> memref<!tpu.dma_semaphore, #tpu.memory_space<semaphore_mem>>
    %dma_wait3A_436 = arith.constant 0 : i32
    %dma_wait3A_437 = tpu.memref_slice %arg8[%rem3A_409, %dma_wait3A_436] : memref<6x80xi32, #tpu.memory_space<vmem>> -> memref<1x80xi32, #tpu.memory_space<vmem>>
    %dma_wait3A_438 = tpu.memref_squeeze %dma_wait3A_437 : memref<1x80xi32, #tpu.memory_space<vmem>> -> memref<80xi32, #tpu.memory_space<vmem>>
    %dma_wait3A_439 = arith.constant 0 : i32
    %dma_wait3A_440 = tpu.memref_slice %arg4[%add3A_427, %dma_wait3A_439] : memref<2048x80xi32, #tpu.memory_space<hbm>> -> memref<1x80xi32, #tpu.memory_space<hbm>>
    %dma_wait3A_441 = tpu.memref_squeeze %dma_wait3A_440 : memref<1x80xi32, #tpu.memory_space<hbm>> -> memref<80xi32, #tpu.memory_space<hbm>>
    tpu.wait_dma2 semaphore(%dma_wait3A_435 : memref<!tpu.dma_semaphore, #tpu.memory_space<semaphore_mem>>) src(%dma_wait3A_441 : memref<80xi32, #tpu.memory_space<hbm>>) dst(%dma_wait3A_438 : memref<80xi32, #tpu.memory_space<vmem>>)
    %add3A_442 = arith.constant 2 : i32
    %add3A_443 = arith.addi %mul3A_0, %add3A_442 : i32
    %dma_wait3A_444 = arith.constant 0 : i32
    %dma_wait3A_445 = tpu.memref_slice %arg9[%rem3A_409, %dma_wait3A_444] : memref<6x80xf32, #tpu.memory_space<vmem>> -> memref<1x80xf32, #tpu.memory_space<vmem>>
    %dma_wait3A_446 = tpu.memref_squeeze %dma_wait3A_445 : memref<1x80xf32, #tpu.memory_space<vmem>> -> memref<80xf32, #tpu.memory_space<vmem>>
    %dma_wait3A_447 = arith.constant 0 : i32
    %dma_wait3A_448 = tpu.memref_slice %arg5[%add3A_443, %dma_wait3A_447] : memref<2048x80xf32, #tpu.memory_space<hbm>> -> memref<1x80xf32, #tpu.memory_space<hbm>>
    %dma_wait3A_449 = tpu.memref_squeeze %dma_wait3A_448 : memref<1x80xf32, #tpu.memory_space<hbm>> -> memref<80xf32, #tpu.memory_space<hbm>>
    %dma_wait3A_450 = tpu.memref_slice %arg13[%rem3A_409] : memref<6x!tpu.dma_semaphore, #tpu.memory_space<semaphore_mem>> -> memref<1x!tpu.dma_semaphore, #tpu.memory_space<semaphore_mem>>
    %dma_wait3A_451 = tpu.memref_squeeze %dma_wait3A_450 : memref<1x!tpu.dma_semaphore, #tpu.memory_space<semaphore_mem>> -> memref<!tpu.dma_semaphore, #tpu.memory_space<semaphore_mem>>
    %dma_wait3A_452 = arith.constant 0 : i32
    %dma_wait3A_453 = tpu.memref_slice %arg9[%rem3A_409, %dma_wait3A_452] : memref<6x80xf32, #tpu.memory_space<vmem>> -> memref<1x80xf32, #tpu.memory_space<vmem>>
    %dma_wait3A_454 = tpu.memref_squeeze %dma_wait3A_453 : memref<1x80xf32, #tpu.memory_space<vmem>> -> memref<80xf32, #tpu.memory_space<vmem>>
    %dma_wait3A_455 = arith.constant 0 : i32
    %dma_wait3A_456 = tpu.memref_slice %arg5[%add3A_443, %dma_wait3A_455] : memref<2048x80xf32, #tpu.memory_space<hbm>> -> memref<1x80xf32, #tpu.memory_space<hbm>>
    %dma_wait3A_457 = tpu.memref_squeeze %dma_wait3A_456 : memref<1x80xf32, #tpu.memory_space<hbm>> -> memref<80xf32, #tpu.memory_space<hbm>>
    tpu.wait_dma2 semaphore(%dma_wait3A_451 : memref<!tpu.dma_semaphore, #tpu.memory_space<semaphore_mem>>) src(%dma_wait3A_457 : memref<80xf32, #tpu.memory_space<hbm>>) dst(%dma_wait3A_454 : memref<80xf32, #tpu.memory_space<vmem>>)
    %rem3A_458 = arith.constant 2 : i32
    %rem3A_459 = arith.constant 6 : i32
    %rem3A_460 = arith.remsi %rem3A_458, %rem3A_459 : i32
    %dma_start3A_461 = arith.constant 2 : i32
    %dma_start3A_462 = arith.constant 160 : i32
    %dma_start3A_463 = arith.constant 0 : i32
    %dma_start3A_464 = tpu.memref_slice %arg10[%dma_start3A_462, %dma_start3A_463] : memref<400x64xi32, #tpu.memory_space<vmem>> -> memref<80x64xi32, #tpu.memory_space<vmem>>
    %dma_start3A_465 = arith.constant 0 : i32
    %dma_start3A_466 = tpu.memref_slice %arg7[%rem3A_460, %dma_start3A_465] : memref<6x80xi32, #tpu.memory_space<vmem>> -> memref<1x80xi32, #tpu.memory_space<vmem>>
    %dma_start3A_467 = tpu.memref_squeeze %dma_start3A_466 : memref<1x80xi32, #tpu.memory_space<vmem>> -> memref<80xi32, #tpu.memory_space<vmem>>
    %dma_start3A_468 = arith.constant 0 : i32
    %dma_start3A_469 = arith.constant 0 : i32
    %dma_start3A_470 = tpu.memref_slice %arg2[%dma_start3A_468, %dma_start3A_469] : memref<20000x64xi32, #tpu.memory_space<hbm>> -> memref<20000x64xi32, #tpu.memory_space<hbm>>
    %dma_start3A_471 = tpu.memref_slice %arg14[%dma_start3A_461] : memref<5x!tpu.dma_semaphore, #tpu.memory_space<semaphore_mem>> -> memref<1x!tpu.dma_semaphore, #tpu.memory_space<semaphore_mem>>
    %dma_start3A_472 = tpu.memref_squeeze %dma_start3A_471 : memref<1x!tpu.dma_semaphore, #tpu.memory_space<semaphore_mem>> -> memref<!tpu.dma_semaphore, #tpu.memory_space<semaphore_mem>>
    tpu.enqueue_indirect_dma source(%dma_start3A_470 : memref<20000x64xi32, #tpu.memory_space<hbm>>) target(%dma_start3A_464 : memref<80x64xi32, #tpu.memory_space<vmem>>) offsets(%dma_start3A_467 : memref<80xi32, #tpu.memory_space<vmem>>) semaphore(%dma_start3A_472 : memref<!tpu.dma_semaphore, #tpu.memory_space<semaphore_mem>>)
    %rem3A_473 = arith.constant 3 : i32
    %rem3A_474 = arith.constant 6 : i32
    %rem3A_475 = arith.remsi %rem3A_473, %rem3A_474 : i32
    %add3A_476 = arith.constant 3 : i32
    %add3A_477 = arith.addi %mul3A_0, %add3A_476 : i32
    %dma_wait3A_478 = arith.constant 0 : i32
    %dma_wait3A_479 = tpu.memref_slice %arg7[%rem3A_475, %dma_wait3A_478] : memref<6x80xi32, #tpu.memory_space<vmem>> -> memref<1x80xi32, #tpu.memory_space<vmem>>
    %dma_wait3A_480 = tpu.memref_squeeze %dma_wait3A_479 : memref<1x80xi32, #tpu.memory_space<vmem>> -> memref<80xi32, #tpu.memory_space<vmem>>
    %dma_wait3A_481 = arith.constant 0 : i32
    %dma_wait3A_482 = tpu.memref_slice %arg3[%arg0, %add3A_477, %dma_wait3A_481] : memref<2x2048x80xi32, #tpu.memory_space<hbm>> -> memref<1x1x80xi32, #tpu.memory_space<hbm>>
    %dma_wait3A_483 = tpu.memref_squeeze %dma_wait3A_482 : memref<1x1x80xi32, #tpu.memory_space<hbm>> -> memref<80xi32, #tpu.memory_space<hbm>>
    %dma_wait3A_484 = tpu.memref_slice %arg13[%rem3A_475] : memref<6x!tpu.dma_semaphore, #tpu.memory_space<semaphore_mem>> -> memref<1x!tpu.dma_semaphore, #tpu.memory_space<semaphore_mem>>
    %dma_wait3A_485 = tpu.memref_squeeze %dma_wait3A_484 : memref<1x!tpu.dma_semaphore, #tpu.memory_space<semaphore_mem>> -> memref<!tpu.dma_semaphore, #tpu.memory_space<semaphore_mem>>
    %dma_wait3A_486 = arith.constant 0 : i32
    %dma_wait3A_487 = tpu.memref_slice %arg7[%rem3A_475, %dma_wait3A_486] : memref<6x80xi32, #tpu.memory_space<vmem>> -> memref<1x80xi32, #tpu.memory_space<vmem>>
    %dma_wait3A_488 = tpu.memref_squeeze %dma_wait3A_487 : memref<1x80xi32, #tpu.memory_space<vmem>> -> memref<80xi32, #tpu.memory_space<vmem>>
    %dma_wait3A_489 = arith.constant 0 : i32
    %dma_wait3A_490 = tpu.memref_slice %arg3[%arg0, %add3A_477, %dma_wait3A_489] : memref<2x2048x80xi32, #tpu.memory_space<hbm>> -> memref<1x1x80xi32, #tpu.memory_space<hbm>>
    %dma_wait3A_491 = tpu.memref_squeeze %dma_wait3A_490 : memref<1x1x80xi32, #tpu.memory_space<hbm>> -> memref<80xi32, #tpu.memory_space<hbm>>
    tpu.wait_dma2 semaphore(%dma_wait3A_485 : memref<!tpu.dma_semaphore, #tpu.memory_space<semaphore_mem>>) src(%dma_wait3A_491 : memref<80xi32, #tpu.memory_space<hbm>>) dst(%dma_wait3A_488 : memref<80xi32, #tpu.memory_space<vmem>>)
    %add3A_492 = arith.constant 3 : i32
    %add3A_493 = arith.addi %mul3A_0, %add3A_492 : i32
    %dma_wait3A_494 = arith.constant 0 : i32
    %dma_wait3A_495 = tpu.memref_slice %arg8[%rem3A_475, %dma_wait3A_494] : memref<6x80xi32, #tpu.memory_space<vmem>> -> memref<1x80xi32, #tpu.memory_space<vmem>>
    %dma_wait3A_496 = tpu.memref_squeeze %dma_wait3A_495 : memref<1x80xi32, #tpu.memory_space<vmem>> -> memref<80xi32, #tpu.memory_space<vmem>>
    %dma_wait3A_497 = arith.constant 0 : i32
    %dma_wait3A_498 = tpu.memref_slice %arg4[%add3A_493, %dma_wait3A_497] : memref<2048x80xi32, #tpu.memory_space<hbm>> -> memref<1x80xi32, #tpu.memory_space<hbm>>
    %dma_wait3A_499 = tpu.memref_squeeze %dma_wait3A_498 : memref<1x80xi32, #tpu.memory_space<hbm>> -> memref<80xi32, #tpu.memory_space<hbm>>
    %dma_wait3A_500 = tpu.memref_slice %arg13[%rem3A_475] : memref<6x!tpu.dma_semaphore, #tpu.memory_space<semaphore_mem>> -> memref<1x!tpu.dma_semaphore, #tpu.memory_space<semaphore_mem>>
    %dma_wait3A_501 = tpu.memref_squeeze %dma_wait3A_500 : memref<1x!tpu.dma_semaphore, #tpu.memory_space<semaphore_mem>> -> memref<!tpu.dma_semaphore, #tpu.memory_space<semaphore_mem>>
    %dma_wait3A_502 = arith.constant 0 : i32
    %dma_wait3A_503 = tpu.memref_slice %arg8[%rem3A_475, %dma_wait3A_502] : memref<6x80xi32, #tpu.memory_space<vmem>> -> memref<1x80xi32, #tpu.memory_space<vmem>>
    %dma_wait3A_504 = tpu.memref_squeeze %dma_wait3A_503 : memref<1x80xi32, #tpu.memory_space<vmem>> -> memref<80xi32, #tpu.memory_space<vmem>>
    %dma_wait3A_505 = arith.constant 0 : i32
    %dma_wait3A_506 = tpu.memref_slice %arg4[%add3A_493, %dma_wait3A_505] : memref<2048x80xi32, #tpu.memory_space<hbm>> -> memref<1x80xi32, #tpu.memory_space<hbm>>
    %dma_wait3A_507 = tpu.memref_squeeze %dma_wait3A_506 : memref<1x80xi32, #tpu.memory_space<hbm>> -> memref<80xi32, #tpu.memory_space<hbm>>
    tpu.wait_dma2 semaphore(%dma_wait3A_501 : memref<!tpu.dma_semaphore, #tpu.memory_space<semaphore_mem>>) src(%dma_wait3A_507 : memref<80xi32, #tpu.memory_space<hbm>>) dst(%dma_wait3A_504 : memref<80xi32, #tpu.memory_space<vmem>>)
    %add3A_508 = arith.constant 3 : i32
    %add3A_509 = arith.addi %mul3A_0, %add3A_508 : i32
    %dma_wait3A_510 = arith.constant 0 : i32
    %dma_wait3A_511 = tpu.memref_slice %arg9[%rem3A_475, %dma_wait3A_510] : memref<6x80xf32, #tpu.memory_space<vmem>> -> memref<1x80xf32, #tpu.memory_space<vmem>>
    %dma_wait3A_512 = tpu.memref_squeeze %dma_wait3A_511 : memref<1x80xf32, #tpu.memory_space<vmem>> -> memref<80xf32, #tpu.memory_space<vmem>>
    %dma_wait3A_513 = arith.constant 0 : i32
    %dma_wait3A_514 = tpu.memref_slice %arg5[%add3A_509, %dma_wait3A_513] : memref<2048x80xf32, #tpu.memory_space<hbm>> -> memref<1x80xf32, #tpu.memory_space<hbm>>
    %dma_wait3A_515 = tpu.memref_squeeze %dma_wait3A_514 : memref<1x80xf32, #tpu.memory_space<hbm>> -> memref<80xf32, #tpu.memory_space<hbm>>
    %dma_wait3A_516 = tpu.memref_slice %arg13[%rem3A_475] : memref<6x!tpu.dma_semaphore, #tpu.memory_space<semaphore_mem>> -> memref<1x!tpu.dma_semaphore, #tpu.memory_space<semaphore_mem>>
    %dma_wait3A_517 = tpu.memref_squeeze %dma_wait3A_516 : memref<1x!tpu.dma_semaphore, #tpu.memory_space<semaphore_mem>> -> memref<!tpu.dma_semaphore, #tpu.memory_space<semaphore_mem>>
    %dma_wait3A_518 = arith.constant 0 : i32
    %dma_wait3A_519 = tpu.memref_slice %arg9[%rem3A_475, %dma_wait3A_518] : memref<6x80xf32, #tpu.memory_space<vmem>> -> memref<1x80xf32, #tpu.memory_space<vmem>>
    %dma_wait3A_520 = tpu.memref_squeeze %dma_wait3A_519 : memref<1x80xf32, #tpu.memory_space<vmem>> -> memref<80xf32, #tpu.memory_space<vmem>>
    %dma_wait3A_521 = arith.constant 0 : i32
    %dma_wait3A_522 = tpu.memref_slice %arg5[%add3A_509, %dma_wait3A_521] : memref<2048x80xf32, #tpu.memory_space<hbm>> -> memref<1x80xf32, #tpu.memory_space<hbm>>
    %dma_wait3A_523 = tpu.memref_squeeze %dma_wait3A_522 : memref<1x80xf32, #tpu.memory_space<hbm>> -> memref<80xf32, #tpu.memory_space<hbm>>
    tpu.wait_dma2 semaphore(%dma_wait3A_517 : memref<!tpu.dma_semaphore, #tpu.memory_space<semaphore_mem>>) src(%dma_wait3A_523 : memref<80xf32, #tpu.memory_space<hbm>>) dst(%dma_wait3A_520 : memref<80xf32, #tpu.memory_space<vmem>>)
    %rem3A_524 = arith.constant 3 : i32
    %rem3A_525 = arith.constant 6 : i32
    %rem3A_526 = arith.remsi %rem3A_524, %rem3A_525 : i32
    %dma_start3A_527 = arith.constant 3 : i32
    %dma_start3A_528 = arith.constant 240 : i32
    %dma_start3A_529 = arith.constant 0 : i32
    %dma_start3A_530 = tpu.memref_slice %arg10[%dma_start3A_528, %dma_start3A_529] : memref<400x64xi32, #tpu.memory_space<vmem>> -> memref<80x64xi32, #tpu.memory_space<vmem>>
    %dma_start3A_531 = arith.constant 0 : i32
    %dma_start3A_532 = tpu.memref_slice %arg7[%rem3A_526, %dma_start3A_531] : memref<6x80xi32, #tpu.memory_space<vmem>> -> memref<1x80xi32, #tpu.memory_space<vmem>>
    %dma_start3A_533 = tpu.memref_squeeze %dma_start3A_532 : memref<1x80xi32, #tpu.memory_space<vmem>> -> memref<80xi32, #tpu.memory_space<vmem>>
    %dma_start3A_534 = arith.constant 0 : i32
    %dma_start3A_535 = arith.constant 0 : i32
    %dma_start3A_536 = tpu.memref_slice %arg2[%dma_start3A_534, %dma_start3A_535] : memref<20000x64xi32, #tpu.memory_space<hbm>> -> memref<20000x64xi32, #tpu.memory_space<hbm>>
    %dma_start3A_537 = tpu.memref_slice %arg14[%dma_start3A_527] : memref<5x!tpu.dma_semaphore, #tpu.memory_space<semaphore_mem>> -> memref<1x!tpu.dma_semaphore, #tpu.memory_space<semaphore_mem>>
    %dma_start3A_538 = tpu.memref_squeeze %dma_start3A_537 : memref<1x!tpu.dma_semaphore, #tpu.memory_space<semaphore_mem>> -> memref<!tpu.dma_semaphore, #tpu.memory_space<semaphore_mem>>
    tpu.enqueue_indirect_dma source(%dma_start3A_536 : memref<20000x64xi32, #tpu.memory_space<hbm>>) target(%dma_start3A_530 : memref<80x64xi32, #tpu.memory_space<vmem>>) offsets(%dma_start3A_533 : memref<80xi32, #tpu.memory_space<vmem>>) semaphore(%dma_start3A_538 : memref<!tpu.dma_semaphore, #tpu.memory_space<semaphore_mem>>)
    %scan3A_539 = arith.constant 0 : i32
    %scan3A_540 = arith.constant 0 : i32
    %scan3A_541 = arith.constant 128 : i32
    %scan3A_542 = arith.addi %scan3A_540, %scan3A_541 : i32
    %scan3A_543 = arith.constant 1 : i32
    scf.for %scan3A_561 = %scan3A_540 to %scan3A_542 step %scan3A_543  : i32 {
      %rem3A_562 = arith.constant 5 : i32
      %rem3A_563 = arith.remsi %scan3A_561, %rem3A_562 : i32
      %rem3A_564 = arith.constant 2 : i32
      %rem3A_565 = arith.remsi %scan3A_561, %rem3A_564 : i32
      %rem3A_566 = arith.constant 6 : i32
      %rem3A_567 = arith.remsi %scan3A_561, %rem3A_566 : i32
      %mul3A_568 = arith.constant 80 : i32
      %mul3A_569 = arith.muli %rem3A_563, %mul3A_568 : i32
      %dma_wait3A_570 = arith.constant 0 : i32
      %dma_wait3A_571 = tpu.memref_slice %arg10[%mul3A_569, %dma_wait3A_570] : memref<400x64xi32, #tpu.memory_space<vmem>> -> memref<80x64xi32, #tpu.memory_space<vmem>>
      %dma_wait3A_572 = arith.constant 0 : i32
      %dma_wait3A_573 = tpu.memref_slice %arg7[%rem3A_567, %dma_wait3A_572] : memref<6x80xi32, #tpu.memory_space<vmem>> -> memref<1x80xi32, #tpu.memory_space<vmem>>
      %dma_wait3A_574 = tpu.memref_squeeze %dma_wait3A_573 : memref<1x80xi32, #tpu.memory_space<vmem>> -> memref<80xi32, #tpu.memory_space<vmem>>
      %dma_wait3A_575 = arith.constant 0 : i32
      %dma_wait3A_576 = arith.constant 0 : i32
      %dma_wait3A_577 = tpu.memref_slice %arg2[%dma_wait3A_575, %dma_wait3A_576] : memref<20000x64xi32, #tpu.memory_space<hbm>> -> memref<20000x64xi32, #tpu.memory_space<hbm>>
      %dma_wait3A_578 = tpu.memref_slice %arg14[%rem3A_563] : memref<5x!tpu.dma_semaphore, #tpu.memory_space<semaphore_mem>> -> memref<1x!tpu.dma_semaphore, #tpu.memory_space<semaphore_mem>>
      %dma_wait3A_579 = tpu.memref_squeeze %dma_wait3A_578 : memref<1x!tpu.dma_semaphore, #tpu.memory_space<semaphore_mem>> -> memref<!tpu.dma_semaphore, #tpu.memory_space<semaphore_mem>>
      tpu.wait_indirect_dma semaphore(%dma_wait3A_579 : memref<!tpu.dma_semaphore, #tpu.memory_space<semaphore_mem>>) src(%dma_wait3A_577 : memref<20000x64xi32, #tpu.memory_space<hbm>>) dst(%dma_wait3A_571 : memref<80x64xi32, #tpu.memory_space<vmem>>)
      %rem3A_580 = arith.constant 6 : i32
      %rem3A_581 = arith.remsi %scan3A_561, %rem3A_580 : i32
      %scan3A_582 = arith.constant 0 : i32
      %scan3A_583 = arith.constant 0 : i32
      %scan3A_584 = arith.constant 5 : i32
      %scan3A_585 = arith.addi %scan3A_583, %scan3A_584 : i32
      %scan3A_586 = arith.constant 1 : i32
      scf.for %scan3A_623 = %scan3A_583 to %scan3A_585 step %scan3A_586  : i32 {
        %mul3A_624 = arith.constant 16 : i32
        %mul3A_625 = arith.muli %scan3A_623, %mul3A_624 : i32
        %get3A = arith.index_cast %rem3A_581 : i32 to index
        %get3A_626 = arith.index_cast %mul3A_625 : i32 to index
        %get3A_627 = tpu.vector_load %arg9[%get3A, %get3A_626] {strides = array<i32>} : memref<6x80xf32, #tpu.memory_space<vmem>>, vector<1x16xf32>,
        %get3A_628 = vector.shape_cast %get3A_627 : vector<1x16xf32> to vector<16xf32>
        %slice3A = vector.extract_strided_slice %get3A_628 {offsets = [0], sizes = [1], strides = [1]} : vector<16xf32> to vector<1xf32>
        %squeeze3A = vector.extract %slice3A[0] : f32 from vector<1xf32>
        %mul3A_629 = arith.constant 16 : i32
        %mul3A_630 = arith.muli %scan3A_623, %mul3A_629 : i32
        %add3A_631 = arith.constant 0 : i32
        %add3A_632 = arith.addi %mul3A_630, %add3A_631 : i32
        %mul3A_633 = arith.constant 80 : i32
        %mul3A_634 = arith.muli %rem3A_563, %mul3A_633 : i32
        %add3A_635 = arith.addi %mul3A_634, %add3A_632 : i32
        %mul3A_636 = arith.constant 80 : i32
        %mul3A_637 = arith.muli %rem3A_565, %mul3A_636 : i32
        %add3A_638 = arith.addi %mul3A_637, %add3A_632 : i32
        %get3A_639 = arith.index_cast %add3A_635 : i32 to index
        %get3A_640 = arith.constant 0 : index
        %get3A_641 = tpu.vector_load %arg10[%get3A_639, %get3A_640] {strides = array<i32>} : memref<400x64xi32, #tpu.memory_space<vmem>>, vector<1x16xi32>,
        %get3A_642 = vector.shape_cast %get3A_641 : vector<1x16xi32> to vector<16xi32>
        %shift_left3A = arith.constant 16 : i32
        %shift_left3A_643 = vector.broadcast %shift_left3A : i32 to vector<16xi32>
        %shift_left3A_644 = arith.shli %get3A_642, %shift_left3A_643 : vector<16xi32>
        %bitcast_convert_type3A = tpu.bitcast %shift_left3A_644 : vector<16xi32> -> vector<16xf32>
        %and3A = arith.constant -65536 : i32
        %and3A_645 = vector.broadcast %and3A : i32 to vector<16xi32>
        %and3A_646 = arith.andi %get3A_642, %and3A_645 : vector<16xi32>
        %bitcast_convert_type3A_647 = tpu.bitcast %and3A_646 : vector<16xi32> -> vector<16xf32>
        %mul3A_648 = vector.broadcast %squeeze3A : f32 to vector<16xf32>
        %mul3A_649 = arith.mulf %bitcast_convert_type3A, %mul3A_648 : vector<16xf32>
        %swap3A = arith.index_cast %add3A_638 : i32 to index
        %swap3A_650 = arith.constant 0 : index
        %swap3A_651 = tpu.vector_load %arg11[%swap3A, %swap3A_650] {strides = array<i32>} : memref<160x128xf32, #tpu.memory_space<vmem>>, vector<1x16xf32>,
        %swap3A_652 = vector.shape_cast %swap3A_651 : vector<1x16xf32> to vector<16xf32>
        %swap3A_653 = vector.shape_cast %mul3A_649 : vector<16xf32> to vector<1x16xf32>
        tpu.vector_store %arg11[%swap3A, %swap3A_650], %swap3A_653 {strides = array<i32>} : memref<160x128xf32, #tpu.memory_space<vmem>>, vector<1x16xf32>,
        %mul3A_654 = vector.broadcast %squeeze3A : f32 to vector<16xf32>
        %mul3A_655 = arith.mulf %bitcast_convert_type3A_647, %mul3A_654 : vector<16xf32>
        %swap3A_656 = arith.index_cast %add3A_638 : i32 to index
        %swap3A_657 = arith.constant 16 : index
        %swap3A_658 = tpu.vector_load %arg11[%swap3A_656, %swap3A_657] {strides = array<i32>} : memref<160x128xf32, #tpu.memory_space<vmem>>, vector<1x16xf32>,
        %swap3A_659 = vector.shape_cast %swap3A_658 : vector<1x16xf32> to vector<16xf32>
        %swap3A_660 = vector.shape_cast %mul3A_655 : vector<16xf32> to vector<1x16xf32>
        tpu.vector_store %arg11[%swap3A_656, %swap3A_657], %swap3A_660 {strides = array<i32>} : memref<160x128xf32, #tpu.memory_space<vmem>>, vector<1x16xf32>,
        %get3A_661 = arith.index_cast %add3A_635 : i32 to index
        %get3A_662 = arith.constant 16 : index
        %get3A_663 = tpu.vector_load %arg10[%get3A_661, %get3A_662] {strides = array<i32>} : memref<400x64xi32, #tpu.memory_space<vmem>>, vector<1x16xi32>,
        %get3A_664 = vector.shape_cast %get3A_663 : vector<1x16xi32> to vector<16xi32>
        %shift_left3A_665 = arith.constant 16 : i32
        %shift_left3A_666 = vector.broadcast %shift_left3A_665 : i32 to vector<16xi32>
        %shift_left3A_667 = arith.shli %get3A_664, %shift_left3A_666 : vector<16xi32>
        %bitcast_convert_type3A_668 = tpu.bitcast %shift_left3A_667 : vector<16xi32> -> vector<16xf32>
        %and3A_669 = arith.constant -65536 : i32
        %and3A_670 = vector.broadcast %and3A_669 : i32 to vector<16xi32>
        %and3A_671 = arith.andi %get3A_664, %and3A_670 : vector<16xi32>
        %bitcast_convert_type3A_672 = tpu.bitcast %and3A_671 : vector<16xi32> -> vector<16xf32>
        %mul3A_673 = vector.broadcast %squeeze3A : f32 to vector<16xf32>
        %mul3A_674 = arith.mulf %bitcast_convert_type3A_668, %mul3A_673 : vector<16xf32>
        %swap3A_675 = arith.index_cast %add3A_638 : i32 to index
        %swap3A_676 = arith.constant 32 : index
        %swap3A_677 = tpu.vector_load %arg11[%swap3A_675, %swap3A_676] {strides = array<i32>} : memref<160x128xf32, #tpu.memory_space<vmem>>, vector<1x16xf32>,
        %swap3A_678 = vector.shape_cast %swap3A_677 : vector<1x16xf32> to vector<16xf32>
        %swap3A_679 = vector.shape_cast %mul3A_674 : vector<16xf32> to vector<1x16xf32>
        tpu.vector_store %arg11[%swap3A_675, %swap3A_676], %swap3A_679 {strides = array<i32>} : memref<160x128xf32, #tpu.memory_space<vmem>>, vector<1x16xf32>,
        %mul3A_680 = vector.broadcast %squeeze3A : f32 to vector<16xf32>
        %mul3A_681 = arith.mulf %bitcast_convert_type3A_672, %mul3A_680 : vector<16xf32>
        %swap3A_682 = arith.index_cast %add3A_638 : i32 to index
        %swap3A_683 = arith.constant 48 : index
        %swap3A_684 = tpu.vector_load %arg11[%swap3A_682, %swap3A_683] {strides = array<i32>} : memref<160x128xf32, #tpu.memory_space<vmem>>, vector<1x16xf32>,
        %swap3A_685 = vector.shape_cast %swap3A_684 : vector<1x16xf32> to vector<16xf32>
        %swap3A_686 = vector.shape_cast %mul3A_681 : vector<16xf32> to vector<1x16xf32>
        tpu.vector_store %arg11[%swap3A_682, %swap3A_683], %swap3A_686 {strides = array<i32>} : memref<160x128xf32, #tpu.memory_space<vmem>>, vector<1x16xf32>,
        %get3A_687 = arith.index_cast %add3A_635 : i32 to index
        %get3A_688 = arith.constant 32 : index
        %get3A_689 = tpu.vector_load %arg10[%get3A_687, %get3A_688] {strides = array<i32>} : memref<400x64xi32, #tpu.memory_space<vmem>>, vector<1x16xi32>,
        %get3A_690 = vector.shape_cast %get3A_689 : vector<1x16xi32> to vector<16xi32>
        %shift_left3A_691 = arith.constant 16 : i32
        %shift_left3A_692 = vector.broadcast %shift_left3A_691 : i32 to vector<16xi32>
        %shift_left3A_693 = arith.shli %get3A_690, %shift_left3A_692 : vector<16xi32>
        %bitcast_convert_type3A_694 = tpu.bitcast %shift_left3A_693 : vector<16xi32> -> vector<16xf32>
        %and3A_695 = arith.constant -65536 : i32
        %and3A_696 = vector.broadcast %and3A_695 : i32 to vector<16xi32>
        %and3A_697 = arith.andi %get3A_690, %and3A_696 : vector<16xi32>
        %bitcast_convert_type3A_698 = tpu.bitcast %and3A_697 : vector<16xi32> -> vector<16xf32>
        %mul3A_699 = vector.broadcast %squeeze3A : f32 to vector<16xf32>
        %mul3A_700 = arith.mulf %bitcast_convert_type3A_694, %mul3A_699 : vector<16xf32>
        %swap3A_701 = arith.index_cast %add3A_638 : i32 to index
        %swap3A_702 = arith.constant 64 : index
        %swap3A_703 = tpu.vector_load %arg11[%swap3A_701, %swap3A_702] {strides = array<i32>} : memref<160x128xf32, #tpu.memory_space<vmem>>, vector<1x16xf32>,
        %swap3A_704 = vector.shape_cast %swap3A_703 : vector<1x16xf32> to vector<16xf32>
        %swap3A_705 = vector.shape_cast %mul3A_700 : vector<16xf32> to vector<1x16xf32>
        tpu.vector_store %arg11[%swap3A_701, %swap3A_702], %swap3A_705 {strides = array<i32>} : memref<160x128xf32, #tpu.memory_space<vmem>>, vector<1x16xf32>,
        %mul3A_706 = vector.broadcast %squeeze3A : f32 to vector<16xf32>
        %mul3A_707 = arith.mulf %bitcast_convert_type3A_698, %mul3A_706 : vector<16xf32>
        %swap3A_708 = arith.index_cast %add3A_638 : i32 to index
        %swap3A_709 = arith.constant 80 : index
        %swap3A_710 = tpu.vector_load %arg11[%swap3A_708, %swap3A_709] {strides = array<i32>} : memref<160x128xf32, #tpu.memory_space<vmem>>, vector<1x16xf32>,
        %swap3A_711 = vector.shape_cast %swap3A_710 : vector<1x16xf32> to vector<16xf32>
        %swap3A_712 = vector.shape_cast %mul3A_707 : vector<16xf32> to vector<1x16xf32>
        tpu.vector_store %arg11[%swap3A_708, %swap3A_709], %swap3A_712 {strides = array<i32>} : memref<160x128xf32, #tpu.memory_space<vmem>>, vector<1x16xf32>,
        %get3A_713 = arith.index_cast %add3A_635 : i32 to index
        %get3A_714 = arith.constant 48 : index
        %get3A_715 = tpu.vector_load %arg10[%get3A_713, %get3A_714] {strides = array<i32>} : memref<400x64xi32, #tpu.memory_space<vmem>>, vector<1x16xi32>,
        %get3A_716 = vector.shape_cast %get3A_715 : vector<1x16xi32> to vector<16xi32>
        %shift_left3A_717 = arith.constant 16 : i32
        %shift_left3A_718 = vector.broadcast %shift_left3A_717 : i32 to vector<16xi32>
        %shift_left3A_719 = arith.shli %get3A_716, %shift_left3A_718 : vector<16xi32>
        %bitcast_convert_type3A_720 = tpu.bitcast %shift_left3A_719 : vector<16xi32> -> vector<16xf32>
        %and3A_721 = arith.constant -65536 : i32
        %and3A_722 = vector.broadcast %and3A_721 : i32 to vector<16xi32>
        %and3A_723 = arith.andi %get3A_716, %and3A_722 : vector<16xi32>
        %bitcast_convert_type3A_724 = tpu.bitcast %and3A_723 : vector<16xi32> -> vector<16xf32>
        %mul3A_725 = vector.broadcast %squeeze3A : f32 to vector<16xf32>
        %mul3A_726 = arith.mulf %bitcast_convert_type3A_720, %mul3A_725 : vector<16xf32>
        %swap3A_727 = arith.index_cast %add3A_638 : i32 to index
        %swap3A_728 = arith.constant 96 : index
        %swap3A_729 = tpu.vector_load %arg11[%swap3A_727, %swap3A_728] {strides = array<i32>} : memref<160x128xf32, #tpu.memory_space<vmem>>, vector<1x16xf32>,
        %swap3A_730 = vector.shape_cast %swap3A_729 : vector<1x16xf32> to vector<16xf32>
        %swap3A_731 = vector.shape_cast %mul3A_726 : vector<16xf32> to vector<1x16xf32>
        tpu.vector_store %arg11[%swap3A_727, %swap3A_728], %swap3A_731 {strides = array<i32>} : memref<160x128xf32, #tpu.memory_space<vmem>>, vector<1x16xf32>,
        %mul3A_732 = vector.broadcast %squeeze3A : f32 to vector<16xf32>
        %mul3A_733 = arith.mulf %bitcast_convert_type3A_724, %mul3A_732 : vector<16xf32>
        %swap3A_734 = arith.index_cast %add3A_638 : i32 to index
        %swap3A_735 = arith.constant 112 : index
        %swap3A_736 = tpu.vector_load %arg11[%swap3A_734, %swap3A_735] {strides = array<i32>} : memref<160x128xf32, #tpu.memory_space<vmem>>, vector<1x16xf32>,
        %swap3A_737 = vector.shape_cast %swap3A_736 : vector<1x16xf32> to vector<16xf32>
        %swap3A_738 = vector.shape_cast %mul3A_733 : vector<16xf32> to vector<1x16xf32>
        tpu.vector_store %arg11[%swap3A_734, %swap3A_735], %swap3A_738 {strides = array<i32>} : memref<160x128xf32, #tpu.memory_space<vmem>>, vector<1x16xf32>,
        %slice3A_739 = vector.extract_strided_slice %get3A_628 {offsets = [1], sizes = [1], strides = [1]} : vector<16xf32> to vector<1xf32>
        %squeeze3A_740 = vector.extract %slice3A_739[0] : f32 from vector<1xf32>
        %mul3A_741 = arith.constant 16 : i32
        %mul3A_742 = arith.muli %scan3A_623, %mul3A_741 : i32
        %add3A_743 = arith.constant 1 : i32
        %add3A_744 = arith.addi %mul3A_742, %add3A_743 : i32
        %mul3A_745 = arith.constant 80 : i32
        %mul3A_746 = arith.muli %rem3A_563, %mul3A_745 : i32
        %add3A_747 = arith.addi %mul3A_746, %add3A_744 : i32
        %mul3A_748 = arith.constant 80 : i32
        %mul3A_749 = arith.muli %rem3A_565, %mul3A_748 : i32
        %add3A_750 = arith.addi %mul3A_749, %add3A_744 : i32
        %get3A_751 = arith.index_cast %add3A_747 : i32 to index
        %get3A_752 = arith.constant 0 : index
        %get3A_753 = tpu.vector_load %arg10[%get3A_751, %get3A_752] {strides = array<i32>} : memref<400x64xi32, #tpu.memory_space<vmem>>, vector<1x16xi32>,
        %get3A_754 = vector.shape_cast %get3A_753 : vector<1x16xi32> to vector<16xi32>
        %shift_left3A_755 = arith.constant 16 : i32
        %shift_left3A_756 = vector.broadcast %shift_left3A_755 : i32 to vector<16xi32>
        %shift_left3A_757 = arith.shli %get3A_754, %shift_left3A_756 : vector<16xi32>
        %bitcast_convert_type3A_758 = tpu.bitcast %shift_left3A_757 : vector<16xi32> -> vector<16xf32>
        %and3A_759 = arith.constant -65536 : i32
        %and3A_760 = vector.broadcast %and3A_759 : i32 to vector<16xi32>
        %and3A_761 = arith.andi %get3A_754, %and3A_760 : vector<16xi32>
        %bitcast_convert_type3A_762 = tpu.bitcast %and3A_761 : vector<16xi32> -> vector<16xf32>
        %mul3A_763 = vector.broadcast %squeeze3A_740 : f32 to vector<16xf32>
        %mul3A_764 = arith.mulf %bitcast_convert_type3A_758, %mul3A_763 : vector<16xf32>
        %swap3A_765 = arith.index_cast %add3A_750 : i32 to index
        %swap3A_766 = arith.constant 0 : index
        %swap3A_767 = tpu.vector_load %arg11[%swap3A_765, %swap3A_766] {strides = array<i32>} : memref<160x128xf32, #tpu.memory_space<vmem>>, vector<1x16xf32>,
        %swap3A_768 = vector.shape_cast %swap3A_767 : vector<1x16xf32> to vector<16xf32>
        %swap3A_769 = vector.shape_cast %mul3A_764 : vector<16xf32> to vector<1x16xf32>
        tpu.vector_store %arg11[%swap3A_765, %swap3A_766], %swap3A_769 {strides = array<i32>} : memref<160x128xf32, #tpu.memory_space<vmem>>, vector<1x16xf32>,
        %mul3A_770 = vector.broadcast %squeeze3A_740 : f32 to vector<16xf32>
        %mul3A_771 = arith.mulf %bitcast_convert_type3A_762, %mul3A_770 : vector<16xf32>
        %swap3A_772 = arith.index_cast %add3A_750 : i32 to index
        %swap3A_773 = arith.constant 16 : index
        %swap3A_774 = tpu.vector_load %arg11[%swap3A_772, %swap3A_773] {strides = array<i32>} : memref<160x128xf32, #tpu.memory_space<vmem>>, vector<1x16xf32>,
        %swap3A_775 = vector.shape_cast %swap3A_774 : vector<1x16xf32> to vector<16xf32>
        %swap3A_776 = vector.shape_cast %mul3A_771 : vector<16xf32> to vector<1x16xf32>
        tpu.vector_store %arg11[%swap3A_772, %swap3A_773], %swap3A_776 {strides = array<i32>} : memref<160x128xf32, #tpu.memory_space<vmem>>, vector<1x16xf32>,
        %get3A_777 = arith.index_cast %add3A_747 : i32 to index
        %get3A_778 = arith.constant 16 : index
        %get3A_779 = tpu.vector_load %arg10[%get3A_777, %get3A_778] {strides = array<i32>} : memref<400x64xi32, #tpu.memory_space<vmem>>, vector<1x16xi32>,
        %get3A_780 = vector.shape_cast %get3A_779 : vector<1x16xi32> to vector<16xi32>
        %shift_left3A_781 = arith.constant 16 : i32
        %shift_left3A_782 = vector.broadcast %shift_left3A_781 : i32 to vector<16xi32>
        %shift_left3A_783 = arith.shli %get3A_780, %shift_left3A_782 : vector<16xi32>
        %bitcast_convert_type3A_784 = tpu.bitcast %shift_left3A_783 : vector<16xi32> -> vector<16xf32>
        %and3A_785 = arith.constant -65536 : i32
        %and3A_786 = vector.broadcast %and3A_785 : i32 to vector<16xi32>
        %and3A_787 = arith.andi %get3A_780, %and3A_786 : vector<16xi32>
        %bitcast_convert_type3A_788 = tpu.bitcast %and3A_787 : vector<16xi32> -> vector<16xf32>
        %mul3A_789 = vector.broadcast %squeeze3A_740 : f32 to vector<16xf32>
        %mul3A_790 = arith.mulf %bitcast_convert_type3A_784, %mul3A_789 : vector<16xf32>
        %swap3A_791 = arith.index_cast %add3A_750 : i32 to index
        %swap3A_792 = arith.constant 32 : index
        %swap3A_793 = tpu.vector_load %arg11[%swap3A_791, %swap3A_792] {strides = array<i32>} : memref<160x128xf32, #tpu.memory_space<vmem>>, vector<1x16xf32>,
        %swap3A_794 = vector.shape_cast %swap3A_793 : vector<1x16xf32> to vector<16xf32>
        %swap3A_795 = vector.shape_cast %mul3A_790 : vector<16xf32> to vector<1x16xf32>
        tpu.vector_store %arg11[%swap3A_791, %swap3A_792], %swap3A_795 {strides = array<i32>} : memref<160x128xf32, #tpu.memory_space<vmem>>, vector<1x16xf32>,
        %mul3A_796 = vector.broadcast %squeeze3A_740 : f32 to vector<16xf32>
        %mul3A_797 = arith.mulf %bitcast_convert_type3A_788, %mul3A_796 : vector<16xf32>
        %swap3A_798 = arith.index_cast %add3A_750 : i32 to index
        %swap3A_799 = arith.constant 48 : index
        %swap3A_800 = tpu.vector_load %arg11[%swap3A_798, %swap3A_799] {strides = array<i32>} : memref<160x128xf32, #tpu.memory_space<vmem>>, vector<1x16xf32>,
        %swap3A_801 = vector.shape_cast %swap3A_800 : vector<1x16xf32> to vector<16xf32>
        %swap3A_802 = vector.shape_cast %mul3A_797 : vector<16xf32> to vector<1x16xf32>
        tpu.vector_store %arg11[%swap3A_798, %swap3A_799], %swap3A_802 {strides = array<i32>} : memref<160x128xf32, #tpu.memory_space<vmem>>, vector<1x16xf32>,
        %get3A_803 = arith.index_cast %add3A_747 : i32 to index
        %get3A_804 = arith.constant 32 : index
        %get3A_805 = tpu.vector_load %arg10[%get3A_803, %get3A_804] {strides = array<i32>} : memref<400x64xi32, #tpu.memory_space<vmem>>, vector<1x16xi32>,
        %get3A_806 = vector.shape_cast %get3A_805 : vector<1x16xi32> to vector<16xi32>
        %shift_left3A_807 = arith.constant 16 : i32
        %shift_left3A_808 = vector.broadcast %shift_left3A_807 : i32 to vector<16xi32>
        %shift_left3A_809 = arith.shli %get3A_806, %shift_left3A_808 : vector<16xi32>
        %bitcast_convert_type3A_810 = tpu.bitcast %shift_left3A_809 : vector<16xi32> -> vector<16xf32>
        %and3A_811 = arith.constant -65536 : i32
        %and3A_812 = vector.broadcast %and3A_811 : i32 to vector<16xi32>
        %and3A_813 = arith.andi %get3A_806, %and3A_812 : vector<16xi32>
        %bitcast_convert_type3A_814 = tpu.bitcast %and3A_813 : vector<16xi32> -> vector<16xf32>
        %mul3A_815 = vector.broadcast %squeeze3A_740 : f32 to vector<16xf32>
        %mul3A_816 = arith.mulf %bitcast_convert_type3A_810, %mul3A_815 : vector<16xf32>
        %swap3A_817 = arith.index_cast %add3A_750 : i32 to index
        %swap3A_818 = arith.constant 64 : index
        %swap3A_819 = tpu.vector_load %arg11[%swap3A_817, %swap3A_818] {strides = array<i32>} : memref<160x128xf32, #tpu.memory_space<vmem>>, vector<1x16xf32>,
        %swap3A_820 = vector.shape_cast %swap3A_819 : vector<1x16xf32> to vector<16xf32>
        %swap3A_821 = vector.shape_cast %mul3A_816 : vector<16xf32> to vector<1x16xf32>
        tpu.vector_store %arg11[%swap3A_817, %swap3A_818], %swap3A_821 {strides = array<i32>} : memref<160x128xf32, #tpu.memory_space<vmem>>, vector<1x16xf32>,
        %mul3A_822 = vector.broadcast %squeeze3A_740 : f32 to vector<16xf32>
        %mul3A_823 = arith.mulf %bitcast_convert_type3A_814, %mul3A_822 : vector<16xf32>
        %swap3A_824 = arith.index_cast %add3A_750 : i32 to index
        %swap3A_825 = arith.constant 80 : index
        %swap3A_826 = tpu.vector_load %arg11[%swap3A_824, %swap3A_825] {strides = array<i32>} : memref<160x128xf32, #tpu.memory_space<vmem>>, vector<1x16xf32>,
        %swap3A_827 = vector.shape_cast %swap3A_826 : vector<1x16xf32> to vector<16xf32>
        %swap3A_828 = vector.shape_cast %mul3A_823 : vector<16xf32> to vector<1x16xf32>
        tpu.vector_store %arg11[%swap3A_824, %swap3A_825], %swap3A_828 {strides = array<i32>} : memref<160x128xf32, #tpu.memory_space<vmem>>, vector<1x16xf32>,
        %get3A_829 = arith.index_cast %add3A_747 : i32 to index
        %get3A_830 = arith.constant 48 : index
        %get3A_831 = tpu.vector_load %arg10[%get3A_829, %get3A_830] {strides = array<i32>} : memref<400x64xi32, #tpu.memory_space<vmem>>, vector<1x16xi32>,
        %get3A_832 = vector.shape_cast %get3A_831 : vector<1x16xi32> to vector<16xi32>
        %shift_left3A_833 = arith.constant 16 : i32
        %shift_left3A_834 = vector.broadcast %shift_left3A_833 : i32 to vector<16xi32>
        %shift_left3A_835 = arith.shli %get3A_832, %shift_left3A_834 : vector<16xi32>
        %bitcast_convert_type3A_836 = tpu.bitcast %shift_left3A_835 : vector<16xi32> -> vector<16xf32>
        %and3A_837 = arith.constant -65536 : i32
        %and3A_838 = vector.broadcast %and3A_837 : i32 to vector<16xi32>
        %and3A_839 = arith.andi %get3A_832, %and3A_838 : vector<16xi32>
        %bitcast_convert_type3A_840 = tpu.bitcast %and3A_839 : vector<16xi32> -> vector<16xf32>
        %mul3A_841 = vector.broadcast %squeeze3A_740 : f32 to vector<16xf32>
        %mul3A_842 = arith.mulf %bitcast_convert_type3A_836, %mul3A_841 : vector<16xf32>
        %swap3A_843 = arith.index_cast %add3A_750 : i32 to index
        %swap3A_844 = arith.constant 96 : index
        %swap3A_845 = tpu.vector_load %arg11[%swap3A_843, %swap3A_844] {strides = array<i32>} : memref<160x128xf32, #tpu.memory_space<vmem>>, vector<1x16xf32>,
        %swap3A_846 = vector.shape_cast %swap3A_845 : vector<1x16xf32> to vector<16xf32>
        %swap3A_847 = vector.shape_cast %mul3A_842 : vector<16xf32> to vector<1x16xf32>
        tpu.vector_store %arg11[%swap3A_843, %swap3A_844], %swap3A_847 {strides = array<i32>} : memref<160x128xf32, #tpu.memory_space<vmem>>, vector<1x16xf32>,
        %mul3A_848 = vector.broadcast %squeeze3A_740 : f32 to vector<16xf32>
        %mul3A_849 = arith.mulf %bitcast_convert_type3A_840, %mul3A_848 : vector<16xf32>
        %swap3A_850 = arith.index_cast %add3A_750 : i32 to index
        %swap3A_851 = arith.constant 112 : index
        %swap3A_852 = tpu.vector_load %arg11[%swap3A_850, %swap3A_851] {strides = array<i32>} : memref<160x128xf32, #tpu.memory_space<vmem>>, vector<1x16xf32>,
        %swap3A_853 = vector.shape_cast %swap3A_852 : vector<1x16xf32> to vector<16xf32>
        %swap3A_854 = vector.shape_cast %mul3A_849 : vector<16xf32> to vector<1x16xf32>
        tpu.vector_store %arg11[%swap3A_850, %swap3A_851], %swap3A_854 {strides = array<i32>} : memref<160x128xf32, #tpu.memory_space<vmem>>, vector<1x16xf32>,
        %slice3A_855 = vector.extract_strided_slice %get3A_628 {offsets = [2], sizes = [1], strides = [1]} : vector<16xf32> to vector<1xf32>
        %squeeze3A_856 = vector.extract %slice3A_855[0] : f32 from vector<1xf32>
        %mul3A_857 = arith.constant 16 : i32
        %mul3A_858 = arith.muli %scan3A_623, %mul3A_857 : i32
        %add3A_859 = arith.constant 2 : i32
        %add3A_860 = arith.addi %mul3A_858, %add3A_859 : i32
        %mul3A_861 = arith.constant 80 : i32
        %mul3A_862 = arith.muli %rem3A_563, %mul3A_861 : i32
        %add3A_863 = arith.addi %mul3A_862, %add3A_860 : i32
        %mul3A_864 = arith.constant 80 : i32
        %mul3A_865 = arith.muli %rem3A_565, %mul3A_864 : i32
        %add3A_866 = arith.addi %mul3A_865, %add3A_860 : i32
        %get3A_867 = arith.index_cast %add3A_863 : i32 to index
        %get3A_868 = arith.constant 0 : index
        %get3A_869 = tpu.vector_load %arg10[%get3A_867, %get3A_868] {strides = array<i32>} : memref<400x64xi32, #tpu.memory_space<vmem>>, vector<1x16xi32>,
        %get3A_870 = vector.shape_cast %get3A_869 : vector<1x16xi32> to vector<16xi32>
        %shift_left3A_871 = arith.constant 16 : i32
        %shift_left3A_872 = vector.broadcast %shift_left3A_871 : i32 to vector<16xi32>
        %shift_left3A_873 = arith.shli %get3A_870, %shift_left3A_872 : vector<16xi32>
        %bitcast_convert_type3A_874 = tpu.bitcast %shift_left3A_873 : vector<16xi32> -> vector<16xf32>
        %and3A_875 = arith.constant -65536 : i32
        %and3A_876 = vector.broadcast %and3A_875 : i32 to vector<16xi32>
        %and3A_877 = arith.andi %get3A_870, %and3A_876 : vector<16xi32>
        %bitcast_convert_type3A_878 = tpu.bitcast %and3A_877 : vector<16xi32> -> vector<16xf32>
        %mul3A_879 = vector.broadcast %squeeze3A_856 : f32 to vector<16xf32>
        %mul3A_880 = arith.mulf %bitcast_convert_type3A_874, %mul3A_879 : vector<16xf32>
        %swap3A_881 = arith.index_cast %add3A_866 : i32 to index
        %swap3A_882 = arith.constant 0 : index
        %swap3A_883 = tpu.vector_load %arg11[%swap3A_881, %swap3A_882] {strides = array<i32>} : memref<160x128xf32, #tpu.memory_space<vmem>>, vector<1x16xf32>,
        %swap3A_884 = vector.shape_cast %swap3A_883 : vector<1x16xf32> to vector<16xf32>
        %swap3A_885 = vector.shape_cast %mul3A_880 : vector<16xf32> to vector<1x16xf32>
        tpu.vector_store %arg11[%swap3A_881, %swap3A_882], %swap3A_885 {strides = array<i32>} : memref<160x128xf32, #tpu.memory_space<vmem>>, vector<1x16xf32>,
        %mul3A_886 = vector.broadcast %squeeze3A_856 : f32 to vector<16xf32>
        %mul3A_887 = arith.mulf %bitcast_convert_type3A_878, %mul3A_886 : vector<16xf32>
        %swap3A_888 = arith.index_cast %add3A_866 : i32 to index
        %swap3A_889 = arith.constant 16 : index
        %swap3A_890 = tpu.vector_load %arg11[%swap3A_888, %swap3A_889] {strides = array<i32>} : memref<160x128xf32, #tpu.memory_space<vmem>>, vector<1x16xf32>,
        %swap3A_891 = vector.shape_cast %swap3A_890 : vector<1x16xf32> to vector<16xf32>
        %swap3A_892 = vector.shape_cast %mul3A_887 : vector<16xf32> to vector<1x16xf32>
        tpu.vector_store %arg11[%swap3A_888, %swap3A_889], %swap3A_892 {strides = array<i32>} : memref<160x128xf32, #tpu.memory_space<vmem>>, vector<1x16xf32>,
        %get3A_893 = arith.index_cast %add3A_863 : i32 to index
        %get3A_894 = arith.constant 16 : index
        %get3A_895 = tpu.vector_load %arg10[%get3A_893, %get3A_894] {strides = array<i32>} : memref<400x64xi32, #tpu.memory_space<vmem>>, vector<1x16xi32>,
        %get3A_896 = vector.shape_cast %get3A_895 : vector<1x16xi32> to vector<16xi32>
        %shift_left3A_897 = arith.constant 16 : i32
        %shift_left3A_898 = vector.broadcast %shift_left3A_897 : i32 to vector<16xi32>
        %shift_left3A_899 = arith.shli %get3A_896, %shift_left3A_898 : vector<16xi32>
        %bitcast_convert_type3A_900 = tpu.bitcast %shift_left3A_899 : vector<16xi32> -> vector<16xf32>
        %and3A_901 = arith.constant -65536 : i32
        %and3A_902 = vector.broadcast %and3A_901 : i32 to vector<16xi32>
        %and3A_903 = arith.andi %get3A_896, %and3A_902 : vector<16xi32>
        %bitcast_convert_type3A_904 = tpu.bitcast %and3A_903 : vector<16xi32> -> vector<16xf32>
        %mul3A_905 = vector.broadcast %squeeze3A_856 : f32 to vector<16xf32>
        %mul3A_906 = arith.mulf %bitcast_convert_type3A_900, %mul3A_905 : vector<16xf32>
        %swap3A_907 = arith.index_cast %add3A_866 : i32 to index
        %swap3A_908 = arith.constant 32 : index
        %swap3A_909 = tpu.vector_load %arg11[%swap3A_907, %swap3A_908] {strides = array<i32>} : memref<160x128xf32, #tpu.memory_space<vmem>>, vector<1x16xf32>,
        %swap3A_910 = vector.shape_cast %swap3A_909 : vector<1x16xf32> to vector<16xf32>
        %swap3A_911 = vector.shape_cast %mul3A_906 : vector<16xf32> to vector<1x16xf32>
        tpu.vector_store %arg11[%swap3A_907, %swap3A_908], %swap3A_911 {strides = array<i32>} : memref<160x128xf32, #tpu.memory_space<vmem>>, vector<1x16xf32>,
        %mul3A_912 = vector.broadcast %squeeze3A_856 : f32 to vector<16xf32>
        %mul3A_913 = arith.mulf %bitcast_convert_type3A_904, %mul3A_912 : vector<16xf32>
        %swap3A_914 = arith.index_cast %add3A_866 : i32 to index
        %swap3A_915 = arith.constant 48 : index
        %swap3A_916 = tpu.vector_load %arg11[%swap3A_914, %swap3A_915] {strides = array<i32>} : memref<160x128xf32, #tpu.memory_space<vmem>>, vector<1x16xf32>,
        %swap3A_917 = vector.shape_cast %swap3A_916 : vector<1x16xf32> to vector<16xf32>
        %swap3A_918 = vector.shape_cast %mul3A_913 : vector<16xf32> to vector<1x16xf32>
        tpu.vector_store %arg11[%swap3A_914, %swap3A_915], %swap3A_918 {strides = array<i32>} : memref<160x128xf32, #tpu.memory_space<vmem>>, vector<1x16xf32>,
        %get3A_919 = arith.index_cast %add3A_863 : i32 to index
        %get3A_920 = arith.constant 32 : index
        %get3A_921 = tpu.vector_load %arg10[%get3A_919, %get3A_920] {strides = array<i32>} : memref<400x64xi32, #tpu.memory_space<vmem>>, vector<1x16xi32>,
        %get3A_922 = vector.shape_cast %get3A_921 : vector<1x16xi32> to vector<16xi32>
        %shift_left3A_923 = arith.constant 16 : i32
        %shift_left3A_924 = vector.broadcast %shift_left3A_923 : i32 to vector<16xi32>
        %shift_left3A_925 = arith.shli %get3A_922, %shift_left3A_924 : vector<16xi32>
        %bitcast_convert_type3A_926 = tpu.bitcast %shift_left3A_925 : vector<16xi32> -> vector<16xf32>
        %and3A_927 = arith.constant -65536 : i32
        %and3A_928 = vector.broadcast %and3A_927 : i32 to vector<16xi32>
        %and3A_929 = arith.andi %get3A_922, %and3A_928 : vector<16xi32>
        %bitcast_convert_type3A_930 = tpu.bitcast %and3A_929 : vector<16xi32> -> vector<16xf32>
        %mul3A_931 = vector.broadcast %squeeze3A_856 : f32 to vector<16xf32>
        %mul3A_932 = arith.mulf %bitcast_convert_type3A_926, %mul3A_931 : vector<16xf32>
        %swap3A_933 = arith.index_cast %add3A_866 : i32 to index
        %swap3A_934 = arith.constant 64 : index
        %swap3A_935 = tpu.vector_load %arg11[%swap3A_933, %swap3A_934] {strides = array<i32>} : memref<160x128xf32, #tpu.memory_space<vmem>>, vector<1x16xf32>,
        %swap3A_936 = vector.shape_cast %swap3A_935 : vector<1x16xf32> to vector<16xf32>
        %swap3A_937 = vector.shape_cast %mul3A_932 : vector<16xf32> to vector<1x16xf32>
        tpu.vector_store %arg11[%swap3A_933, %swap3A_934], %swap3A_937 {strides = array<i32>} : memref<160x128xf32, #tpu.memory_space<vmem>>, vector<1x16xf32>,
        %mul3A_938 = vector.broadcast %squeeze3A_856 : f32 to vector<16xf32>
        %mul3A_939 = arith.mulf %bitcast_convert_type3A_930, %mul3A_938 : vector<16xf32>
        %swap3A_940 = arith.index_cast %add3A_866 : i32 to index
        %swap3A_941 = arith.constant 80 : index
        %swap3A_942 = tpu.vector_load %arg11[%swap3A_940, %swap3A_941] {strides = array<i32>} : memref<160x128xf32, #tpu.memory_space<vmem>>, vector<1x16xf32>,
        %swap3A_943 = vector.shape_cast %swap3A_942 : vector<1x16xf32> to vector<16xf32>
        %swap3A_944 = vector.shape_cast %mul3A_939 : vector<16xf32> to vector<1x16xf32>
        tpu.vector_store %arg11[%swap3A_940, %swap3A_941], %swap3A_944 {strides = array<i32>} : memref<160x128xf32, #tpu.memory_space<vmem>>, vector<1x16xf32>,
        %get3A_945 = arith.index_cast %add3A_863 : i32 to index
        %get3A_946 = arith.constant 48 : index
        %get3A_947 = tpu.vector_load %arg10[%get3A_945, %get3A_946] {strides = array<i32>} : memref<400x64xi32, #tpu.memory_space<vmem>>, vector<1x16xi32>,
        %get3A_948 = vector.shape_cast %get3A_947 : vector<1x16xi32> to vector<16xi32>
        %shift_left3A_949 = arith.constant 16 : i32
        %shift_left3A_950 = vector.broadcast %shift_left3A_949 : i32 to vector<16xi32>
        %shift_left3A_951 = arith.shli %get3A_948, %shift_left3A_950 : vector<16xi32>
        %bitcast_convert_type3A_952 = tpu.bitcast %shift_left3A_951 : vector<16xi32> -> vector<16xf32>
        %and3A_953 = arith.constant -65536 : i32
        %and3A_954 = vector.broadcast %and3A_953 : i32 to vector<16xi32>
        %and3A_955 = arith.andi %get3A_948, %and3A_954 : vector<16xi32>
        %bitcast_convert_type3A_956 = tpu.bitcast %and3A_955 : vector<16xi32> -> vector<16xf32>
        %mul3A_957 = vector.broadcast %squeeze3A_856 : f32 to vector<16xf32>
        %mul3A_958 = arith.mulf %bitcast_convert_type3A_952, %mul3A_957 : vector<16xf32>
        %swap3A_959 = arith.index_cast %add3A_866 : i32 to index
        %swap3A_960 = arith.constant 96 : index
        %swap3A_961 = tpu.vector_load %arg11[%swap3A_959, %swap3A_960] {strides = array<i32>} : memref<160x128xf32, #tpu.memory_space<vmem>>, vector<1x16xf32>,
        %swap3A_962 = vector.shape_cast %swap3A_961 : vector<1x16xf32> to vector<16xf32>
        %swap3A_963 = vector.shape_cast %mul3A_958 : vector<16xf32> to vector<1x16xf32>
        tpu.vector_store %arg11[%swap3A_959, %swap3A_960], %swap3A_963 {strides = array<i32>} : memref<160x128xf32, #tpu.memory_space<vmem>>, vector<1x16xf32>,
        %mul3A_964 = vector.broadcast %squeeze3A_856 : f32 to vector<16xf32>
        %mul3A_965 = arith.mulf %bitcast_convert_type3A_956, %mul3A_964 : vector<16xf32>
        %swap3A_966 = arith.index_cast %add3A_866 : i32 to index
        %swap3A_967 = arith.constant 112 : index
        %swap3A_968 = tpu.vector_load %arg11[%swap3A_966, %swap3A_967] {strides = array<i32>} : memref<160x128xf32, #tpu.memory_space<vmem>>, vector<1x16xf32>,
        %swap3A_969 = vector.shape_cast %swap3A_968 : vector<1x16xf32> to vector<16xf32>
        %swap3A_970 = vector.shape_cast %mul3A_965 : vector<16xf32> to vector<1x16xf32>
        tpu.vector_store %arg11[%swap3A_966, %swap3A_967], %swap3A_970 {strides = array<i32>} : memref<160x128xf32, #tpu.memory_space<vmem>>, vector<1x16xf32>,
        %slice3A_971 = vector.extract_strided_slice %get3A_628 {offsets = [3], sizes = [1], strides = [1]} : vector<16xf32> to vector<1xf32>
        %squeeze3A_972 = vector.extract %slice3A_971[0] : f32 from vector<1xf32>
        %mul3A_973 = arith.constant 16 : i32
        %mul3A_974 = arith.muli %scan3A_623, %mul3A_973 : i32
        %add3A_975 = arith.constant 3 : i32
        %add3A_976 = arith.addi %mul3A_974, %add3A_975 : i32
        %mul3A_977 = arith.constant 80 : i32
        %mul3A_978 = arith.muli %rem3A_563, %mul3A_977 : i32
        %add3A_979 = arith.addi %mul3A_978, %add3A_976 : i32
        %mul3A_980 = arith.constant 80 : i32
        %mul3A_981 = arith.muli %rem3A_565, %mul3A_980 : i32
        %add3A_982 = arith.addi %mul3A_981, %add3A_976 : i32
        %get3A_983 = arith.index_cast %add3A_979 : i32 to index
        %get3A_984 = arith.constant 0 : index
        %get3A_985 = tpu.vector_load %arg10[%get3A_983, %get3A_984] {strides = array<i32>} : memref<400x64xi32, #tpu.memory_space<vmem>>, vector<1x16xi32>,
        %get3A_986 = vector.shape_cast %get3A_985 : vector<1x16xi32> to vector<16xi32>
        %shift_left3A_987 = arith.constant 16 : i32
        %shift_left3A_988 = vector.broadcast %shift_left3A_987 : i32 to vector<16xi32>
        %shift_left3A_989 = arith.shli %get3A_986, %shift_left3A_988 : vector<16xi32>
        %bitcast_convert_type3A_990 = tpu.bitcast %shift_left3A_989 : vector<16xi32> -> vector<16xf32>
        %and3A_991 = arith.constant -65536 : i32
        %and3A_992 = vector.broadcast %and3A_991 : i32 to vector<16xi32>
        %and3A_993 = arith.andi %get3A_986, %and3A_992 : vector<16xi32>
        %bitcast_convert_type3A_994 = tpu.bitcast %and3A_993 : vector<16xi32> -> vector<16xf32>
        %mul3A_995 = vector.broadcast %squeeze3A_972 : f32 to vector<16xf32>
        %mul3A_996 = arith.mulf %bitcast_convert_type3A_990, %mul3A_995 : vector<16xf32>
        %swap3A_997 = arith.index_cast %add3A_982 : i32 to index
        %swap3A_998 = arith.constant 0 : index
        %swap3A_999 = tpu.vector_load %arg11[%swap3A_997, %swap3A_998] {strides = array<i32>} : memref<160x128xf32, #tpu.memory_space<vmem>>, vector<1x16xf32>,
        %swap3A_1000 = vector.shape_cast %swap3A_999 : vector<1x16xf32> to vector<16xf32>
        %swap3A_1001 = vector.shape_cast %mul3A_996 : vector<16xf32> to vector<1x16xf32>
        tpu.vector_store %arg11[%swap3A_997, %swap3A_998], %swap3A_1001 {strides = array<i32>} : memref<160x128xf32, #tpu.memory_space<vmem>>, vector<1x16xf32>,
        %mul3A_1002 = vector.broadcast %squeeze3A_972 : f32 to vector<16xf32>
        %mul3A_1003 = arith.mulf %bitcast_convert_type3A_994, %mul3A_1002 : vector<16xf32>
        %swap3A_1004 = arith.index_cast %add3A_982 : i32 to index
        %swap3A_1005 = arith.constant 16 : index
        %swap3A_1006 = tpu.vector_load %arg11[%swap3A_1004, %swap3A_1005] {strides = array<i32>} : memref<160x128xf32, #tpu.memory_space<vmem>>, vector<1x16xf32>,
        %swap3A_1007 = vector.shape_cast %swap3A_1006 : vector<1x16xf32> to vector<16xf32>
        %swap3A_1008 = vector.shape_cast %mul3A_1003 : vector<16xf32> to vector<1x16xf32>
        tpu.vector_store %arg11[%swap3A_1004, %swap3A_1005], %swap3A_1008 {strides = array<i32>} : memref<160x128xf32, #tpu.memory_space<vmem>>, vector<1x16xf32>,
        %get3A_1009 = arith.index_cast %add3A_979 : i32 to index
        %get3A_1010 = arith.constant 16 : index
        %get3A_1011 = tpu.vector_load %arg10[%get3A_1009, %get3A_1010] {strides = array<i32>} : memref<400x64xi32, #tpu.memory_space<vmem>>, vector<1x16xi32>,
        %get3A_1012 = vector.shape_cast %get3A_1011 : vector<1x16xi32> to vector<16xi32>
        %shift_left3A_1013 = arith.constant 16 : i32
        %shift_left3A_1014 = vector.broadcast %shift_left3A_1013 : i32 to vector<16xi32>
        %shift_left3A_1015 = arith.shli %get3A_1012, %shift_left3A_1014 : vector<16xi32>
        %bitcast_convert_type3A_1016 = tpu.bitcast %shift_left3A_1015 : vector<16xi32> -> vector<16xf32>
        %and3A_1017 = arith.constant -65536 : i32
        %and3A_1018 = vector.broadcast %and3A_1017 : i32 to vector<16xi32>
        %and3A_1019 = arith.andi %get3A_1012, %and3A_1018 : vector<16xi32>
        %bitcast_convert_type3A_1020 = tpu.bitcast %and3A_1019 : vector<16xi32> -> vector<16xf32>
        %mul3A_1021 = vector.broadcast %squeeze3A_972 : f32 to vector<16xf32>
        %mul3A_1022 = arith.mulf %bitcast_convert_type3A_1016, %mul3A_1021 : vector<16xf32>
        %swap3A_1023 = arith.index_cast %add3A_982 : i32 to index
        %swap3A_1024 = arith.constant 32 : index
        %swap3A_1025 = tpu.vector_load %arg11[%swap3A_1023, %swap3A_1024] {strides = array<i32>} : memref<160x128xf32, #tpu.memory_space<vmem>>, vector<1x16xf32>,
        %swap3A_1026 = vector.shape_cast %swap3A_1025 : vector<1x16xf32> to vector<16xf32>
        %swap3A_1027 = vector.shape_cast %mul3A_1022 : vector<16xf32> to vector<1x16xf32>
        tpu.vector_store %arg11[%swap3A_1023, %swap3A_1024], %swap3A_1027 {strides = array<i32>} : memref<160x128xf32, #tpu.memory_space<vmem>>, vector<1x16xf32>,
        %mul3A_1028 = vector.broadcast %squeeze3A_972 : f32 to vector<16xf32>
        %mul3A_1029 = arith.mulf %bitcast_convert_type3A_1020, %mul3A_1028 : vector<16xf32>
        %swap3A_1030 = arith.index_cast %add3A_982 : i32 to index
        %swap3A_1031 = arith.constant 48 : index
        %swap3A_1032 = tpu.vector_load %arg11[%swap3A_1030, %swap3A_1031] {strides = array<i32>} : memref<160x128xf32, #tpu.memory_space<vmem>>, vector<1x16xf32>,
        %swap3A_1033 = vector.shape_cast %swap3A_1032 : vector<1x16xf32> to vector<16xf32>
        %swap3A_1034 = vector.shape_cast %mul3A_1029 : vector<16xf32> to vector<1x16xf32>
        tpu.vector_store %arg11[%swap3A_1030, %swap3A_1031], %swap3A_1034 {strides = array<i32>} : memref<160x128xf32, #tpu.memory_space<vmem>>, vector<1x16xf32>,
        %get3A_1035 = arith.index_cast %add3A_979 : i32 to index
        %get3A_1036 = arith.constant 32 : index
        %get3A_1037 = tpu.vector_load %arg10[%get3A_1035, %get3A_1036] {strides = array<i32>} : memref<400x64xi32, #tpu.memory_space<vmem>>, vector<1x16xi32>,
        %get3A_1038 = vector.shape_cast %get3A_1037 : vector<1x16xi32> to vector<16xi32>
        %shift_left3A_1039 = arith.constant 16 : i32
        %shift_left3A_1040 = vector.broadcast %shift_left3A_1039 : i32 to vector<16xi32>
        %shift_left3A_1041 = arith.shli %get3A_1038, %shift_left3A_1040 : vector<16xi32>
        %bitcast_convert_type3A_1042 = tpu.bitcast %shift_left3A_1041 : vector<16xi32> -> vector<16xf32>
        %and3A_1043 = arith.constant -65536 : i32
        %and3A_1044 = vector.broadcast %and3A_1043 : i32 to vector<16xi32>
        %and3A_1045 = arith.andi %get3A_1038, %and3A_1044 : vector<16xi32>
        %bitcast_convert_type3A_1046 = tpu.bitcast %and3A_1045 : vector<16xi32> -> vector<16xf32>
        %mul3A_1047 = vector.broadcast %squeeze3A_972 : f32 to vector<16xf32>
        %mul3A_1048 = arith.mulf %bitcast_convert_type3A_1042, %mul3A_1047 : vector<16xf32>
        %swap3A_1049 = arith.index_cast %add3A_982 : i32 to index
        %swap3A_1050 = arith.constant 64 : index
        %swap3A_1051 = tpu.vector_load %arg11[%swap3A_1049, %swap3A_1050] {strides = array<i32>} : memref<160x128xf32, #tpu.memory_space<vmem>>, vector<1x16xf32>,
        %swap3A_1052 = vector.shape_cast %swap3A_1051 : vector<1x16xf32> to vector<16xf32>
        %swap3A_1053 = vector.shape_cast %mul3A_1048 : vector<16xf32> to vector<1x16xf32>
        tpu.vector_store %arg11[%swap3A_1049, %swap3A_1050], %swap3A_1053 {strides = array<i32>} : memref<160x128xf32, #tpu.memory_space<vmem>>, vector<1x16xf32>,
        %mul3A_1054 = vector.broadcast %squeeze3A_972 : f32 to vector<16xf32>
        %mul3A_1055 = arith.mulf %bitcast_convert_type3A_1046, %mul3A_1054 : vector<16xf32>
        %swap3A_1056 = arith.index_cast %add3A_982 : i32 to index
        %swap3A_1057 = arith.constant 80 : index
        %swap3A_1058 = tpu.vector_load %arg11[%swap3A_1056, %swap3A_1057] {strides = array<i32>} : memref<160x128xf32, #tpu.memory_space<vmem>>, vector<1x16xf32>,
        %swap3A_1059 = vector.shape_cast %swap3A_1058 : vector<1x16xf32> to vector<16xf32>
        %swap3A_1060 = vector.shape_cast %mul3A_1055 : vector<16xf32> to vector<1x16xf32>
        tpu.vector_store %arg11[%swap3A_1056, %swap3A_1057], %swap3A_1060 {strides = array<i32>} : memref<160x128xf32, #tpu.memory_space<vmem>>, vector<1x16xf32>,
        %get3A_1061 = arith.index_cast %add3A_979 : i32 to index
        %get3A_1062 = arith.constant 48 : index
        %get3A_1063 = tpu.vector_load %arg10[%get3A_1061, %get3A_1062] {strides = array<i32>} : memref<400x64xi32, #tpu.memory_space<vmem>>, vector<1x16xi32>,
        %get3A_1064 = vector.shape_cast %get3A_1063 : vector<1x16xi32> to vector<16xi32>
        %shift_left3A_1065 = arith.constant 16 : i32
        %shift_left3A_1066 = vector.broadcast %shift_left3A_1065 : i32 to vector<16xi32>
        %shift_left3A_1067 = arith.shli %get3A_1064, %shift_left3A_1066 : vector<16xi32>
        %bitcast_convert_type3A_1068 = tpu.bitcast %shift_left3A_1067 : vector<16xi32> -> vector<16xf32>
        %and3A_1069 = arith.constant -65536 : i32
        %and3A_1070 = vector.broadcast %and3A_1069 : i32 to vector<16xi32>
        %and3A_1071 = arith.andi %get3A_1064, %and3A_1070 : vector<16xi32>
        %bitcast_convert_type3A_1072 = tpu.bitcast %and3A_1071 : vector<16xi32> -> vector<16xf32>
        %mul3A_1073 = vector.broadcast %squeeze3A_972 : f32 to vector<16xf32>
        %mul3A_1074 = arith.mulf %bitcast_convert_type3A_1068, %mul3A_1073 : vector<16xf32>
        %swap3A_1075 = arith.index_cast %add3A_982 : i32 to index
        %swap3A_1076 = arith.constant 96 : index
        %swap3A_1077 = tpu.vector_load %arg11[%swap3A_1075, %swap3A_1076] {strides = array<i32>} : memref<160x128xf32, #tpu.memory_space<vmem>>, vector<1x16xf32>,
        %swap3A_1078 = vector.shape_cast %swap3A_1077 : vector<1x16xf32> to vector<16xf32>
        %swap3A_1079 = vector.shape_cast %mul3A_1074 : vector<16xf32> to vector<1x16xf32>
        tpu.vector_store %arg11[%swap3A_1075, %swap3A_1076], %swap3A_1079 {strides = array<i32>} : memref<160x128xf32, #tpu.memory_space<vmem>>, vector<1x16xf32>,
        %mul3A_1080 = vector.broadcast %squeeze3A_972 : f32 to vector<16xf32>
        %mul3A_1081 = arith.mulf %bitcast_convert_type3A_1072, %mul3A_1080 : vector<16xf32>
        %swap3A_1082 = arith.index_cast %add3A_982 : i32 to index
        %swap3A_1083 = arith.constant 112 : index
        %swap3A_1084 = tpu.vector_load %arg11[%swap3A_1082, %swap3A_1083] {strides = array<i32>} : memref<160x128xf32, #tpu.memory_space<vmem>>, vector<1x16xf32>,
        %swap3A_1085 = vector.shape_cast %swap3A_1084 : vector<1x16xf32> to vector<16xf32>
        %swap3A_1086 = vector.shape_cast %mul3A_1081 : vector<16xf32> to vector<1x16xf32>
        tpu.vector_store %arg11[%swap3A_1082, %swap3A_1083], %swap3A_1086 {strides = array<i32>} : memref<160x128xf32, #tpu.memory_space<vmem>>, vector<1x16xf32>,
        %slice3A_1087 = vector.extract_strided_slice %get3A_628 {offsets = [4], sizes = [1], strides = [1]} : vector<16xf32> to vector<1xf32>
        %squeeze3A_1088 = vector.extract %slice3A_1087[0] : f32 from vector<1xf32>
        %mul3A_1089 = arith.constant 16 : i32
        %mul3A_1090 = arith.muli %scan3A_623, %mul3A_1089 : i32
        %add3A_1091 = arith.constant 4 : i32
        %add3A_1092 = arith.addi %mul3A_1090, %add3A_1091 : i32
        %mul3A_1093 = arith.constant 80 : i32
        %mul3A_1094 = arith.muli %rem3A_563, %mul3A_1093 : i32
        %add3A_1095 = arith.addi %mul3A_1094, %add3A_1092 : i32
        %mul3A_1096 = arith.constant 80 : i32
        %mul3A_1097 = arith.muli %rem3A_565, %mul3A_1096 : i32
        %add3A_1098 = arith.addi %mul3A_1097, %add3A_1092 : i32
        %get3A_1099 = arith.index_cast %add3A_1095 : i32 to index
        %get3A_1100 = arith.constant 0 : index
        %get3A_1101 = tpu.vector_load %arg10[%get3A_1099, %get3A_1100] {strides = array<i32>} : memref<400x64xi32, #tpu.memory_space<vmem>>, vector<1x16xi32>,
        %get3A_1102 = vector.shape_cast %get3A_1101 : vector<1x16xi32> to vector<16xi32>
        %shift_left3A_1103 = arith.constant 16 : i32
        %shift_left3A_1104 = vector.broadcast %shift_left3A_1103 : i32 to vector<16xi32>
        %shift_left3A_1105 = arith.shli %get3A_1102, %shift_left3A_1104 : vector<16xi32>
        %bitcast_convert_type3A_1106 = tpu.bitcast %shift_left3A_1105 : vector<16xi32> -> vector<16xf32>
        %and3A_1107 = arith.constant -65536 : i32
        %and3A_1108 = vector.broadcast %and3A_1107 : i32 to vector<16xi32>
        %and3A_1109 = arith.andi %get3A_1102, %and3A_1108 : vector<16xi32>
        %bitcast_convert_type3A_1110 = tpu.bitcast %and3A_1109 : vector<16xi32> -> vector<16xf32>
        %mul3A_1111 = vector.broadcast %squeeze3A_1088 : f32 to vector<16xf32>
        %mul3A_1112 = arith.mulf %bitcast_convert_type3A_1106, %mul3A_1111 : vector<16xf32>
        %swap3A_1113 = arith.index_cast %add3A_1098 : i32 to index
        %swap3A_1114 = arith.constant 0 : index
        %swap3A_1115 = tpu.vector_load %arg11[%swap3A_1113, %swap3A_1114] {strides = array<i32>} : memref<160x128xf32, #tpu.memory_space<vmem>>, vector<1x16xf32>,
        %swap3A_1116 = vector.shape_cast %swap3A_1115 : vector<1x16xf32> to vector<16xf32>
        %swap3A_1117 = vector.shape_cast %mul3A_1112 : vector<16xf32> to vector<1x16xf32>
        tpu.vector_store %arg11[%swap3A_1113, %swap3A_1114], %swap3A_1117 {strides = array<i32>} : memref<160x128xf32, #tpu.memory_space<vmem>>, vector<1x16xf32>,
        %mul3A_1118 = vector.broadcast %squeeze3A_1088 : f32 to vector<16xf32>
        %mul3A_1119 = arith.mulf %bitcast_convert_type3A_1110, %mul3A_1118 : vector<16xf32>
        %swap3A_1120 = arith.index_cast %add3A_1098 : i32 to index
        %swap3A_1121 = arith.constant 16 : index
        %swap3A_1122 = tpu.vector_load %arg11[%swap3A_1120, %swap3A_1121] {strides = array<i32>} : memref<160x128xf32, #tpu.memory_space<vmem>>, vector<1x16xf32>,
        %swap3A_1123 = vector.shape_cast %swap3A_1122 : vector<1x16xf32> to vector<16xf32>
        %swap3A_1124 = vector.shape_cast %mul3A_1119 : vector<16xf32> to vector<1x16xf32>
        tpu.vector_store %arg11[%swap3A_1120, %swap3A_1121], %swap3A_1124 {strides = array<i32>} : memref<160x128xf32, #tpu.memory_space<vmem>>, vector<1x16xf32>,
        %get3A_1125 = arith.index_cast %add3A_1095 : i32 to index
        %get3A_1126 = arith.constant 16 : index
        %get3A_1127 = tpu.vector_load %arg10[%get3A_1125, %get3A_1126] {strides = array<i32>} : memref<400x64xi32, #tpu.memory_space<vmem>>, vector<1x16xi32>,
        %get3A_1128 = vector.shape_cast %get3A_1127 : vector<1x16xi32> to vector<16xi32>
        %shift_left3A_1129 = arith.constant 16 : i32
        %shift_left3A_1130 = vector.broadcast %shift_left3A_1129 : i32 to vector<16xi32>
        %shift_left3A_1131 = arith.shli %get3A_1128, %shift_left3A_1130 : vector<16xi32>
        %bitcast_convert_type3A_1132 = tpu.bitcast %shift_left3A_1131 : vector<16xi32> -> vector<16xf32>
        %and3A_1133 = arith.constant -65536 : i32
        %and3A_1134 = vector.broadcast %and3A_1133 : i32 to vector<16xi32>
        %and3A_1135 = arith.andi %get3A_1128, %and3A_1134 : vector<16xi32>
        %bitcast_convert_type3A_1136 = tpu.bitcast %and3A_1135 : vector<16xi32> -> vector<16xf32>
        %mul3A_1137 = vector.broadcast %squeeze3A_1088 : f32 to vector<16xf32>
        %mul3A_1138 = arith.mulf %bitcast_convert_type3A_1132, %mul3A_1137 : vector<16xf32>
        %swap3A_1139 = arith.index_cast %add3A_1098 : i32 to index
        %swap3A_1140 = arith.constant 32 : index
        %swap3A_1141 = tpu.vector_load %arg11[%swap3A_1139, %swap3A_1140] {strides = array<i32>} : memref<160x128xf32, #tpu.memory_space<vmem>>, vector<1x16xf32>,
        %swap3A_1142 = vector.shape_cast %swap3A_1141 : vector<1x16xf32> to vector<16xf32>
        %swap3A_1143 = vector.shape_cast %mul3A_1138 : vector<16xf32> to vector<1x16xf32>
        tpu.vector_store %arg11[%swap3A_1139, %swap3A_1140], %swap3A_1143 {strides = array<i32>} : memref<160x128xf32, #tpu.memory_space<vmem>>, vector<1x16xf32>,
        %mul3A_1144 = vector.broadcast %squeeze3A_1088 : f32 to vector<16xf32>
        %mul3A_1145 = arith.mulf %bitcast_convert_type3A_1136, %mul3A_1144 : vector<16xf32>
        %swap3A_1146 = arith.index_cast %add3A_1098 : i32 to index
        %swap3A_1147 = arith.constant 48 : index
        %swap3A_1148 = tpu.vector_load %arg11[%swap3A_1146, %swap3A_1147] {strides = array<i32>} : memref<160x128xf32, #tpu.memory_space<vmem>>, vector<1x16xf32>,
        %swap3A_1149 = vector.shape_cast %swap3A_1148 : vector<1x16xf32> to vector<16xf32>
        %swap3A_1150 = vector.shape_cast %mul3A_1145 : vector<16xf32> to vector<1x16xf32>
        tpu.vector_store %arg11[%swap3A_1146, %swap3A_1147], %swap3A_1150 {strides = array<i32>} : memref<160x128xf32, #tpu.memory_space<vmem>>, vector<1x16xf32>,
        %get3A_1151 = arith.index_cast %add3A_1095 : i32 to index
        %get3A_1152 = arith.constant 32 : index
        %get3A_1153 = tpu.vector_load %arg10[%get3A_1151, %get3A_1152] {strides = array<i32>} : memref<400x64xi32, #tpu.memory_space<vmem>>, vector<1x16xi32>,
        %get3A_1154 = vector.shape_cast %get3A_1153 : vector<1x16xi32> to vector<16xi32>
        %shift_left3A_1155 = arith.constant 16 : i32
        %shift_left3A_1156 = vector.broadcast %shift_left3A_1155 : i32 to vector<16xi32>
        %shift_left3A_1157 = arith.shli %get3A_1154, %shift_left3A_1156 : vector<16xi32>
        %bitcast_convert_type3A_1158 = tpu.bitcast %shift_left3A_1157 : vector<16xi32> -> vector<16xf32>
        %and3A_1159 = arith.constant -65536 : i32
        %and3A_1160 = vector.broadcast %and3A_1159 : i32 to vector<16xi32>
        %and3A_1161 = arith.andi %get3A_1154, %and3A_1160 : vector<16xi32>
        %bitcast_convert_type3A_1162 = tpu.bitcast %and3A_1161 : vector<16xi32> -> vector<16xf32>
        %mul3A_1163 = vector.broadcast %squeeze3A_1088 : f32 to vector<16xf32>
        %mul3A_1164 = arith.mulf %bitcast_convert_type3A_1158, %mul3A_1163 : vector<16xf32>
        %swap3A_1165 = arith.index_cast %add3A_1098 : i32 to index
        %swap3A_1166 = arith.constant 64 : index
        %swap3A_1167 = tpu.vector_load %arg11[%swap3A_1165, %swap3A_1166] {strides = array<i32>} : memref<160x128xf32, #tpu.memory_space<vmem>>, vector<1x16xf32>,
        %swap3A_1168 = vector.shape_cast %swap3A_1167 : vector<1x16xf32> to vector<16xf32>
        %swap3A_1169 = vector.shape_cast %mul3A_1164 : vector<16xf32> to vector<1x16xf32>
        tpu.vector_store %arg11[%swap3A_1165, %swap3A_1166], %swap3A_1169 {strides = array<i32>} : memref<160x128xf32, #tpu.memory_space<vmem>>, vector<1x16xf32>,
        %mul3A_1170 = vector.broadcast %squeeze3A_1088 : f32 to vector<16xf32>
        %mul3A_1171 = arith.mulf %bitcast_convert_type3A_1162, %mul3A_1170 : vector<16xf32>
        %swap3A_1172 = arith.index_cast %add3A_1098 : i32 to index
        %swap3A_1173 = arith.constant 80 : index
        %swap3A_1174 = tpu.vector_load %arg11[%swap3A_1172, %swap3A_1173] {strides = array<i32>} : memref<160x128xf32, #tpu.memory_space<vmem>>, vector<1x16xf32>,
        %swap3A_1175 = vector.shape_cast %swap3A_1174 : vector<1x16xf32> to vector<16xf32>
        %swap3A_1176 = vector.shape_cast %mul3A_1171 : vector<16xf32> to vector<1x16xf32>
        tpu.vector_store %arg11[%swap3A_1172, %swap3A_1173], %swap3A_1176 {strides = array<i32>} : memref<160x128xf32, #tpu.memory_space<vmem>>, vector<1x16xf32>,
        %get3A_1177 = arith.index_cast %add3A_1095 : i32 to index
        %get3A_1178 = arith.constant 48 : index
        %get3A_1179 = tpu.vector_load %arg10[%get3A_1177, %get3A_1178] {strides = array<i32>} : memref<400x64xi32, #tpu.memory_space<vmem>>, vector<1x16xi32>,
        %get3A_1180 = vector.shape_cast %get3A_1179 : vector<1x16xi32> to vector<16xi32>
        %shift_left3A_1181 = arith.constant 16 : i32
        %shift_left3A_1182 = vector.broadcast %shift_left3A_1181 : i32 to vector<16xi32>
        %shift_left3A_1183 = arith.shli %get3A_1180, %shift_left3A_1182 : vector<16xi32>
        %bitcast_convert_type3A_1184 = tpu.bitcast %shift_left3A_1183 : vector<16xi32> -> vector<16xf32>
        %and3A_1185 = arith.constant -65536 : i32
        %and3A_1186 = vector.broadcast %and3A_1185 : i32 to vector<16xi32>
        %and3A_1187 = arith.andi %get3A_1180, %and3A_1186 : vector<16xi32>
        %bitcast_convert_type3A_1188 = tpu.bitcast %and3A_1187 : vector<16xi32> -> vector<16xf32>
        %mul3A_1189 = vector.broadcast %squeeze3A_1088 : f32 to vector<16xf32>
        %mul3A_1190 = arith.mulf %bitcast_convert_type3A_1184, %mul3A_1189 : vector<16xf32>
        %swap3A_1191 = arith.index_cast %add3A_1098 : i32 to index
        %swap3A_1192 = arith.constant 96 : index
        %swap3A_1193 = tpu.vector_load %arg11[%swap3A_1191, %swap3A_1192] {strides = array<i32>} : memref<160x128xf32, #tpu.memory_space<vmem>>, vector<1x16xf32>,
        %swap3A_1194 = vector.shape_cast %swap3A_1193 : vector<1x16xf32> to vector<16xf32>
        %swap3A_1195 = vector.shape_cast %mul3A_1190 : vector<16xf32> to vector<1x16xf32>
        tpu.vector_store %arg11[%swap3A_1191, %swap3A_1192], %swap3A_1195 {strides = array<i32>} : memref<160x128xf32, #tpu.memory_space<vmem>>, vector<1x16xf32>,
        %mul3A_1196 = vector.broadcast %squeeze3A_1088 : f32 to vector<16xf32>
        %mul3A_1197 = arith.mulf %bitcast_convert_type3A_1188, %mul3A_1196 : vector<16xf32>
        %swap3A_1198 = arith.index_cast %add3A_1098 : i32 to index
        %swap3A_1199 = arith.constant 112 : index
        %swap3A_1200 = tpu.vector_load %arg11[%swap3A_1198, %swap3A_1199] {strides = array<i32>} : memref<160x128xf32, #tpu.memory_space<vmem>>, vector<1x16xf32>,
        %swap3A_1201 = vector.shape_cast %swap3A_1200 : vector<1x16xf32> to vector<16xf32>
        %swap3A_1202 = vector.shape_cast %mul3A_1197 : vector<16xf32> to vector<1x16xf32>
        tpu.vector_store %arg11[%swap3A_1198, %swap3A_1199], %swap3A_1202 {strides = array<i32>} : memref<160x128xf32, #tpu.memory_space<vmem>>, vector<1x16xf32>,
        %slice3A_1203 = vector.extract_strided_slice %get3A_628 {offsets = [5], sizes = [1], strides = [1]} : vector<16xf32> to vector<1xf32>
        %squeeze3A_1204 = vector.extract %slice3A_1203[0] : f32 from vector<1xf32>
        %mul3A_1205 = arith.constant 16 : i32
        %mul3A_1206 = arith.muli %scan3A_623, %mul3A_1205 : i32
        %add3A_1207 = arith.constant 5 : i32
        %add3A_1208 = arith.addi %mul3A_1206, %add3A_1207 : i32
        %mul3A_1209 = arith.constant 80 : i32
        %mul3A_1210 = arith.muli %rem3A_563, %mul3A_1209 : i32
        %add3A_1211 = arith.addi %mul3A_1210, %add3A_1208 : i32
        %mul3A_1212 = arith.constant 80 : i32
        %mul3A_1213 = arith.muli %rem3A_565, %mul3A_1212 : i32
        %add3A_1214 = arith.addi %mul3A_1213, %add3A_1208 : i32
        %get3A_1215 = arith.index_cast %add3A_1211 : i32 to index
        %get3A_1216 = arith.constant 0 : index
        %get3A_1217 = tpu.vector_load %arg10[%get3A_1215, %get3A_1216] {strides = array<i32>} : memref<400x64xi32, #tpu.memory_space<vmem>>, vector<1x16xi32>,
        %get3A_1218 = vector.shape_cast %get3A_1217 : vector<1x16xi32> to vector<16xi32>
        %shift_left3A_1219 = arith.constant 16 : i32
        %shift_left3A_1220 = vector.broadcast %shift_left3A_1219 : i32 to vector<16xi32>
        %shift_left3A_1221 = arith.shli %get3A_1218, %shift_left3A_1220 : vector<16xi32>
        %bitcast_convert_type3A_1222 = tpu.bitcast %shift_left3A_1221 : vector<16xi32> -> vector<16xf32>
        %and3A_1223 = arith.constant -65536 : i32
        %and3A_1224 = vector.broadcast %and3A_1223 : i32 to vector<16xi32>
        %and3A_1225 = arith.andi %get3A_1218, %and3A_1224 : vector<16xi32>
        %bitcast_convert_type3A_1226 = tpu.bitcast %and3A_1225 : vector<16xi32> -> vector<16xf32>
        %mul3A_1227 = vector.broadcast %squeeze3A_1204 : f32 to vector<16xf32>
        %mul3A_1228 = arith.mulf %bitcast_convert_type3A_1222, %mul3A_1227 : vector<16xf32>
        %swap3A_1229 = arith.index_cast %add3A_1214 : i32 to index
        %swap3A_1230 = arith.constant 0 : index
        %swap3A_1231 = tpu.vector_load %arg11[%swap3A_1229, %swap3A_1230] {strides = array<i32>} : memref<160x128xf32, #tpu.memory_space<vmem>>, vector<1x16xf32>,
        %swap3A_1232 = vector.shape_cast %swap3A_1231 : vector<1x16xf32> to vector<16xf32>
        %swap3A_1233 = vector.shape_cast %mul3A_1228 : vector<16xf32> to vector<1x16xf32>
        tpu.vector_store %arg11[%swap3A_1229, %swap3A_1230], %swap3A_1233 {strides = array<i32>} : memref<160x128xf32, #tpu.memory_space<vmem>>, vector<1x16xf32>,
        %mul3A_1234 = vector.broadcast %squeeze3A_1204 : f32 to vector<16xf32>
        %mul3A_1235 = arith.mulf %bitcast_convert_type3A_1226, %mul3A_1234 : vector<16xf32>
        %swap3A_1236 = arith.index_cast %add3A_1214 : i32 to index
        %swap3A_1237 = arith.constant 16 : index
        %swap3A_1238 = tpu.vector_load %arg11[%swap3A_1236, %swap3A_1237] {strides = array<i32>} : memref<160x128xf32, #tpu.memory_space<vmem>>, vector<1x16xf32>,
        %swap3A_1239 = vector.shape_cast %swap3A_1238 : vector<1x16xf32> to vector<16xf32>
        %swap3A_1240 = vector.shape_cast %mul3A_1235 : vector<16xf32> to vector<1x16xf32>
        tpu.vector_store %arg11[%swap3A_1236, %swap3A_1237], %swap3A_1240 {strides = array<i32>} : memref<160x128xf32, #tpu.memory_space<vmem>>, vector<1x16xf32>,
        %get3A_1241 = arith.index_cast %add3A_1211 : i32 to index
        %get3A_1242 = arith.constant 16 : index
        %get3A_1243 = tpu.vector_load %arg10[%get3A_1241, %get3A_1242] {strides = array<i32>} : memref<400x64xi32, #tpu.memory_space<vmem>>, vector<1x16xi32>,
        %get3A_1244 = vector.shape_cast %get3A_1243 : vector<1x16xi32> to vector<16xi32>
        %shift_left3A_1245 = arith.constant 16 : i32
        %shift_left3A_1246 = vector.broadcast %shift_left3A_1245 : i32 to vector<16xi32>
        %shift_left3A_1247 = arith.shli %get3A_1244, %shift_left3A_1246 : vector<16xi32>
        %bitcast_convert_type3A_1248 = tpu.bitcast %shift_left3A_1247 : vector<16xi32> -> vector<16xf32>
        %and3A_1249 = arith.constant -65536 : i32
        %and3A_1250 = vector.broadcast %and3A_1249 : i32 to vector<16xi32>
        %and3A_1251 = arith.andi %get3A_1244, %and3A_1250 : vector<16xi32>
        %bitcast_convert_type3A_1252 = tpu.bitcast %and3A_1251 : vector<16xi32> -> vector<16xf32>
        %mul3A_1253 = vector.broadcast %squeeze3A_1204 : f32 to vector<16xf32>
        %mul3A_1254 = arith.mulf %bitcast_convert_type3A_1248, %mul3A_1253 : vector<16xf32>
        %swap3A_1255 = arith.index_cast %add3A_1214 : i32 to index
        %swap3A_1256 = arith.constant 32 : index
        %swap3A_1257 = tpu.vector_load %arg11[%swap3A_1255, %swap3A_1256] {strides = array<i32>} : memref<160x128xf32, #tpu.memory_space<vmem>>, vector<1x16xf32>,
        %swap3A_1258 = vector.shape_cast %swap3A_1257 : vector<1x16xf32> to vector<16xf32>
        %swap3A_1259 = vector.shape_cast %mul3A_1254 : vector<16xf32> to vector<1x16xf32>
        tpu.vector_store %arg11[%swap3A_1255, %swap3A_1256], %swap3A_1259 {strides = array<i32>} : memref<160x128xf32, #tpu.memory_space<vmem>>, vector<1x16xf32>,
        %mul3A_1260 = vector.broadcast %squeeze3A_1204 : f32 to vector<16xf32>
        %mul3A_1261 = arith.mulf %bitcast_convert_type3A_1252, %mul3A_1260 : vector<16xf32>
        %swap3A_1262 = arith.index_cast %add3A_1214 : i32 to index
        %swap3A_1263 = arith.constant 48 : index
        %swap3A_1264 = tpu.vector_load %arg11[%swap3A_1262, %swap3A_1263] {strides = array<i32>} : memref<160x128xf32, #tpu.memory_space<vmem>>, vector<1x16xf32>,
        %swap3A_1265 = vector.shape_cast %swap3A_1264 : vector<1x16xf32> to vector<16xf32>
        %swap3A_1266 = vector.shape_cast %mul3A_1261 : vector<16xf32> to vector<1x16xf32>
        tpu.vector_store %arg11[%swap3A_1262, %swap3A_1263], %swap3A_1266 {strides = array<i32>} : memref<160x128xf32, #tpu.memory_space<vmem>>, vector<1x16xf32>,
        %get3A_1267 = arith.index_cast %add3A_1211 : i32 to index
        %get3A_1268 = arith.constant 32 : index
        %get3A_1269 = tpu.vector_load %arg10[%get3A_1267, %get3A_1268] {strides = array<i32>} : memref<400x64xi32, #tpu.memory_space<vmem>>, vector<1x16xi32>,
        %get3A_1270 = vector.shape_cast %get3A_1269 : vector<1x16xi32> to vector<16xi32>
        %shift_left3A_1271 = arith.constant 16 : i32
        %shift_left3A_1272 = vector.broadcast %shift_left3A_1271 : i32 to vector<16xi32>
        %shift_left3A_1273 = arith.shli %get3A_1270, %shift_left3A_1272 : vector<16xi32>
        %bitcast_convert_type3A_1274 = tpu.bitcast %shift_left3A_1273 : vector<16xi32> -> vector<16xf32>
        %and3A_1275 = arith.constant -65536 : i32
        %and3A_1276 = vector.broadcast %and3A_1275 : i32 to vector<16xi32>
        %and3A_1277 = arith.andi %get3A_1270, %and3A_1276 : vector<16xi32>
        %bitcast_convert_type3A_1278 = tpu.bitcast %and3A_1277 : vector<16xi32> -> vector<16xf32>
        %mul3A_1279 = vector.broadcast %squeeze3A_1204 : f32 to vector<16xf32>
        %mul3A_1280 = arith.mulf %bitcast_convert_type3A_1274, %mul3A_1279 : vector<16xf32>
        %swap3A_1281 = arith.index_cast %add3A_1214 : i32 to index
        %swap3A_1282 = arith.constant 64 : index
        %swap3A_1283 = tpu.vector_load %arg11[%swap3A_1281, %swap3A_1282] {strides = array<i32>} : memref<160x128xf32, #tpu.memory_space<vmem>>, vector<1x16xf32>,
        %swap3A_1284 = vector.shape_cast %swap3A_1283 : vector<1x16xf32> to vector<16xf32>
        %swap3A_1285 = vector.shape_cast %mul3A_1280 : vector<16xf32> to vector<1x16xf32>
        tpu.vector_store %arg11[%swap3A_1281, %swap3A_1282], %swap3A_1285 {strides = array<i32>} : memref<160x128xf32, #tpu.memory_space<vmem>>, vector<1x16xf32>,
        %mul3A_1286 = vector.broadcast %squeeze3A_1204 : f32 to vector<16xf32>
        %mul3A_1287 = arith.mulf %bitcast_convert_type3A_1278, %mul3A_1286 : vector<16xf32>
        %swap3A_1288 = arith.index_cast %add3A_1214 : i32 to index
        %swap3A_1289 = arith.constant 80 : index
        %swap3A_1290 = tpu.vector_load %arg11[%swap3A_1288, %swap3A_1289] {strides = array<i32>} : memref<160x128xf32, #tpu.memory_space<vmem>>, vector<1x16xf32>,
        %swap3A_1291 = vector.shape_cast %swap3A_1290 : vector<1x16xf32> to vector<16xf32>
        %swap3A_1292 = vector.shape_cast %mul3A_1287 : vector<16xf32> to vector<1x16xf32>
        tpu.vector_store %arg11[%swap3A_1288, %swap3A_1289], %swap3A_1292 {strides = array<i32>} : memref<160x128xf32, #tpu.memory_space<vmem>>, vector<1x16xf32>,
        %get3A_1293 = arith.index_cast %add3A_1211 : i32 to index
        %get3A_1294 = arith.constant 48 : index
        %get3A_1295 = tpu.vector_load %arg10[%get3A_1293, %get3A_1294] {strides = array<i32>} : memref<400x64xi32, #tpu.memory_space<vmem>>, vector<1x16xi32>,
        %get3A_1296 = vector.shape_cast %get3A_1295 : vector<1x16xi32> to vector<16xi32>
        %shift_left3A_1297 = arith.constant 16 : i32
        %shift_left3A_1298 = vector.broadcast %shift_left3A_1297 : i32 to vector<16xi32>
        %shift_left3A_1299 = arith.shli %get3A_1296, %shift_left3A_1298 : vector<16xi32>
        %bitcast_convert_type3A_1300 = tpu.bitcast %shift_left3A_1299 : vector<16xi32> -> vector<16xf32>
        %and3A_1301 = arith.constant -65536 : i32
        %and3A_1302 = vector.broadcast %and3A_1301 : i32 to vector<16xi32>
        %and3A_1303 = arith.andi %get3A_1296, %and3A_1302 : vector<16xi32>
        %bitcast_convert_type3A_1304 = tpu.bitcast %and3A_1303 : vector<16xi32> -> vector<16xf32>
        %mul3A_1305 = vector.broadcast %squeeze3A_1204 : f32 to vector<16xf32>
        %mul3A_1306 = arith.mulf %bitcast_convert_type3A_1300, %mul3A_1305 : vector<16xf32>
        %swap3A_1307 = arith.index_cast %add3A_1214 : i32 to index
        %swap3A_1308 = arith.constant 96 : index
        %swap3A_1309 = tpu.vector_load %arg11[%swap3A_1307, %swap3A_1308] {strides = array<i32>} : memref<160x128xf32, #tpu.memory_space<vmem>>, vector<1x16xf32>,
        %swap3A_1310 = vector.shape_cast %swap3A_1309 : vector<1x16xf32> to vector<16xf32>
        %swap3A_1311 = vector.shape_cast %mul3A_1306 : vector<16xf32> to vector<1x16xf32>
        tpu.vector_store %arg11[%swap3A_1307, %swap3A_1308], %swap3A_1311 {strides = array<i32>} : memref<160x128xf32, #tpu.memory_space<vmem>>, vector<1x16xf32>,
        %mul3A_1312 = vector.broadcast %squeeze3A_1204 : f32 to vector<16xf32>
        %mul3A_1313 = arith.mulf %bitcast_convert_type3A_1304, %mul3A_1312 : vector<16xf32>
        %swap3A_1314 = arith.index_cast %add3A_1214 : i32 to index
        %swap3A_1315 = arith.constant 112 : index
        %swap3A_1316 = tpu.vector_load %arg11[%swap3A_1314, %swap3A_1315] {strides = array<i32>} : memref<160x128xf32, #tpu.memory_space<vmem>>, vector<1x16xf32>,
        %swap3A_1317 = vector.shape_cast %swap3A_1316 : vector<1x16xf32> to vector<16xf32>
        %swap3A_1318 = vector.shape_cast %mul3A_1313 : vector<16xf32> to vector<1x16xf32>
        tpu.vector_store %arg11[%swap3A_1314, %swap3A_1315], %swap3A_1318 {strides = array<i32>} : memref<160x128xf32, #tpu.memory_space<vmem>>, vector<1x16xf32>,
        %slice3A_1319 = vector.extract_strided_slice %get3A_628 {offsets = [6], sizes = [1], strides = [1]} : vector<16xf32> to vector<1xf32>
        %squeeze3A_1320 = vector.extract %slice3A_1319[0] : f32 from vector<1xf32>
        %mul3A_1321 = arith.constant 16 : i32
        %mul3A_1322 = arith.muli %scan3A_623, %mul3A_1321 : i32
        %add3A_1323 = arith.constant 6 : i32
        %add3A_1324 = arith.addi %mul3A_1322, %add3A_1323 : i32
        %mul3A_1325 = arith.constant 80 : i32
        %mul3A_1326 = arith.muli %rem3A_563, %mul3A_1325 : i32
        %add3A_1327 = arith.addi %mul3A_1326, %add3A_1324 : i32
        %mul3A_1328 = arith.constant 80 : i32
        %mul3A_1329 = arith.muli %rem3A_565, %mul3A_1328 : i32
        %add3A_1330 = arith.addi %mul3A_1329, %add3A_1324 : i32
        %get3A_1331 = arith.index_cast %add3A_1327 : i32 to index
        %get3A_1332 = arith.constant 0 : index
        %get3A_1333 = tpu.vector_load %arg10[%get3A_1331, %get3A_1332] {strides = array<i32>} : memref<400x64xi32, #tpu.memory_space<vmem>>, vector<1x16xi32>,
        %get3A_1334 = vector.shape_cast %get3A_1333 : vector<1x16xi32> to vector<16xi32>
        %shift_left3A_1335 = arith.constant 16 : i32
        %shift_left3A_1336 = vector.broadcast %shift_left3A_1335 : i32 to vector<16xi32>
        %shift_left3A_1337 = arith.shli %get3A_1334, %shift_left3A_1336 : vector<16xi32>
        %bitcast_convert_type3A_1338 = tpu.bitcast %shift_left3A_1337 : vector<16xi32> -> vector<16xf32>
        %and3A_1339 = arith.constant -65536 : i32
        %and3A_1340 = vector.broadcast %and3A_1339 : i32 to vector<16xi32>
        %and3A_1341 = arith.andi %get3A_1334, %and3A_1340 : vector<16xi32>
        %bitcast_convert_type3A_1342 = tpu.bitcast %and3A_1341 : vector<16xi32> -> vector<16xf32>
        %mul3A_1343 = vector.broadcast %squeeze3A_1320 : f32 to vector<16xf32>
        %mul3A_1344 = arith.mulf %bitcast_convert_type3A_1338, %mul3A_1343 : vector<16xf32>
        %swap3A_1345 = arith.index_cast %add3A_1330 : i32 to index
        %swap3A_1346 = arith.constant 0 : index
        %swap3A_1347 = tpu.vector_load %arg11[%swap3A_1345, %swap3A_1346] {strides = array<i32>} : memref<160x128xf32, #tpu.memory_space<vmem>>, vector<1x16xf32>,
        %swap3A_1348 = vector.shape_cast %swap3A_1347 : vector<1x16xf32> to vector<16xf32>
        %swap3A_1349 = vector.shape_cast %mul3A_1344 : vector<16xf32> to vector<1x16xf32>
        tpu.vector_store %arg11[%swap3A_1345, %swap3A_1346], %swap3A_1349 {strides = array<i32>} : memref<160x128xf32, #tpu.memory_space<vmem>>, vector<1x16xf32>,
        %mul3A_1350 = vector.broadcast %squeeze3A_1320 : f32 to vector<16xf32>
        %mul3A_1351 = arith.mulf %bitcast_convert_type3A_1342, %mul3A_1350 : vector<16xf32>
        %swap3A_1352 = arith.index_cast %add3A_1330 : i32 to index
        %swap3A_1353 = arith.constant 16 : index
        %swap3A_1354 = tpu.vector_load %arg11[%swap3A_1352, %swap3A_1353] {strides = array<i32>} : memref<160x128xf32, #tpu.memory_space<vmem>>, vector<1x16xf32>,
        %swap3A_1355 = vector.shape_cast %swap3A_1354 : vector<1x16xf32> to vector<16xf32>
        %swap3A_1356 = vector.shape_cast %mul3A_1351 : vector<16xf32> to vector<1x16xf32>
        tpu.vector_store %arg11[%swap3A_1352, %swap3A_1353], %swap3A_1356 {strides = array<i32>} : memref<160x128xf32, #tpu.memory_space<vmem>>, vector<1x16xf32>,
        %get3A_1357 = arith.index_cast %add3A_1327 : i32 to index
        %get3A_1358 = arith.constant 16 : index
        %get3A_1359 = tpu.vector_load %arg10[%get3A_1357, %get3A_1358] {strides = array<i32>} : memref<400x64xi32, #tpu.memory_space<vmem>>, vector<1x16xi32>,
        %get3A_1360 = vector.shape_cast %get3A_1359 : vector<1x16xi32> to vector<16xi32>
        %shift_left3A_1361 = arith.constant 16 : i32
        %shift_left3A_1362 = vector.broadcast %shift_left3A_1361 : i32 to vector<16xi32>
        %shift_left3A_1363 = arith.shli %get3A_1360, %shift_left3A_1362 : vector<16xi32>
        %bitcast_convert_type3A_1364 = tpu.bitcast %shift_left3A_1363 : vector<16xi32> -> vector<16xf32>
        %and3A_1365 = arith.constant -65536 : i32
        %and3A_1366 = vector.broadcast %and3A_1365 : i32 to vector<16xi32>
        %and3A_1367 = arith.andi %get3A_1360, %and3A_1366 : vector<16xi32>
        %bitcast_convert_type3A_1368 = tpu.bitcast %and3A_1367 : vector<16xi32> -> vector<16xf32>
        %mul3A_1369 = vector.broadcast %squeeze3A_1320 : f32 to vector<16xf32>
        %mul3A_1370 = arith.mulf %bitcast_convert_type3A_1364, %mul3A_1369 : vector<16xf32>
        %swap3A_1371 = arith.index_cast %add3A_1330 : i32 to index
        %swap3A_1372 = arith.constant 32 : index
        %swap3A_1373 = tpu.vector_load %arg11[%swap3A_1371, %swap3A_1372] {strides = array<i32>} : memref<160x128xf32, #tpu.memory_space<vmem>>, vector<1x16xf32>,
        %swap3A_1374 = vector.shape_cast %swap3A_1373 : vector<1x16xf32> to vector<16xf32>
        %swap3A_1375 = vector.shape_cast %mul3A_1370 : vector<16xf32> to vector<1x16xf32>
        tpu.vector_store %arg11[%swap3A_1371, %swap3A_1372], %swap3A_1375 {strides = array<i32>} : memref<160x128xf32, #tpu.memory_space<vmem>>, vector<1x16xf32>,
        %mul3A_1376 = vector.broadcast %squeeze3A_1320 : f32 to vector<16xf32>
        %mul3A_1377 = arith.mulf %bitcast_convert_type3A_1368, %mul3A_1376 : vector<16xf32>
        %swap3A_1378 = arith.index_cast %add3A_1330 : i32 to index
        %swap3A_1379 = arith.constant 48 : index
        %swap3A_1380 = tpu.vector_load %arg11[%swap3A_1378, %swap3A_1379] {strides = array<i32>} : memref<160x128xf32, #tpu.memory_space<vmem>>, vector<1x16xf32>,
        %swap3A_1381 = vector.shape_cast %swap3A_1380 : vector<1x16xf32> to vector<16xf32>
        %swap3A_1382 = vector.shape_cast %mul3A_1377 : vector<16xf32> to vector<1x16xf32>
        tpu.vector_store %arg11[%swap3A_1378, %swap3A_1379], %swap3A_1382 {strides = array<i32>} : memref<160x128xf32, #tpu.memory_space<vmem>>, vector<1x16xf32>,
        %get3A_1383 = arith.index_cast %add3A_1327 : i32 to index
        %get3A_1384 = arith.constant 32 : index
        %get3A_1385 = tpu.vector_load %arg10[%get3A_1383, %get3A_1384] {strides = array<i32>} : memref<400x64xi32, #tpu.memory_space<vmem>>, vector<1x16xi32>,
        %get3A_1386 = vector.shape_cast %get3A_1385 : vector<1x16xi32> to vector<16xi32>
        %shift_left3A_1387 = arith.constant 16 : i32
        %shift_left3A_1388 = vector.broadcast %shift_left3A_1387 : i32 to vector<16xi32>
        %shift_left3A_1389 = arith.shli %get3A_1386, %shift_left3A_1388 : vector<16xi32>
        %bitcast_convert_type3A_1390 = tpu.bitcast %shift_left3A_1389 : vector<16xi32> -> vector<16xf32>
        %and3A_1391 = arith.constant -65536 : i32
        %and3A_1392 = vector.broadcast %and3A_1391 : i32 to vector<16xi32>
        %and3A_1393 = arith.andi %get3A_1386, %and3A_1392 : vector<16xi32>
        %bitcast_convert_type3A_1394 = tpu.bitcast %and3A_1393 : vector<16xi32> -> vector<16xf32>
        %mul3A_1395 = vector.broadcast %squeeze3A_1320 : f32 to vector<16xf32>
        %mul3A_1396 = arith.mulf %bitcast_convert_type3A_1390, %mul3A_1395 : vector<16xf32>
        %swap3A_1397 = arith.index_cast %add3A_1330 : i32 to index
        %swap3A_1398 = arith.constant 64 : index
        %swap3A_1399 = tpu.vector_load %arg11[%swap3A_1397, %swap3A_1398] {strides = array<i32>} : memref<160x128xf32, #tpu.memory_space<vmem>>, vector<1x16xf32>,
        %swap3A_1400 = vector.shape_cast %swap3A_1399 : vector<1x16xf32> to vector<16xf32>
        %swap3A_1401 = vector.shape_cast %mul3A_1396 : vector<16xf32> to vector<1x16xf32>
        tpu.vector_store %arg11[%swap3A_1397, %swap3A_1398], %swap3A_1401 {strides = array<i32>} : memref<160x128xf32, #tpu.memory_space<vmem>>, vector<1x16xf32>,
        %mul3A_1402 = vector.broadcast %squeeze3A_1320 : f32 to vector<16xf32>
        %mul3A_1403 = arith.mulf %bitcast_convert_type3A_1394, %mul3A_1402 : vector<16xf32>
        %swap3A_1404 = arith.index_cast %add3A_1330 : i32 to index
        %swap3A_1405 = arith.constant 80 : index
        %swap3A_1406 = tpu.vector_load %arg11[%swap3A_1404, %swap3A_1405] {strides = array<i32>} : memref<160x128xf32, #tpu.memory_space<vmem>>, vector<1x16xf32>,
        %swap3A_1407 = vector.shape_cast %swap3A_1406 : vector<1x16xf32> to vector<16xf32>
        %swap3A_1408 = vector.shape_cast %mul3A_1403 : vector<16xf32> to vector<1x16xf32>
        tpu.vector_store %arg11[%swap3A_1404, %swap3A_1405], %swap3A_1408 {strides = array<i32>} : memref<160x128xf32, #tpu.memory_space<vmem>>, vector<1x16xf32>,
        %get3A_1409 = arith.index_cast %add3A_1327 : i32 to index
        %get3A_1410 = arith.constant 48 : index
        %get3A_1411 = tpu.vector_load %arg10[%get3A_1409, %get3A_1410] {strides = array<i32>} : memref<400x64xi32, #tpu.memory_space<vmem>>, vector<1x16xi32>,
        %get3A_1412 = vector.shape_cast %get3A_1411 : vector<1x16xi32> to vector<16xi32>
        %shift_left3A_1413 = arith.constant 16 : i32
        %shift_left3A_1414 = vector.broadcast %shift_left3A_1413 : i32 to vector<16xi32>
        %shift_left3A_1415 = arith.shli %get3A_1412, %shift_left3A_1414 : vector<16xi32>
        %bitcast_convert_type3A_1416 = tpu.bitcast %shift_left3A_1415 : vector<16xi32> -> vector<16xf32>
        %and3A_1417 = arith.constant -65536 : i32
        %and3A_1418 = vector.broadcast %and3A_1417 : i32 to vector<16xi32>
        %and3A_1419 = arith.andi %get3A_1412, %and3A_1418 : vector<16xi32>
        %bitcast_convert_type3A_1420 = tpu.bitcast %and3A_1419 : vector<16xi32> -> vector<16xf32>
        %mul3A_1421 = vector.broadcast %squeeze3A_1320 : f32 to vector<16xf32>
        %mul3A_1422 = arith.mulf %bitcast_convert_type3A_1416, %mul3A_1421 : vector<16xf32>
        %swap3A_1423 = arith.index_cast %add3A_1330 : i32 to index
        %swap3A_1424 = arith.constant 96 : index
        %swap3A_1425 = tpu.vector_load %arg11[%swap3A_1423, %swap3A_1424] {strides = array<i32>} : memref<160x128xf32, #tpu.memory_space<vmem>>, vector<1x16xf32>,
        %swap3A_1426 = vector.shape_cast %swap3A_1425 : vector<1x16xf32> to vector<16xf32>
        %swap3A_1427 = vector.shape_cast %mul3A_1422 : vector<16xf32> to vector<1x16xf32>
        tpu.vector_store %arg11[%swap3A_1423, %swap3A_1424], %swap3A_1427 {strides = array<i32>} : memref<160x128xf32, #tpu.memory_space<vmem>>, vector<1x16xf32>,
        %mul3A_1428 = vector.broadcast %squeeze3A_1320 : f32 to vector<16xf32>
        %mul3A_1429 = arith.mulf %bitcast_convert_type3A_1420, %mul3A_1428 : vector<16xf32>
        %swap3A_1430 = arith.index_cast %add3A_1330 : i32 to index
        %swap3A_1431 = arith.constant 112 : index
        %swap3A_1432 = tpu.vector_load %arg11[%swap3A_1430, %swap3A_1431] {strides = array<i32>} : memref<160x128xf32, #tpu.memory_space<vmem>>, vector<1x16xf32>,
        %swap3A_1433 = vector.shape_cast %swap3A_1432 : vector<1x16xf32> to vector<16xf32>
        %swap3A_1434 = vector.shape_cast %mul3A_1429 : vector<16xf32> to vector<1x16xf32>
        tpu.vector_store %arg11[%swap3A_1430, %swap3A_1431], %swap3A_1434 {strides = array<i32>} : memref<160x128xf32, #tpu.memory_space<vmem>>, vector<1x16xf32>,
        %slice3A_1435 = vector.extract_strided_slice %get3A_628 {offsets = [7], sizes = [1], strides = [1]} : vector<16xf32> to vector<1xf32>
        %squeeze3A_1436 = vector.extract %slice3A_1435[0] : f32 from vector<1xf32>
        %mul3A_1437 = arith.constant 16 : i32
        %mul3A_1438 = arith.muli %scan3A_623, %mul3A_1437 : i32
        %add3A_1439 = arith.constant 7 : i32
        %add3A_1440 = arith.addi %mul3A_1438, %add3A_1439 : i32
        %mul3A_1441 = arith.constant 80 : i32
        %mul3A_1442 = arith.muli %rem3A_563, %mul3A_1441 : i32
        %add3A_1443 = arith.addi %mul3A_1442, %add3A_1440 : i32
        %mul3A_1444 = arith.constant 80 : i32
        %mul3A_1445 = arith.muli %rem3A_565, %mul3A_1444 : i32
        %add3A_1446 = arith.addi %mul3A_1445, %add3A_1440 : i32
        %get3A_1447 = arith.index_cast %add3A_1443 : i32 to index
        %get3A_1448 = arith.constant 0 : index
        %get3A_1449 = tpu.vector_load %arg10[%get3A_1447, %get3A_1448] {strides = array<i32>} : memref<400x64xi32, #tpu.memory_space<vmem>>, vector<1x16xi32>,
        %get3A_1450 = vector.shape_cast %get3A_1449 : vector<1x16xi32> to vector<16xi32>
        %shift_left3A_1451 = arith.constant 16 : i32
        %shift_left3A_1452 = vector.broadcast %shift_left3A_1451 : i32 to vector<16xi32>
        %shift_left3A_1453 = arith.shli %get3A_1450, %shift_left3A_1452 : vector<16xi32>
        %bitcast_convert_type3A_1454 = tpu.bitcast %shift_left3A_1453 : vector<16xi32> -> vector<16xf32>
        %and3A_1455 = arith.constant -65536 : i32
        %and3A_1456 = vector.broadcast %and3A_1455 : i32 to vector<16xi32>
        %and3A_1457 = arith.andi %get3A_1450, %and3A_1456 : vector<16xi32>
        %bitcast_convert_type3A_1458 = tpu.bitcast %and3A_1457 : vector<16xi32> -> vector<16xf32>
        %mul3A_1459 = vector.broadcast %squeeze3A_1436 : f32 to vector<16xf32>
        %mul3A_1460 = arith.mulf %bitcast_convert_type3A_1454, %mul3A_1459 : vector<16xf32>
        %swap3A_1461 = arith.index_cast %add3A_1446 : i32 to index
        %swap3A_1462 = arith.constant 0 : index
        %swap3A_1463 = tpu.vector_load %arg11[%swap3A_1461, %swap3A_1462] {strides = array<i32>} : memref<160x128xf32, #tpu.memory_space<vmem>>, vector<1x16xf32>,
        %swap3A_1464 = vector.shape_cast %swap3A_1463 : vector<1x16xf32> to vector<16xf32>
        %swap3A_1465 = vector.shape_cast %mul3A_1460 : vector<16xf32> to vector<1x16xf32>
        tpu.vector_store %arg11[%swap3A_1461, %swap3A_1462], %swap3A_1465 {strides = array<i32>} : memref<160x128xf32, #tpu.memory_space<vmem>>, vector<1x16xf32>,
        %mul3A_1466 = vector.broadcast %squeeze3A_1436 : f32 to vector<16xf32>
        %mul3A_1467 = arith.mulf %bitcast_convert_type3A_1458, %mul3A_1466 : vector<16xf32>
        %swap3A_1468 = arith.index_cast %add3A_1446 : i32 to index
        %swap3A_1469 = arith.constant 16 : index
        %swap3A_1470 = tpu.vector_load %arg11[%swap3A_1468, %swap3A_1469] {strides = array<i32>} : memref<160x128xf32, #tpu.memory_space<vmem>>, vector<1x16xf32>,
        %swap3A_1471 = vector.shape_cast %swap3A_1470 : vector<1x16xf32> to vector<16xf32>
        %swap3A_1472 = vector.shape_cast %mul3A_1467 : vector<16xf32> to vector<1x16xf32>
        tpu.vector_store %arg11[%swap3A_1468, %swap3A_1469], %swap3A_1472 {strides = array<i32>} : memref<160x128xf32, #tpu.memory_space<vmem>>, vector<1x16xf32>,
        %get3A_1473 = arith.index_cast %add3A_1443 : i32 to index
        %get3A_1474 = arith.constant 16 : index
        %get3A_1475 = tpu.vector_load %arg10[%get3A_1473, %get3A_1474] {strides = array<i32>} : memref<400x64xi32, #tpu.memory_space<vmem>>, vector<1x16xi32>,
        %get3A_1476 = vector.shape_cast %get3A_1475 : vector<1x16xi32> to vector<16xi32>
        %shift_left3A_1477 = arith.constant 16 : i32
        %shift_left3A_1478 = vector.broadcast %shift_left3A_1477 : i32 to vector<16xi32>
        %shift_left3A_1479 = arith.shli %get3A_1476, %shift_left3A_1478 : vector<16xi32>
        %bitcast_convert_type3A_1480 = tpu.bitcast %shift_left3A_1479 : vector<16xi32> -> vector<16xf32>
        %and3A_1481 = arith.constant -65536 : i32
        %and3A_1482 = vector.broadcast %and3A_1481 : i32 to vector<16xi32>
        %and3A_1483 = arith.andi %get3A_1476, %and3A_1482 : vector<16xi32>
        %bitcast_convert_type3A_1484 = tpu.bitcast %and3A_1483 : vector<16xi32> -> vector<16xf32>
        %mul3A_1485 = vector.broadcast %squeeze3A_1436 : f32 to vector<16xf32>
        %mul3A_1486 = arith.mulf %bitcast_convert_type3A_1480, %mul3A_1485 : vector<16xf32>
        %swap3A_1487 = arith.index_cast %add3A_1446 : i32 to index
        %swap3A_1488 = arith.constant 32 : index
        %swap3A_1489 = tpu.vector_load %arg11[%swap3A_1487, %swap3A_1488] {strides = array<i32>} : memref<160x128xf32, #tpu.memory_space<vmem>>, vector<1x16xf32>,
        %swap3A_1490 = vector.shape_cast %swap3A_1489 : vector<1x16xf32> to vector<16xf32>
        %swap3A_1491 = vector.shape_cast %mul3A_1486 : vector<16xf32> to vector<1x16xf32>
        tpu.vector_store %arg11[%swap3A_1487, %swap3A_1488], %swap3A_1491 {strides = array<i32>} : memref<160x128xf32, #tpu.memory_space<vmem>>, vector<1x16xf32>,
        %mul3A_1492 = vector.broadcast %squeeze3A_1436 : f32 to vector<16xf32>
        %mul3A_1493 = arith.mulf %bitcast_convert_type3A_1484, %mul3A_1492 : vector<16xf32>
        %swap3A_1494 = arith.index_cast %add3A_1446 : i32 to index
        %swap3A_1495 = arith.constant 48 : index
        %swap3A_1496 = tpu.vector_load %arg11[%swap3A_1494, %swap3A_1495] {strides = array<i32>} : memref<160x128xf32, #tpu.memory_space<vmem>>, vector<1x16xf32>,
        %swap3A_1497 = vector.shape_cast %swap3A_1496 : vector<1x16xf32> to vector<16xf32>
        %swap3A_1498 = vector.shape_cast %mul3A_1493 : vector<16xf32> to vector<1x16xf32>
        tpu.vector_store %arg11[%swap3A_1494, %swap3A_1495], %swap3A_1498 {strides = array<i32>} : memref<160x128xf32, #tpu.memory_space<vmem>>, vector<1x16xf32>,
        %get3A_1499 = arith.index_cast %add3A_1443 : i32 to index
        %get3A_1500 = arith.constant 32 : index
        %get3A_1501 = tpu.vector_load %arg10[%get3A_1499, %get3A_1500] {strides = array<i32>} : memref<400x64xi32, #tpu.memory_space<vmem>>, vector<1x16xi32>,
        %get3A_1502 = vector.shape_cast %get3A_1501 : vector<1x16xi32> to vector<16xi32>
        %shift_left3A_1503 = arith.constant 16 : i32
        %shift_left3A_1504 = vector.broadcast %shift_left3A_1503 : i32 to vector<16xi32>
        %shift_left3A_1505 = arith.shli %get3A_1502, %shift_left3A_1504 : vector<16xi32>
        %bitcast_convert_type3A_1506 = tpu.bitcast %shift_left3A_1505 : vector<16xi32> -> vector<16xf32>
        %and3A_1507 = arith.constant -65536 : i32
        %and3A_1508 = vector.broadcast %and3A_1507 : i32 to vector<16xi32>
        %and3A_1509 = arith.andi %get3A_1502, %and3A_1508 : vector<16xi32>
        %bitcast_convert_type3A_1510 = tpu.bitcast %and3A_1509 : vector<16xi32> -> vector<16xf32>
        %mul3A_1511 = vector.broadcast %squeeze3A_1436 : f32 to vector<16xf32>
        %mul3A_1512 = arith.mulf %bitcast_convert_type3A_1506, %mul3A_1511 : vector<16xf32>
        %swap3A_1513 = arith.index_cast %add3A_1446 : i32 to index
        %swap3A_1514 = arith.constant 64 : index
        %swap3A_1515 = tpu.vector_load %arg11[%swap3A_1513, %swap3A_1514] {strides = array<i32>} : memref<160x128xf32, #tpu.memory_space<vmem>>, vector<1x16xf32>,
        %swap3A_1516 = vector.shape_cast %swap3A_1515 : vector<1x16xf32> to vector<16xf32>
        %swap3A_1517 = vector.shape_cast %mul3A_1512 : vector<16xf32> to vector<1x16xf32>
        tpu.vector_store %arg11[%swap3A_1513, %swap3A_1514], %swap3A_1517 {strides = array<i32>} : memref<160x128xf32, #tpu.memory_space<vmem>>, vector<1x16xf32>,
        %mul3A_1518 = vector.broadcast %squeeze3A_1436 : f32 to vector<16xf32>
        %mul3A_1519 = arith.mulf %bitcast_convert_type3A_1510, %mul3A_1518 : vector<16xf32>
        %swap3A_1520 = arith.index_cast %add3A_1446 : i32 to index
        %swap3A_1521 = arith.constant 80 : index
        %swap3A_1522 = tpu.vector_load %arg11[%swap3A_1520, %swap3A_1521] {strides = array<i32>} : memref<160x128xf32, #tpu.memory_space<vmem>>, vector<1x16xf32>,
        %swap3A_1523 = vector.shape_cast %swap3A_1522 : vector<1x16xf32> to vector<16xf32>
        %swap3A_1524 = vector.shape_cast %mul3A_1519 : vector<16xf32> to vector<1x16xf32>
        tpu.vector_store %arg11[%swap3A_1520, %swap3A_1521], %swap3A_1524 {strides = array<i32>} : memref<160x128xf32, #tpu.memory_space<vmem>>, vector<1x16xf32>,
        %get3A_1525 = arith.index_cast %add3A_1443 : i32 to index
        %get3A_1526 = arith.constant 48 : index
        %get3A_1527 = tpu.vector_load %arg10[%get3A_1525, %get3A_1526] {strides = array<i32>} : memref<400x64xi32, #tpu.memory_space<vmem>>, vector<1x16xi32>,
        %get3A_1528 = vector.shape_cast %get3A_1527 : vector<1x16xi32> to vector<16xi32>
        %shift_left3A_1529 = arith.constant 16 : i32
        %shift_left3A_1530 = vector.broadcast %shift_left3A_1529 : i32 to vector<16xi32>
        %shift_left3A_1531 = arith.shli %get3A_1528, %shift_left3A_1530 : vector<16xi32>
        %bitcast_convert_type3A_1532 = tpu.bitcast %shift_left3A_1531 : vector<16xi32> -> vector<16xf32>
        %and3A_1533 = arith.constant -65536 : i32
        %and3A_1534 = vector.broadcast %and3A_1533 : i32 to vector<16xi32>
        %and3A_1535 = arith.andi %get3A_1528, %and3A_1534 : vector<16xi32>
        %bitcast_convert_type3A_1536 = tpu.bitcast %and3A_1535 : vector<16xi32> -> vector<16xf32>
        %mul3A_1537 = vector.broadcast %squeeze3A_1436 : f32 to vector<16xf32>
        %mul3A_1538 = arith.mulf %bitcast_convert_type3A_1532, %mul3A_1537 : vector<16xf32>
        %swap3A_1539 = arith.index_cast %add3A_1446 : i32 to index
        %swap3A_1540 = arith.constant 96 : index
        %swap3A_1541 = tpu.vector_load %arg11[%swap3A_1539, %swap3A_1540] {strides = array<i32>} : memref<160x128xf32, #tpu.memory_space<vmem>>, vector<1x16xf32>,
        %swap3A_1542 = vector.shape_cast %swap3A_1541 : vector<1x16xf32> to vector<16xf32>
        %swap3A_1543 = vector.shape_cast %mul3A_1538 : vector<16xf32> to vector<1x16xf32>
        tpu.vector_store %arg11[%swap3A_1539, %swap3A_1540], %swap3A_1543 {strides = array<i32>} : memref<160x128xf32, #tpu.memory_space<vmem>>, vector<1x16xf32>,
        %mul3A_1544 = vector.broadcast %squeeze3A_1436 : f32 to vector<16xf32>
        %mul3A_1545 = arith.mulf %bitcast_convert_type3A_1536, %mul3A_1544 : vector<16xf32>
        %swap3A_1546 = arith.index_cast %add3A_1446 : i32 to index
        %swap3A_1547 = arith.constant 112 : index
        %swap3A_1548 = tpu.vector_load %arg11[%swap3A_1546, %swap3A_1547] {strides = array<i32>} : memref<160x128xf32, #tpu.memory_space<vmem>>, vector<1x16xf32>,
        %swap3A_1549 = vector.shape_cast %swap3A_1548 : vector<1x16xf32> to vector<16xf32>
        %swap3A_1550 = vector.shape_cast %mul3A_1545 : vector<16xf32> to vector<1x16xf32>
        tpu.vector_store %arg11[%swap3A_1546, %swap3A_1547], %swap3A_1550 {strides = array<i32>} : memref<160x128xf32, #tpu.memory_space<vmem>>, vector<1x16xf32>,
        %slice3A_1551 = vector.extract_strided_slice %get3A_628 {offsets = [8], sizes = [1], strides = [1]} : vector<16xf32> to vector<1xf32>
        %squeeze3A_1552 = vector.extract %slice3A_1551[0] : f32 from vector<1xf32>
        %mul3A_1553 = arith.constant 16 : i32
        %mul3A_1554 = arith.muli %scan3A_623, %mul3A_1553 : i32
        %add3A_1555 = arith.constant 8 : i32
        %add3A_1556 = arith.addi %mul3A_1554, %add3A_1555 : i32
        %mul3A_1557 = arith.constant 80 : i32
        %mul3A_1558 = arith.muli %rem3A_563, %mul3A_1557 : i32
        %add3A_1559 = arith.addi %mul3A_1558, %add3A_1556 : i32
        %mul3A_1560 = arith.constant 80 : i32
        %mul3A_1561 = arith.muli %rem3A_565, %mul3A_1560 : i32
        %add3A_1562 = arith.addi %mul3A_1561, %add3A_1556 : i32
        %get3A_1563 = arith.index_cast %add3A_1559 : i32 to index
        %get3A_1564 = arith.constant 0 : index
        %get3A_1565 = tpu.vector_load %arg10[%get3A_1563, %get3A_1564] {strides = array<i32>} : memref<400x64xi32, #tpu.memory_space<vmem>>, vector<1x16xi32>,
        %get3A_1566 = vector.shape_cast %get3A_1565 : vector<1x16xi32> to vector<16xi32>
        %shift_left3A_1567 = arith.constant 16 : i32
        %shift_left3A_1568 = vector.broadcast %shift_left3A_1567 : i32 to vector<16xi32>
        %shift_left3A_1569 = arith.shli %get3A_1566, %shift_left3A_1568 : vector<16xi32>
        %bitcast_convert_type3A_1570 = tpu.bitcast %shift_left3A_1569 : vector<16xi32> -> vector<16xf32>
        %and3A_1571 = arith.constant -65536 : i32
        %and3A_1572 = vector.broadcast %and3A_1571 : i32 to vector<16xi32>
        %and3A_1573 = arith.andi %get3A_1566, %and3A_1572 : vector<16xi32>
        %bitcast_convert_type3A_1574 = tpu.bitcast %and3A_1573 : vector<16xi32> -> vector<16xf32>
        %mul3A_1575 = vector.broadcast %squeeze3A_1552 : f32 to vector<16xf32>
        %mul3A_1576 = arith.mulf %bitcast_convert_type3A_1570, %mul3A_1575 : vector<16xf32>
        %swap3A_1577 = arith.index_cast %add3A_1562 : i32 to index
        %swap3A_1578 = arith.constant 0 : index
        %swap3A_1579 = tpu.vector_load %arg11[%swap3A_1577, %swap3A_1578] {strides = array<i32>} : memref<160x128xf32, #tpu.memory_space<vmem>>, vector<1x16xf32>,
        %swap3A_1580 = vector.shape_cast %swap3A_1579 : vector<1x16xf32> to vector<16xf32>
        %swap3A_1581 = vector.shape_cast %mul3A_1576 : vector<16xf32> to vector<1x16xf32>
        tpu.vector_store %arg11[%swap3A_1577, %swap3A_1578], %swap3A_1581 {strides = array<i32>} : memref<160x128xf32, #tpu.memory_space<vmem>>, vector<1x16xf32>,
        %mul3A_1582 = vector.broadcast %squeeze3A_1552 : f32 to vector<16xf32>
        %mul3A_1583 = arith.mulf %bitcast_convert_type3A_1574, %mul3A_1582 : vector<16xf32>
        %swap3A_1584 = arith.index_cast %add3A_1562 : i32 to index
        %swap3A_1585 = arith.constant 16 : index
        %swap3A_1586 = tpu.vector_load %arg11[%swap3A_1584, %swap3A_1585] {strides = array<i32>} : memref<160x128xf32, #tpu.memory_space<vmem>>, vector<1x16xf32>,
        %swap3A_1587 = vector.shape_cast %swap3A_1586 : vector<1x16xf32> to vector<16xf32>
        %swap3A_1588 = vector.shape_cast %mul3A_1583 : vector<16xf32> to vector<1x16xf32>
        tpu.vector_store %arg11[%swap3A_1584, %swap3A_1585], %swap3A_1588 {strides = array<i32>} : memref<160x128xf32, #tpu.memory_space<vmem>>, vector<1x16xf32>,
        %get3A_1589 = arith.index_cast %add3A_1559 : i32 to index
        %get3A_1590 = arith.constant 16 : index
        %get3A_1591 = tpu.vector_load %arg10[%get3A_1589, %get3A_1590] {strides = array<i32>} : memref<400x64xi32, #tpu.memory_space<vmem>>, vector<1x16xi32>,
        %get3A_1592 = vector.shape_cast %get3A_1591 : vector<1x16xi32> to vector<16xi32>
        %shift_left3A_1593 = arith.constant 16 : i32
        %shift_left3A_1594 = vector.broadcast %shift_left3A_1593 : i32 to vector<16xi32>
        %shift_left3A_1595 = arith.shli %get3A_1592, %shift_left3A_1594 : vector<16xi32>
        %bitcast_convert_type3A_1596 = tpu.bitcast %shift_left3A_1595 : vector<16xi32> -> vector<16xf32>
        %and3A_1597 = arith.constant -65536 : i32
        %and3A_1598 = vector.broadcast %and3A_1597 : i32 to vector<16xi32>
        %and3A_1599 = arith.andi %get3A_1592, %and3A_1598 : vector<16xi32>
        %bitcast_convert_type3A_1600 = tpu.bitcast %and3A_1599 : vector<16xi32> -> vector<16xf32>
        %mul3A_1601 = vector.broadcast %squeeze3A_1552 : f32 to vector<16xf32>
        %mul3A_1602 = arith.mulf %bitcast_convert_type3A_1596, %mul3A_1601 : vector<16xf32>
        %swap3A_1603 = arith.index_cast %add3A_1562 : i32 to index
        %swap3A_1604 = arith.constant 32 : index
        %swap3A_1605 = tpu.vector_load %arg11[%swap3A_1603, %swap3A_1604] {strides = array<i32>} : memref<160x128xf32, #tpu.memory_space<vmem>>, vector<1x16xf32>,
        %swap3A_1606 = vector.shape_cast %swap3A_1605 : vector<1x16xf32> to vector<16xf32>
        %swap3A_1607 = vector.shape_cast %mul3A_1602 : vector<16xf32> to vector<1x16xf32>
        tpu.vector_store %arg11[%swap3A_1603, %swap3A_1604], %swap3A_1607 {strides = array<i32>} : memref<160x128xf32, #tpu.memory_space<vmem>>, vector<1x16xf32>,
        %mul3A_1608 = vector.broadcast %squeeze3A_1552 : f32 to vector<16xf32>
        %mul3A_1609 = arith.mulf %bitcast_convert_type3A_1600, %mul3A_1608 : vector<16xf32>
        %swap3A_1610 = arith.index_cast %add3A_1562 : i32 to index
        %swap3A_1611 = arith.constant 48 : index
        %swap3A_1612 = tpu.vector_load %arg11[%swap3A_1610, %swap3A_1611] {strides = array<i32>} : memref<160x128xf32, #tpu.memory_space<vmem>>, vector<1x16xf32>,
        %swap3A_1613 = vector.shape_cast %swap3A_1612 : vector<1x16xf32> to vector<16xf32>
        %swap3A_1614 = vector.shape_cast %mul3A_1609 : vector<16xf32> to vector<1x16xf32>
        tpu.vector_store %arg11[%swap3A_1610, %swap3A_1611], %swap3A_1614 {strides = array<i32>} : memref<160x128xf32, #tpu.memory_space<vmem>>, vector<1x16xf32>,
        %get3A_1615 = arith.index_cast %add3A_1559 : i32 to index
        %get3A_1616 = arith.constant 32 : index
        %get3A_1617 = tpu.vector_load %arg10[%get3A_1615, %get3A_1616] {strides = array<i32>} : memref<400x64xi32, #tpu.memory_space<vmem>>, vector<1x16xi32>,
        %get3A_1618 = vector.shape_cast %get3A_1617 : vector<1x16xi32> to vector<16xi32>
        %shift_left3A_1619 = arith.constant 16 : i32
        %shift_left3A_1620 = vector.broadcast %shift_left3A_1619 : i32 to vector<16xi32>
        %shift_left3A_1621 = arith.shli %get3A_1618, %shift_left3A_1620 : vector<16xi32>
        %bitcast_convert_type3A_1622 = tpu.bitcast %shift_left3A_1621 : vector<16xi32> -> vector<16xf32>
        %and3A_1623 = arith.constant -65536 : i32
        %and3A_1624 = vector.broadcast %and3A_1623 : i32 to vector<16xi32>
        %and3A_1625 = arith.andi %get3A_1618, %and3A_1624 : vector<16xi32>
        %bitcast_convert_type3A_1626 = tpu.bitcast %and3A_1625 : vector<16xi32> -> vector<16xf32>
        %mul3A_1627 = vector.broadcast %squeeze3A_1552 : f32 to vector<16xf32>
        %mul3A_1628 = arith.mulf %bitcast_convert_type3A_1622, %mul3A_1627 : vector<16xf32>
        %swap3A_1629 = arith.index_cast %add3A_1562 : i32 to index
        %swap3A_1630 = arith.constant 64 : index
        %swap3A_1631 = tpu.vector_load %arg11[%swap3A_1629, %swap3A_1630] {strides = array<i32>} : memref<160x128xf32, #tpu.memory_space<vmem>>, vector<1x16xf32>,
        %swap3A_1632 = vector.shape_cast %swap3A_1631 : vector<1x16xf32> to vector<16xf32>
        %swap3A_1633 = vector.shape_cast %mul3A_1628 : vector<16xf32> to vector<1x16xf32>
        tpu.vector_store %arg11[%swap3A_1629, %swap3A_1630], %swap3A_1633 {strides = array<i32>} : memref<160x128xf32, #tpu.memory_space<vmem>>, vector<1x16xf32>,
        %mul3A_1634 = vector.broadcast %squeeze3A_1552 : f32 to vector<16xf32>
        %mul3A_1635 = arith.mulf %bitcast_convert_type3A_1626, %mul3A_1634 : vector<16xf32>
        %swap3A_1636 = arith.index_cast %add3A_1562 : i32 to index
        %swap3A_1637 = arith.constant 80 : index
        %swap3A_1638 = tpu.vector_load %arg11[%swap3A_1636, %swap3A_1637] {strides = array<i32>} : memref<160x128xf32, #tpu.memory_space<vmem>>, vector<1x16xf32>,
        %swap3A_1639 = vector.shape_cast %swap3A_1638 : vector<1x16xf32> to vector<16xf32>
        %swap3A_1640 = vector.shape_cast %mul3A_1635 : vector<16xf32> to vector<1x16xf32>
        tpu.vector_store %arg11[%swap3A_1636, %swap3A_1637], %swap3A_1640 {strides = array<i32>} : memref<160x128xf32, #tpu.memory_space<vmem>>, vector<1x16xf32>,
        %get3A_1641 = arith.index_cast %add3A_1559 : i32 to index
        %get3A_1642 = arith.constant 48 : index
        %get3A_1643 = tpu.vector_load %arg10[%get3A_1641, %get3A_1642] {strides = array<i32>} : memref<400x64xi32, #tpu.memory_space<vmem>>, vector<1x16xi32>,
        %get3A_1644 = vector.shape_cast %get3A_1643 : vector<1x16xi32> to vector<16xi32>
        %shift_left3A_1645 = arith.constant 16 : i32
        %shift_left3A_1646 = vector.broadcast %shift_left3A_1645 : i32 to vector<16xi32>
        %shift_left3A_1647 = arith.shli %get3A_1644, %shift_left3A_1646 : vector<16xi32>
        %bitcast_convert_type3A_1648 = tpu.bitcast %shift_left3A_1647 : vector<16xi32> -> vector<16xf32>
        %and3A_1649 = arith.constant -65536 : i32
        %and3A_1650 = vector.broadcast %and3A_1649 : i32 to vector<16xi32>
        %and3A_1651 = arith.andi %get3A_1644, %and3A_1650 : vector<16xi32>
        %bitcast_convert_type3A_1652 = tpu.bitcast %and3A_1651 : vector<16xi32> -> vector<16xf32>
        %mul3A_1653 = vector.broadcast %squeeze3A_1552 : f32 to vector<16xf32>
        %mul3A_1654 = arith.mulf %bitcast_convert_type3A_1648, %mul3A_1653 : vector<16xf32>
        %swap3A_1655 = arith.index_cast %add3A_1562 : i32 to index
        %swap3A_1656 = arith.constant 96 : index
        %swap3A_1657 = tpu.vector_load %arg11[%swap3A_1655, %swap3A_1656] {strides = array<i32>} : memref<160x128xf32, #tpu.memory_space<vmem>>, vector<1x16xf32>,
        %swap3A_1658 = vector.shape_cast %swap3A_1657 : vector<1x16xf32> to vector<16xf32>
        %swap3A_1659 = vector.shape_cast %mul3A_1654 : vector<16xf32> to vector<1x16xf32>
        tpu.vector_store %arg11[%swap3A_1655, %swap3A_1656], %swap3A_1659 {strides = array<i32>} : memref<160x128xf32, #tpu.memory_space<vmem>>, vector<1x16xf32>,
        %mul3A_1660 = vector.broadcast %squeeze3A_1552 : f32 to vector<16xf32>
        %mul3A_1661 = arith.mulf %bitcast_convert_type3A_1652, %mul3A_1660 : vector<16xf32>
        %swap3A_1662 = arith.index_cast %add3A_1562 : i32 to index
        %swap3A_1663 = arith.constant 112 : index
        %swap3A_1664 = tpu.vector_load %arg11[%swap3A_1662, %swap3A_1663] {strides = array<i32>} : memref<160x128xf32, #tpu.memory_space<vmem>>, vector<1x16xf32>,
        %swap3A_1665 = vector.shape_cast %swap3A_1664 : vector<1x16xf32> to vector<16xf32>
        %swap3A_1666 = vector.shape_cast %mul3A_1661 : vector<16xf32> to vector<1x16xf32>
        tpu.vector_store %arg11[%swap3A_1662, %swap3A_1663], %swap3A_1666 {strides = array<i32>} : memref<160x128xf32, #tpu.memory_space<vmem>>, vector<1x16xf32>,
        %slice3A_1667 = vector.extract_strided_slice %get3A_628 {offsets = [9], sizes = [1], strides = [1]} : vector<16xf32> to vector<1xf32>
        %squeeze3A_1668 = vector.extract %slice3A_1667[0] : f32 from vector<1xf32>
        %mul3A_1669 = arith.constant 16 : i32
        %mul3A_1670 = arith.muli %scan3A_623, %mul3A_1669 : i32
        %add3A_1671 = arith.constant 9 : i32
        %add3A_1672 = arith.addi %mul3A_1670, %add3A_1671 : i32
        %mul3A_1673 = arith.constant 80 : i32
        %mul3A_1674 = arith.muli %rem3A_563, %mul3A_1673 : i32
        %add3A_1675 = arith.addi %mul3A_1674, %add3A_1672 : i32
        %mul3A_1676 = arith.constant 80 : i32
        %mul3A_1677 = arith.muli %rem3A_565, %mul3A_1676 : i32
        %add3A_1678 = arith.addi %mul3A_1677, %add3A_1672 : i32
        %get3A_1679 = arith.index_cast %add3A_1675 : i32 to index
        %get3A_1680 = arith.constant 0 : index
        %get3A_1681 = tpu.vector_load %arg10[%get3A_1679, %get3A_1680] {strides = array<i32>} : memref<400x64xi32, #tpu.memory_space<vmem>>, vector<1x16xi32>,
        %get3A_1682 = vector.shape_cast %get3A_1681 : vector<1x16xi32> to vector<16xi32>
        %shift_left3A_1683 = arith.constant 16 : i32
        %shift_left3A_1684 = vector.broadcast %shift_left3A_1683 : i32 to vector<16xi32>
        %shift_left3A_1685 = arith.shli %get3A_1682, %shift_left3A_1684 : vector<16xi32>
        %bitcast_convert_type3A_1686 = tpu.bitcast %shift_left3A_1685 : vector<16xi32> -> vector<16xf32>
        %and3A_1687 = arith.constant -65536 : i32
        %and3A_1688 = vector.broadcast %and3A_1687 : i32 to vector<16xi32>
        %and3A_1689 = arith.andi %get3A_1682, %and3A_1688 : vector<16xi32>
        %bitcast_convert_type3A_1690 = tpu.bitcast %and3A_1689 : vector<16xi32> -> vector<16xf32>
        %mul3A_1691 = vector.broadcast %squeeze3A_1668 : f32 to vector<16xf32>
        %mul3A_1692 = arith.mulf %bitcast_convert_type3A_1686, %mul3A_1691 : vector<16xf32>
        %swap3A_1693 = arith.index_cast %add3A_1678 : i32 to index
        %swap3A_1694 = arith.constant 0 : index
        %swap3A_1695 = tpu.vector_load %arg11[%swap3A_1693, %swap3A_1694] {strides = array<i32>} : memref<160x128xf32, #tpu.memory_space<vmem>>, vector<1x16xf32>,
        %swap3A_1696 = vector.shape_cast %swap3A_1695 : vector<1x16xf32> to vector<16xf32>
        %swap3A_1697 = vector.shape_cast %mul3A_1692 : vector<16xf32> to vector<1x16xf32>
        tpu.vector_store %arg11[%swap3A_1693, %swap3A_1694], %swap3A_1697 {strides = array<i32>} : memref<160x128xf32, #tpu.memory_space<vmem>>, vector<1x16xf32>,
        %mul3A_1698 = vector.broadcast %squeeze3A_1668 : f32 to vector<16xf32>
        %mul3A_1699 = arith.mulf %bitcast_convert_type3A_1690, %mul3A_1698 : vector<16xf32>
        %swap3A_1700 = arith.index_cast %add3A_1678 : i32 to index
        %swap3A_1701 = arith.constant 16 : index
        %swap3A_1702 = tpu.vector_load %arg11[%swap3A_1700, %swap3A_1701] {strides = array<i32>} : memref<160x128xf32, #tpu.memory_space<vmem>>, vector<1x16xf32>,
        %swap3A_1703 = vector.shape_cast %swap3A_1702 : vector<1x16xf32> to vector<16xf32>
        %swap3A_1704 = vector.shape_cast %mul3A_1699 : vector<16xf32> to vector<1x16xf32>
        tpu.vector_store %arg11[%swap3A_1700, %swap3A_1701], %swap3A_1704 {strides = array<i32>} : memref<160x128xf32, #tpu.memory_space<vmem>>, vector<1x16xf32>,
        %get3A_1705 = arith.index_cast %add3A_1675 : i32 to index
        %get3A_1706 = arith.constant 16 : index
        %get3A_1707 = tpu.vector_load %arg10[%get3A_1705, %get3A_1706] {strides = array<i32>} : memref<400x64xi32, #tpu.memory_space<vmem>>, vector<1x16xi32>,
        %get3A_1708 = vector.shape_cast %get3A_1707 : vector<1x16xi32> to vector<16xi32>
        %shift_left3A_1709 = arith.constant 16 : i32
        %shift_left3A_1710 = vector.broadcast %shift_left3A_1709 : i32 to vector<16xi32>
        %shift_left3A_1711 = arith.shli %get3A_1708, %shift_left3A_1710 : vector<16xi32>
        %bitcast_convert_type3A_1712 = tpu.bitcast %shift_left3A_1711 : vector<16xi32> -> vector<16xf32>
        %and3A_1713 = arith.constant -65536 : i32
        %and3A_1714 = vector.broadcast %and3A_1713 : i32 to vector<16xi32>
        %and3A_1715 = arith.andi %get3A_1708, %and3A_1714 : vector<16xi32>
        %bitcast_convert_type3A_1716 = tpu.bitcast %and3A_1715 : vector<16xi32> -> vector<16xf32>
        %mul3A_1717 = vector.broadcast %squeeze3A_1668 : f32 to vector<16xf32>
        %mul3A_1718 = arith.mulf %bitcast_convert_type3A_1712, %mul3A_1717 : vector<16xf32>
        %swap3A_1719 = arith.index_cast %add3A_1678 : i32 to index
        %swap3A_1720 = arith.constant 32 : index
        %swap3A_1721 = tpu.vector_load %arg11[%swap3A_1719, %swap3A_1720] {strides = array<i32>} : memref<160x128xf32, #tpu.memory_space<vmem>>, vector<1x16xf32>,
        %swap3A_1722 = vector.shape_cast %swap3A_1721 : vector<1x16xf32> to vector<16xf32>
        %swap3A_1723 = vector.shape_cast %mul3A_1718 : vector<16xf32> to vector<1x16xf32>
        tpu.vector_store %arg11[%swap3A_1719, %swap3A_1720], %swap3A_1723 {strides = array<i32>} : memref<160x128xf32, #tpu.memory_space<vmem>>, vector<1x16xf32>,
        %mul3A_1724 = vector.broadcast %squeeze3A_1668 : f32 to vector<16xf32>
        %mul3A_1725 = arith.mulf %bitcast_convert_type3A_1716, %mul3A_1724 : vector<16xf32>
        %swap3A_1726 = arith.index_cast %add3A_1678 : i32 to index
        %swap3A_1727 = arith.constant 48 : index
        %swap3A_1728 = tpu.vector_load %arg11[%swap3A_1726, %swap3A_1727] {strides = array<i32>} : memref<160x128xf32, #tpu.memory_space<vmem>>, vector<1x16xf32>,
        %swap3A_1729 = vector.shape_cast %swap3A_1728 : vector<1x16xf32> to vector<16xf32>
        %swap3A_1730 = vector.shape_cast %mul3A_1725 : vector<16xf32> to vector<1x16xf32>
        tpu.vector_store %arg11[%swap3A_1726, %swap3A_1727], %swap3A_1730 {strides = array<i32>} : memref<160x128xf32, #tpu.memory_space<vmem>>, vector<1x16xf32>,
        %get3A_1731 = arith.index_cast %add3A_1675 : i32 to index
        %get3A_1732 = arith.constant 32 : index
        %get3A_1733 = tpu.vector_load %arg10[%get3A_1731, %get3A_1732] {strides = array<i32>} : memref<400x64xi32, #tpu.memory_space<vmem>>, vector<1x16xi32>,
        %get3A_1734 = vector.shape_cast %get3A_1733 : vector<1x16xi32> to vector<16xi32>
        %shift_left3A_1735 = arith.constant 16 : i32
        %shift_left3A_1736 = vector.broadcast %shift_left3A_1735 : i32 to vector<16xi32>
        %shift_left3A_1737 = arith.shli %get3A_1734, %shift_left3A_1736 : vector<16xi32>
        %bitcast_convert_type3A_1738 = tpu.bitcast %shift_left3A_1737 : vector<16xi32> -> vector<16xf32>
        %and3A_1739 = arith.constant -65536 : i32
        %and3A_1740 = vector.broadcast %and3A_1739 : i32 to vector<16xi32>
        %and3A_1741 = arith.andi %get3A_1734, %and3A_1740 : vector<16xi32>
        %bitcast_convert_type3A_1742 = tpu.bitcast %and3A_1741 : vector<16xi32> -> vector<16xf32>
        %mul3A_1743 = vector.broadcast %squeeze3A_1668 : f32 to vector<16xf32>
        %mul3A_1744 = arith.mulf %bitcast_convert_type3A_1738, %mul3A_1743 : vector<16xf32>
        %swap3A_1745 = arith.index_cast %add3A_1678 : i32 to index
        %swap3A_1746 = arith.constant 64 : index
        %swap3A_1747 = tpu.vector_load %arg11[%swap3A_1745, %swap3A_1746] {strides = array<i32>} : memref<160x128xf32, #tpu.memory_space<vmem>>, vector<1x16xf32>,
        %swap3A_1748 = vector.shape_cast %swap3A_1747 : vector<1x16xf32> to vector<16xf32>
        %swap3A_1749 = vector.shape_cast %mul3A_1744 : vector<16xf32> to vector<1x16xf32>
        tpu.vector_store %arg11[%swap3A_1745, %swap3A_1746], %swap3A_1749 {strides = array<i32>} : memref<160x128xf32, #tpu.memory_space<vmem>>, vector<1x16xf32>,
        %mul3A_1750 = vector.broadcast %squeeze3A_1668 : f32 to vector<16xf32>
        %mul3A_1751 = arith.mulf %bitcast_convert_type3A_1742, %mul3A_1750 : vector<16xf32>
        %swap3A_1752 = arith.index_cast %add3A_1678 : i32 to index
        %swap3A_1753 = arith.constant 80 : index
        %swap3A_1754 = tpu.vector_load %arg11[%swap3A_1752, %swap3A_1753] {strides = array<i32>} : memref<160x128xf32, #tpu.memory_space<vmem>>, vector<1x16xf32>,
        %swap3A_1755 = vector.shape_cast %swap3A_1754 : vector<1x16xf32> to vector<16xf32>
        %swap3A_1756 = vector.shape_cast %mul3A_1751 : vector<16xf32> to vector<1x16xf32>
        tpu.vector_store %arg11[%swap3A_1752, %swap3A_1753], %swap3A_1756 {strides = array<i32>} : memref<160x128xf32, #tpu.memory_space<vmem>>, vector<1x16xf32>,
        %get3A_1757 = arith.index_cast %add3A_1675 : i32 to index
        %get3A_1758 = arith.constant 48 : index
        %get3A_1759 = tpu.vector_load %arg10[%get3A_1757, %get3A_1758] {strides = array<i32>} : memref<400x64xi32, #tpu.memory_space<vmem>>, vector<1x16xi32>,
        %get3A_1760 = vector.shape_cast %get3A_1759 : vector<1x16xi32> to vector<16xi32>
        %shift_left3A_1761 = arith.constant 16 : i32
        %shift_left3A_1762 = vector.broadcast %shift_left3A_1761 : i32 to vector<16xi32>
        %shift_left3A_1763 = arith.shli %get3A_1760, %shift_left3A_1762 : vector<16xi32>
        %bitcast_convert_type3A_1764 = tpu.bitcast %shift_left3A_1763 : vector<16xi32> -> vector<16xf32>
        %and3A_1765 = arith.constant -65536 : i32
        %and3A_1766 = vector.broadcast %and3A_1765 : i32 to vector<16xi32>
        %and3A_1767 = arith.andi %get3A_1760, %and3A_1766 : vector<16xi32>
        %bitcast_convert_type3A_1768 = tpu.bitcast %and3A_1767 : vector<16xi32> -> vector<16xf32>
        %mul3A_1769 = vector.broadcast %squeeze3A_1668 : f32 to vector<16xf32>
        %mul3A_1770 = arith.mulf %bitcast_convert_type3A_1764, %mul3A_1769 : vector<16xf32>
        %swap3A_1771 = arith.index_cast %add3A_1678 : i32 to index
        %swap3A_1772 = arith.constant 96 : index
        %swap3A_1773 = tpu.vector_load %arg11[%swap3A_1771, %swap3A_1772] {strides = array<i32>} : memref<160x128xf32, #tpu.memory_space<vmem>>, vector<1x16xf32>,
        %swap3A_1774 = vector.shape_cast %swap3A_1773 : vector<1x16xf32> to vector<16xf32>
        %swap3A_1775 = vector.shape_cast %mul3A_1770 : vector<16xf32> to vector<1x16xf32>
        tpu.vector_store %arg11[%swap3A_1771, %swap3A_1772], %swap3A_1775 {strides = array<i32>} : memref<160x128xf32, #tpu.memory_space<vmem>>, vector<1x16xf32>,
        %mul3A_1776 = vector.broadcast %squeeze3A_1668 : f32 to vector<16xf32>
        %mul3A_1777 = arith.mulf %bitcast_convert_type3A_1768, %mul3A_1776 : vector<16xf32>
        %swap3A_1778 = arith.index_cast %add3A_1678 : i32 to index
        %swap3A_1779 = arith.constant 112 : index
        %swap3A_1780 = tpu.vector_load %arg11[%swap3A_1778, %swap3A_1779] {strides = array<i32>} : memref<160x128xf32, #tpu.memory_space<vmem>>, vector<1x16xf32>,
        %swap3A_1781 = vector.shape_cast %swap3A_1780 : vector<1x16xf32> to vector<16xf32>
        %swap3A_1782 = vector.shape_cast %mul3A_1777 : vector<16xf32> to vector<1x16xf32>
        tpu.vector_store %arg11[%swap3A_1778, %swap3A_1779], %swap3A_1782 {strides = array<i32>} : memref<160x128xf32, #tpu.memory_space<vmem>>, vector<1x16xf32>,
        %slice3A_1783 = vector.extract_strided_slice %get3A_628 {offsets = [10], sizes = [1], strides = [1]} : vector<16xf32> to vector<1xf32>
        %squeeze3A_1784 = vector.extract %slice3A_1783[0] : f32 from vector<1xf32>
        %mul3A_1785 = arith.constant 16 : i32
        %mul3A_1786 = arith.muli %scan3A_623, %mul3A_1785 : i32
        %add3A_1787 = arith.constant 10 : i32
        %add3A_1788 = arith.addi %mul3A_1786, %add3A_1787 : i32
        %mul3A_1789 = arith.constant 80 : i32
        %mul3A_1790 = arith.muli %rem3A_563, %mul3A_1789 : i32
        %add3A_1791 = arith.addi %mul3A_1790, %add3A_1788 : i32
        %mul3A_1792 = arith.constant 80 : i32
        %mul3A_1793 = arith.muli %rem3A_565, %mul3A_1792 : i32
        %add3A_1794 = arith.addi %mul3A_1793, %add3A_1788 : i32
        %get3A_1795 = arith.index_cast %add3A_1791 : i32 to index
        %get3A_1796 = arith.constant 0 : index
        %get3A_1797 = tpu.vector_load %arg10[%get3A_1795, %get3A_1796] {strides = array<i32>} : memref<400x64xi32, #tpu.memory_space<vmem>>, vector<1x16xi32>,
        %get3A_1798 = vector.shape_cast %get3A_1797 : vector<1x16xi32> to vector<16xi32>
        %shift_left3A_1799 = arith.constant 16 : i32
        %shift_left3A_1800 = vector.broadcast %shift_left3A_1799 : i32 to vector<16xi32>
        %shift_left3A_1801 = arith.shli %get3A_1798, %shift_left3A_1800 : vector<16xi32>
        %bitcast_convert_type3A_1802 = tpu.bitcast %shift_left3A_1801 : vector<16xi32> -> vector<16xf32>
        %and3A_1803 = arith.constant -65536 : i32
        %and3A_1804 = vector.broadcast %and3A_1803 : i32 to vector<16xi32>
        %and3A_1805 = arith.andi %get3A_1798, %and3A_1804 : vector<16xi32>
        %bitcast_convert_type3A_1806 = tpu.bitcast %and3A_1805 : vector<16xi32> -> vector<16xf32>
        %mul3A_1807 = vector.broadcast %squeeze3A_1784 : f32 to vector<16xf32>
        %mul3A_1808 = arith.mulf %bitcast_convert_type3A_1802, %mul3A_1807 : vector<16xf32>
        %swap3A_1809 = arith.index_cast %add3A_1794 : i32 to index
        %swap3A_1810 = arith.constant 0 : index
        %swap3A_1811 = tpu.vector_load %arg11[%swap3A_1809, %swap3A_1810] {strides = array<i32>} : memref<160x128xf32, #tpu.memory_space<vmem>>, vector<1x16xf32>,
        %swap3A_1812 = vector.shape_cast %swap3A_1811 : vector<1x16xf32> to vector<16xf32>
        %swap3A_1813 = vector.shape_cast %mul3A_1808 : vector<16xf32> to vector<1x16xf32>
        tpu.vector_store %arg11[%swap3A_1809, %swap3A_1810], %swap3A_1813 {strides = array<i32>} : memref<160x128xf32, #tpu.memory_space<vmem>>, vector<1x16xf32>,
        %mul3A_1814 = vector.broadcast %squeeze3A_1784 : f32 to vector<16xf32>
        %mul3A_1815 = arith.mulf %bitcast_convert_type3A_1806, %mul3A_1814 : vector<16xf32>
        %swap3A_1816 = arith.index_cast %add3A_1794 : i32 to index
        %swap3A_1817 = arith.constant 16 : index
        %swap3A_1818 = tpu.vector_load %arg11[%swap3A_1816, %swap3A_1817] {strides = array<i32>} : memref<160x128xf32, #tpu.memory_space<vmem>>, vector<1x16xf32>,
        %swap3A_1819 = vector.shape_cast %swap3A_1818 : vector<1x16xf32> to vector<16xf32>
        %swap3A_1820 = vector.shape_cast %mul3A_1815 : vector<16xf32> to vector<1x16xf32>
        tpu.vector_store %arg11[%swap3A_1816, %swap3A_1817], %swap3A_1820 {strides = array<i32>} : memref<160x128xf32, #tpu.memory_space<vmem>>, vector<1x16xf32>,
        %get3A_1821 = arith.index_cast %add3A_1791 : i32 to index
        %get3A_1822 = arith.constant 16 : index
        %get3A_1823 = tpu.vector_load %arg10[%get3A_1821, %get3A_1822] {strides = array<i32>} : memref<400x64xi32, #tpu.memory_space<vmem>>, vector<1x16xi32>,
        %get3A_1824 = vector.shape_cast %get3A_1823 : vector<1x16xi32> to vector<16xi32>
        %shift_left3A_1825 = arith.constant 16 : i32
        %shift_left3A_1826 = vector.broadcast %shift_left3A_1825 : i32 to vector<16xi32>
        %shift_left3A_1827 = arith.shli %get3A_1824, %shift_left3A_1826 : vector<16xi32>
        %bitcast_convert_type3A_1828 = tpu.bitcast %shift_left3A_1827 : vector<16xi32> -> vector<16xf32>
        %and3A_1829 = arith.constant -65536 : i32
        %and3A_1830 = vector.broadcast %and3A_1829 : i32 to vector<16xi32>
        %and3A_1831 = arith.andi %get3A_1824, %and3A_1830 : vector<16xi32>
        %bitcast_convert_type3A_1832 = tpu.bitcast %and3A_1831 : vector<16xi32> -> vector<16xf32>
        %mul3A_1833 = vector.broadcast %squeeze3A_1784 : f32 to vector<16xf32>
        %mul3A_1834 = arith.mulf %bitcast_convert_type3A_1828, %mul3A_1833 : vector<16xf32>
        %swap3A_1835 = arith.index_cast %add3A_1794 : i32 to index
        %swap3A_1836 = arith.constant 32 : index
        %swap3A_1837 = tpu.vector_load %arg11[%swap3A_1835, %swap3A_1836] {strides = array<i32>} : memref<160x128xf32, #tpu.memory_space<vmem>>, vector<1x16xf32>,
        %swap3A_1838 = vector.shape_cast %swap3A_1837 : vector<1x16xf32> to vector<16xf32>
        %swap3A_1839 = vector.shape_cast %mul3A_1834 : vector<16xf32> to vector<1x16xf32>
        tpu.vector_store %arg11[%swap3A_1835, %swap3A_1836], %swap3A_1839 {strides = array<i32>} : memref<160x128xf32, #tpu.memory_space<vmem>>, vector<1x16xf32>,
        %mul3A_1840 = vector.broadcast %squeeze3A_1784 : f32 to vector<16xf32>
        %mul3A_1841 = arith.mulf %bitcast_convert_type3A_1832, %mul3A_1840 : vector<16xf32>
        %swap3A_1842 = arith.index_cast %add3A_1794 : i32 to index
        %swap3A_1843 = arith.constant 48 : index
        %swap3A_1844 = tpu.vector_load %arg11[%swap3A_1842, %swap3A_1843] {strides = array<i32>} : memref<160x128xf32, #tpu.memory_space<vmem>>, vector<1x16xf32>,
        %swap3A_1845 = vector.shape_cast %swap3A_1844 : vector<1x16xf32> to vector<16xf32>
        %swap3A_1846 = vector.shape_cast %mul3A_1841 : vector<16xf32> to vector<1x16xf32>
        tpu.vector_store %arg11[%swap3A_1842, %swap3A_1843], %swap3A_1846 {strides = array<i32>} : memref<160x128xf32, #tpu.memory_space<vmem>>, vector<1x16xf32>,
        %get3A_1847 = arith.index_cast %add3A_1791 : i32 to index
        %get3A_1848 = arith.constant 32 : index
        %get3A_1849 = tpu.vector_load %arg10[%get3A_1847, %get3A_1848] {strides = array<i32>} : memref<400x64xi32, #tpu.memory_space<vmem>>, vector<1x16xi32>,
        %get3A_1850 = vector.shape_cast %get3A_1849 : vector<1x16xi32> to vector<16xi32>
        %shift_left3A_1851 = arith.constant 16 : i32
        %shift_left3A_1852 = vector.broadcast %shift_left3A_1851 : i32 to vector<16xi32>
        %shift_left3A_1853 = arith.shli %get3A_1850, %shift_left3A_1852 : vector<16xi32>
        %bitcast_convert_type3A_1854 = tpu.bitcast %shift_left3A_1853 : vector<16xi32> -> vector<16xf32>
        %and3A_1855 = arith.constant -65536 : i32
        %and3A_1856 = vector.broadcast %and3A_1855 : i32 to vector<16xi32>
        %and3A_1857 = arith.andi %get3A_1850, %and3A_1856 : vector<16xi32>
        %bitcast_convert_type3A_1858 = tpu.bitcast %and3A_1857 : vector<16xi32> -> vector<16xf32>
        %mul3A_1859 = vector.broadcast %squeeze3A_1784 : f32 to vector<16xf32>
        %mul3A_1860 = arith.mulf %bitcast_convert_type3A_1854, %mul3A_1859 : vector<16xf32>
        %swap3A_1861 = arith.index_cast %add3A_1794 : i32 to index
        %swap3A_1862 = arith.constant 64 : index
        %swap3A_1863 = tpu.vector_load %arg11[%swap3A_1861, %swap3A_1862] {strides = array<i32>} : memref<160x128xf32, #tpu.memory_space<vmem>>, vector<1x16xf32>,
        %swap3A_1864 = vector.shape_cast %swap3A_1863 : vector<1x16xf32> to vector<16xf32>
        %swap3A_1865 = vector.shape_cast %mul3A_1860 : vector<16xf32> to vector<1x16xf32>
        tpu.vector_store %arg11[%swap3A_1861, %swap3A_1862], %swap3A_1865 {strides = array<i32>} : memref<160x128xf32, #tpu.memory_space<vmem>>, vector<1x16xf32>,
        %mul3A_1866 = vector.broadcast %squeeze3A_1784 : f32 to vector<16xf32>
        %mul3A_1867 = arith.mulf %bitcast_convert_type3A_1858, %mul3A_1866 : vector<16xf32>
        %swap3A_1868 = arith.index_cast %add3A_1794 : i32 to index
        %swap3A_1869 = arith.constant 80 : index
        %swap3A_1870 = tpu.vector_load %arg11[%swap3A_1868, %swap3A_1869] {strides = array<i32>} : memref<160x128xf32, #tpu.memory_space<vmem>>, vector<1x16xf32>,
        %swap3A_1871 = vector.shape_cast %swap3A_1870 : vector<1x16xf32> to vector<16xf32>
        %swap3A_1872 = vector.shape_cast %mul3A_1867 : vector<16xf32> to vector<1x16xf32>
        tpu.vector_store %arg11[%swap3A_1868, %swap3A_1869], %swap3A_1872 {strides = array<i32>} : memref<160x128xf32, #tpu.memory_space<vmem>>, vector<1x16xf32>,
        %get3A_1873 = arith.index_cast %add3A_1791 : i32 to index
        %get3A_1874 = arith.constant 48 : index
        %get3A_1875 = tpu.vector_load %arg10[%get3A_1873, %get3A_1874] {strides = array<i32>} : memref<400x64xi32, #tpu.memory_space<vmem>>, vector<1x16xi32>,
        %get3A_1876 = vector.shape_cast %get3A_1875 : vector<1x16xi32> to vector<16xi32>
        %shift_left3A_1877 = arith.constant 16 : i32
        %shift_left3A_1878 = vector.broadcast %shift_left3A_1877 : i32 to vector<16xi32>
        %shift_left3A_1879 = arith.shli %get3A_1876, %shift_left3A_1878 : vector<16xi32>
        %bitcast_convert_type3A_1880 = tpu.bitcast %shift_left3A_1879 : vector<16xi32> -> vector<16xf32>
        %and3A_1881 = arith.constant -65536 : i32
        %and3A_1882 = vector.broadcast %and3A_1881 : i32 to vector<16xi32>
        %and3A_1883 = arith.andi %get3A_1876, %and3A_1882 : vector<16xi32>
        %bitcast_convert_type3A_1884 = tpu.bitcast %and3A_1883 : vector<16xi32> -> vector<16xf32>
        %mul3A_1885 = vector.broadcast %squeeze3A_1784 : f32 to vector<16xf32>
        %mul3A_1886 = arith.mulf %bitcast_convert_type3A_1880, %mul3A_1885 : vector<16xf32>
        %swap3A_1887 = arith.index_cast %add3A_1794 : i32 to index
        %swap3A_1888 = arith.constant 96 : index
        %swap3A_1889 = tpu.vector_load %arg11[%swap3A_1887, %swap3A_1888] {strides = array<i32>} : memref<160x128xf32, #tpu.memory_space<vmem>>, vector<1x16xf32>,
        %swap3A_1890 = vector.shape_cast %swap3A_1889 : vector<1x16xf32> to vector<16xf32>
        %swap3A_1891 = vector.shape_cast %mul3A_1886 : vector<16xf32> to vector<1x16xf32>
        tpu.vector_store %arg11[%swap3A_1887, %swap3A_1888], %swap3A_1891 {strides = array<i32>} : memref<160x128xf32, #tpu.memory_space<vmem>>, vector<1x16xf32>,
        %mul3A_1892 = vector.broadcast %squeeze3A_1784 : f32 to vector<16xf32>
        %mul3A_1893 = arith.mulf %bitcast_convert_type3A_1884, %mul3A_1892 : vector<16xf32>
        %swap3A_1894 = arith.index_cast %add3A_1794 : i32 to index
        %swap3A_1895 = arith.constant 112 : index
        %swap3A_1896 = tpu.vector_load %arg11[%swap3A_1894, %swap3A_1895] {strides = array<i32>} : memref<160x128xf32, #tpu.memory_space<vmem>>, vector<1x16xf32>,
        %swap3A_1897 = vector.shape_cast %swap3A_1896 : vector<1x16xf32> to vector<16xf32>
        %swap3A_1898 = vector.shape_cast %mul3A_1893 : vector<16xf32> to vector<1x16xf32>
        tpu.vector_store %arg11[%swap3A_1894, %swap3A_1895], %swap3A_1898 {strides = array<i32>} : memref<160x128xf32, #tpu.memory_space<vmem>>, vector<1x16xf32>,
        %slice3A_1899 = vector.extract_strided_slice %get3A_628 {offsets = [11], sizes = [1], strides = [1]} : vector<16xf32> to vector<1xf32>
        %squeeze3A_1900 = vector.extract %slice3A_1899[0] : f32 from vector<1xf32>
        %mul3A_1901 = arith.constant 16 : i32
        %mul3A_1902 = arith.muli %scan3A_623, %mul3A_1901 : i32
        %add3A_1903 = arith.constant 11 : i32
        %add3A_1904 = arith.addi %mul3A_1902, %add3A_1903 : i32
        %mul3A_1905 = arith.constant 80 : i32
        %mul3A_1906 = arith.muli %rem3A_563, %mul3A_1905 : i32
        %add3A_1907 = arith.addi %mul3A_1906, %add3A_1904 : i32
        %mul3A_1908 = arith.constant 80 : i32
        %mul3A_1909 = arith.muli %rem3A_565, %mul3A_1908 : i32
        %add3A_1910 = arith.addi %mul3A_1909, %add3A_1904 : i32
        %get3A_1911 = arith.index_cast %add3A_1907 : i32 to index
        %get3A_1912 = arith.constant 0 : index
        %get3A_1913 = tpu.vector_load %arg10[%get3A_1911, %get3A_1912] {strides = array<i32>} : memref<400x64xi32, #tpu.memory_space<vmem>>, vector<1x16xi32>,
        %get3A_1914 = vector.shape_cast %get3A_1913 : vector<1x16xi32> to vector<16xi32>
        %shift_left3A_1915 = arith.constant 16 : i32
        %shift_left3A_1916 = vector.broadcast %shift_left3A_1915 : i32 to vector<16xi32>
        %shift_left3A_1917 = arith.shli %get3A_1914, %shift_left3A_1916 : vector<16xi32>
        %bitcast_convert_type3A_1918 = tpu.bitcast %shift_left3A_1917 : vector<16xi32> -> vector<16xf32>
        %and3A_1919 = arith.constant -65536 : i32
        %and3A_1920 = vector.broadcast %and3A_1919 : i32 to vector<16xi32>
        %and3A_1921 = arith.andi %get3A_1914, %and3A_1920 : vector<16xi32>
        %bitcast_convert_type3A_1922 = tpu.bitcast %and3A_1921 : vector<16xi32> -> vector<16xf32>
        %mul3A_1923 = vector.broadcast %squeeze3A_1900 : f32 to vector<16xf32>
        %mul3A_1924 = arith.mulf %bitcast_convert_type3A_1918, %mul3A_1923 : vector<16xf32>
        %swap3A_1925 = arith.index_cast %add3A_1910 : i32 to index
        %swap3A_1926 = arith.constant 0 : index
        %swap3A_1927 = tpu.vector_load %arg11[%swap3A_1925, %swap3A_1926] {strides = array<i32>} : memref<160x128xf32, #tpu.memory_space<vmem>>, vector<1x16xf32>,
        %swap3A_1928 = vector.shape_cast %swap3A_1927 : vector<1x16xf32> to vector<16xf32>
        %swap3A_1929 = vector.shape_cast %mul3A_1924 : vector<16xf32> to vector<1x16xf32>
        tpu.vector_store %arg11[%swap3A_1925, %swap3A_1926], %swap3A_1929 {strides = array<i32>} : memref<160x128xf32, #tpu.memory_space<vmem>>, vector<1x16xf32>,
        %mul3A_1930 = vector.broadcast %squeeze3A_1900 : f32 to vector<16xf32>
        %mul3A_1931 = arith.mulf %bitcast_convert_type3A_1922, %mul3A_1930 : vector<16xf32>
        %swap3A_1932 = arith.index_cast %add3A_1910 : i32 to index
        %swap3A_1933 = arith.constant 16 : index
        %swap3A_1934 = tpu.vector_load %arg11[%swap3A_1932, %swap3A_1933] {strides = array<i32>} : memref<160x128xf32, #tpu.memory_space<vmem>>, vector<1x16xf32>,
        %swap3A_1935 = vector.shape_cast %swap3A_1934 : vector<1x16xf32> to vector<16xf32>
        %swap3A_1936 = vector.shape_cast %mul3A_1931 : vector<16xf32> to vector<1x16xf32>
        tpu.vector_store %arg11[%swap3A_1932, %swap3A_1933], %swap3A_1936 {strides = array<i32>} : memref<160x128xf32, #tpu.memory_space<vmem>>, vector<1x16xf32>,
        %get3A_1937 = arith.index_cast %add3A_1907 : i32 to index
        %get3A_1938 = arith.constant 16 : index
        %get3A_1939 = tpu.vector_load %arg10[%get3A_1937, %get3A_1938] {strides = array<i32>} : memref<400x64xi32, #tpu.memory_space<vmem>>, vector<1x16xi32>,
        %get3A_1940 = vector.shape_cast %get3A_1939 : vector<1x16xi32> to vector<16xi32>
        %shift_left3A_1941 = arith.constant 16 : i32
        %shift_left3A_1942 = vector.broadcast %shift_left3A_1941 : i32 to vector<16xi32>
        %shift_left3A_1943 = arith.shli %get3A_1940, %shift_left3A_1942 : vector<16xi32>
        %bitcast_convert_type3A_1944 = tpu.bitcast %shift_left3A_1943 : vector<16xi32> -> vector<16xf32>
        %and3A_1945 = arith.constant -65536 : i32
        %and3A_1946 = vector.broadcast %and3A_1945 : i32 to vector<16xi32>
        %and3A_1947 = arith.andi %get3A_1940, %and3A_1946 : vector<16xi32>
        %bitcast_convert_type3A_1948 = tpu.bitcast %and3A_1947 : vector<16xi32> -> vector<16xf32>
        %mul3A_1949 = vector.broadcast %squeeze3A_1900 : f32 to vector<16xf32>
        %mul3A_1950 = arith.mulf %bitcast_convert_type3A_1944, %mul3A_1949 : vector<16xf32>
        %swap3A_1951 = arith.index_cast %add3A_1910 : i32 to index
        %swap3A_1952 = arith.constant 32 : index
        %swap3A_1953 = tpu.vector_load %arg11[%swap3A_1951, %swap3A_1952] {strides = array<i32>} : memref<160x128xf32, #tpu.memory_space<vmem>>, vector<1x16xf32>,
        %swap3A_1954 = vector.shape_cast %swap3A_1953 : vector<1x16xf32> to vector<16xf32>
        %swap3A_1955 = vector.shape_cast %mul3A_1950 : vector<16xf32> to vector<1x16xf32>
        tpu.vector_store %arg11[%swap3A_1951, %swap3A_1952], %swap3A_1955 {strides = array<i32>} : memref<160x128xf32, #tpu.memory_space<vmem>>, vector<1x16xf32>,
        %mul3A_1956 = vector.broadcast %squeeze3A_1900 : f32 to vector<16xf32>
        %mul3A_1957 = arith.mulf %bitcast_convert_type3A_1948, %mul3A_1956 : vector<16xf32>
        %swap3A_1958 = arith.index_cast %add3A_1910 : i32 to index
        %swap3A_1959 = arith.constant 48 : index
        %swap3A_1960 = tpu.vector_load %arg11[%swap3A_1958, %swap3A_1959] {strides = array<i32>} : memref<160x128xf32, #tpu.memory_space<vmem>>, vector<1x16xf32>,
        %swap3A_1961 = vector.shape_cast %swap3A_1960 : vector<1x16xf32> to vector<16xf32>
        %swap3A_1962 = vector.shape_cast %mul3A_1957 : vector<16xf32> to vector<1x16xf32>
        tpu.vector_store %arg11[%swap3A_1958, %swap3A_1959], %swap3A_1962 {strides = array<i32>} : memref<160x128xf32, #tpu.memory_space<vmem>>, vector<1x16xf32>,
        %get3A_1963 = arith.index_cast %add3A_1907 : i32 to index
        %get3A_1964 = arith.constant 32 : index
        %get3A_1965 = tpu.vector_load %arg10[%get3A_1963, %get3A_1964] {strides = array<i32>} : memref<400x64xi32, #tpu.memory_space<vmem>>, vector<1x16xi32>,
        %get3A_1966 = vector.shape_cast %get3A_1965 : vector<1x16xi32> to vector<16xi32>
        %shift_left3A_1967 = arith.constant 16 : i32
        %shift_left3A_1968 = vector.broadcast %shift_left3A_1967 : i32 to vector<16xi32>
        %shift_left3A_1969 = arith.shli %get3A_1966, %shift_left3A_1968 : vector<16xi32>
        %bitcast_convert_type3A_1970 = tpu.bitcast %shift_left3A_1969 : vector<16xi32> -> vector<16xf32>
        %and3A_1971 = arith.constant -65536 : i32
        %and3A_1972 = vector.broadcast %and3A_1971 : i32 to vector<16xi32>
        %and3A_1973 = arith.andi %get3A_1966, %and3A_1972 : vector<16xi32>
        %bitcast_convert_type3A_1974 = tpu.bitcast %and3A_1973 : vector<16xi32> -> vector<16xf32>
        %mul3A_1975 = vector.broadcast %squeeze3A_1900 : f32 to vector<16xf32>
        %mul3A_1976 = arith.mulf %bitcast_convert_type3A_1970, %mul3A_1975 : vector<16xf32>
        %swap3A_1977 = arith.index_cast %add3A_1910 : i32 to index
        %swap3A_1978 = arith.constant 64 : index
        %swap3A_1979 = tpu.vector_load %arg11[%swap3A_1977, %swap3A_1978] {strides = array<i32>} : memref<160x128xf32, #tpu.memory_space<vmem>>, vector<1x16xf32>,
        %swap3A_1980 = vector.shape_cast %swap3A_1979 : vector<1x16xf32> to vector<16xf32>
        %swap3A_1981 = vector.shape_cast %mul3A_1976 : vector<16xf32> to vector<1x16xf32>
        tpu.vector_store %arg11[%swap3A_1977, %swap3A_1978], %swap3A_1981 {strides = array<i32>} : memref<160x128xf32, #tpu.memory_space<vmem>>, vector<1x16xf32>,
        %mul3A_1982 = vector.broadcast %squeeze3A_1900 : f32 to vector<16xf32>
        %mul3A_1983 = arith.mulf %bitcast_convert_type3A_1974, %mul3A_1982 : vector<16xf32>
        %swap3A_1984 = arith.index_cast %add3A_1910 : i32 to index
        %swap3A_1985 = arith.constant 80 : index
        %swap3A_1986 = tpu.vector_load %arg11[%swap3A_1984, %swap3A_1985] {strides = array<i32>} : memref<160x128xf32, #tpu.memory_space<vmem>>, vector<1x16xf32>,
        %swap3A_1987 = vector.shape_cast %swap3A_1986 : vector<1x16xf32> to vector<16xf32>
        %swap3A_1988 = vector.shape_cast %mul3A_1983 : vector<16xf32> to vector<1x16xf32>
        tpu.vector_store %arg11[%swap3A_1984, %swap3A_1985], %swap3A_1988 {strides = array<i32>} : memref<160x128xf32, #tpu.memory_space<vmem>>, vector<1x16xf32>,
        %get3A_1989 = arith.index_cast %add3A_1907 : i32 to index
        %get3A_1990 = arith.constant 48 : index
        %get3A_1991 = tpu.vector_load %arg10[%get3A_1989, %get3A_1990] {strides = array<i32>} : memref<400x64xi32, #tpu.memory_space<vmem>>, vector<1x16xi32>,
        %get3A_1992 = vector.shape_cast %get3A_1991 : vector<1x16xi32> to vector<16xi32>
        %shift_left3A_1993 = arith.constant 16 : i32
        %shift_left3A_1994 = vector.broadcast %shift_left3A_1993 : i32 to vector<16xi32>
        %shift_left3A_1995 = arith.shli %get3A_1992, %shift_left3A_1994 : vector<16xi32>
        %bitcast_convert_type3A_1996 = tpu.bitcast %shift_left3A_1995 : vector<16xi32> -> vector<16xf32>
        %and3A_1997 = arith.constant -65536 : i32
        %and3A_1998 = vector.broadcast %and3A_1997 : i32 to vector<16xi32>
        %and3A_1999 = arith.andi %get3A_1992, %and3A_1998 : vector<16xi32>
        %bitcast_convert_type3A_2000 = tpu.bitcast %and3A_1999 : vector<16xi32> -> vector<16xf32>
        %mul3A_2001 = vector.broadcast %squeeze3A_1900 : f32 to vector<16xf32>
        %mul3A_2002 = arith.mulf %bitcast_convert_type3A_1996, %mul3A_2001 : vector<16xf32>
        %swap3A_2003 = arith.index_cast %add3A_1910 : i32 to index
        %swap3A_2004 = arith.constant 96 : index
        %swap3A_2005 = tpu.vector_load %arg11[%swap3A_2003, %swap3A_2004] {strides = array<i32>} : memref<160x128xf32, #tpu.memory_space<vmem>>, vector<1x16xf32>,
        %swap3A_2006 = vector.shape_cast %swap3A_2005 : vector<1x16xf32> to vector<16xf32>
        %swap3A_2007 = vector.shape_cast %mul3A_2002 : vector<16xf32> to vector<1x16xf32>
        tpu.vector_store %arg11[%swap3A_2003, %swap3A_2004], %swap3A_2007 {strides = array<i32>} : memref<160x128xf32, #tpu.memory_space<vmem>>, vector<1x16xf32>,
        %mul3A_2008 = vector.broadcast %squeeze3A_1900 : f32 to vector<16xf32>
        %mul3A_2009 = arith.mulf %bitcast_convert_type3A_2000, %mul3A_2008 : vector<16xf32>
        %swap3A_2010 = arith.index_cast %add3A_1910 : i32 to index
        %swap3A_2011 = arith.constant 112 : index
        %swap3A_2012 = tpu.vector_load %arg11[%swap3A_2010, %swap3A_2011] {strides = array<i32>} : memref<160x128xf32, #tpu.memory_space<vmem>>, vector<1x16xf32>,
        %swap3A_2013 = vector.shape_cast %swap3A_2012 : vector<1x16xf32> to vector<16xf32>
        %swap3A_2014 = vector.shape_cast %mul3A_2009 : vector<16xf32> to vector<1x16xf32>
        tpu.vector_store %arg11[%swap3A_2010, %swap3A_2011], %swap3A_2014 {strides = array<i32>} : memref<160x128xf32, #tpu.memory_space<vmem>>, vector<1x16xf32>,
        %slice3A_2015 = vector.extract_strided_slice %get3A_628 {offsets = [12], sizes = [1], strides = [1]} : vector<16xf32> to vector<1xf32>
        %squeeze3A_2016 = vector.extract %slice3A_2015[0] : f32 from vector<1xf32>
        %mul3A_2017 = arith.constant 16 : i32
        %mul3A_2018 = arith.muli %scan3A_623, %mul3A_2017 : i32
        %add3A_2019 = arith.constant 12 : i32
        %add3A_2020 = arith.addi %mul3A_2018, %add3A_2019 : i32
        %mul3A_2021 = arith.constant 80 : i32
        %mul3A_2022 = arith.muli %rem3A_563, %mul3A_2021 : i32
        %add3A_2023 = arith.addi %mul3A_2022, %add3A_2020 : i32
        %mul3A_2024 = arith.constant 80 : i32
        %mul3A_2025 = arith.muli %rem3A_565, %mul3A_2024 : i32
        %add3A_2026 = arith.addi %mul3A_2025, %add3A_2020 : i32
        %get3A_2027 = arith.index_cast %add3A_2023 : i32 to index
        %get3A_2028 = arith.constant 0 : index
        %get3A_2029 = tpu.vector_load %arg10[%get3A_2027, %get3A_2028] {strides = array<i32>} : memref<400x64xi32, #tpu.memory_space<vmem>>, vector<1x16xi32>,
        %get3A_2030 = vector.shape_cast %get3A_2029 : vector<1x16xi32> to vector<16xi32>
        %shift_left3A_2031 = arith.constant 16 : i32
        %shift_left3A_2032 = vector.broadcast %shift_left3A_2031 : i32 to vector<16xi32>
        %shift_left3A_2033 = arith.shli %get3A_2030, %shift_left3A_2032 : vector<16xi32>
        %bitcast_convert_type3A_2034 = tpu.bitcast %shift_left3A_2033 : vector<16xi32> -> vector<16xf32>
        %and3A_2035 = arith.constant -65536 : i32
        %and3A_2036 = vector.broadcast %and3A_2035 : i32 to vector<16xi32>
        %and3A_2037 = arith.andi %get3A_2030, %and3A_2036 : vector<16xi32>
        %bitcast_convert_type3A_2038 = tpu.bitcast %and3A_2037 : vector<16xi32> -> vector<16xf32>
        %mul3A_2039 = vector.broadcast %squeeze3A_2016 : f32 to vector<16xf32>
        %mul3A_2040 = arith.mulf %bitcast_convert_type3A_2034, %mul3A_2039 : vector<16xf32>
        %swap3A_2041 = arith.index_cast %add3A_2026 : i32 to index
        %swap3A_2042 = arith.constant 0 : index
        %swap3A_2043 = tpu.vector_load %arg11[%swap3A_2041, %swap3A_2042] {strides = array<i32>} : memref<160x128xf32, #tpu.memory_space<vmem>>, vector<1x16xf32>,
        %swap3A_2044 = vector.shape_cast %swap3A_2043 : vector<1x16xf32> to vector<16xf32>
        %swap3A_2045 = vector.shape_cast %mul3A_2040 : vector<16xf32> to vector<1x16xf32>
        tpu.vector_store %arg11[%swap3A_2041, %swap3A_2042], %swap3A_2045 {strides = array<i32>} : memref<160x128xf32, #tpu.memory_space<vmem>>, vector<1x16xf32>,
        %mul3A_2046 = vector.broadcast %squeeze3A_2016 : f32 to vector<16xf32>
        %mul3A_2047 = arith.mulf %bitcast_convert_type3A_2038, %mul3A_2046 : vector<16xf32>
        %swap3A_2048 = arith.index_cast %add3A_2026 : i32 to index
        %swap3A_2049 = arith.constant 16 : index
        %swap3A_2050 = tpu.vector_load %arg11[%swap3A_2048, %swap3A_2049] {strides = array<i32>} : memref<160x128xf32, #tpu.memory_space<vmem>>, vector<1x16xf32>,
        %swap3A_2051 = vector.shape_cast %swap3A_2050 : vector<1x16xf32> to vector<16xf32>
        %swap3A_2052 = vector.shape_cast %mul3A_2047 : vector<16xf32> to vector<1x16xf32>
        tpu.vector_store %arg11[%swap3A_2048, %swap3A_2049], %swap3A_2052 {strides = array<i32>} : memref<160x128xf32, #tpu.memory_space<vmem>>, vector<1x16xf32>,
        %get3A_2053 = arith.index_cast %add3A_2023 : i32 to index
        %get3A_2054 = arith.constant 16 : index
        %get3A_2055 = tpu.vector_load %arg10[%get3A_2053, %get3A_2054] {strides = array<i32>} : memref<400x64xi32, #tpu.memory_space<vmem>>, vector<1x16xi32>,
        %get3A_2056 = vector.shape_cast %get3A_2055 : vector<1x16xi32> to vector<16xi32>
        %shift_left3A_2057 = arith.constant 16 : i32
        %shift_left3A_2058 = vector.broadcast %shift_left3A_2057 : i32 to vector<16xi32>
        %shift_left3A_2059 = arith.shli %get3A_2056, %shift_left3A_2058 : vector<16xi32>
        %bitcast_convert_type3A_2060 = tpu.bitcast %shift_left3A_2059 : vector<16xi32> -> vector<16xf32>
        %and3A_2061 = arith.constant -65536 : i32
        %and3A_2062 = vector.broadcast %and3A_2061 : i32 to vector<16xi32>
        %and3A_2063 = arith.andi %get3A_2056, %and3A_2062 : vector<16xi32>
        %bitcast_convert_type3A_2064 = tpu.bitcast %and3A_2063 : vector<16xi32> -> vector<16xf32>
        %mul3A_2065 = vector.broadcast %squeeze3A_2016 : f32 to vector<16xf32>
        %mul3A_2066 = arith.mulf %bitcast_convert_type3A_2060, %mul3A_2065 : vector<16xf32>
        %swap3A_2067 = arith.index_cast %add3A_2026 : i32 to index
        %swap3A_2068 = arith.constant 32 : index
        %swap3A_2069 = tpu.vector_load %arg11[%swap3A_2067, %swap3A_2068] {strides = array<i32>} : memref<160x128xf32, #tpu.memory_space<vmem>>, vector<1x16xf32>,
        %swap3A_2070 = vector.shape_cast %swap3A_2069 : vector<1x16xf32> to vector<16xf32>
        %swap3A_2071 = vector.shape_cast %mul3A_2066 : vector<16xf32> to vector<1x16xf32>
        tpu.vector_store %arg11[%swap3A_2067, %swap3A_2068], %swap3A_2071 {strides = array<i32>} : memref<160x128xf32, #tpu.memory_space<vmem>>, vector<1x16xf32>,
        %mul3A_2072 = vector.broadcast %squeeze3A_2016 : f32 to vector<16xf32>
        %mul3A_2073 = arith.mulf %bitcast_convert_type3A_2064, %mul3A_2072 : vector<16xf32>
        %swap3A_2074 = arith.index_cast %add3A_2026 : i32 to index
        %swap3A_2075 = arith.constant 48 : index
        %swap3A_2076 = tpu.vector_load %arg11[%swap3A_2074, %swap3A_2075] {strides = array<i32>} : memref<160x128xf32, #tpu.memory_space<vmem>>, vector<1x16xf32>,
        %swap3A_2077 = vector.shape_cast %swap3A_2076 : vector<1x16xf32> to vector<16xf32>
        %swap3A_2078 = vector.shape_cast %mul3A_2073 : vector<16xf32> to vector<1x16xf32>
        tpu.vector_store %arg11[%swap3A_2074, %swap3A_2075], %swap3A_2078 {strides = array<i32>} : memref<160x128xf32, #tpu.memory_space<vmem>>, vector<1x16xf32>,
        %get3A_2079 = arith.index_cast %add3A_2023 : i32 to index
        %get3A_2080 = arith.constant 32 : index
        %get3A_2081 = tpu.vector_load %arg10[%get3A_2079, %get3A_2080] {strides = array<i32>} : memref<400x64xi32, #tpu.memory_space<vmem>>, vector<1x16xi32>,
        %get3A_2082 = vector.shape_cast %get3A_2081 : vector<1x16xi32> to vector<16xi32>
        %shift_left3A_2083 = arith.constant 16 : i32
        %shift_left3A_2084 = vector.broadcast %shift_left3A_2083 : i32 to vector<16xi32>
        %shift_left3A_2085 = arith.shli %get3A_2082, %shift_left3A_2084 : vector<16xi32>
        %bitcast_convert_type3A_2086 = tpu.bitcast %shift_left3A_2085 : vector<16xi32> -> vector<16xf32>
        %and3A_2087 = arith.constant -65536 : i32
        %and3A_2088 = vector.broadcast %and3A_2087 : i32 to vector<16xi32>
        %and3A_2089 = arith.andi %get3A_2082, %and3A_2088 : vector<16xi32>
        %bitcast_convert_type3A_2090 = tpu.bitcast %and3A_2089 : vector<16xi32> -> vector<16xf32>
        %mul3A_2091 = vector.broadcast %squeeze3A_2016 : f32 to vector<16xf32>
        %mul3A_2092 = arith.mulf %bitcast_convert_type3A_2086, %mul3A_2091 : vector<16xf32>
        %swap3A_2093 = arith.index_cast %add3A_2026 : i32 to index
        %swap3A_2094 = arith.constant 64 : index
        %swap3A_2095 = tpu.vector_load %arg11[%swap3A_2093, %swap3A_2094] {strides = array<i32>} : memref<160x128xf32, #tpu.memory_space<vmem>>, vector<1x16xf32>,
        %swap3A_2096 = vector.shape_cast %swap3A_2095 : vector<1x16xf32> to vector<16xf32>
        %swap3A_2097 = vector.shape_cast %mul3A_2092 : vector<16xf32> to vector<1x16xf32>
        tpu.vector_store %arg11[%swap3A_2093, %swap3A_2094], %swap3A_2097 {strides = array<i32>} : memref<160x128xf32, #tpu.memory_space<vmem>>, vector<1x16xf32>,
        %mul3A_2098 = vector.broadcast %squeeze3A_2016 : f32 to vector<16xf32>
        %mul3A_2099 = arith.mulf %bitcast_convert_type3A_2090, %mul3A_2098 : vector<16xf32>
        %swap3A_2100 = arith.index_cast %add3A_2026 : i32 to index
        %swap3A_2101 = arith.constant 80 : index
        %swap3A_2102 = tpu.vector_load %arg11[%swap3A_2100, %swap3A_2101] {strides = array<i32>} : memref<160x128xf32, #tpu.memory_space<vmem>>, vector<1x16xf32>,
        %swap3A_2103 = vector.shape_cast %swap3A_2102 : vector<1x16xf32> to vector<16xf32>
        %swap3A_2104 = vector.shape_cast %mul3A_2099 : vector<16xf32> to vector<1x16xf32>
        tpu.vector_store %arg11[%swap3A_2100, %swap3A_2101], %swap3A_2104 {strides = array<i32>} : memref<160x128xf32, #tpu.memory_space<vmem>>, vector<1x16xf32>,
        %get3A_2105 = arith.index_cast %add3A_2023 : i32 to index
        %get3A_2106 = arith.constant 48 : index
        %get3A_2107 = tpu.vector_load %arg10[%get3A_2105, %get3A_2106] {strides = array<i32>} : memref<400x64xi32, #tpu.memory_space<vmem>>, vector<1x16xi32>,
        %get3A_2108 = vector.shape_cast %get3A_2107 : vector<1x16xi32> to vector<16xi32>
        %shift_left3A_2109 = arith.constant 16 : i32
        %shift_left3A_2110 = vector.broadcast %shift_left3A_2109 : i32 to vector<16xi32>
        %shift_left3A_2111 = arith.shli %get3A_2108, %shift_left3A_2110 : vector<16xi32>
        %bitcast_convert_type3A_2112 = tpu.bitcast %shift_left3A_2111 : vector<16xi32> -> vector<16xf32>
        %and3A_2113 = arith.constant -65536 : i32
        %and3A_2114 = vector.broadcast %and3A_2113 : i32 to vector<16xi32>
        %and3A_2115 = arith.andi %get3A_2108, %and3A_2114 : vector<16xi32>
        %bitcast_convert_type3A_2116 = tpu.bitcast %and3A_2115 : vector<16xi32> -> vector<16xf32>
        %mul3A_2117 = vector.broadcast %squeeze3A_2016 : f32 to vector<16xf32>
        %mul3A_2118 = arith.mulf %bitcast_convert_type3A_2112, %mul3A_2117 : vector<16xf32>
        %swap3A_2119 = arith.index_cast %add3A_2026 : i32 to index
        %swap3A_2120 = arith.constant 96 : index
        %swap3A_2121 = tpu.vector_load %arg11[%swap3A_2119, %swap3A_2120] {strides = array<i32>} : memref<160x128xf32, #tpu.memory_space<vmem>>, vector<1x16xf32>,
        %swap3A_2122 = vector.shape_cast %swap3A_2121 : vector<1x16xf32> to vector<16xf32>
        %swap3A_2123 = vector.shape_cast %mul3A_2118 : vector<16xf32> to vector<1x16xf32>
        tpu.vector_store %arg11[%swap3A_2119, %swap3A_2120], %swap3A_2123 {strides = array<i32>} : memref<160x128xf32, #tpu.memory_space<vmem>>, vector<1x16xf32>,
        %mul3A_2124 = vector.broadcast %squeeze3A_2016 : f32 to vector<16xf32>
        %mul3A_2125 = arith.mulf %bitcast_convert_type3A_2116, %mul3A_2124 : vector<16xf32>
        %swap3A_2126 = arith.index_cast %add3A_2026 : i32 to index
        %swap3A_2127 = arith.constant 112 : index
        %swap3A_2128 = tpu.vector_load %arg11[%swap3A_2126, %swap3A_2127] {strides = array<i32>} : memref<160x128xf32, #tpu.memory_space<vmem>>, vector<1x16xf32>,
        %swap3A_2129 = vector.shape_cast %swap3A_2128 : vector<1x16xf32> to vector<16xf32>
        %swap3A_2130 = vector.shape_cast %mul3A_2125 : vector<16xf32> to vector<1x16xf32>
        tpu.vector_store %arg11[%swap3A_2126, %swap3A_2127], %swap3A_2130 {strides = array<i32>} : memref<160x128xf32, #tpu.memory_space<vmem>>, vector<1x16xf32>,
        %slice3A_2131 = vector.extract_strided_slice %get3A_628 {offsets = [13], sizes = [1], strides = [1]} : vector<16xf32> to vector<1xf32>
        %squeeze3A_2132 = vector.extract %slice3A_2131[0] : f32 from vector<1xf32>
        %mul3A_2133 = arith.constant 16 : i32
        %mul3A_2134 = arith.muli %scan3A_623, %mul3A_2133 : i32
        %add3A_2135 = arith.constant 13 : i32
        %add3A_2136 = arith.addi %mul3A_2134, %add3A_2135 : i32
        %mul3A_2137 = arith.constant 80 : i32
        %mul3A_2138 = arith.muli %rem3A_563, %mul3A_2137 : i32
        %add3A_2139 = arith.addi %mul3A_2138, %add3A_2136 : i32
        %mul3A_2140 = arith.constant 80 : i32
        %mul3A_2141 = arith.muli %rem3A_565, %mul3A_2140 : i32
        %add3A_2142 = arith.addi %mul3A_2141, %add3A_2136 : i32
        %get3A_2143 = arith.index_cast %add3A_2139 : i32 to index
        %get3A_2144 = arith.constant 0 : index
        %get3A_2145 = tpu.vector_load %arg10[%get3A_2143, %get3A_2144] {strides = array<i32>} : memref<400x64xi32, #tpu.memory_space<vmem>>, vector<1x16xi32>,
        %get3A_2146 = vector.shape_cast %get3A_2145 : vector<1x16xi32> to vector<16xi32>
        %shift_left3A_2147 = arith.constant 16 : i32
        %shift_left3A_2148 = vector.broadcast %shift_left3A_2147 : i32 to vector<16xi32>
        %shift_left3A_2149 = arith.shli %get3A_2146, %shift_left3A_2148 : vector<16xi32>
        %bitcast_convert_type3A_2150 = tpu.bitcast %shift_left3A_2149 : vector<16xi32> -> vector<16xf32>
        %and3A_2151 = arith.constant -65536 : i32
        %and3A_2152 = vector.broadcast %and3A_2151 : i32 to vector<16xi32>
        %and3A_2153 = arith.andi %get3A_2146, %and3A_2152 : vector<16xi32>
        %bitcast_convert_type3A_2154 = tpu.bitcast %and3A_2153 : vector<16xi32> -> vector<16xf32>
        %mul3A_2155 = vector.broadcast %squeeze3A_2132 : f32 to vector<16xf32>
        %mul3A_2156 = arith.mulf %bitcast_convert_type3A_2150, %mul3A_2155 : vector<16xf32>
        %swap3A_2157 = arith.index_cast %add3A_2142 : i32 to index
        %swap3A_2158 = arith.constant 0 : index
        %swap3A_2159 = tpu.vector_load %arg11[%swap3A_2157, %swap3A_2158] {strides = array<i32>} : memref<160x128xf32, #tpu.memory_space<vmem>>, vector<1x16xf32>,
        %swap3A_2160 = vector.shape_cast %swap3A_2159 : vector<1x16xf32> to vector<16xf32>
        %swap3A_2161 = vector.shape_cast %mul3A_2156 : vector<16xf32> to vector<1x16xf32>
        tpu.vector_store %arg11[%swap3A_2157, %swap3A_2158], %swap3A_2161 {strides = array<i32>} : memref<160x128xf32, #tpu.memory_space<vmem>>, vector<1x16xf32>,
        %mul3A_2162 = vector.broadcast %squeeze3A_2132 : f32 to vector<16xf32>
        %mul3A_2163 = arith.mulf %bitcast_convert_type3A_2154, %mul3A_2162 : vector<16xf32>
        %swap3A_2164 = arith.index_cast %add3A_2142 : i32 to index
        %swap3A_2165 = arith.constant 16 : index
        %swap3A_2166 = tpu.vector_load %arg11[%swap3A_2164, %swap3A_2165] {strides = array<i32>} : memref<160x128xf32, #tpu.memory_space<vmem>>, vector<1x16xf32>,
        %swap3A_2167 = vector.shape_cast %swap3A_2166 : vector<1x16xf32> to vector<16xf32>
        %swap3A_2168 = vector.shape_cast %mul3A_2163 : vector<16xf32> to vector<1x16xf32>
        tpu.vector_store %arg11[%swap3A_2164, %swap3A_2165], %swap3A_2168 {strides = array<i32>} : memref<160x128xf32, #tpu.memory_space<vmem>>, vector<1x16xf32>,
        %get3A_2169 = arith.index_cast %add3A_2139 : i32 to index
        %get3A_2170 = arith.constant 16 : index
        %get3A_2171 = tpu.vector_load %arg10[%get3A_2169, %get3A_2170] {strides = array<i32>} : memref<400x64xi32, #tpu.memory_space<vmem>>, vector<1x16xi32>,
        %get3A_2172 = vector.shape_cast %get3A_2171 : vector<1x16xi32> to vector<16xi32>
        %shift_left3A_2173 = arith.constant 16 : i32
        %shift_left3A_2174 = vector.broadcast %shift_left3A_2173 : i32 to vector<16xi32>
        %shift_left3A_2175 = arith.shli %get3A_2172, %shift_left3A_2174 : vector<16xi32>
        %bitcast_convert_type3A_2176 = tpu.bitcast %shift_left3A_2175 : vector<16xi32> -> vector<16xf32>
        %and3A_2177 = arith.constant -65536 : i32
        %and3A_2178 = vector.broadcast %and3A_2177 : i32 to vector<16xi32>
        %and3A_2179 = arith.andi %get3A_2172, %and3A_2178 : vector<16xi32>
        %bitcast_convert_type3A_2180 = tpu.bitcast %and3A_2179 : vector<16xi32> -> vector<16xf32>
        %mul3A_2181 = vector.broadcast %squeeze3A_2132 : f32 to vector<16xf32>
        %mul3A_2182 = arith.mulf %bitcast_convert_type3A_2176, %mul3A_2181 : vector<16xf32>
        %swap3A_2183 = arith.index_cast %add3A_2142 : i32 to index
        %swap3A_2184 = arith.constant 32 : index
        %swap3A_2185 = tpu.vector_load %arg11[%swap3A_2183, %swap3A_2184] {strides = array<i32>} : memref<160x128xf32, #tpu.memory_space<vmem>>, vector<1x16xf32>,
        %swap3A_2186 = vector.shape_cast %swap3A_2185 : vector<1x16xf32> to vector<16xf32>
        %swap3A_2187 = vector.shape_cast %mul3A_2182 : vector<16xf32> to vector<1x16xf32>
        tpu.vector_store %arg11[%swap3A_2183, %swap3A_2184], %swap3A_2187 {strides = array<i32>} : memref<160x128xf32, #tpu.memory_space<vmem>>, vector<1x16xf32>,
        %mul3A_2188 = vector.broadcast %squeeze3A_2132 : f32 to vector<16xf32>
        %mul3A_2189 = arith.mulf %bitcast_convert_type3A_2180, %mul3A_2188 : vector<16xf32>
        %swap3A_2190 = arith.index_cast %add3A_2142 : i32 to index
        %swap3A_2191 = arith.constant 48 : index
        %swap3A_2192 = tpu.vector_load %arg11[%swap3A_2190, %swap3A_2191] {strides = array<i32>} : memref<160x128xf32, #tpu.memory_space<vmem>>, vector<1x16xf32>,
        %swap3A_2193 = vector.shape_cast %swap3A_2192 : vector<1x16xf32> to vector<16xf32>
        %swap3A_2194 = vector.shape_cast %mul3A_2189 : vector<16xf32> to vector<1x16xf32>
        tpu.vector_store %arg11[%swap3A_2190, %swap3A_2191], %swap3A_2194 {strides = array<i32>} : memref<160x128xf32, #tpu.memory_space<vmem>>, vector<1x16xf32>,
        %get3A_2195 = arith.index_cast %add3A_2139 : i32 to index
        %get3A_2196 = arith.constant 32 : index
        %get3A_2197 = tpu.vector_load %arg10[%get3A_2195, %get3A_2196] {strides = array<i32>} : memref<400x64xi32, #tpu.memory_space<vmem>>, vector<1x16xi32>,
        %get3A_2198 = vector.shape_cast %get3A_2197 : vector<1x16xi32> to vector<16xi32>
        %shift_left3A_2199 = arith.constant 16 : i32
        %shift_left3A_2200 = vector.broadcast %shift_left3A_2199 : i32 to vector<16xi32>
        %shift_left3A_2201 = arith.shli %get3A_2198, %shift_left3A_2200 : vector<16xi32>
        %bitcast_convert_type3A_2202 = tpu.bitcast %shift_left3A_2201 : vector<16xi32> -> vector<16xf32>
        %and3A_2203 = arith.constant -65536 : i32
        %and3A_2204 = vector.broadcast %and3A_2203 : i32 to vector<16xi32>
        %and3A_2205 = arith.andi %get3A_2198, %and3A_2204 : vector<16xi32>
        %bitcast_convert_type3A_2206 = tpu.bitcast %and3A_2205 : vector<16xi32> -> vector<16xf32>
        %mul3A_2207 = vector.broadcast %squeeze3A_2132 : f32 to vector<16xf32>
        %mul3A_2208 = arith.mulf %bitcast_convert_type3A_2202, %mul3A_2207 : vector<16xf32>
        %swap3A_2209 = arith.index_cast %add3A_2142 : i32 to index
        %swap3A_2210 = arith.constant 64 : index
        %swap3A_2211 = tpu.vector_load %arg11[%swap3A_2209, %swap3A_2210] {strides = array<i32>} : memref<160x128xf32, #tpu.memory_space<vmem>>, vector<1x16xf32>,
        %swap3A_2212 = vector.shape_cast %swap3A_2211 : vector<1x16xf32> to vector<16xf32>
        %swap3A_2213 = vector.shape_cast %mul3A_2208 : vector<16xf32> to vector<1x16xf32>
        tpu.vector_store %arg11[%swap3A_2209, %swap3A_2210], %swap3A_2213 {strides = array<i32>} : memref<160x128xf32, #tpu.memory_space<vmem>>, vector<1x16xf32>,
        %mul3A_2214 = vector.broadcast %squeeze3A_2132 : f32 to vector<16xf32>
        %mul3A_2215 = arith.mulf %bitcast_convert_type3A_2206, %mul3A_2214 : vector<16xf32>
        %swap3A_2216 = arith.index_cast %add3A_2142 : i32 to index
        %swap3A_2217 = arith.constant 80 : index
        %swap3A_2218 = tpu.vector_load %arg11[%swap3A_2216, %swap3A_2217] {strides = array<i32>} : memref<160x128xf32, #tpu.memory_space<vmem>>, vector<1x16xf32>,
        %swap3A_2219 = vector.shape_cast %swap3A_2218 : vector<1x16xf32> to vector<16xf32>
        %swap3A_2220 = vector.shape_cast %mul3A_2215 : vector<16xf32> to vector<1x16xf32>
        tpu.vector_store %arg11[%swap3A_2216, %swap3A_2217], %swap3A_2220 {strides = array<i32>} : memref<160x128xf32, #tpu.memory_space<vmem>>, vector<1x16xf32>,
        %get3A_2221 = arith.index_cast %add3A_2139 : i32 to index
        %get3A_2222 = arith.constant 48 : index
        %get3A_2223 = tpu.vector_load %arg10[%get3A_2221, %get3A_2222] {strides = array<i32>} : memref<400x64xi32, #tpu.memory_space<vmem>>, vector<1x16xi32>,
        %get3A_2224 = vector.shape_cast %get3A_2223 : vector<1x16xi32> to vector<16xi32>
        %shift_left3A_2225 = arith.constant 16 : i32
        %shift_left3A_2226 = vector.broadcast %shift_left3A_2225 : i32 to vector<16xi32>
        %shift_left3A_2227 = arith.shli %get3A_2224, %shift_left3A_2226 : vector<16xi32>
        %bitcast_convert_type3A_2228 = tpu.bitcast %shift_left3A_2227 : vector<16xi32> -> vector<16xf32>
        %and3A_2229 = arith.constant -65536 : i32
        %and3A_2230 = vector.broadcast %and3A_2229 : i32 to vector<16xi32>
        %and3A_2231 = arith.andi %get3A_2224, %and3A_2230 : vector<16xi32>
        %bitcast_convert_type3A_2232 = tpu.bitcast %and3A_2231 : vector<16xi32> -> vector<16xf32>
        %mul3A_2233 = vector.broadcast %squeeze3A_2132 : f32 to vector<16xf32>
        %mul3A_2234 = arith.mulf %bitcast_convert_type3A_2228, %mul3A_2233 : vector<16xf32>
        %swap3A_2235 = arith.index_cast %add3A_2142 : i32 to index
        %swap3A_2236 = arith.constant 96 : index
        %swap3A_2237 = tpu.vector_load %arg11[%swap3A_2235, %swap3A_2236] {strides = array<i32>} : memref<160x128xf32, #tpu.memory_space<vmem>>, vector<1x16xf32>,
        %swap3A_2238 = vector.shape_cast %swap3A_2237 : vector<1x16xf32> to vector<16xf32>
        %swap3A_2239 = vector.shape_cast %mul3A_2234 : vector<16xf32> to vector<1x16xf32>
        tpu.vector_store %arg11[%swap3A_2235, %swap3A_2236], %swap3A_2239 {strides = array<i32>} : memref<160x128xf32, #tpu.memory_space<vmem>>, vector<1x16xf32>,
        %mul3A_2240 = vector.broadcast %squeeze3A_2132 : f32 to vector<16xf32>
        %mul3A_2241 = arith.mulf %bitcast_convert_type3A_2232, %mul3A_2240 : vector<16xf32>
        %swap3A_2242 = arith.index_cast %add3A_2142 : i32 to index
        %swap3A_2243 = arith.constant 112 : index
        %swap3A_2244 = tpu.vector_load %arg11[%swap3A_2242, %swap3A_2243] {strides = array<i32>} : memref<160x128xf32, #tpu.memory_space<vmem>>, vector<1x16xf32>,
        %swap3A_2245 = vector.shape_cast %swap3A_2244 : vector<1x16xf32> to vector<16xf32>
        %swap3A_2246 = vector.shape_cast %mul3A_2241 : vector<16xf32> to vector<1x16xf32>
        tpu.vector_store %arg11[%swap3A_2242, %swap3A_2243], %swap3A_2246 {strides = array<i32>} : memref<160x128xf32, #tpu.memory_space<vmem>>, vector<1x16xf32>,
        %slice3A_2247 = vector.extract_strided_slice %get3A_628 {offsets = [14], sizes = [1], strides = [1]} : vector<16xf32> to vector<1xf32>
        %squeeze3A_2248 = vector.extract %slice3A_2247[0] : f32 from vector<1xf32>
        %mul3A_2249 = arith.constant 16 : i32
        %mul3A_2250 = arith.muli %scan3A_623, %mul3A_2249 : i32
        %add3A_2251 = arith.constant 14 : i32
        %add3A_2252 = arith.addi %mul3A_2250, %add3A_2251 : i32
        %mul3A_2253 = arith.constant 80 : i32
        %mul3A_2254 = arith.muli %rem3A_563, %mul3A_2253 : i32
        %add3A_2255 = arith.addi %mul3A_2254, %add3A_2252 : i32
        %mul3A_2256 = arith.constant 80 : i32
        %mul3A_2257 = arith.muli %rem3A_565, %mul3A_2256 : i32
        %add3A_2258 = arith.addi %mul3A_2257, %add3A_2252 : i32
        %get3A_2259 = arith.index_cast %add3A_2255 : i32 to index
        %get3A_2260 = arith.constant 0 : index
        %get3A_2261 = tpu.vector_load %arg10[%get3A_2259, %get3A_2260] {strides = array<i32>} : memref<400x64xi32, #tpu.memory_space<vmem>>, vector<1x16xi32>,
        %get3A_2262 = vector.shape_cast %get3A_2261 : vector<1x16xi32> to vector<16xi32>
        %shift_left3A_2263 = arith.constant 16 : i32
        %shift_left3A_2264 = vector.broadcast %shift_left3A_2263 : i32 to vector<16xi32>
        %shift_left3A_2265 = arith.shli %get3A_2262, %shift_left3A_2264 : vector<16xi32>
        %bitcast_convert_type3A_2266 = tpu.bitcast %shift_left3A_2265 : vector<16xi32> -> vector<16xf32>
        %and3A_2267 = arith.constant -65536 : i32
        %and3A_2268 = vector.broadcast %and3A_2267 : i32 to vector<16xi32>
        %and3A_2269 = arith.andi %get3A_2262, %and3A_2268 : vector<16xi32>
        %bitcast_convert_type3A_2270 = tpu.bitcast %and3A_2269 : vector<16xi32> -> vector<16xf32>
        %mul3A_2271 = vector.broadcast %squeeze3A_2248 : f32 to vector<16xf32>
        %mul3A_2272 = arith.mulf %bitcast_convert_type3A_2266, %mul3A_2271 : vector<16xf32>
        %swap3A_2273 = arith.index_cast %add3A_2258 : i32 to index
        %swap3A_2274 = arith.constant 0 : index
        %swap3A_2275 = tpu.vector_load %arg11[%swap3A_2273, %swap3A_2274] {strides = array<i32>} : memref<160x128xf32, #tpu.memory_space<vmem>>, vector<1x16xf32>,
        %swap3A_2276 = vector.shape_cast %swap3A_2275 : vector<1x16xf32> to vector<16xf32>
        %swap3A_2277 = vector.shape_cast %mul3A_2272 : vector<16xf32> to vector<1x16xf32>
        tpu.vector_store %arg11[%swap3A_2273, %swap3A_2274], %swap3A_2277 {strides = array<i32>} : memref<160x128xf32, #tpu.memory_space<vmem>>, vector<1x16xf32>,
        %mul3A_2278 = vector.broadcast %squeeze3A_2248 : f32 to vector<16xf32>
        %mul3A_2279 = arith.mulf %bitcast_convert_type3A_2270, %mul3A_2278 : vector<16xf32>
        %swap3A_2280 = arith.index_cast %add3A_2258 : i32 to index
        %swap3A_2281 = arith.constant 16 : index
        %swap3A_2282 = tpu.vector_load %arg11[%swap3A_2280, %swap3A_2281] {strides = array<i32>} : memref<160x128xf32, #tpu.memory_space<vmem>>, vector<1x16xf32>,
        %swap3A_2283 = vector.shape_cast %swap3A_2282 : vector<1x16xf32> to vector<16xf32>
        %swap3A_2284 = vector.shape_cast %mul3A_2279 : vector<16xf32> to vector<1x16xf32>
        tpu.vector_store %arg11[%swap3A_2280, %swap3A_2281], %swap3A_2284 {strides = array<i32>} : memref<160x128xf32, #tpu.memory_space<vmem>>, vector<1x16xf32>,
        %get3A_2285 = arith.index_cast %add3A_2255 : i32 to index
        %get3A_2286 = arith.constant 16 : index
        %get3A_2287 = tpu.vector_load %arg10[%get3A_2285, %get3A_2286] {strides = array<i32>} : memref<400x64xi32, #tpu.memory_space<vmem>>, vector<1x16xi32>,
        %get3A_2288 = vector.shape_cast %get3A_2287 : vector<1x16xi32> to vector<16xi32>
        %shift_left3A_2289 = arith.constant 16 : i32
        %shift_left3A_2290 = vector.broadcast %shift_left3A_2289 : i32 to vector<16xi32>
        %shift_left3A_2291 = arith.shli %get3A_2288, %shift_left3A_2290 : vector<16xi32>
        %bitcast_convert_type3A_2292 = tpu.bitcast %shift_left3A_2291 : vector<16xi32> -> vector<16xf32>
        %and3A_2293 = arith.constant -65536 : i32
        %and3A_2294 = vector.broadcast %and3A_2293 : i32 to vector<16xi32>
        %and3A_2295 = arith.andi %get3A_2288, %and3A_2294 : vector<16xi32>
        %bitcast_convert_type3A_2296 = tpu.bitcast %and3A_2295 : vector<16xi32> -> vector<16xf32>
        %mul3A_2297 = vector.broadcast %squeeze3A_2248 : f32 to vector<16xf32>
        %mul3A_2298 = arith.mulf %bitcast_convert_type3A_2292, %mul3A_2297 : vector<16xf32>
        %swap3A_2299 = arith.index_cast %add3A_2258 : i32 to index
        %swap3A_2300 = arith.constant 32 : index
        %swap3A_2301 = tpu.vector_load %arg11[%swap3A_2299, %swap3A_2300] {strides = array<i32>} : memref<160x128xf32, #tpu.memory_space<vmem>>, vector<1x16xf32>,
        %swap3A_2302 = vector.shape_cast %swap3A_2301 : vector<1x16xf32> to vector<16xf32>
        %swap3A_2303 = vector.shape_cast %mul3A_2298 : vector<16xf32> to vector<1x16xf32>
        tpu.vector_store %arg11[%swap3A_2299, %swap3A_2300], %swap3A_2303 {strides = array<i32>} : memref<160x128xf32, #tpu.memory_space<vmem>>, vector<1x16xf32>,
        %mul3A_2304 = vector.broadcast %squeeze3A_2248 : f32 to vector<16xf32>
        %mul3A_2305 = arith.mulf %bitcast_convert_type3A_2296, %mul3A_2304 : vector<16xf32>
        %swap3A_2306 = arith.index_cast %add3A_2258 : i32 to index
        %swap3A_2307 = arith.constant 48 : index
        %swap3A_2308 = tpu.vector_load %arg11[%swap3A_2306, %swap3A_2307] {strides = array<i32>} : memref<160x128xf32, #tpu.memory_space<vmem>>, vector<1x16xf32>,
        %swap3A_2309 = vector.shape_cast %swap3A_2308 : vector<1x16xf32> to vector<16xf32>
        %swap3A_2310 = vector.shape_cast %mul3A_2305 : vector<16xf32> to vector<1x16xf32>
        tpu.vector_store %arg11[%swap3A_2306, %swap3A_2307], %swap3A_2310 {strides = array<i32>} : memref<160x128xf32, #tpu.memory_space<vmem>>, vector<1x16xf32>,
        %get3A_2311 = arith.index_cast %add3A_2255 : i32 to index
        %get3A_2312 = arith.constant 32 : index
        %get3A_2313 = tpu.vector_load %arg10[%get3A_2311, %get3A_2312] {strides = array<i32>} : memref<400x64xi32, #tpu.memory_space<vmem>>, vector<1x16xi32>,
        %get3A_2314 = vector.shape_cast %get3A_2313 : vector<1x16xi32> to vector<16xi32>
        %shift_left3A_2315 = arith.constant 16 : i32
        %shift_left3A_2316 = vector.broadcast %shift_left3A_2315 : i32 to vector<16xi32>
        %shift_left3A_2317 = arith.shli %get3A_2314, %shift_left3A_2316 : vector<16xi32>
        %bitcast_convert_type3A_2318 = tpu.bitcast %shift_left3A_2317 : vector<16xi32> -> vector<16xf32>
        %and3A_2319 = arith.constant -65536 : i32
        %and3A_2320 = vector.broadcast %and3A_2319 : i32 to vector<16xi32>
        %and3A_2321 = arith.andi %get3A_2314, %and3A_2320 : vector<16xi32>
        %bitcast_convert_type3A_2322 = tpu.bitcast %and3A_2321 : vector<16xi32> -> vector<16xf32>
        %mul3A_2323 = vector.broadcast %squeeze3A_2248 : f32 to vector<16xf32>
        %mul3A_2324 = arith.mulf %bitcast_convert_type3A_2318, %mul3A_2323 : vector<16xf32>
        %swap3A_2325 = arith.index_cast %add3A_2258 : i32 to index
        %swap3A_2326 = arith.constant 64 : index
        %swap3A_2327 = tpu.vector_load %arg11[%swap3A_2325, %swap3A_2326] {strides = array<i32>} : memref<160x128xf32, #tpu.memory_space<vmem>>, vector<1x16xf32>,
        %swap3A_2328 = vector.shape_cast %swap3A_2327 : vector<1x16xf32> to vector<16xf32>
        %swap3A_2329 = vector.shape_cast %mul3A_2324 : vector<16xf32> to vector<1x16xf32>
        tpu.vector_store %arg11[%swap3A_2325, %swap3A_2326], %swap3A_2329 {strides = array<i32>} : memref<160x128xf32, #tpu.memory_space<vmem>>, vector<1x16xf32>,
        %mul3A_2330 = vector.broadcast %squeeze3A_2248 : f32 to vector<16xf32>
        %mul3A_2331 = arith.mulf %bitcast_convert_type3A_2322, %mul3A_2330 : vector<16xf32>
        %swap3A_2332 = arith.index_cast %add3A_2258 : i32 to index
        %swap3A_2333 = arith.constant 80 : index
        %swap3A_2334 = tpu.vector_load %arg11[%swap3A_2332, %swap3A_2333] {strides = array<i32>} : memref<160x128xf32, #tpu.memory_space<vmem>>, vector<1x16xf32>,
        %swap3A_2335 = vector.shape_cast %swap3A_2334 : vector<1x16xf32> to vector<16xf32>
        %swap3A_2336 = vector.shape_cast %mul3A_2331 : vector<16xf32> to vector<1x16xf32>
        tpu.vector_store %arg11[%swap3A_2332, %swap3A_2333], %swap3A_2336 {strides = array<i32>} : memref<160x128xf32, #tpu.memory_space<vmem>>, vector<1x16xf32>,
        %get3A_2337 = arith.index_cast %add3A_2255 : i32 to index
        %get3A_2338 = arith.constant 48 : index
        %get3A_2339 = tpu.vector_load %arg10[%get3A_2337, %get3A_2338] {strides = array<i32>} : memref<400x64xi32, #tpu.memory_space<vmem>>, vector<1x16xi32>,
        %get3A_2340 = vector.shape_cast %get3A_2339 : vector<1x16xi32> to vector<16xi32>
        %shift_left3A_2341 = arith.constant 16 : i32
        %shift_left3A_2342 = vector.broadcast %shift_left3A_2341 : i32 to vector<16xi32>
        %shift_left3A_2343 = arith.shli %get3A_2340, %shift_left3A_2342 : vector<16xi32>
        %bitcast_convert_type3A_2344 = tpu.bitcast %shift_left3A_2343 : vector<16xi32> -> vector<16xf32>
        %and3A_2345 = arith.constant -65536 : i32
        %and3A_2346 = vector.broadcast %and3A_2345 : i32 to vector<16xi32>
        %and3A_2347 = arith.andi %get3A_2340, %and3A_2346 : vector<16xi32>
        %bitcast_convert_type3A_2348 = tpu.bitcast %and3A_2347 : vector<16xi32> -> vector<16xf32>
        %mul3A_2349 = vector.broadcast %squeeze3A_2248 : f32 to vector<16xf32>
        %mul3A_2350 = arith.mulf %bitcast_convert_type3A_2344, %mul3A_2349 : vector<16xf32>
        %swap3A_2351 = arith.index_cast %add3A_2258 : i32 to index
        %swap3A_2352 = arith.constant 96 : index
        %swap3A_2353 = tpu.vector_load %arg11[%swap3A_2351, %swap3A_2352] {strides = array<i32>} : memref<160x128xf32, #tpu.memory_space<vmem>>, vector<1x16xf32>,
        %swap3A_2354 = vector.shape_cast %swap3A_2353 : vector<1x16xf32> to vector<16xf32>
        %swap3A_2355 = vector.shape_cast %mul3A_2350 : vector<16xf32> to vector<1x16xf32>
        tpu.vector_store %arg11[%swap3A_2351, %swap3A_2352], %swap3A_2355 {strides = array<i32>} : memref<160x128xf32, #tpu.memory_space<vmem>>, vector<1x16xf32>,
        %mul3A_2356 = vector.broadcast %squeeze3A_2248 : f32 to vector<16xf32>
        %mul3A_2357 = arith.mulf %bitcast_convert_type3A_2348, %mul3A_2356 : vector<16xf32>
        %swap3A_2358 = arith.index_cast %add3A_2258 : i32 to index
        %swap3A_2359 = arith.constant 112 : index
        %swap3A_2360 = tpu.vector_load %arg11[%swap3A_2358, %swap3A_2359] {strides = array<i32>} : memref<160x128xf32, #tpu.memory_space<vmem>>, vector<1x16xf32>,
        %swap3A_2361 = vector.shape_cast %swap3A_2360 : vector<1x16xf32> to vector<16xf32>
        %swap3A_2362 = vector.shape_cast %mul3A_2357 : vector<16xf32> to vector<1x16xf32>
        tpu.vector_store %arg11[%swap3A_2358, %swap3A_2359], %swap3A_2362 {strides = array<i32>} : memref<160x128xf32, #tpu.memory_space<vmem>>, vector<1x16xf32>,
        %slice3A_2363 = vector.extract_strided_slice %get3A_628 {offsets = [15], sizes = [1], strides = [1]} : vector<16xf32> to vector<1xf32>
        %squeeze3A_2364 = vector.extract %slice3A_2363[0] : f32 from vector<1xf32>
        %mul3A_2365 = arith.constant 16 : i32
        %mul3A_2366 = arith.muli %scan3A_623, %mul3A_2365 : i32
        %add3A_2367 = arith.constant 15 : i32
        %add3A_2368 = arith.addi %mul3A_2366, %add3A_2367 : i32
        %mul3A_2369 = arith.constant 80 : i32
        %mul3A_2370 = arith.muli %rem3A_563, %mul3A_2369 : i32
        %add3A_2371 = arith.addi %mul3A_2370, %add3A_2368 : i32
        %mul3A_2372 = arith.constant 80 : i32
        %mul3A_2373 = arith.muli %rem3A_565, %mul3A_2372 : i32
        %add3A_2374 = arith.addi %mul3A_2373, %add3A_2368 : i32
        %get3A_2375 = arith.index_cast %add3A_2371 : i32 to index
        %get3A_2376 = arith.constant 0 : index
        %get3A_2377 = tpu.vector_load %arg10[%get3A_2375, %get3A_2376] {strides = array<i32>} : memref<400x64xi32, #tpu.memory_space<vmem>>, vector<1x16xi32>,
        %get3A_2378 = vector.shape_cast %get3A_2377 : vector<1x16xi32> to vector<16xi32>
        %shift_left3A_2379 = arith.constant 16 : i32
        %shift_left3A_2380 = vector.broadcast %shift_left3A_2379 : i32 to vector<16xi32>
        %shift_left3A_2381 = arith.shli %get3A_2378, %shift_left3A_2380 : vector<16xi32>
        %bitcast_convert_type3A_2382 = tpu.bitcast %shift_left3A_2381 : vector<16xi32> -> vector<16xf32>
        %and3A_2383 = arith.constant -65536 : i32
        %and3A_2384 = vector.broadcast %and3A_2383 : i32 to vector<16xi32>
        %and3A_2385 = arith.andi %get3A_2378, %and3A_2384 : vector<16xi32>
        %bitcast_convert_type3A_2386 = tpu.bitcast %and3A_2385 : vector<16xi32> -> vector<16xf32>
        %mul3A_2387 = vector.broadcast %squeeze3A_2364 : f32 to vector<16xf32>
        %mul3A_2388 = arith.mulf %bitcast_convert_type3A_2382, %mul3A_2387 : vector<16xf32>
        %swap3A_2389 = arith.index_cast %add3A_2374 : i32 to index
        %swap3A_2390 = arith.constant 0 : index
        %swap3A_2391 = tpu.vector_load %arg11[%swap3A_2389, %swap3A_2390] {strides = array<i32>} : memref<160x128xf32, #tpu.memory_space<vmem>>, vector<1x16xf32>,
        %swap3A_2392 = vector.shape_cast %swap3A_2391 : vector<1x16xf32> to vector<16xf32>
        %swap3A_2393 = vector.shape_cast %mul3A_2388 : vector<16xf32> to vector<1x16xf32>
        tpu.vector_store %arg11[%swap3A_2389, %swap3A_2390], %swap3A_2393 {strides = array<i32>} : memref<160x128xf32, #tpu.memory_space<vmem>>, vector<1x16xf32>,
        %mul3A_2394 = vector.broadcast %squeeze3A_2364 : f32 to vector<16xf32>
        %mul3A_2395 = arith.mulf %bitcast_convert_type3A_2386, %mul3A_2394 : vector<16xf32>
        %swap3A_2396 = arith.index_cast %add3A_2374 : i32 to index
        %swap3A_2397 = arith.constant 16 : index
        %swap3A_2398 = tpu.vector_load %arg11[%swap3A_2396, %swap3A_2397] {strides = array<i32>} : memref<160x128xf32, #tpu.memory_space<vmem>>, vector<1x16xf32>,
        %swap3A_2399 = vector.shape_cast %swap3A_2398 : vector<1x16xf32> to vector<16xf32>
        %swap3A_2400 = vector.shape_cast %mul3A_2395 : vector<16xf32> to vector<1x16xf32>
        tpu.vector_store %arg11[%swap3A_2396, %swap3A_2397], %swap3A_2400 {strides = array<i32>} : memref<160x128xf32, #tpu.memory_space<vmem>>, vector<1x16xf32>,
        %get3A_2401 = arith.index_cast %add3A_2371 : i32 to index
        %get3A_2402 = arith.constant 16 : index
        %get3A_2403 = tpu.vector_load %arg10[%get3A_2401, %get3A_2402] {strides = array<i32>} : memref<400x64xi32, #tpu.memory_space<vmem>>, vector<1x16xi32>,
        %get3A_2404 = vector.shape_cast %get3A_2403 : vector<1x16xi32> to vector<16xi32>
        %shift_left3A_2405 = arith.constant 16 : i32
        %shift_left3A_2406 = vector.broadcast %shift_left3A_2405 : i32 to vector<16xi32>
        %shift_left3A_2407 = arith.shli %get3A_2404, %shift_left3A_2406 : vector<16xi32>
        %bitcast_convert_type3A_2408 = tpu.bitcast %shift_left3A_2407 : vector<16xi32> -> vector<16xf32>
        %and3A_2409 = arith.constant -65536 : i32
        %and3A_2410 = vector.broadcast %and3A_2409 : i32 to vector<16xi32>
        %and3A_2411 = arith.andi %get3A_2404, %and3A_2410 : vector<16xi32>
        %bitcast_convert_type3A_2412 = tpu.bitcast %and3A_2411 : vector<16xi32> -> vector<16xf32>
        %mul3A_2413 = vector.broadcast %squeeze3A_2364 : f32 to vector<16xf32>
        %mul3A_2414 = arith.mulf %bitcast_convert_type3A_2408, %mul3A_2413 : vector<16xf32>
        %swap3A_2415 = arith.index_cast %add3A_2374 : i32 to index
        %swap3A_2416 = arith.constant 32 : index
        %swap3A_2417 = tpu.vector_load %arg11[%swap3A_2415, %swap3A_2416] {strides = array<i32>} : memref<160x128xf32, #tpu.memory_space<vmem>>, vector<1x16xf32>,
        %swap3A_2418 = vector.shape_cast %swap3A_2417 : vector<1x16xf32> to vector<16xf32>
        %swap3A_2419 = vector.shape_cast %mul3A_2414 : vector<16xf32> to vector<1x16xf32>
        tpu.vector_store %arg11[%swap3A_2415, %swap3A_2416], %swap3A_2419 {strides = array<i32>} : memref<160x128xf32, #tpu.memory_space<vmem>>, vector<1x16xf32>,
        %mul3A_2420 = vector.broadcast %squeeze3A_2364 : f32 to vector<16xf32>
        %mul3A_2421 = arith.mulf %bitcast_convert_type3A_2412, %mul3A_2420 : vector<16xf32>
        %swap3A_2422 = arith.index_cast %add3A_2374 : i32 to index
        %swap3A_2423 = arith.constant 48 : index
        %swap3A_2424 = tpu.vector_load %arg11[%swap3A_2422, %swap3A_2423] {strides = array<i32>} : memref<160x128xf32, #tpu.memory_space<vmem>>, vector<1x16xf32>,
        %swap3A_2425 = vector.shape_cast %swap3A_2424 : vector<1x16xf32> to vector<16xf32>
        %swap3A_2426 = vector.shape_cast %mul3A_2421 : vector<16xf32> to vector<1x16xf32>
        tpu.vector_store %arg11[%swap3A_2422, %swap3A_2423], %swap3A_2426 {strides = array<i32>} : memref<160x128xf32, #tpu.memory_space<vmem>>, vector<1x16xf32>,
        %get3A_2427 = arith.index_cast %add3A_2371 : i32 to index
        %get3A_2428 = arith.constant 32 : index
        %get3A_2429 = tpu.vector_load %arg10[%get3A_2427, %get3A_2428] {strides = array<i32>} : memref<400x64xi32, #tpu.memory_space<vmem>>, vector<1x16xi32>,
        %get3A_2430 = vector.shape_cast %get3A_2429 : vector<1x16xi32> to vector<16xi32>
        %shift_left3A_2431 = arith.constant 16 : i32
        %shift_left3A_2432 = vector.broadcast %shift_left3A_2431 : i32 to vector<16xi32>
        %shift_left3A_2433 = arith.shli %get3A_2430, %shift_left3A_2432 : vector<16xi32>
        %bitcast_convert_type3A_2434 = tpu.bitcast %shift_left3A_2433 : vector<16xi32> -> vector<16xf32>
        %and3A_2435 = arith.constant -65536 : i32
        %and3A_2436 = vector.broadcast %and3A_2435 : i32 to vector<16xi32>
        %and3A_2437 = arith.andi %get3A_2430, %and3A_2436 : vector<16xi32>
        %bitcast_convert_type3A_2438 = tpu.bitcast %and3A_2437 : vector<16xi32> -> vector<16xf32>
        %mul3A_2439 = vector.broadcast %squeeze3A_2364 : f32 to vector<16xf32>
        %mul3A_2440 = arith.mulf %bitcast_convert_type3A_2434, %mul3A_2439 : vector<16xf32>
        %swap3A_2441 = arith.index_cast %add3A_2374 : i32 to index
        %swap3A_2442 = arith.constant 64 : index
        %swap3A_2443 = tpu.vector_load %arg11[%swap3A_2441, %swap3A_2442] {strides = array<i32>} : memref<160x128xf32, #tpu.memory_space<vmem>>, vector<1x16xf32>,
        %swap3A_2444 = vector.shape_cast %swap3A_2443 : vector<1x16xf32> to vector<16xf32>
        %swap3A_2445 = vector.shape_cast %mul3A_2440 : vector<16xf32> to vector<1x16xf32>
        tpu.vector_store %arg11[%swap3A_2441, %swap3A_2442], %swap3A_2445 {strides = array<i32>} : memref<160x128xf32, #tpu.memory_space<vmem>>, vector<1x16xf32>,
        %mul3A_2446 = vector.broadcast %squeeze3A_2364 : f32 to vector<16xf32>
        %mul3A_2447 = arith.mulf %bitcast_convert_type3A_2438, %mul3A_2446 : vector<16xf32>
        %swap3A_2448 = arith.index_cast %add3A_2374 : i32 to index
        %swap3A_2449 = arith.constant 80 : index
        %swap3A_2450 = tpu.vector_load %arg11[%swap3A_2448, %swap3A_2449] {strides = array<i32>} : memref<160x128xf32, #tpu.memory_space<vmem>>, vector<1x16xf32>,
        %swap3A_2451 = vector.shape_cast %swap3A_2450 : vector<1x16xf32> to vector<16xf32>
        %swap3A_2452 = vector.shape_cast %mul3A_2447 : vector<16xf32> to vector<1x16xf32>
        tpu.vector_store %arg11[%swap3A_2448, %swap3A_2449], %swap3A_2452 {strides = array<i32>} : memref<160x128xf32, #tpu.memory_space<vmem>>, vector<1x16xf32>,
        %get3A_2453 = arith.index_cast %add3A_2371 : i32 to index
        %get3A_2454 = arith.constant 48 : index
        %get3A_2455 = tpu.vector_load %arg10[%get3A_2453, %get3A_2454] {strides = array<i32>} : memref<400x64xi32, #tpu.memory_space<vmem>>, vector<1x16xi32>,
        %get3A_2456 = vector.shape_cast %get3A_2455 : vector<1x16xi32> to vector<16xi32>
        %shift_left3A_2457 = arith.constant 16 : i32
        %shift_left3A_2458 = vector.broadcast %shift_left3A_2457 : i32 to vector<16xi32>
        %shift_left3A_2459 = arith.shli %get3A_2456, %shift_left3A_2458 : vector<16xi32>
        %bitcast_convert_type3A_2460 = tpu.bitcast %shift_left3A_2459 : vector<16xi32> -> vector<16xf32>
        %and3A_2461 = arith.constant -65536 : i32
        %and3A_2462 = vector.broadcast %and3A_2461 : i32 to vector<16xi32>
        %and3A_2463 = arith.andi %get3A_2456, %and3A_2462 : vector<16xi32>
        %bitcast_convert_type3A_2464 = tpu.bitcast %and3A_2463 : vector<16xi32> -> vector<16xf32>
        %mul3A_2465 = vector.broadcast %squeeze3A_2364 : f32 to vector<16xf32>
        %mul3A_2466 = arith.mulf %bitcast_convert_type3A_2460, %mul3A_2465 : vector<16xf32>
        %swap3A_2467 = arith.index_cast %add3A_2374 : i32 to index
        %swap3A_2468 = arith.constant 96 : index
        %swap3A_2469 = tpu.vector_load %arg11[%swap3A_2467, %swap3A_2468] {strides = array<i32>} : memref<160x128xf32, #tpu.memory_space<vmem>>, vector<1x16xf32>,
        %swap3A_2470 = vector.shape_cast %swap3A_2469 : vector<1x16xf32> to vector<16xf32>
        %swap3A_2471 = vector.shape_cast %mul3A_2466 : vector<16xf32> to vector<1x16xf32>
        tpu.vector_store %arg11[%swap3A_2467, %swap3A_2468], %swap3A_2471 {strides = array<i32>} : memref<160x128xf32, #tpu.memory_space<vmem>>, vector<1x16xf32>,
        %mul3A_2472 = vector.broadcast %squeeze3A_2364 : f32 to vector<16xf32>
        %mul3A_2473 = arith.mulf %bitcast_convert_type3A_2464, %mul3A_2472 : vector<16xf32>
        %swap3A_2474 = arith.index_cast %add3A_2374 : i32 to index
        %swap3A_2475 = arith.constant 112 : index
        %swap3A_2476 = tpu.vector_load %arg11[%swap3A_2474, %swap3A_2475] {strides = array<i32>} : memref<160x128xf32, #tpu.memory_space<vmem>>, vector<1x16xf32>,
        %swap3A_2477 = vector.shape_cast %swap3A_2476 : vector<1x16xf32> to vector<16xf32>
        %swap3A_2478 = vector.shape_cast %mul3A_2473 : vector<16xf32> to vector<1x16xf32>
        tpu.vector_store %arg11[%swap3A_2474, %swap3A_2475], %swap3A_2478 {strides = array<i32>} : memref<160x128xf32, #tpu.memory_space<vmem>>, vector<1x16xf32>,
      }
      %scan3A_587 = arith.constant 5 : i32
      %rem3A_588 = arith.constant 6 : i32
      %rem3A_589 = arith.remsi %scan3A_561, %rem3A_588 : i32
      %mul3A_590 = arith.constant 80 : i32
      %mul3A_591 = arith.muli %rem3A_565, %mul3A_590 : i32
      %dma_start3A_592 = arith.constant 0 : i32
      %dma_start3A_593 = tpu.memref_slice %arg11[%mul3A_591, %dma_start3A_592] : memref<160x128xf32, #tpu.memory_space<vmem>> -> memref<80x128xf32, #tpu.memory_space<vmem>>
      %dma_start3A_594 = arith.constant 0 : i32
      %dma_start3A_595 = tpu.memref_slice %arg8[%rem3A_589, %dma_start3A_594] : memref<6x80xi32, #tpu.memory_space<vmem>> -> memref<1x80xi32, #tpu.memory_space<vmem>>
      %dma_start3A_596 = tpu.memref_squeeze %dma_start3A_595 : memref<1x80xi32, #tpu.memory_space<vmem>> -> memref<80xi32, #tpu.memory_space<vmem>>
      %dma_start3A_597 = arith.constant 0 : i32
      %dma_start3A_598 = arith.constant 0 : i32
      %dma_start3A_599 = tpu.memref_slice %arg12[%dma_start3A_597, %dma_start3A_598] : memref<10240x128xf32, #tpu.memory_space<vmem_shared>> -> memref<10240x128xf32, #tpu.memory_space<vmem_shared>>
      %dma_start3A_600 = tpu.memref_slice %arg15[%rem3A_565] : memref<2x!tpu.dma_semaphore, #tpu.memory_space<semaphore_mem>> -> memref<1x!tpu.dma_semaphore, #tpu.memory_space<semaphore_mem>>
      %dma_start3A_601 = tpu.memref_squeeze %dma_start3A_600 : memref<1x!tpu.dma_semaphore, #tpu.memory_space<semaphore_mem>> -> memref<!tpu.dma_semaphore, #tpu.memory_space<semaphore_mem>>
      tpu.enqueue_indirect_dma source(%dma_start3A_593 : memref<80x128xf32, #tpu.memory_space<vmem>>) target(%dma_start3A_599 : memref<10240x128xf32, #tpu.memory_space<vmem_shared>>) offsets(%dma_start3A_596 : memref<80xi32, #tpu.memory_space<vmem>>) semaphore(%dma_start3A_601 : memref<!tpu.dma_semaphore, #tpu.memory_space<semaphore_mem>>) {add = true}
      %ge3A = arith.constant 1 : i32
      %ge3A_602 = arith.cmpi sge, %scan3A_561, %ge3A : i32
      %convert_element_type3A = arith.extui %ge3A_602 : i1 to i32
      %cond3A = arith.constant 0 : i32
      %cond3A_603 = arith.cmpi ne, %convert_element_type3A, %cond3A : i32
      scf.if %cond3A_603 {
        %sub3A = arith.constant 1 : i32
        %sub3A_623 = arith.subi %scan3A_561, %sub3A : i32
        %add3A_624 = arith.constant 1 : i32
        %add3A_625 = arith.addi %scan3A_561, %add3A_624 : i32
        %rem3A_626 = arith.constant 2 : i32
        %rem3A_627 = arith.remsi %add3A_625, %rem3A_626 : i32
        %rem3A_628 = arith.constant 6 : i32
        %rem3A_629 = arith.remsi %sub3A_623, %rem3A_628 : i32
        %mul3A_630 = arith.constant 80 : i32
        %mul3A_631 = arith.muli %rem3A_627, %mul3A_630 : i32
        %dma_wait3A_632 = arith.constant 0 : i32
        %dma_wait3A_633 = tpu.memref_slice %arg11[%mul3A_631, %dma_wait3A_632] : memref<160x128xf32, #tpu.memory_space<vmem>> -> memref<80x128xf32, #tpu.memory_space<vmem>>
        %dma_wait3A_634 = arith.constant 0 : i32
        %dma_wait3A_635 = tpu.memref_slice %arg8[%rem3A_629, %dma_wait3A_634] : memref<6x80xi32, #tpu.memory_space<vmem>> -> memref<1x80xi32, #tpu.memory_space<vmem>>
        %dma_wait3A_636 = tpu.memref_squeeze %dma_wait3A_635 : memref<1x80xi32, #tpu.memory_space<vmem>> -> memref<80xi32, #tpu.memory_space<vmem>>
        %dma_wait3A_637 = arith.constant 0 : i32
        %dma_wait3A_638 = arith.constant 0 : i32
        %dma_wait3A_639 = tpu.memref_slice %arg12[%dma_wait3A_637, %dma_wait3A_638] : memref<10240x128xf32, #tpu.memory_space<vmem_shared>> -> memref<10240x128xf32, #tpu.memory_space<vmem_shared>>
        %dma_wait3A_640 = tpu.memref_slice %arg15[%rem3A_627] : memref<2x!tpu.dma_semaphore, #tpu.memory_space<semaphore_mem>> -> memref<1x!tpu.dma_semaphore, #tpu.memory_space<semaphore_mem>>
        %dma_wait3A_641 = tpu.memref_squeeze %dma_wait3A_640 : memref<1x!tpu.dma_semaphore, #tpu.memory_space<semaphore_mem>> -> memref<!tpu.dma_semaphore, #tpu.memory_space<semaphore_mem>>
        tpu.wait_indirect_dma semaphore(%dma_wait3A_641 : memref<!tpu.dma_semaphore, #tpu.memory_space<semaphore_mem>>) src(%dma_wait3A_633 : memref<80x128xf32, #tpu.memory_space<vmem>>) dst(%dma_wait3A_639 : memref<10240x128xf32, #tpu.memory_space<vmem_shared>>)
      } else {
      }
      %add3A_604 = arith.constant 4 : i32
      %add3A_605 = arith.addi %scan3A_561, %add3A_604 : i32
      %rem3A_606 = arith.constant 5 : i32
      %rem3A_607 = arith.remsi %add3A_605, %rem3A_606 : i32
      %add3A_608 = arith.constant 4 : i32
      %add3A_609 = arith.addi %scan3A_561, %add3A_608 : i32
      %lt3A = arith.constant 128 : i32
      %lt3A_610 = arith.cmpi slt, %add3A_609, %lt3A : i32
      %convert_element_type3A_611 = arith.extui %lt3A_610 : i1 to i32
      %cond3A_612 = arith.constant 0 : i32
      %cond3A_613 = arith.cmpi ne, %convert_element_type3A_611, %cond3A_612 : i32
      scf.if %cond3A_613 {
        %add3A_623 = arith.constant 4 : i32
        %add3A_624 = arith.addi %scan3A_561, %add3A_623 : i32
        %rem3A_625 = arith.constant 6 : i32
        %rem3A_626 = arith.remsi %add3A_624, %rem3A_625 : i32
        %add3A_627 = arith.addi %mul3A_0, %add3A_624 : i32
        %dma_wait3A_628 = arith.constant 0 : i32
        %dma_wait3A_629 = tpu.memref_slice %arg7[%rem3A_626, %dma_wait3A_628] : memref<6x80xi32, #tpu.memory_space<vmem>> -> memref<1x80xi32, #tpu.memory_space<vmem>>
        %dma_wait3A_630 = tpu.memref_squeeze %dma_wait3A_629 : memref<1x80xi32, #tpu.memory_space<vmem>> -> memref<80xi32, #tpu.memory_space<vmem>>
        %dma_wait3A_631 = arith.constant 0 : i32
        %dma_wait3A_632 = tpu.memref_slice %arg3[%arg0, %add3A_627, %dma_wait3A_631] : memref<2x2048x80xi32, #tpu.memory_space<hbm>> -> memref<1x1x80xi32, #tpu.memory_space<hbm>>
        %dma_wait3A_633 = tpu.memref_squeeze %dma_wait3A_632 : memref<1x1x80xi32, #tpu.memory_space<hbm>> -> memref<80xi32, #tpu.memory_space<hbm>>
        %dma_wait3A_634 = tpu.memref_slice %arg13[%rem3A_626] : memref<6x!tpu.dma_semaphore, #tpu.memory_space<semaphore_mem>> -> memref<1x!tpu.dma_semaphore, #tpu.memory_space<semaphore_mem>>
        %dma_wait3A_635 = tpu.memref_squeeze %dma_wait3A_634 : memref<1x!tpu.dma_semaphore, #tpu.memory_space<semaphore_mem>> -> memref<!tpu.dma_semaphore, #tpu.memory_space<semaphore_mem>>
        %dma_wait3A_636 = arith.constant 0 : i32
        %dma_wait3A_637 = tpu.memref_slice %arg7[%rem3A_626, %dma_wait3A_636] : memref<6x80xi32, #tpu.memory_space<vmem>> -> memref<1x80xi32, #tpu.memory_space<vmem>>
        %dma_wait3A_638 = tpu.memref_squeeze %dma_wait3A_637 : memref<1x80xi32, #tpu.memory_space<vmem>> -> memref<80xi32, #tpu.memory_space<vmem>>
        %dma_wait3A_639 = arith.constant 0 : i32
        %dma_wait3A_640 = tpu.memref_slice %arg3[%arg0, %add3A_627, %dma_wait3A_639] : memref<2x2048x80xi32, #tpu.memory_space<hbm>> -> memref<1x1x80xi32, #tpu.memory_space<hbm>>
        %dma_wait3A_641 = tpu.memref_squeeze %dma_wait3A_640 : memref<1x1x80xi32, #tpu.memory_space<hbm>> -> memref<80xi32, #tpu.memory_space<hbm>>
        tpu.wait_dma2 semaphore(%dma_wait3A_635 : memref<!tpu.dma_semaphore, #tpu.memory_space<semaphore_mem>>) src(%dma_wait3A_641 : memref<80xi32, #tpu.memory_space<hbm>>) dst(%dma_wait3A_638 : memref<80xi32, #tpu.memory_space<vmem>>)
        %add3A_642 = arith.addi %mul3A_0, %add3A_624 : i32
        %dma_wait3A_643 = arith.constant 0 : i32
        %dma_wait3A_644 = tpu.memref_slice %arg8[%rem3A_626, %dma_wait3A_643] : memref<6x80xi32, #tpu.memory_space<vmem>> -> memref<1x80xi32, #tpu.memory_space<vmem>>
        %dma_wait3A_645 = tpu.memref_squeeze %dma_wait3A_644 : memref<1x80xi32, #tpu.memory_space<vmem>> -> memref<80xi32, #tpu.memory_space<vmem>>
        %dma_wait3A_646 = arith.constant 0 : i32
        %dma_wait3A_647 = tpu.memref_slice %arg4[%add3A_642, %dma_wait3A_646] : memref<2048x80xi32, #tpu.memory_space<hbm>> -> memref<1x80xi32, #tpu.memory_space<hbm>>
        %dma_wait3A_648 = tpu.memref_squeeze %dma_wait3A_647 : memref<1x80xi32, #tpu.memory_space<hbm>> -> memref<80xi32, #tpu.memory_space<hbm>>
        %dma_wait3A_649 = tpu.memref_slice %arg13[%rem3A_626] : memref<6x!tpu.dma_semaphore, #tpu.memory_space<semaphore_mem>> -> memref<1x!tpu.dma_semaphore, #tpu.memory_space<semaphore_mem>>
        %dma_wait3A_650 = tpu.memref_squeeze %dma_wait3A_649 : memref<1x!tpu.dma_semaphore, #tpu.memory_space<semaphore_mem>> -> memref<!tpu.dma_semaphore, #tpu.memory_space<semaphore_mem>>
        %dma_wait3A_651 = arith.constant 0 : i32
        %dma_wait3A_652 = tpu.memref_slice %arg8[%rem3A_626, %dma_wait3A_651] : memref<6x80xi32, #tpu.memory_space<vmem>> -> memref<1x80xi32, #tpu.memory_space<vmem>>
        %dma_wait3A_653 = tpu.memref_squeeze %dma_wait3A_652 : memref<1x80xi32, #tpu.memory_space<vmem>> -> memref<80xi32, #tpu.memory_space<vmem>>
        %dma_wait3A_654 = arith.constant 0 : i32
        %dma_wait3A_655 = tpu.memref_slice %arg4[%add3A_642, %dma_wait3A_654] : memref<2048x80xi32, #tpu.memory_space<hbm>> -> memref<1x80xi32, #tpu.memory_space<hbm>>
        %dma_wait3A_656 = tpu.memref_squeeze %dma_wait3A_655 : memref<1x80xi32, #tpu.memory_space<hbm>> -> memref<80xi32, #tpu.memory_space<hbm>>
        tpu.wait_dma2 semaphore(%dma_wait3A_650 : memref<!tpu.dma_semaphore, #tpu.memory_space<semaphore_mem>>) src(%dma_wait3A_656 : memref<80xi32, #tpu.memory_space<hbm>>) dst(%dma_wait3A_653 : memref<80xi32, #tpu.memory_space<vmem>>)
        %add3A_657 = arith.addi %mul3A_0, %add3A_624 : i32
        %dma_wait3A_658 = arith.constant 0 : i32
        %dma_wait3A_659 = tpu.memref_slice %arg9[%rem3A_626, %dma_wait3A_658] : memref<6x80xf32, #tpu.memory_space<vmem>> -> memref<1x80xf32, #tpu.memory_space<vmem>>
        %dma_wait3A_660 = tpu.memref_squeeze %dma_wait3A_659 : memref<1x80xf32, #tpu.memory_space<vmem>> -> memref<80xf32, #tpu.memory_space<vmem>>
        %dma_wait3A_661 = arith.constant 0 : i32
        %dma_wait3A_662 = tpu.memref_slice %arg5[%add3A_657, %dma_wait3A_661] : memref<2048x80xf32, #tpu.memory_space<hbm>> -> memref<1x80xf32, #tpu.memory_space<hbm>>
        %dma_wait3A_663 = tpu.memref_squeeze %dma_wait3A_662 : memref<1x80xf32, #tpu.memory_space<hbm>> -> memref<80xf32, #tpu.memory_space<hbm>>
        %dma_wait3A_664 = tpu.memref_slice %arg13[%rem3A_626] : memref<6x!tpu.dma_semaphore, #tpu.memory_space<semaphore_mem>> -> memref<1x!tpu.dma_semaphore, #tpu.memory_space<semaphore_mem>>
        %dma_wait3A_665 = tpu.memref_squeeze %dma_wait3A_664 : memref<1x!tpu.dma_semaphore, #tpu.memory_space<semaphore_mem>> -> memref<!tpu.dma_semaphore, #tpu.memory_space<semaphore_mem>>
        %dma_wait3A_666 = arith.constant 0 : i32
        %dma_wait3A_667 = tpu.memref_slice %arg9[%rem3A_626, %dma_wait3A_666] : memref<6x80xf32, #tpu.memory_space<vmem>> -> memref<1x80xf32, #tpu.memory_space<vmem>>
        %dma_wait3A_668 = tpu.memref_squeeze %dma_wait3A_667 : memref<1x80xf32, #tpu.memory_space<vmem>> -> memref<80xf32, #tpu.memory_space<vmem>>
        %dma_wait3A_669 = arith.constant 0 : i32
        %dma_wait3A_670 = tpu.memref_slice %arg5[%add3A_657, %dma_wait3A_669] : memref<2048x80xf32, #tpu.memory_space<hbm>> -> memref<1x80xf32, #tpu.memory_space<hbm>>
        %dma_wait3A_671 = tpu.memref_squeeze %dma_wait3A_670 : memref<1x80xf32, #tpu.memory_space<hbm>> -> memref<80xf32, #tpu.memory_space<hbm>>
        tpu.wait_dma2 semaphore(%dma_wait3A_665 : memref<!tpu.dma_semaphore, #tpu.memory_space<semaphore_mem>>) src(%dma_wait3A_671 : memref<80xf32, #tpu.memory_space<hbm>>) dst(%dma_wait3A_668 : memref<80xf32, #tpu.memory_space<vmem>>)
        %add3A_672 = arith.constant 4 : i32
        %add3A_673 = arith.addi %scan3A_561, %add3A_672 : i32
        %rem3A_674 = arith.constant 6 : i32
        %rem3A_675 = arith.remsi %add3A_673, %rem3A_674 : i32
        %mul3A_676 = arith.constant 80 : i32
        %mul3A_677 = arith.muli %rem3A_607, %mul3A_676 : i32
        %dma_start3A_678 = arith.constant 0 : i32
        %dma_start3A_679 = tpu.memref_slice %arg10[%mul3A_677, %dma_start3A_678] : memref<400x64xi32, #tpu.memory_space<vmem>> -> memref<80x64xi32, #tpu.memory_space<vmem>>
        %dma_start3A_680 = arith.constant 0 : i32
        %dma_start3A_681 = tpu.memref_slice %arg7[%rem3A_675, %dma_start3A_680] : memref<6x80xi32, #tpu.memory_space<vmem>> -> memref<1x80xi32, #tpu.memory_space<vmem>>
        %dma_start3A_682 = tpu.memref_squeeze %dma_start3A_681 : memref<1x80xi32, #tpu.memory_space<vmem>> -> memref<80xi32, #tpu.memory_space<vmem>>
        %dma_start3A_683 = arith.constant 0 : i32
        %dma_start3A_684 = arith.constant 0 : i32
        %dma_start3A_685 = tpu.memref_slice %arg2[%dma_start3A_683, %dma_start3A_684] : memref<20000x64xi32, #tpu.memory_space<hbm>> -> memref<20000x64xi32, #tpu.memory_space<hbm>>
        %dma_start3A_686 = tpu.memref_slice %arg14[%rem3A_607] : memref<5x!tpu.dma_semaphore, #tpu.memory_space<semaphore_mem>> -> memref<1x!tpu.dma_semaphore, #tpu.memory_space<semaphore_mem>>
        %dma_start3A_687 = tpu.memref_squeeze %dma_start3A_686 : memref<1x!tpu.dma_semaphore, #tpu.memory_space<semaphore_mem>> -> memref<!tpu.dma_semaphore, #tpu.memory_space<semaphore_mem>>
        tpu.enqueue_indirect_dma source(%dma_start3A_685 : memref<20000x64xi32, #tpu.memory_space<hbm>>) target(%dma_start3A_679 : memref<80x64xi32, #tpu.memory_space<vmem>>) offsets(%dma_start3A_682 : memref<80xi32, #tpu.memory_space<vmem>>) semaphore(%dma_start3A_687 : memref<!tpu.dma_semaphore, #tpu.memory_space<semaphore_mem>>)
      } else {
      }
      %add3A_614 = arith.constant 4 : i32
      %add3A_615 = arith.addi %scan3A_561, %add3A_614 : i32
      %add3A_616 = arith.constant 1 : i32
      %add3A_617 = arith.addi %add3A_615, %add3A_616 : i32
      %lt3A_618 = arith.constant 128 : i32
      %lt3A_619 = arith.cmpi slt, %add3A_617, %lt3A_618 : i32
      %convert_element_type3A_620 = arith.extui %lt3A_619 : i1 to i32
      %cond3A_621 = arith.constant 0 : i32
      %cond3A_622 = arith.cmpi ne, %convert_element_type3A_620, %cond3A_621 : i32
      scf.if %cond3A_622 {
        %add3A_623 = arith.constant 4 : i32
        %add3A_624 = arith.addi %scan3A_561, %add3A_623 : i32
        %add3A_625 = arith.constant 1 : i32
        %add3A_626 = arith.addi %add3A_624, %add3A_625 : i32
        %rem3A_627 = arith.constant 6 : i32
        %rem3A_628 = arith.remsi %add3A_626, %rem3A_627 : i32
        %add3A_629 = arith.addi %mul3A_0, %add3A_626 : i32
        %dma_start3A_630 = arith.constant 0 : i32
        %dma_start3A_631 = tpu.memref_slice %arg7[%rem3A_628, %dma_start3A_630] : memref<6x80xi32, #tpu.memory_space<vmem>> -> memref<1x80xi32, #tpu.memory_space<vmem>>
        %dma_start3A_632 = tpu.memref_squeeze %dma_start3A_631 : memref<1x80xi32, #tpu.memory_space<vmem>> -> memref<80xi32, #tpu.memory_space<vmem>>
        %dma_start3A_633 = arith.constant 0 : i32
        %dma_start3A_634 = tpu.memref_slice %arg3[%arg0, %add3A_629, %dma_start3A_633] : memref<2x2048x80xi32, #tpu.memory_space<hbm>> -> memref<1x1x80xi32, #tpu.memory_space<hbm>>
        %dma_start3A_635 = tpu.memref_squeeze %dma_start3A_634 : memref<1x1x80xi32, #tpu.memory_space<hbm>> -> memref<80xi32, #tpu.memory_space<hbm>>
        %dma_start3A_636 = tpu.memref_slice %arg13[%rem3A_628] : memref<6x!tpu.dma_semaphore, #tpu.memory_space<semaphore_mem>> -> memref<1x!tpu.dma_semaphore, #tpu.memory_space<semaphore_mem>>
        %dma_start3A_637 = tpu.memref_squeeze %dma_start3A_636 : memref<1x!tpu.dma_semaphore, #tpu.memory_space<semaphore_mem>> -> memref<!tpu.dma_semaphore, #tpu.memory_space<semaphore_mem>>
        %dma_start3A_638 = arith.constant 0 : i32
        %dma_start3A_639 = tpu.memref_slice %arg7[%rem3A_628, %dma_start3A_638] : memref<6x80xi32, #tpu.memory_space<vmem>> -> memref<1x80xi32, #tpu.memory_space<vmem>>
        %dma_start3A_640 = tpu.memref_squeeze %dma_start3A_639 : memref<1x80xi32, #tpu.memory_space<vmem>> -> memref<80xi32, #tpu.memory_space<vmem>>
        %dma_start3A_641 = arith.constant 0 : i32
        %dma_start3A_642 = tpu.memref_slice %arg3[%arg0, %add3A_629, %dma_start3A_641] : memref<2x2048x80xi32, #tpu.memory_space<hbm>> -> memref<1x1x80xi32, #tpu.memory_space<hbm>>
        %dma_start3A_643 = tpu.memref_squeeze %dma_start3A_642 : memref<1x1x80xi32, #tpu.memory_space<hbm>> -> memref<80xi32, #tpu.memory_space<hbm>>
        tpu.enqueue_dma source(%dma_start3A_643 : memref<80xi32, #tpu.memory_space<hbm>>) target(%dma_start3A_640 : memref<80xi32, #tpu.memory_space<vmem>>) target_semaphore(%dma_start3A_637 : memref<!tpu.dma_semaphore, #tpu.memory_space<semaphore_mem>>)
        %add3A_644 = arith.addi %mul3A_0, %add3A_626 : i32
        %dma_start3A_645 = arith.constant 0 : i32
        %dma_start3A_646 = tpu.memref_slice %arg8[%rem3A_628, %dma_start3A_645] : memref<6x80xi32, #tpu.memory_space<vmem>> -> memref<1x80xi32, #tpu.memory_space<vmem>>
        %dma_start3A_647 = tpu.memref_squeeze %dma_start3A_646 : memref<1x80xi32, #tpu.memory_space<vmem>> -> memref<80xi32, #tpu.memory_space<vmem>>
        %dma_start3A_648 = arith.constant 0 : i32
        %dma_start3A_649 = tpu.memref_slice %arg4[%add3A_644, %dma_start3A_648] : memref<2048x80xi32, #tpu.memory_space<hbm>> -> memref<1x80xi32, #tpu.memory_space<hbm>>
        %dma_start3A_650 = tpu.memref_squeeze %dma_start3A_649 : memref<1x80xi32, #tpu.memory_space<hbm>> -> memref<80xi32, #tpu.memory_space<hbm>>
        %dma_start3A_651 = tpu.memref_slice %arg13[%rem3A_628] : memref<6x!tpu.dma_semaphore, #tpu.memory_space<semaphore_mem>> -> memref<1x!tpu.dma_semaphore, #tpu.memory_space<semaphore_mem>>
        %dma_start3A_652 = tpu.memref_squeeze %dma_start3A_651 : memref<1x!tpu.dma_semaphore, #tpu.memory_space<semaphore_mem>> -> memref<!tpu.dma_semaphore, #tpu.memory_space<semaphore_mem>>
        %dma_start3A_653 = arith.constant 0 : i32
        %dma_start3A_654 = tpu.memref_slice %arg8[%rem3A_628, %dma_start3A_653] : memref<6x80xi32, #tpu.memory_space<vmem>> -> memref<1x80xi32, #tpu.memory_space<vmem>>
        %dma_start3A_655 = tpu.memref_squeeze %dma_start3A_654 : memref<1x80xi32, #tpu.memory_space<vmem>> -> memref<80xi32, #tpu.memory_space<vmem>>
        %dma_start3A_656 = arith.constant 0 : i32
        %dma_start3A_657 = tpu.memref_slice %arg4[%add3A_644, %dma_start3A_656] : memref<2048x80xi32, #tpu.memory_space<hbm>> -> memref<1x80xi32, #tpu.memory_space<hbm>>
        %dma_start3A_658 = tpu.memref_squeeze %dma_start3A_657 : memref<1x80xi32, #tpu.memory_space<hbm>> -> memref<80xi32, #tpu.memory_space<hbm>>
        tpu.enqueue_dma source(%dma_start3A_658 : memref<80xi32, #tpu.memory_space<hbm>>) target(%dma_start3A_655 : memref<80xi32, #tpu.memory_space<vmem>>) target_semaphore(%dma_start3A_652 : memref<!tpu.dma_semaphore, #tpu.memory_space<semaphore_mem>>)
        %add3A_659 = arith.addi %mul3A_0, %add3A_626 : i32
        %dma_start3A_660 = arith.constant 0 : i32
        %dma_start3A_661 = tpu.memref_slice %arg9[%rem3A_628, %dma_start3A_660] : memref<6x80xf32, #tpu.memory_space<vmem>> -> memref<1x80xf32, #tpu.memory_space<vmem>>
        %dma_start3A_662 = tpu.memref_squeeze %dma_start3A_661 : memref<1x80xf32, #tpu.memory_space<vmem>> -> memref<80xf32, #tpu.memory_space<vmem>>
        %dma_start3A_663 = arith.constant 0 : i32
        %dma_start3A_664 = tpu.memref_slice %arg5[%add3A_659, %dma_start3A_663] : memref<2048x80xf32, #tpu.memory_space<hbm>> -> memref<1x80xf32, #tpu.memory_space<hbm>>
        %dma_start3A_665 = tpu.memref_squeeze %dma_start3A_664 : memref<1x80xf32, #tpu.memory_space<hbm>> -> memref<80xf32, #tpu.memory_space<hbm>>
        %dma_start3A_666 = tpu.memref_slice %arg13[%rem3A_628] : memref<6x!tpu.dma_semaphore, #tpu.memory_space<semaphore_mem>> -> memref<1x!tpu.dma_semaphore, #tpu.memory_space<semaphore_mem>>
        %dma_start3A_667 = tpu.memref_squeeze %dma_start3A_666 : memref<1x!tpu.dma_semaphore, #tpu.memory_space<semaphore_mem>> -> memref<!tpu.dma_semaphore, #tpu.memory_space<semaphore_mem>>
        %dma_start3A_668 = arith.constant 0 : i32
        %dma_start3A_669 = tpu.memref_slice %arg9[%rem3A_628, %dma_start3A_668] : memref<6x80xf32, #tpu.memory_space<vmem>> -> memref<1x80xf32, #tpu.memory_space<vmem>>
        %dma_start3A_670 = tpu.memref_squeeze %dma_start3A_669 : memref<1x80xf32, #tpu.memory_space<vmem>> -> memref<80xf32, #tpu.memory_space<vmem>>
        %dma_start3A_671 = arith.constant 0 : i32
        %dma_start3A_672 = tpu.memref_slice %arg5[%add3A_659, %dma_start3A_671] : memref<2048x80xf32, #tpu.memory_space<hbm>> -> memref<1x80xf32, #tpu.memory_space<hbm>>
        %dma_start3A_673 = tpu.memref_squeeze %dma_start3A_672 : memref<1x80xf32, #tpu.memory_space<hbm>> -> memref<80xf32, #tpu.memory_space<hbm>>
        tpu.enqueue_dma source(%dma_start3A_673 : memref<80xf32, #tpu.memory_space<hbm>>) target(%dma_start3A_670 : memref<80xf32, #tpu.memory_space<vmem>>) target_semaphore(%dma_start3A_667 : memref<!tpu.dma_semaphore, #tpu.memory_space<semaphore_mem>>)
      } else {
      }
    }
    %scan3A_544 = arith.constant 128 : i32
    %rem3A_545 = arith.constant 127 : i32
    %rem3A_546 = arith.constant 6 : i32
    %rem3A_547 = arith.remsi %rem3A_545, %rem3A_546 : i32
    %dma_wait3A_548 = arith.constant 1 : i32
    %dma_wait3A_549 = arith.constant 80 : i32
    %dma_wait3A_550 = arith.constant 0 : i32
    %dma_wait3A_551 = tpu.memref_slice %arg11[%dma_wait3A_549, %dma_wait3A_550] : memref<160x128xf32, #tpu.memory_space<vmem>> -> memref<80x128xf32, #tpu.memory_space<vmem>>
    %dma_wait3A_552 = arith.constant 0 : i32
    %dma_wait3A_553 = tpu.memref_slice %arg8[%rem3A_547, %dma_wait3A_552] : memref<6x80xi32, #tpu.memory_space<vmem>> -> memref<1x80xi32, #tpu.memory_space<vmem>>
    %dma_wait3A_554 = tpu.memref_squeeze %dma_wait3A_553 : memref<1x80xi32, #tpu.memory_space<vmem>> -> memref<80xi32, #tpu.memory_space<vmem>>
    %dma_wait3A_555 = arith.constant 0 : i32
    %dma_wait3A_556 = arith.constant 0 : i32
    %dma_wait3A_557 = tpu.memref_slice %arg12[%dma_wait3A_555, %dma_wait3A_556] : memref<10240x128xf32, #tpu.memory_space<vmem_shared>> -> memref<10240x128xf32, #tpu.memory_space<vmem_shared>>
    %dma_wait3A_558 = tpu.memref_slice %arg15[%dma_wait3A_548] : memref<2x!tpu.dma_semaphore, #tpu.memory_space<semaphore_mem>> -> memref<1x!tpu.dma_semaphore, #tpu.memory_space<semaphore_mem>>
    %dma_wait3A_559 = tpu.memref_squeeze %dma_wait3A_558 : memref<1x!tpu.dma_semaphore, #tpu.memory_space<semaphore_mem>> -> memref<!tpu.dma_semaphore, #tpu.memory_space<semaphore_mem>>
    tpu.wait_indirect_dma semaphore(%dma_wait3A_559 : memref<!tpu.dma_semaphore, #tpu.memory_space<semaphore_mem>>) src(%dma_wait3A_551 : memref<80x128xf32, #tpu.memory_space<vmem>>) dst(%dma_wait3A_557 : memref<10240x128xf32, #tpu.memory_space<vmem_shared>>)
    %barrier3A_560 = arith.constant 0 : index
    tpu.barrier barrier_id(%barrier3A_560)
    "tpu.region"() ({
      %run_scoped3A = tpu.sem_alloc : memref<!tpu.dma_semaphore, #tpu.memory_space<semaphore_mem>>
      %dma_start3A_561 = arith.constant 0 : i32
      %dma_start3A_562 = tpu.memref_slice %arg6[%arg0, %mul3A_259, %dma_start3A_561] : memref<2x10240x128xf32, #tpu.memory_space<hbm>> -> memref<1x640x128xf32, #tpu.memory_space<hbm>>
      %dma_start3A_563 = tpu.memref_squeeze %dma_start3A_562 : memref<1x640x128xf32, #tpu.memory_space<hbm>> -> memref<640x128xf32, #tpu.memory_space<hbm>>
      %dma_start3A_564 = arith.constant 0 : i32
      %dma_start3A_565 = tpu.memref_slice %arg12[%mul3A_259, %dma_start3A_564] : memref<10240x128xf32, #tpu.memory_space<vmem_shared>> -> memref<640x128xf32, #tpu.memory_space<vmem_shared>>
      tpu.enqueue_dma source(%dma_start3A_565 : memref<640x128xf32, #tpu.memory_space<vmem_shared>>) target(%dma_start3A_563 : memref<640x128xf32, #tpu.memory_space<hbm>>) target_semaphore(%run_scoped3A : memref<!tpu.dma_semaphore, #tpu.memory_space<semaphore_mem>>)
      %dma_wait3A_566 = arith.constant 0 : i32
      %dma_wait3A_567 = tpu.memref_slice %arg6[%arg0, %mul3A_259, %dma_wait3A_566] : memref<2x10240x128xf32, #tpu.memory_space<hbm>> -> memref<1x640x128xf32, #tpu.memory_space<hbm>>
      %dma_wait3A_568 = tpu.memref_squeeze %dma_wait3A_567 : memref<1x640x128xf32, #tpu.memory_space<hbm>> -> memref<640x128xf32, #tpu.memory_space<hbm>>
      %dma_wait3A_569 = arith.constant 0 : i32
      %dma_wait3A_570 = tpu.memref_slice %arg12[%mul3A_259, %dma_wait3A_569] : memref<10240x128xf32, #tpu.memory_space<vmem_shared>> -> memref<640x128xf32, #tpu.memory_space<vmem_shared>>
      tpu.wait_dma2 semaphore(%run_scoped3A : memref<!tpu.dma_semaphore, #tpu.memory_space<semaphore_mem>>) src(%dma_wait3A_570 : memref<640x128xf32, #tpu.memory_space<vmem_shared>>) dst(%dma_wait3A_568 : memref<640x128xf32, #tpu.memory_space<hbm>>)
      tpu.yield
    }) : () -> ()
    return
  }
}

module attributes {stable_mosaic.version = 14 : i64} {
  func.func @_tc_body(%arg0: i32, %arg1: memref<400x256xf32, #tpu.memory_space<vmem>>, %arg2: memref<1x400x128xf32, #tpu.memory_space<vmem>>, %arg3: memref<1x400x128xf32, #tpu.memory_space<vmem>>, %arg4: memref<256x256xf32, #tpu.memory_space<vmem>>, %arg5: memref<256x256xf32, #tpu.memory_space<vmem>>, %arg6: memref<1x256xf32, #tpu.memory_space<vmem>>, %arg7: memref<1x256xf32, #tpu.memory_space<vmem>>, %arg8: memref<400x256xf32, #tpu.memory_space<vmem>>) attributes {dimension_semantics = [#tpu.dimension_semantics<arbitrary>], iteration_bounds = array<i64: 25>, scalar_prefetch = 0 : i64, scratch_operands = 0 : i64, tpu.core_type = #tpu.core_type<tc>, window_params = [{transform_indices = @transform_0, window_bounds = array<i64: 400, 256>}, {transform_indices = @transform_1, window_bounds = array<i64: 1, 400, 128>}, {transform_indices = @transform_2, window_bounds = array<i64: 1, 400, 128>}, {pipeline_mode = #tpu.pipeline_mode<synchronous>, transform_indices = @transform_3, window_bounds = array<i64: 256, 256>}, {pipeline_mode = #tpu.pipeline_mode<synchronous>, transform_indices = @transform_4, window_bounds = array<i64: 256, 256>}, {pipeline_mode = #tpu.pipeline_mode<synchronous>, transform_indices = @transform_5, window_bounds = array<i64: 1, 256>}, {pipeline_mode = #tpu.pipeline_mode<synchronous>, transform_indices = @transform_6, window_bounds = array<i64: 1, 256>}, {transform_indices = @transform_7, window_bounds = array<i64: 400, 256>}]} {
    %get3A = arith.constant 0 : index
    %get3A_0 = arith.constant 0 : index
    %get3A_1 = vector.load %arg1[%get3A, %get3A_0] : memref<400x256xf32, #tpu.memory_space<vmem>>, vector<400x256xf32>
    %get3A_2 = arith.constant 0 : index
    %get3A_3 = arith.constant 0 : index
    %get3A_4 = arith.constant 0 : index
    %get3A_5 = vector.load %arg2[%get3A_2, %get3A_3, %get3A_4] : memref<1x400x128xf32, #tpu.memory_space<vmem>>, vector<1x400x128xf32>
    %get3A_6 = vector.shape_cast %get3A_5 : vector<1x400x128xf32> to vector<400x128xf32>
    %get3A_7 = arith.constant 0 : index
    %get3A_8 = arith.constant 0 : index
    %get3A_9 = arith.constant 0 : index
    %get3A_10 = vector.load %arg3[%get3A_7, %get3A_8, %get3A_9] : memref<1x400x128xf32, #tpu.memory_space<vmem>>, vector<1x400x128xf32>
    %get3A_11 = vector.shape_cast %get3A_10 : vector<1x400x128xf32> to vector<400x128xf32>
    %concatenate3A = tpu.concatenate %get3A_6, %get3A_11 in 1 : vector<400x128xf32>, vector<400x128xf32> -> vector<400x256xf32>
    %add3A = arith.addf %get3A_1, %concatenate3A : vector<400x256xf32>
    %get3A_12 = arith.constant 0 : index
    %get3A_13 = arith.constant 0 : index
    %get3A_14 = vector.load %arg4[%get3A_12, %get3A_13] : memref<256x256xf32, #tpu.memory_space<vmem>>, vector<256x256xf32>
    %dot_general3A = arith.constant dense<0.000000e+00> : vector<400x256xf32>
    %dot_general3A_15 = tpu.matmul %add3A, %get3A_14, %dot_general3A {dimension_numbers = #tpu.dot_dimension_numbers<[1], [1], [0], [0], [0, 0, 1, 0], [], []>, transpose_lhs_hint = false} : vector<400x256xf32>, vector<256x256xf32>, vector<400x256xf32> -> vector<400x256xf32>
    %get3A_16 = arith.constant 0 : index
    %get3A_17 = arith.constant 0 : index
    %get3A_18 = vector.load %arg6[%get3A_16, %get3A_17] : memref<1x256xf32, #tpu.memory_space<vmem>>, vector<1x256xf32>
    %add3A_19 = vector.broadcast %get3A_18 : vector<1x256xf32> to vector<400x256xf32>
    %add3A_20 = arith.addf %dot_general3A_15, %add3A_19 : vector<400x256xf32>
    %mul3A = arith.mulf %get3A_1, %concatenate3A : vector<400x256xf32>
    %get3A_21 = arith.constant 0 : index
    %get3A_22 = arith.constant 0 : index
    %get3A_23 = vector.load %arg5[%get3A_21, %get3A_22] : memref<256x256xf32, #tpu.memory_space<vmem>>, vector<256x256xf32>
    %dot_general3A_24 = arith.constant dense<0.000000e+00> : vector<400x256xf32>
    %dot_general3A_25 = tpu.matmul %mul3A, %get3A_23, %dot_general3A_24 {dimension_numbers = #tpu.dot_dimension_numbers<[1], [1], [0], [0], [0, 0, 1, 0], [], []>, transpose_lhs_hint = false} : vector<400x256xf32>, vector<256x256xf32>, vector<400x256xf32> -> vector<400x256xf32>
    %get3A_26 = arith.constant 0 : index
    %get3A_27 = arith.constant 0 : index
    %get3A_28 = vector.load %arg7[%get3A_26, %get3A_27] : memref<1x256xf32, #tpu.memory_space<vmem>>, vector<1x256xf32>
    %add3A_29 = vector.broadcast %get3A_28 : vector<1x256xf32> to vector<400x256xf32>
    %add3A_30 = arith.addf %dot_general3A_25, %add3A_29 : vector<400x256xf32>
    %gt3A = arith.constant 0.000000e+00 : f32
    %gt3A_31 = vector.broadcast %gt3A : f32 to vector<400x256xf32>
    %gt3A_32 = arith.cmpf ogt, %add3A_20, %gt3A_31 : vector<400x256xf32>
    %mul3A_33 = arith.constant 0.00999999977 : f32
    %mul3A_34 = vector.broadcast %mul3A_33 : f32 to vector<400x256xf32>
    %mul3A_35 = arith.mulf %mul3A_34, %add3A_20 : vector<400x256xf32>
    %select_n3A = arith.select %gt3A_32, %add3A_20, %mul3A_35 : vector<400x256xi1>, vector<400x256xf32>
    %gt3A_36 = arith.constant 0.000000e+00 : f32
    %gt3A_37 = vector.broadcast %gt3A_36 : f32 to vector<400x256xf32>
    %gt3A_38 = arith.cmpf ogt, %add3A_30, %gt3A_37 : vector<400x256xf32>
    %mul3A_39 = arith.constant 0.00999999977 : f32
    %mul3A_40 = vector.broadcast %mul3A_39 : f32 to vector<400x256xf32>
    %mul3A_41 = arith.mulf %mul3A_40, %add3A_30 : vector<400x256xf32>
    %select_n3A_42 = arith.select %gt3A_38, %add3A_30, %mul3A_41 : vector<400x256xi1>, vector<400x256xf32>
    %add3A_43 = arith.addf %select_n3A, %select_n3A_42 : vector<400x256xf32>
    %swap3A = arith.constant 0 : index
    %swap3A_44 = arith.constant 0 : index
    %swap3A_45 = vector.load %arg8[%swap3A, %swap3A_44] : memref<400x256xf32, #tpu.memory_space<vmem>>, vector<400x256xf32>
    tpu.vector_store %arg8[%swap3A, %swap3A_44], %add3A_43 {strides = array<i32>} : memref<400x256xf32, #tpu.memory_space<vmem>>, vector<400x256xf32>,
    return
  }
  func.func @transform_0(%arg0: i32) -> (i32, i32) {
    %c0_i32 = arith.constant 0 : i32
    %c0_i32_0 = arith.constant 0 : i32
    return %arg0, %c0_i32 : i32, i32
  }
  func.func @transform_1(%arg0: i32) -> (i32, i32, i32) {
    %c0_i32 = arith.constant 0 : i32
    %c0_i32_0 = arith.constant 0 : i32
    %c0_i32_1 = arith.constant 0 : i32
    return %c0_i32, %arg0, %c0_i32_0 : i32, i32, i32
  }
  func.func @transform_2(%arg0: i32) -> (i32, i32, i32) {
    %c1_i32 = arith.constant 1 : i32
    %c0_i32 = arith.constant 0 : i32
    %c0_i32_0 = arith.constant 0 : i32
    return %c1_i32, %arg0, %c0_i32 : i32, i32, i32
  }
  func.func @transform_3(%arg0: i32) -> (i32, i32) {
    %c0_i32 = arith.constant 0 : i32
    %c0_i32_0 = arith.constant 0 : i32
    %c0_i32_1 = arith.constant 0 : i32
    return %c0_i32, %c0_i32_0 : i32, i32
  }
  func.func @transform_4(%arg0: i32) -> (i32, i32) {
    %c0_i32 = arith.constant 0 : i32
    %c0_i32_0 = arith.constant 0 : i32
    %c0_i32_1 = arith.constant 0 : i32
    return %c0_i32, %c0_i32_0 : i32, i32
  }
  func.func @transform_5(%arg0: i32) -> (i32, i32) {
    %c0_i32 = arith.constant 0 : i32
    %c0_i32_0 = arith.constant 0 : i32
    %c0_i32_1 = arith.constant 0 : i32
    return %c0_i32, %c0_i32_0 : i32, i32
  }
  func.func @transform_6(%arg0: i32) -> (i32, i32) {
    %c0_i32 = arith.constant 0 : i32
    %c0_i32_0 = arith.constant 0 : i32
    %c0_i32_1 = arith.constant 0 : i32
    return %c0_i32, %c0_i32_0 : i32, i32
  }
  func.func @transform_7(%arg0: i32) -> (i32, i32) {
    %c0_i32 = arith.constant 0 : i32
    %c0_i32_0 = arith.constant 0 : i32
    return %arg0, %c0_i32 : i32, i32
  }
}

</mosaic_0001>

<sc_bundles>
// kernel: kernel.4.cloned.1.call-start
scs
__scs_entry_jumppad:
0x0: {  	(pc) =	sbr.rel $0x88, $3  }
0x1: {  	(tag) =	ssettag $0x0;
	lr =	simm.s32 $0x1  }
0x2: {  	[smem:$0x3F9A] =	sst lr;
	_ =	strace $0xD0000000  }
0x3: {  	_ = 	snop  }
0x4: {  	_ = 	snop  }
0x5: {  	_ = 	snop  }
0x6: {  	_ = 	snop  }
0x7: {  	_ = 	snop  }
__scs_overlays_trampoline_lowered:
0x8: {  	[smem:$0x3FA9] =	sst s0  }
0x9: {  	[smem:$0x3FAA] =	sst s1  }
0xa: {  	[smem:$0x3FAB] =	sst s2  }
0xb: {  	[smem:$0x3FAC] =	sst s3  }
0xc: {  	[smem:$0x3FAD] =	sst s4  }
0xd: {  	[smem:$0x3FAE] =	sst s5  }
0xe: {  	[smem:$0x3FAF] =	sst s6  }
0xf: {  	[smem:$0x3FB0] =	sst s7  }
0x10: {  	[smem:$0x3FB1] =	sst s8  }
0x11: {  	[smem:$0x3FB2] =	sst s9;
	s0 =	simm.s32 @!p0 $0x0  }
0x12: {  	s1 =	sld [smem:$0x3F98];
	s0 =	simm.s32 @p0 $0x1  }
0x13: {  	[smem:$0x3FB3] =	sst s0;
	s0 =	simm.s32 @!p1 $0x0  }
0x14: {  	s2 =	sld [smem:$0x3F97];
	s0 =	simm.s32 @p1 $0x1  }
0x15: {  	[smem:$0x3FB4] =	sst s0;
	s0 =	simm.s32 @!p2 $0x0  }
0x16: {  	s3 =	sld [smem:$0x3FDB];
	s0 =	simm.s32 @p2 $0x1  }
0x17: {  	s4 =	simm.s32 $0x1BF5;
	[smem:$0x3FB6] =	sst s0  }
0x18: {  	s0 =	sld [smem:$0x3F99];
	_ =	swait.ge [sflag:s4], $0x0  }
0x19: {  	s7 =	sld [smem:$0x3F9A]  }
0x1a: {  	s8 =	sadd.s32 $0xFFFFE003, lr  }
0x1b: {  	s9 =	sadd.s32 $0xFFFFFEF7, lr;
	s5 =	simm.s32 $0xFFFFFFFF;
	p2 =	slt.u32 s8, $0xFFFFF086  }
0x1c: {  	p1 =	slt.u32 s9, $0xF7A;
	s5 =	simm.s32 @!p2 $0x0  }
0x1d: {  	s5 =	simm.s32 @p1 $0x1;
	p0 =	seq.s32 s7, s2  }
0x1e: {  	s7 =	smul.u32 @!p0 $0xF7A, s2;
	p2 =	seq.s32 @!p0 s5, $0x0  }
0x1f: {  	s9 =	smul.u32 $0xF7A, s1;
	s8 =	simm.s32 @!p0 $0x1BF5;
	p2 =	por !p2, p0  }
0x20: {  	[sflag:s8] =	ssyncset.s32 @!p0 $0xFFFFF086;
	s6 =	sadd.s32 @!p0 s3, s7;
	s7 =	simm.s32 @!p0 $0x108  }
0x21: {  	s3 =	sadd.s32 s3, s9;
	s6 =	sadd.s32 @!p0 $0x88, s6;
	s7 =	simm.s32 @p2 $0x1082  }
0x22: {  	[simem:s7], [sflag:s8] =	dma.local @!p0 [hbm:s6], $0xF7A  }
0x23: {  	s9 =	sor.u32 $0xD0000000, s2;
	s6 =	simm.s32 $0x108;
	_ =	swait.ge @!p0 [sflag:s8], $0x0  }
0x24: {  	s3 =	sadd.s32 $0x88, s3;
	s6 =	simm.s32 @!p1 $0x1082;
	[sflag:s4] =	ssyncset.s32 $0xFFFFF086  }
0x25: {  	[simem:s6], [sflag:s4] =	dma.local [hbm:s3], $0xF7A  }
0x26: {  	[smem:$0x3F9A] =	sst s1;
	(tag) =	ssettag s2;
	_ =	strace s9  }
0x27: {  	s1 =	sld [smem:$0x3FAA]  }
0x28: {  	s2 =	sld [smem:$0x3FAB]  }
0x29: {  	s4 =	sld [smem:$0x3FAD]  }
0x2a: {  	p0 =	seq.s32 s5, $0x0;
	s5 =	sld [smem:$0x3FAE]  }
0x2b: {  	s6 =	sld [smem:$0x3FAF]  }
0x2c: {  	s7 =	sld [smem:$0x3FB0]  }
0x2d: {  	s3 =	simm.s32 $0x108;
	s8 =	sld [smem:$0x3FB1]  }
0x2e: {  	s3 =	simm.s32 @!p0 $0x1082;
	s9 =	sld [smem:$0x3FB2]  }
0x2f: {  	lr =	sadd.s32 s0, s3;
	s0 =	sld [smem:$0x3FA9]  }
0x30: {  	s3 =	sld [smem:$0x3FAC]  }
0x31: {  	[smem:$0x3FB5] =	sst s10  }
0x32: {  	s10 =	sld [smem:$0x3FB3];
	_ =	sdelay $0x3  }
0x33: {  	p0 =	seq.s32 s10, $0x1;
	s10 =	sld [smem:$0x3FB5];
	_ =	sdelay $0x3  }
0x34: {  	[smem:$0x3FB5] =	sst s10  }
0x35: {  	s10 =	sld [smem:$0x3FB4];
	_ =	sdelay $0x3  }
0x36: {  	p1 =	seq.s32 s10, $0x1;
	s10 =	sld [smem:$0x3FB5];
	_ =	sdelay $0x3  }
0x37: {  	[smem:$0x3FB5] =	sst s10  }
0x38: {  	s10 =	sld [smem:$0x3FB6]  }
0x39: {  	_ = 	snop;
	(pc) =	sbr.ind lr, $3  }
0x3a: {  	_ = 	snop  }
0x3b: {  	_ = 	snop  }
0x3c: {  	p2 =	seq.s32 s10, $0x1;
	s10 =	sld [smem:$0x3FB5]  }
0x3d: {  	_ =	shalt  }
0x3e: {  	_ =	shalt  }
0x3f: {  	_ =	shalt  }
0x40: {  	_ =	shalt  }
0x41: {  	_ =	shalt  }
0x42: {  	_ =	shalt  }
0x43: {  	_ =	shalt  }
0x44: {  	_ =	shalt  }
0x45: {  	_ =	shalt  }
0x46: {  	_ =	shalt  }
0x47: {  	_ =	shalt  }
0x48: {  	_ =	shalt  }
0x49: {  	_ =	shalt  }
0x4a: {  	_ =	shalt  }
0x4b: {  	_ =	shalt  }
0x4c: {  	_ =	shalt  }
0x4d: {  	_ =	shalt  }
0x4e: {  	_ =	shalt  }
0x4f: {  	_ =	shalt  }
0x50: {  	_ =	shalt  }
0x51: {  	_ =	shalt  }
0x52: {  	_ =	shalt  }
0x53: {  	_ =	shalt  }
0x54: {  	_ =	shalt  }
0x55: {  	_ =	shalt  }
0x56: {  	_ =	shalt  }
0x57: {  	_ =	shalt  }
0x58: {  	_ =	shalt  }
0x59: {  	_ =	shalt  }
0x5a: {  	_ =	shalt  }
0x5b: {  	_ =	shalt  }
0x5c: {  	_ =	shalt  }
0x5d: {  	_ =	shalt  }
0x5e: {  	_ =	shalt  }
0x5f: {  	_ =	shalt  }
0x60: {  	_ =	shalt  }
0x61: {  	_ =	shalt  }
0x62: {  	_ =	shalt  }
0x63: {  	_ =	shalt  }
0x64: {  	_ =	shalt  }
0x65: {  	_ =	shalt  }
0x66: {  	_ =	shalt  }
0x67: {  	_ =	shalt  }
0x68: {  	_ =	shalt  }
0x69: {  	_ =	shalt  }
0x6a: {  	_ =	shalt  }
0x6b: {  	_ =	shalt  }
0x6c: {  	_ =	shalt  }
0x6d: {  	_ =	shalt  }
0x6e: {  	_ =	shalt  }
0x6f: {  	_ =	shalt  }
0x70: {  	_ =	shalt  }
0x71: {  	_ =	shalt  }
0x72: {  	_ =	shalt  }
0x73: {  	_ =	shalt  }
0x74: {  	_ =	shalt  }
0x75: {  	_ =	shalt  }
0x76: {  	_ =	shalt  }
0x77: {  	_ =	shalt  }
0x78: {  	_ =	shalt  }
0x79: {  	_ =	shalt  }
0x7a: {  	_ =	shalt  }
0x7b: {  	_ =	shalt  }
0x7c: {  	_ =	shalt  }
0x7d: {  	_ =	shalt  }
0x7e: {  	_ =	shalt  }
0x7f: {  	_ =	shalt  }
0x80: {  	_ =	shalt  }
0x81: {  	_ =	shalt  }
0x82: {  	_ =	shalt  }
0x83: {  	_ =	shalt  }
0x84: {  	_ =	shalt  }
0x85: {  	_ =	shalt  }
0x86: {  	_ =	shalt  }
0x87: {  	_ =	shalt  }
.Lfunc_end0:
.L_simem_size_0:
called_computation_lowered:
.L_overlay_start_0:
0x88: {  	s2 =	sld [smem:$0x3FD9]  }
0x89: {  	s3 =	sld [smem:$0x3FFE];
	_ =	sdelay $0x1  }
0x8a: {  	s1 =	srdreg.scid  }
0x8b: {  	s0 =	sand.u32 $0x1, s1  }
0x8c: {  	s17 =	sshll.u32 s0, $0xA;
	s2 =	sadd.s32 s3, s2  }
0x8d: {  	s2 =	sadd.s32 s2, s17  }
0x8e: {  	[smem:$0x3FC1] =	sst s2  }
0x8f: {  	_ = 	snop  }
0x90: {  	s2 =	sld [smem:$0x3FD0];
	(tm) =	ssettm $0x1  }
0x91: {  	s18 =	sld [smem:$0x3FFB];
	_ =	sdelay $0x3  }
0x92: {  	_ =	strace s18  }
0x93: {  	s3 =	sld [smem:$0x3FFC];
	_ =	sdelay $0x3  }
0x94: {  	_ =	strace s3  }
0x95: {  	s3 =	sld [smem:$0x3FFD];
	_ =	sdelay $0x3  }
0x96: {  	_ =	strace s3  }
0x97: {  	_ =	strace $0x8FFFFFFF  }
0x98: {  	s19 =	sld [smem:$0x3FDB];
	_ =	sdelay $0x1  }
0x99: {  	s4 =	simm.s32 $_scs_section_size  }
0x9a: {  	s5 =	simm.s32 $_size__tile_overlayer_lowered;
	s6 =	simm.s32 $_tile_overlayer_lowered  }
0x9b: {  	s22 =	simm.s32 $0x1BFF;
	s21 =	sshll.u32 s6, $0x1;
	s3 =	sadd.s32 s4, s19  }
0x9c: {  	s7 =	simm.s32 $0x0;
	s20 =	sshll.u32 s5, $0x1;
	s5 =	sadd.s32 s21, s3  }
0x9d: {  	[timem:s7], [sflag:s22] =	dma.local [hbm:s5], s20  }
0x9e: {  	_ =	swait.ge [sflag:s22], s20  }
0x9f: {  	s4 =	ssub.s32 $0x0, s20;
	[sflag:s22] =	ssyncset.done $0x0  }
0xa0: {  	[sflag:s22] =	ssyncadd.s32 s4;
	_ =	sdelay $0x1  }
0xa1: {  	s23 =	simm.s32 $0x1B8B  }
0xa2: {  	_ =	swait.ge [sflag:s23], $0x1  }
0xa3: {  	[sflag:s23] =	ssyncset.done $0x0  }
0xa4: {  	s25 =	simm.s32 $0x1B8E;
	s24 =	sld [smem:$0x3FFE];
	[sflag:s23] =	ssyncadd.s32 $0xFFFFFFFF  }
0xa5: {  	s26 =	simm.s32 $execute0_lowered;
	[smem:$0x3FD2] =	sst s25  }
0xa6: {  	s5 =	sshll.u32 s26, $0x1;
	_ =	strace $0x80000046;
	[dreg:$0x1] =	wrdreg $0xFFFFFFFF  }
0xa7: {  	s28 =	simm.s32 $_size_execute0_lowered;
	s3 =	sadd.s32 s3, s5;
	[dreg:$0x0] =	wrdreg $0x0  }
0xa8: {  	s5 =	sshll.u32 s28, $0x1;
	[dreg:$0x2] =	wrdreg s3  }
0xa9: {  	[dreg:$0x3] =	wrdreg s5  }
0xaa: {  	[dreg:$0x4] =	wrdreg $0xC0  }
0xab: {  	_ =	task [dreg:s7], $0x5FFFF  }
0xac: {  	[dreg:$0x1] =	wrdreg $0xFFFFFFFF  }
0xad: {  	[dreg:$0x0] =	wrdreg $0x60  }
0xae: {  	[dreg:$0x2] =	wrdreg s2  }
0xaf: {  	[dreg:$0x3] =	wrdreg s24  }
0xb0: {  	[dreg:$0x4] =	wrdreg $0xB9A00  }
0xb1: {  	[dreg:$0x5] =	wrdreg $0x9  }
0xb2: {  	_ =	task.clear_ibuf [dreg:s7], $0x6FFFF;
	_ =	strace $0x90000046  }
0xb3: {  	s29 =	simm.s32 $0x9;
	_ =	strace $0x80000048  }
0xb4: {  	_ =	swait.ge [sflag:s29], $0x1  }
0xb5: {  	[sflag:s29] =	ssyncadd.s32 $0xFFFFFFFF  }
0xb6: {  	_ =	strace $0x90000048  }
0xb7: {  	_ =	sfence  }
0xb8: {  	s30 =	sld [smem:$0x0];
	_ =	sdelay $0x2  }
0xb9: {  	s31 =	sshll.u32 s1, $0xD;
	s1 =	sshrl.u32 s1, $0x2  }
0xba: {  	s3 =	sand.u32 $0x4000, s31;
	s1 =	sadd.s32 s1, s30  }
0xbb: {  	s0 =	sor.u32 s3, s0;
	s1 =	sshll.u32 s1, $0x11  }
0xbc: {  	s0 =	sor.u32 s1, s0  }
0xbd: {  	s0 =	sadd.s32 $0x8F2B, s0  }
0xbe: {  	[sflag:s0] =	ssyncadd.remote.s32 $0x1  }
0xbf: {  	_ =	sfence.sel $0xFFFF  }
0xc0: {  	[dreg:$0x0] =	wrdreg $0xFFFFFFFF;
	(pc) =	sbr.abs _section_cstart, $3  }
0xc1: {  	[dreg:$0x1] =	wrdreg $0xFFFFFFFF  }
0xc2: {  	_ =	task.clear_ibuf [dreg:s7], $0x2FFFF;
	_ =	strace $0x9FFFFFFF  }
0xc3: {  	(tm) =	ssettm $0x7FFFFFFF  }
tec
execute0_lowered:
.L_overlay_start_1:
0x0: {  	(tag) =	ssettag $0x1  }
0x1: {  	s1 =	rddreg [dreg:$0x0]  }
0x2: {  	s0 =	rddreg [dreg:$0x1];
	s15 =	stileid.u32  }
0x3: {  	s3 =	rddreg [dreg:$0x2];
	s9 =	smul.u32 $0x14000, s15  }
0x4: {  	s2 =	srdreg.scid;
	s11 =	smul.u32 $0x2800, s15  }
0x5: {  	s4 =	simm.s32 $0x0;
	s2 =	sand.u32 $0x1, s2;
	s20 =	smul.u32 $0x50000, s15  }
0x6: {  	[smem:$0x7FF] =	sst s4;
	s5 =	sadd.s32 $0x800, s0;
	s8 =	smul.u32 $0x140000, s2  }
0x7: {  	s6 =	sadd.s32 $0xF800, s0;
	s7 =	smul.u32 $0x28000, s2;
	s2 =	ssub.s32 $0x2, s2  }
0x8: {  	_ =	strace $0x80000047;
	s12 =	sshrl.u32 s2, $0x1;
	s22 =	sshrl.u32 s11, $0x3  }
0x9: {  	s13 =	sor.u32 $0x50, s11;
	s28 =	sor.u32 $0xA0, s11;
	s30 =	sor.u32 $0xF0, s11  }
0xa: {  	s18 =	sor.u32 $0x140, s11;
	s10 =	sadd.s32 s9, s8;
	s8 =	sadd.s32 $0xA800, s0  }
0xb: {  	s12 =	ssub.s32 s2, s12;
	s21 =	sadd.s32 s11, s7;
	s23 =	sadd.s32 s6, s22  }
0xc: {  	s24 =	sadd.s32 s7, s13;
	s25 =	sshrl.u32 s13, $0x3;
	s29 =	sadd.s32 s7, s28  }
0xd: {  	s14 =	sadd.s32 s7, s30;
	s19 =	sshrl.u32 s30, $0x3;
	s11 =	sadd.s32 s7, s18  }
0xe: {  	s10 =	sshrl.u32 s10, $0x3;
	[dreg:$0x5] =	wrdreg s23;
	s2 =	sadd.s32 s8, s22  }
0xf: {  	s26 =	sadd.s32 s6, s25;
	s16 =	sshrl.u32 s14, $0x3;
	[dreg:$0x6] =	wrdreg s2  }
0x10: {  	s23 =	sshrl.u32 s20, $0x2;
	[dreg:$0x8] =	wrdreg s26;
	s2 =	sadd.s32 s8, s25  }
0x11: {  	s10 =	sadd.s32 s10, s0;
	s17 =	sadd.s32 s5, s16;
	[dreg:$0x9] =	wrdreg s2  }
0x12: {  	s0 =	sshrl.u32 s21, $0x3;
	s21 =	sadd.s32 s6, s19;
	[dreg:$0xd] =	wrdreg s17  }
0x13: {  	s25 =	sadd.s32 s23, s3;
	s0 =	sadd.s32 s5, s0;
	[dreg:$0xe] =	wrdreg s21  }
0x14: {  	s13 =	simm.s32 $0xF0;
	s26 =	sadd.s32 $0x5000, s25;
	[dreg:$0x4] =	wrdreg s0  }
0x15: {  	s2 =	sshrl.u32 s29, $0x3;
	s29 =	sadd.s32 $0xA000, s25;
	[dreg:$0x14] =	wrdreg s26  }
0x16: {  	s22 =	sshrl.u32 s11, $0x3;
	s30 =	sadd.s32 $0xC800, s25;
	[dreg:$0x16] =	wrdreg s29  }
0x17: {  	s0 =	sshrl.u32 s24, $0x3;
	s2 =	sadd.s32 s5, s2;
	[dreg:$0x17] =	wrdreg s30  }
0x18: {  	s11 =	simm.s32 $0x50;
	s0 =	sadd.s32 s5, s0;
	[dreg:$0xa] =	wrdreg s2  }
0x19: {  	s14 =	simm.s32 $0x69A0;
	s2 =	sadd.s32 s8, s19;
	[dreg:$0x7] =	wrdreg s0  }
0x1a: {  	s20 =	simm.s32 $0xD;
	[dreg:$0xf] =	wrdreg s2;
	s2 =	sadd.s32 s5, s22  }
0x1b: {  	s0 =	sshrl.u32 s28, $0x3;
	s28 =	sadd.s32 $0x7800, s25;
	[dreg:$0x10] =	wrdreg s2  }
0x1c: {  	s16 =	simm.s32 $0x1;
	s31 =	sadd.s32 s6, s0;
	[dreg:$0x15] =	wrdreg s28  }
0x1d: {  	s17 =	simm.s32 $0x2;
	s0 =	sadd.s32 s8, s0;
	[dreg:$0xb] =	wrdreg s31  }
0x1e: {  	s21 =	simm.s32 $0x0;
	s2 =	sadd.s32 $0x2800, s25;
	[dreg:$0xc] =	wrdreg s0  }
0x1f: {  	s19 =	simm.s32 $0x4;
	s0 =	sshrl.u32 s18, $0x3;
	[dreg:$0x13] =	wrdreg s2  }
.Ltmp0:
0x20: {  	s31 =	sadd.s32 $0xF000, s25;
	s2 =	sadd.s32 $0x14800, s10;
	(pc) =	sbr.rel .LBB2_1-.Ltmp0, $4  }
0x21: {  	s10 =	sshll.u32 s15, $0x7;
	s24 =	sadd.s32 s6, s0;
	[dreg:$0x18] =	wrdreg s31  }
0x22: {  	s15 =	simm.s32 $0xE;
	s0 =	sadd.s32 s8, s0;
	[dreg:$0x11] =	wrdreg s24  }
0x23: {  	s18 =	simm.s32 $0x3;
	[dreg:$0x12] =	wrdreg s0;
	s24 =	sadd.s32 s9, s3  }
0x24: {  	v0 =	vimm.f32 $0.0e+00;
	s0 =	sadd.s32 $0x11800, s25;
	s9 =	smax.u32 s12, $0x1;
	s25 =	simm.s32 $0xA0  }
.LBB2_9:
0x25: {  	_ =	swait.ge [sflag:s20], $0x2800;
	s12 =	stileid.u32  }
0x26: {  	s22 =	sshrl.u32 s24, $0x3;
	s21 =	sadd.s32 $0x1, s21;
	[sflag:s20] =	ssyncset.done $0x0  }
0x27: {  	s12 =	sshll.u32 s12, $0x6;
	p0 =	sne.s32 s21, s9;
	[sflag:s20] =	ssyncadd.s32 $0xFFFFD800  }
.Ltmp1:
0x28: {  	s12 =	sor.u32 $0x1C0E, s12;
	[bflag:$0x0] =	sbarrier.arrive $0xFFFF;
	(pc) =	sbr.rel @!p0 .LBB2_10-.Ltmp1, $4  }
0x29: {  	[hbm:s2], [sflag:s12] =	dma.local [spmem:s22], $0x2800  }
0x2a: {  	_ =	swait.ge [sflag:s15], $0x2800  }
0x2b: {  	[sflag:s15] =	ssyncset.done $0x0  }
0x2c: {  	s25 =	simm.s32 $0xA0;
	[sflag:s15] =	ssyncadd.s32 $0xFFFFD800  }
.LBB2_1:
0x2d: {  	s12 =	rddreg [dreg:$0x4]  }
0x2e: {  	[tilespmem:s4], [sflag:$0x1] =	stream.linear.gather [hbm4b:s12+s4], $0x50, $0x38;
	[tilespmem:$0x1F9A0] =	vst v63  }
0x2f: {  	s28 =	rddreg [dreg:$0x5];
	s22 =	simm.s32 $0x1E0  }
0x30: {  	[tilespmem:s22], [sflag:$0x1] =	stream.linear.gather [hbm4b:s28+s4], $0x50, $0x38;
	[tilespmem:$0x1F9A0] =	vst v63  }
0x31: {  	s29 =	rddreg [dreg:$0x6];
	s30 =	simm.s32 $0x3C0  }
0x32: {  	[tilespmem:s30], [sflag:$0x1] =	stream.linear.gather [hbm4b:s29+s4], $0x50, $0x38;
	[tilespmem:$0x1F9A0] =	vst v63  }
0x33: {  	s31 =	rddreg [dreg:$0x7]  }
0x34: {  	[tilespmem:s11], [sflag:$0x2] =	stream.linear.gather [hbm4b:s31+s4], $0x50, $0x38;
	[tilespmem:$0x1F9A0] =	vst v63  }
0x35: {  	s23 =	simm.s32 $0x230;
	s22 =	rddreg [dreg:$0x8]  }
0x36: {  	[tilespmem:s23], [sflag:$0x2] =	stream.linear.gather [hbm4b:s22+s4], $0x50, $0x38;
	[tilespmem:$0x1F9A0] =	vst v63  }
0x37: {  	s26 =	rddreg [dreg:$0x9];
	s28 =	simm.s32 $0x410  }
0x38: {  	[tilespmem:s28], [sflag:$0x2] =	stream.linear.gather [hbm4b:s26+s4], $0x50, $0x38;
	[tilespmem:$0x1F9A0] =	vst v63  }
0x39: {  	s29 =	rddreg [dreg:$0xa]  }
0x3a: {  	[tilespmem:s25], [sflag:$0x3] =	stream.linear.gather [hbm4b:s29+s4], $0x50, $0x38;
	[tilespmem:$0x1F9A0] =	vst v63  }
0x3b: {  	s30 =	rddreg [dreg:$0xb];
	s31 =	simm.s32 $0x280  }
0x3c: {  	[tilespmem:s31], [sflag:$0x3] =	stream.linear.gather [hbm4b:s30+s4], $0x50, $0x38;
	[tilespmem:$0x1F9A0] =	vst v63  }
0x3d: {  	s22 =	rddreg [dreg:$0xc];
	s23 =	simm.s32 $0x460  }
0x3e: {  	[tilespmem:s23], [sflag:$0x3] =	stream.linear.gather [hbm4b:s22+s4], $0x50, $0x38;
	[tilespmem:$0x1F9A0] =	vst v63  }
0x3f: {  	s26 =	rddreg [dreg:$0xd]  }
0x40: {  	[tilespmem:s13], [sflag:$0x4] =	stream.linear.gather [hbm4b:s26+s4], $0x50, $0x38;
	[tilespmem:$0x1F9A0] =	vst v63  }
0x41: {  	s28 =	rddreg [dreg:$0xe];
	s29 =	simm.s32 $0x2D0  }
0x42: {  	[tilespmem:s29], [sflag:$0x4] =	stream.linear.gather [hbm4b:s28+s4], $0x50, $0x38;
	[tilespmem:$0x1F9A0] =	vst v63  }
0x43: {  	s30 =	rddreg [dreg:$0xf];
	s31 =	simm.s32 $0x4B0  }
0x44: {  	[tilespmem:s31], [sflag:$0x4] =	stream.linear.gather [hbm4b:s30+s4], $0x50, $0x38;
	[tilespmem:$0x1F9A0] =	vst v63  }
0x45: {  	s23 =	rddreg [dreg:$0x10];
	s26 =	simm.s32 $0x140  }
0x46: {  	[tilespmem:s26], [sflag:$0x5] =	stream.linear.gather [hbm4b:s23+s4], $0x50, $0x38;
	[tilespmem:$0x1F9A0] =	vst v63  }
0x47: {  	s12 =	simm.s32 $0x0;
	s28 =	rddreg [dreg:$0x11];
	s29 =	simm.s32 $0x320  }
0x48: {  	[tilespmem:s29], [sflag:$0x5] =	stream.linear.gather [hbm4b:s28+s4], $0x50, $0x38;
	[tilespmem:$0x1F9A0] =	vst v63  }
0x49: {  	s22 =	simm.s32 $0x200;
	s30 =	rddreg [dreg:$0x12];
	s31 =	simm.s32 $0x500  }
0x4a: {  	[tilespmem:s31], [sflag:$0x5] =	stream.linear.gather [hbm4b:s30+s4], $0x50, $0x38;
	[tilespmem:$0x1F9A0] =	vst v63  }
.LBB2_2:
0x4b: {  	p0 =	sne.s32 s22, $0x9E00;
	[tilespmem:s12+$0x6A10] =	vst v0  }
0x4c: {  	[tilespmem:s12+$0x69A0] =	vst v0  }
0x4d: {  	[tilespmem:s12+$0x69B0] =	vst v0  }
.Ltmp2:
0x4e: {  	[tilespmem:s12+$0x69C0] =	vst v0;
	(pc) =	sbr.rel @p0 .LBB2_2-.Ltmp2, $4  }
0x4f: {  	[tilespmem:s12+$0x69D0] =	vst v0  }
0x50: {  	[tilespmem:s12+$0x69E0] =	vst v0  }
0x51: {  	[tilespmem:s12+$0x69F0] =	vst v0  }
0x52: {  	[tilespmem:s12+$0x6A00] =	vst v0;
	s12 =	sshra.s32 s22, $0x2;
	s22 =	sadd.s32 $0x200, s22  }
0x53: {  	[tilespmem:s12+$0x6A10] =	vst v0  }
0x54: {  	[tilespmem:s12+$0x69A0] =	vst v0  }
0x55: {  	[tilespmem:s12+$0x69B0] =	vst v0  }
0x56: {  	[tilespmem:s12+$0x69C0] =	vst v0  }
0x57: {  	[tilespmem:s12+$0x69D0] =	vst v0  }
0x58: {  	[tilespmem:s12+$0x69E0] =	vst v0  }
0x59: {  	[tilespmem:s12+$0x69F0] =	vst v0  }
0x5a: {  	[tilespmem:s12+$0x6A00] =	vst v0  }
0x5b: {  	[spmem:s24] =	stream.linear.scatter [tilespmem:s14], [sflag:$0xE], $0x2800, $0x38;
	[tilespmem:$0x1F9A0] =	vst v63  }
0x5c: {  	_ =	swait.ge [sflag:s15], $0x2800  }
0x5d: {  	[sflag:s15] =	ssyncset.done $0x0  }
0x5e: {  	s30 =	rddreg [dreg:$0x13];
	[sflag:s15] =	ssyncadd.s32 $0xFFFFD800  }
0x5f: {  	[spmem:s30] =	stream.linear.scatter [tilespmem:s14], [sflag:$0xE], $0x2800, $0x38;
	[tilespmem:$0x1F9A0] =	vst v63  }
0x60: {  	_ =	swait.ge [sflag:s15], $0x2800  }
0x61: {  	[sflag:s15] =	ssyncset.done $0x0  }
0x62: {  	s31 =	rddreg [dreg:$0x14];
	[sflag:s15] =	ssyncadd.s32 $0xFFFFD800  }
0x63: {  	[spmem:s31] =	stream.linear.scatter [tilespmem:s14], [sflag:$0xE], $0x2800, $0x38;
	[tilespmem:$0x1F9A0] =	vst v63  }
0x64: {  	_ =	swait.ge [sflag:s15], $0x2800  }
0x65: {  	[sflag:s15] =	ssyncset.done $0x0  }
0x66: {  	s22 =	rddreg [dreg:$0x15];
	[sflag:s15] =	ssyncadd.s32 $0xFFFFD800  }
0x67: {  	[spmem:s22] =	stream.linear.scatter [tilespmem:s14], [sflag:$0xE], $0x2800, $0x38;
	[tilespmem:$0x1F9A0] =	vst v63  }
0x68: {  	_ =	swait.ge [sflag:s15], $0x2800  }
0x69: {  	[sflag:s15] =	ssyncset.done $0x0  }
0x6a: {  	s23 =	rddreg [dreg:$0x16];
	[sflag:s15] =	ssyncadd.s32 $0xFFFFD800  }
0x6b: {  	[spmem:s23] =	stream.linear.scatter [tilespmem:s14], [sflag:$0xE], $0x2800, $0x38;
	[tilespmem:$0x1F9A0] =	vst v63  }
0x6c: {  	_ =	swait.ge [sflag:s15], $0x2800  }
0x6d: {  	[sflag:s15] =	ssyncset.done $0x0  }
0x6e: {  	s26 =	rddreg [dreg:$0x17];
	[sflag:s15] =	ssyncadd.s32 $0xFFFFD800  }
0x6f: {  	[spmem:s26] =	stream.linear.scatter [tilespmem:s14], [sflag:$0xE], $0x2800, $0x38;
	[tilespmem:$0x1F9A0] =	vst v63  }
0x70: {  	_ =	swait.ge [sflag:s15], $0x2800  }
0x71: {  	[sflag:s15] =	ssyncset.done $0x0  }
0x72: {  	s28 =	rddreg [dreg:$0x18];
	[sflag:s15] =	ssyncadd.s32 $0xFFFFD800  }
0x73: {  	[spmem:s28] =	stream.linear.scatter [tilespmem:s14], [sflag:$0xE], $0x2800, $0x38;
	[tilespmem:$0x1F9A0] =	vst v63  }
0x74: {  	_ =	swait.ge [sflag:s15], $0x2800  }
0x75: {  	[sflag:s15] =	ssyncset.done $0x0  }
0x76: {  	[sflag:s15] =	ssyncadd.s32 $0xFFFFD800  }
0x77: {  	[spmem:s0] =	stream.linear.scatter [tilespmem:s14], [sflag:$0xE], $0x2800, $0x38;
	[tilespmem:$0x1F9A0] =	vst v63  }
0x78: {  	_ =	swait.ge [sflag:s15], $0x2800  }
0x79: {  	[sflag:s15] =	ssyncset.done $0x0  }
0x7a: {  	[sflag:s15] =	ssyncadd.s32 $0xFFFFD800  }
0x7b: {  	[bflag:$0x0] =	sbarrier.arrive $0xFFFF  }
0x7c: {  	_ =	swait.ge [sflag:s16], $0x50  }
0x7d: {  	[sflag:s16] =	ssyncset.done $0x0  }
0x7e: {  	[sflag:s16] =	ssyncadd.s32 $0xFFFFFFB0  }
0x7f: {  	_ =	swait.ge [sflag:s16], $0x50  }
0x80: {  	[sflag:s16] =	ssyncset.done $0x0  }
0x81: {  	[sflag:s16] =	ssyncadd.s32 $0xFFFFFFB0  }
0x82: {  	_ =	swait.ge [sflag:s16], $0x50  }
0x83: {  	[sflag:s16] =	ssyncset.done $0x0  }
0x84: {  	s22 =	simm.s32 $0x0;
	s23 =	simm.s32 $0x5A0;
	[sflag:s16] =	ssyncadd.s32 $0xFFFFFFB0  }
0x85: {  	[tilespmem:s23], [sflag:$0x7] =	stream.indirect.gather [hbm4b:s1+s11], $0x40, s22, s11, $0xb8;
	[tilespmem:$0x1F9A0] =	vst v63  }
0x86: {  	_ =	swait.ge [sflag:s17], $0x50  }
0x87: {  	[sflag:s17] =	ssyncset.done $0x0  }
0x88: {  	[sflag:s17] =	ssyncadd.s32 $0xFFFFFFB0  }
0x89: {  	_ =	swait.ge [sflag:s17], $0x50  }
0x8a: {  	[sflag:s17] =	ssyncset.done $0x0  }
0x8b: {  	[sflag:s17] =	ssyncadd.s32 $0xFFFFFFB0  }
0x8c: {  	_ =	swait.ge [sflag:s17], $0x50  }
0x8d: {  	[sflag:s17] =	ssyncset.done $0x0  }
0x8e: {  	s29 =	simm.s32 $0x19A0;
	[sflag:s17] =	ssyncadd.s32 $0xFFFFFFB0  }
0x8f: {  	[tilespmem:s29], [sflag:$0x8] =	stream.indirect.gather [hbm4b:s1+s11], $0x40, s11, s11, $0xb8;
	[tilespmem:$0x1F9A0] =	vst v63  }
0x90: {  	_ =	swait.ge [sflag:s18], $0x50  }
0x91: {  	[sflag:s18] =	ssyncset.done $0x0  }
0x92: {  	[sflag:s18] =	ssyncadd.s32 $0xFFFFFFB0  }
0x93: {  	_ =	swait.ge [sflag:s18], $0x50  }
0x94: {  	[sflag:s18] =	ssyncset.done $0x0  }
0x95: {  	[sflag:s18] =	ssyncadd.s32 $0xFFFFFFB0  }
0x96: {  	_ =	swait.ge [sflag:s18], $0x50  }
0x97: {  	[sflag:s18] =	ssyncset.done $0x0  }
0x98: {  	s30 =	simm.s32 $0x2DA0;
	[sflag:s18] =	ssyncadd.s32 $0xFFFFFFB0  }
0x99: {  	[tilespmem:s30], [sflag:$0x9] =	stream.indirect.gather [hbm4b:s1+s11], $0x40, s25, s11, $0xb8;
	[tilespmem:$0x1F9A0] =	vst v63  }
0x9a: {  	_ =	swait.ge [sflag:s19], $0x50  }
0x9b: {  	[sflag:s19] =	ssyncset.done $0x0  }
0x9c: {  	[sflag:s19] =	ssyncadd.s32 $0xFFFFFFB0  }
0x9d: {  	_ =	swait.ge [sflag:s19], $0x50  }
0x9e: {  	[sflag:s19] =	ssyncset.done $0x0  }
.Ltmp3:
0x9f: {  	[sflag:s19] =	ssyncadd.s32 $0xFFFFFFB0;
	(pc) =	sbr.rel .LBB2_4-.Ltmp3, $4  }
0xa0: {  	_ =	swait.ge [sflag:s19], $0x50  }
0xa1: {  	p0 =	por $0x0, $0x0;
	[sflag:s19] =	ssyncset.done $0x0  }
0xa2: {  	s31 =	simm.s32 $0x41A0;
	s25 =	simm.s32 $0x3C0;
	[sflag:s19] =	ssyncadd.s32 $0xFFFFFFB0  }
0xa3: {  	[tilespmem:s31], [sflag:$0xA] =	stream.indirect.gather [hbm4b:s1+s11], $0x40, s13, s11, $0xb8;
	[tilespmem:$0x1F9A0] =	vst v63  }
.LBB2_8:
0xa4: {  	s22 =	sadd.s32 $0x1, s22  }
0xa5: {  	p1 =	sne.s32 s22, $0x80  }
.Ltmp4:
0xa6: {  	_ = 	snop;
	(pc) =	sbr.rel @!p1 .LBB2_9-.Ltmp4, $2  }
0xa7: {  	_ =	sdelay $0x2  }
0xa8: {  	s25 =	sadd.s32 $0x50, s25;
	s23 =	sadd.s32 $0x1400, s23;
	p0 =	por !p0, !p0  }
.LBB2_4:
0xa9: {  	s12 =	smulhi.u32 $0xAAAAAAAB, s22  }
0xaa: {  	s26 =	smul.u32 $0xCD, s22  }
0xab: {  	s28 =	smulhi.u32 $0xCCCCCCCD, s22;
	s30 =	simm.s32 $0x1  }
0xac: {  	s29 =	smul.u32 $0xAB, s22;
	s30 =	simm.s32 @!p0 $0x0  }
0xad: {  	s26 =	sshrl.u32 s26, $0xA;
	s28 =	sshrl.u32 s28, $0x2;
	s30 =	smul.u32 $0xA000, s30  }
0xae: {  	s26 =	sand.u32 $0x3F, s26;
	s28 =	smul.u32 $0xFFFE7000, s28  }
0xaf: {  	s12 =	sshrl.u32 s12, $0x2;
	s29 =	sshrl.u32 s29, $0xA;
	s26 =	smul.u32 $0x5, s26  }
0xb0: {  	s12 =	smul.u32 $0xFFFFF880, s12;
	s29 =	sand.u32 $0x3F, s29  }
0xb1: {  	s29 =	smul.u32 $0x6, s29;
	s31 =	sshra.s32 s28, $0x2;
	s26 =	ssub.s32 s22, s26  }
0xb2: {  	s12 =	sshra.s32 s12, $0x2;
	s31 =	sadd.s32 s31, s23;
	s26 =	sand.u32 $0xFF, s26  }
0xb3: {  	s28 =	sadd.s32 s12, s25;
	s12 =	sshrl.u32 s30, $0x2;
	v1 =	vmov s31;
	s26 =	sadd.s32 $0x7, s26  }
0xb4: {  	s30 =	ssub.s32 s22, s29;
	s29 =	sadd.s32 $0x6DA0, s12;
	_ =	swait.ge [sflag:s26], $0x1400  }
0xb5: {  	s12 =	sand.u32 $0xFF, s30;
	s30 =	simm.s32 $0x0;
	[sflag:s26] =	ssyncset.done $0x0  }
0xb6: {  	s12 =	smul.u32 $0x140, s12;
	[sflag:s26] =	ssyncadd.s32 $0xFFFFEC00;
	s26 =	sand.u32 $0x1, s22  }
.LBB2_5:
0xb7: {  	v2 =	vld [tilespmem:s28+$0x0];
	s31 =	sshra.s32 s30, $0x2  }
0xb8: {  	v3 =	vld.idx.msk [tilespmem:v1+s31+$0x0 ss:$0x1], $0xffff;
	_ =	sdelay $0x3  }
0xb9: {  	v4 =	vbroadcast v2, $0x0  }
0xba: {  	v5 =	vshll.u32 v3, $0x10  }
0xbb: {  	v3 =	vand.u32 $0xFFFF0000, v3;
	v5 =	vmul.f32 v5, v4  }
0xbc: {  	v3 =	vmul.f32 v3, v4  }
0xbd: {  	[tilespmem:s29+$0xFFFFFC00] =	vst v5  }
0xbe: {  	[tilespmem:s29+$0xFFFFFC10] =	vst v3  }
0xbf: {  	v3 =	vld.idx.msk [tilespmem:v1+s31+$0x10 ss:$0x1], $0xffff;
	_ =	sdelay $0x4  }
0xc0: {  	v43 =	vshll.u32 v3, $0x10  }
0xc1: {  	v3 =	vand.u32 $0xFFFF0000, v3;
	v5 =	vmul.f32 v43, v4  }
0xc2: {  	v3 =	vmul.f32 v3, v4  }
0xc3: {  	[tilespmem:s29+$0xFFFFFC20] =	vst v5  }
0xc4: {  	[tilespmem:s29+$0xFFFFFC30] =	vst v3  }
0xc5: {  	v3 =	vld.idx.msk [tilespmem:v1+s31+$0x20 ss:$0x1], $0xffff;
	_ =	sdelay $0x4  }
0xc6: {  	v44 =	vshll.u32 v3, $0x10  }
0xc7: {  	v3 =	vand.u32 $0xFFFF0000, v3;
	v5 =	vmul.f32 v44, v4  }
0xc8: {  	v3 =	vmul.f32 v3, v4  }
0xc9: {  	[tilespmem:s29+$0xFFFFFC40] =	vst v5  }
0xca: {  	[tilespmem:s29+$0xFFFFFC50] =	vst v3  }
0xcb: {  	v3 =	vld.idx.msk [tilespmem:v1+s31+$0x30 ss:$0x1], $0xffff;
	_ =	sdelay $0x4  }
0xcc: {  	v45 =	vshll.u32 v3, $0x10  }
0xcd: {  	v3 =	vand.u32 $0xFFFF0000, v3;
	v5 =	vmul.f32 v45, v4  }
0xce: {  	v3 =	vmul.f32 v3, v4  }
0xcf: {  	[tilespmem:s29+$0xFFFFFC60] =	vst v5  }
0xd0: {  	[tilespmem:s29+$0xFFFFFC70] =	vst v3  }
0xd1: {  	v3 =	vld.idx.msk [tilespmem:v1+s31+$0x40 ss:$0x1], $0xffff;
	_ =	sdelay $0x3  }
0xd2: {  	v46 =	vbroadcast v2, $0x1  }
0xd3: {  	v47 =	vshll.u32 v3, $0x10  }
0xd4: {  	v3 =	vand.u32 $0xFFFF0000, v3;
	v5 =	vmul.f32 v47, v46  }
0xd5: {  	v3 =	vmul.f32 v3, v46  }
0xd6: {  	[tilespmem:s29+$0xFFFFFC80] =	vst v5  }
0xd7: {  	[tilespmem:s29+$0xFFFFFC90] =	vst v3  }
0xd8: {  	v3 =	vld.idx.msk [tilespmem:v1+s31+$0x50 ss:$0x1], $0xffff;
	_ =	sdelay $0x4  }
0xd9: {  	v48 =	vshll.u32 v3, $0x10  }
0xda: {  	v3 =	vand.u32 $0xFFFF0000, v3;
	v5 =	vmul.f32 v48, v46  }
0xdb: {  	v3 =	vmul.f32 v3, v46  }
0xdc: {  	[tilespmem:s29+$0xFFFFFCA0] =	vst v5  }
0xdd: {  	[tilespmem:s29+$0xFFFFFCB0] =	vst v3  }
0xde: {  	v3 =	vld.idx.msk [tilespmem:v1+s31+$0x60 ss:$0x1], $0xffff;
	_ =	sdelay $0x4  }
0xdf: {  	v49 =	vshll.u32 v3, $0x10  }
0xe0: {  	v3 =	vand.u32 $0xFFFF0000, v3;
	v5 =	vmul.f32 v49, v46  }
0xe1: {  	v3 =	vmul.f32 v3, v46  }
0xe2: {  	[tilespmem:s29+$0xFFFFFCC0] =	vst v5  }
0xe3: {  	[tilespmem:s29+$0xFFFFFCD0] =	vst v3  }
0xe4: {  	v3 =	vld.idx.msk [tilespmem:v1+s31+$0x70 ss:$0x1], $0xffff;
	_ =	sdelay $0x4  }
0xe5: {  	v50 =	vshll.u32 v3, $0x10  }
0xe6: {  	v3 =	vand.u32 $0xFFFF0000, v3;
	v5 =	vmul.f32 v50, v46  }
0xe7: {  	v3 =	vmul.f32 v3, v46  }
0xe8: {  	[tilespmem:s29+$0xFFFFFCE0] =	vst v5  }
0xe9: {  	[tilespmem:s29+$0xFFFFFCF0] =	vst v3  }
0xea: {  	v3 =	vld.idx.msk [tilespmem:v1+s31+$0x80 ss:$0x1], $0xffff;
	_ =	sdelay $0x3  }
0xeb: {  	v51 =	vbroadcast v2, $0x2  }
0xec: {  	v52 =	vshll.u32 v3, $0x10  }
0xed: {  	v3 =	vand.u32 $0xFFFF0000, v3;
	v5 =	vmul.f32 v52, v51  }
0xee: {  	v3 =	vmul.f32 v3, v51  }
0xef: {  	[tilespmem:s29+$0xFFFFFD00] =	vst v5  }
0xf0: {  	[tilespmem:s29+$0xFFFFFD10] =	vst v3  }
0xf1: {  	v3 =	vld.idx.msk [tilespmem:v1+s31+$0x90 ss:$0x1], $0xffff;
	_ =	sdelay $0x4  }
0xf2: {  	v53 =	vshll.u32 v3, $0x10  }
0xf3: {  	v3 =	vand.u32 $0xFFFF0000, v3;
	v5 =	vmul.f32 v53, v51  }
0xf4: {  	v3 =	vmul.f32 v3, v51  }
0xf5: {  	[tilespmem:s29+$0xFFFFFD20] =	vst v5  }
0xf6: {  	[tilespmem:s29+$0xFFFFFD30] =	vst v3  }
0xf7: {  	v3 =	vld.idx.msk [tilespmem:v1+s31+$0xA0 ss:$0x1], $0xffff;
	_ =	sdelay $0x4  }
0xf8: {  	v54 =	vshll.u32 v3, $0x10  }
0xf9: {  	v3 =	vand.u32 $0xFFFF0000, v3;
	v5 =	vmul.f32 v54, v51  }
0xfa: {  	v3 =	vmul.f32 v3, v51  }
0xfb: {  	[tilespmem:s29+$0xFFFFFD40] =	vst v5  }
0xfc: {  	[tilespmem:s29+$0xFFFFFD50] =	vst v3  }
0xfd: {  	v3 =	vld.idx.msk [tilespmem:v1+s31+$0xB0 ss:$0x1], $0xffff;
	_ =	sdelay $0x4  }
0xfe: {  	v55 =	vshll.u32 v3, $0x10  }
0xff: {  	v3 =	vand.u32 $0xFFFF0000, v3;
	v5 =	vmul.f32 v55, v51  }
0x100: {  	v3 =	vmul.f32 v3, v51  }
0x101: {  	[tilespmem:s29+$0xFFFFFD60] =	vst v5  }
0x102: {  	[tilespmem:s29+$0xFFFFFD70] =	vst v3  }
0x103: {  	v3 =	vld.idx.msk [tilespmem:v1+s31+$0xC0 ss:$0x1], $0xffff;
	_ =	sdelay $0x3  }
0x104: {  	v56 =	vbroadcast v2, $0x3  }
0x105: {  	v57 =	vshll.u32 v3, $0x10  }
0x106: {  	v3 =	vand.u32 $0xFFFF0000, v3;
	v5 =	vmul.f32 v57, v56  }
0x107: {  	v3 =	vmul.f32 v3, v56  }
0x108: {  	[tilespmem:s29+$0xFFFFFD80] =	vst v5  }
0x109: {  	[tilespmem:s29+$0xFFFFFD90] =	vst v3  }
0x10a: {  	v3 =	vld.idx.msk [tilespmem:v1+s31+$0xD0 ss:$0x1], $0xffff;
	_ =	sdelay $0x4  }
0x10b: {  	v58 =	vshll.u32 v3, $0x10  }
0x10c: {  	v3 =	vand.u32 $0xFFFF0000, v3;
	v5 =	vmul.f32 v58, v56  }
0x10d: {  	v3 =	vmul.f32 v3, v56  }
0x10e: {  	[tilespmem:s29+$0xFFFFFDA0] =	vst v5  }
0x10f: {  	[tilespmem:s29+$0xFFFFFDB0] =	vst v3  }
0x110: {  	v3 =	vld.idx.msk [tilespmem:v1+s31+$0xE0 ss:$0x1], $0xffff;
	_ =	sdelay $0x4  }
0x111: {  	v59 =	vshll.u32 v3, $0x10  }
0x112: {  	v3 =	vand.u32 $0xFFFF0000, v3;
	v5 =	vmul.f32 v59, v56  }
0x113: {  	v3 =	vmul.f32 v3, v56  }
0x114: {  	[tilespmem:s29+$0xFFFFFDC0] =	vst v5  }
0x115: {  	[tilespmem:s29+$0xFFFFFDD0] =	vst v3  }
0x116: {  	v3 =	vld.idx.msk [tilespmem:v1+s31+$0xF0 ss:$0x1], $0xffff;
	_ =	sdelay $0x4  }
0x117: {  	v60 =	vshll.u32 v3, $0x10  }
0x118: {  	v3 =	vand.u32 $0xFFFF0000, v3;
	v5 =	vmul.f32 v60, v56  }
0x119: {  	v3 =	vmul.f32 v3, v56  }
0x11a: {  	[tilespmem:s29+$0xFFFFFDE0] =	vst v5  }
0x11b: {  	[tilespmem:s29+$0xFFFFFDF0] =	vst v3  }
0x11c: {  	v3 =	vld.idx.msk [tilespmem:v1+s31+$0x100 ss:$0x1], $0xffff;
	_ =	sdelay $0x3  }
0x11d: {  	v61 =	vbroadcast v2, $0x4  }
0x11e: {  	v62 =	vshll.u32 v3, $0x10  }
0x11f: {  	v3 =	vand.u32 $0xFFFF0000, v3;
	v5 =	vmul.f32 v62, v61  }
0x120: {  	v3 =	vmul.f32 v3, v61  }
0x121: {  	[tilespmem:s29+$0xFFFFFE00] =	vst v5  }
0x122: {  	[tilespmem:s29+$0xFFFFFE10] =	vst v3  }
0x123: {  	v3 =	vld.idx.msk [tilespmem:v1+s31+$0x110 ss:$0x1], $0xffff;
	_ =	sdelay $0x4  }
0x124: {  	v63 =	vshll.u32 v3, $0x10  }
0x125: {  	v3 =	vand.u32 $0xFFFF0000, v3;
	v5 =	vmul.f32 v63, v61  }
0x126: {  	v3 =	vmul.f32 v3, v61  }
0x127: {  	[tilespmem:s29+$0xFFFFFE20] =	vst v5  }
0x128: {  	[tilespmem:s29+$0xFFFFFE30] =	vst v3  }
0x129: {  	v3 =	vld.idx.msk [tilespmem:v1+s31+$0x120 ss:$0x1], $0xffff;
	_ =	sdelay $0x4  }
0x12a: {  	v8 =	vshll.u32 v3, $0x10  }
0x12b: {  	v3 =	vand.u32 $0xFFFF0000, v3;
	v5 =	vmul.f32 v8, v61  }
0x12c: {  	v3 =	vmul.f32 v3, v61  }
0x12d: {  	[tilespmem:s29+$0xFFFFFE40] =	vst v5  }
0x12e: {  	[tilespmem:s29+$0xFFFFFE50] =	vst v3  }
0x12f: {  	v3 =	vld.idx.msk [tilespmem:v1+s31+$0x130 ss:$0x1], $0xffff;
	_ =	sdelay $0x4  }
0x130: {  	v9 =	vshll.u32 v3, $0x10  }
0x131: {  	v3 =	vand.u32 $0xFFFF0000, v3;
	v5 =	vmul.f32 v9, v61  }
0x132: {  	v3 =	vmul.f32 v3, v61  }
0x133: {  	[tilespmem:s29+$0xFFFFFE60] =	vst v5  }
0x134: {  	[tilespmem:s29+$0xFFFFFE70] =	vst v3  }
0x135: {  	v3 =	vld.idx.msk [tilespmem:v1+s31+$0x140 ss:$0x1], $0xffff;
	_ =	sdelay $0x3  }
0x136: {  	v10 =	vbroadcast v2, $0x5  }
0x137: {  	v11 =	vshll.u32 v3, $0x10  }
0x138: {  	v3 =	vand.u32 $0xFFFF0000, v3;
	v5 =	vmul.f32 v11, v10  }
0x139: {  	v3 =	vmul.f32 v3, v10  }
0x13a: {  	[tilespmem:s29+$0xFFFFFE80] =	vst v5  }
0x13b: {  	[tilespmem:s29+$0xFFFFFE90] =	vst v3  }
0x13c: {  	v3 =	vld.idx.msk [tilespmem:v1+s31+$0x150 ss:$0x1], $0xffff;
	_ =	sdelay $0x4  }
0x13d: {  	v12 =	vshll.u32 v3, $0x10  }
0x13e: {  	v3 =	vand.u32 $0xFFFF0000, v3;
	v5 =	vmul.f32 v12, v10  }
0x13f: {  	v3 =	vmul.f32 v3, v10  }
0x140: {  	[tilespmem:s29+$0xFFFFFEA0] =	vst v5  }
0x141: {  	[tilespmem:s29+$0xFFFFFEB0] =	vst v3  }
0x142: {  	v3 =	vld.idx.msk [tilespmem:v1+s31+$0x160 ss:$0x1], $0xffff;
	_ =	sdelay $0x4  }
0x143: {  	v13 =	vshll.u32 v3, $0x10  }
0x144: {  	v3 =	vand.u32 $0xFFFF0000, v3;
	v5 =	vmul.f32 v13, v10  }
0x145: {  	v3 =	vmul.f32 v3, v10  }
0x146: {  	[tilespmem:s29+$0xFFFFFEC0] =	vst v5  }
0x147: {  	[tilespmem:s29+$0xFFFFFED0] =	vst v3  }
0x148: {  	v3 =	vld.idx.msk [tilespmem:v1+s31+$0x170 ss:$0x1], $0xffff;
	_ =	sdelay $0x4  }
0x149: {  	v14 =	vshll.u32 v3, $0x10  }
0x14a: {  	v3 =	vand.u32 $0xFFFF0000, v3;
	v5 =	vmul.f32 v14, v10  }
0x14b: {  	v3 =	vmul.f32 v3, v10  }
0x14c: {  	[tilespmem:s29+$0xFFFFFEE0] =	vst v5  }
0x14d: {  	[tilespmem:s29+$0xFFFFFEF0] =	vst v3  }
0x14e: {  	v3 =	vld.idx.msk [tilespmem:v1+s31+$0x180 ss:$0x1], $0xffff;
	_ =	sdelay $0x3  }
0x14f: {  	v15 =	vbroadcast v2, $0x6  }
0x150: {  	v16 =	vshll.u32 v3, $0x10  }
0x151: {  	v3 =	vand.u32 $0xFFFF0000, v3;
	v5 =	vmul.f32 v16, v15  }
0x152: {  	v3 =	vmul.f32 v3, v15  }
0x153: {  	[tilespmem:s29+$0xFFFFFF00] =	vst v5  }
0x154: {  	[tilespmem:s29+$0xFFFFFF10] =	vst v3  }
0x155: {  	v3 =	vld.idx.msk [tilespmem:v1+s31+$0x190 ss:$0x1], $0xffff;
	_ =	sdelay $0x4  }
0x156: {  	v17 =	vshll.u32 v3, $0x10  }
0x157: {  	v3 =	vand.u32 $0xFFFF0000, v3;
	v5 =	vmul.f32 v17, v15  }
0x158: {  	v3 =	vmul.f32 v3, v15  }
0x159: {  	[tilespmem:s29+$0xFFFFFF20] =	vst v5  }
0x15a: {  	[tilespmem:s29+$0xFFFFFF30] =	vst v3  }
0x15b: {  	v3 =	vld.idx.msk [tilespmem:v1+s31+$0x1A0 ss:$0x1], $0xffff;
	_ =	sdelay $0x4  }
0x15c: {  	v18 =	vshll.u32 v3, $0x10  }
0x15d: {  	v3 =	vand.u32 $0xFFFF0000, v3;
	v5 =	vmul.f32 v18, v15  }
0x15e: {  	v3 =	vmul.f32 v3, v15  }
0x15f: {  	[tilespmem:s29+$0xFFFFFF40] =	vst v5  }
0x160: {  	[tilespmem:s29+$0xFFFFFF50] =	vst v3  }
0x161: {  	v3 =	vld.idx.msk [tilespmem:v1+s31+$0x1B0 ss:$0x1], $0xffff;
	_ =	sdelay $0x4  }
0x162: {  	v19 =	vshll.u32 v3, $0x10  }
0x163: {  	v3 =	vand.u32 $0xFFFF0000, v3;
	v5 =	vmul.f32 v19, v15  }
0x164: {  	v3 =	vmul.f32 v3, v15  }
0x165: {  	[tilespmem:s29+$0xFFFFFF60] =	vst v5  }
0x166: {  	[tilespmem:s29+$0xFFFFFF70] =	vst v3  }
0x167: {  	v3 =	vld.idx.msk [tilespmem:v1+s31+$0x1C0 ss:$0x1], $0xffff;
	_ =	sdelay $0x3  }
0x168: {  	v20 =	vbroadcast v2, $0x7  }
0x169: {  	v21 =	vshll.u32 v3, $0x10  }
0x16a: {  	v3 =	vand.u32 $0xFFFF0000, v3;
	v5 =	vmul.f32 v21, v20  }
0x16b: {  	v3 =	vmul.f32 v3, v20  }
0x16c: {  	[tilespmem:s29+$0xFFFFFF80] =	vst v5  }
0x16d: {  	[tilespmem:s29+$0xFFFFFF90] =	vst v3  }
0x16e: {  	v3 =	vld.idx.msk [tilespmem:v1+s31+$0x1D0 ss:$0x1], $0xffff;
	_ =	sdelay $0x4  }
0x16f: {  	v22 =	vshll.u32 v3, $0x10  }
0x170: {  	v3 =	vand.u32 $0xFFFF0000, v3;
	v5 =	vmul.f32 v22, v20  }
0x171: {  	v3 =	vmul.f32 v3, v20  }
0x172: {  	[tilespmem:s29+$0xFFFFFFA0] =	vst v5  }
0x173: {  	[tilespmem:s29+$0xFFFFFFB0] =	vst v3  }
0x174: {  	v3 =	vld.idx.msk [tilespmem:v1+s31+$0x1E0 ss:$0x1], $0xffff;
	_ =	sdelay $0x4  }
0x175: {  	v23 =	vshll.u32 v3, $0x10  }
0x176: {  	v3 =	vand.u32 $0xFFFF0000, v3;
	v5 =	vmul.f32 v23, v20  }
0x177: {  	v3 =	vmul.f32 v3, v20  }
0x178: {  	[tilespmem:s29+$0xFFFFFFC0] =	vst v5  }
0x179: {  	[tilespmem:s29+$0xFFFFFFD0] =	vst v3  }
0x17a: {  	v3 =	vld.idx.msk [tilespmem:v1+s31+$0x1F0 ss:$0x1], $0xffff;
	_ =	sdelay $0x4  }
0x17b: {  	v24 =	vshll.u32 v3, $0x10  }
0x17c: {  	v3 =	vand.u32 $0xFFFF0000, v3;
	v5 =	vmul.f32 v24, v20  }
0x17d: {  	v3 =	vmul.f32 v3, v20  }
0x17e: {  	[tilespmem:s29+$0xFFFFFFE0] =	vst v5  }
0x17f: {  	[tilespmem:s29+$0xFFFFFFF0] =	vst v3  }
0x180: {  	v3 =	vld.idx.msk [tilespmem:v1+s31+$0x200 ss:$0x1], $0xffff;
	_ =	sdelay $0x3  }
0x181: {  	v25 =	vbroadcast v2, $0x8  }
0x182: {  	v26 =	vshll.u32 v3, $0x10  }
0x183: {  	v3 =	vand.u32 $0xFFFF0000, v3;
	v5 =	vmul.f32 v26, v25  }
0x184: {  	v3 =	vmul.f32 v3, v25  }
0x185: {  	[tilespmem:s29+$0x0] =	vst v5  }
0x186: {  	[tilespmem:s29+$0x10] =	vst v3  }
0x187: {  	v3 =	vld.idx.msk [tilespmem:v1+s31+$0x210 ss:$0x1], $0xffff;
	_ =	sdelay $0x4  }
0x188: {  	v27 =	vshll.u32 v3, $0x10  }
0x189: {  	v3 =	vand.u32 $0xFFFF0000, v3;
	v5 =	vmul.f32 v27, v25  }
0x18a: {  	v3 =	vmul.f32 v3, v25  }
0x18b: {  	[tilespmem:s29+$0x20] =	vst v5  }
0x18c: {  	[tilespmem:s29+$0x30] =	vst v3  }
0x18d: {  	v3 =	vld.idx.msk [tilespmem:v1+s31+$0x220 ss:$0x1], $0xffff;
	_ =	sdelay $0x4  }
0x18e: {  	v28 =	vshll.u32 v3, $0x10  }
0x18f: {  	v3 =	vand.u32 $0xFFFF0000, v3;
	v5 =	vmul.f32 v28, v25  }
0x190: {  	v3 =	vmul.f32 v3, v25  }
0x191: {  	[tilespmem:s29+$0x40] =	vst v5  }
0x192: {  	[tilespmem:s29+$0x50] =	vst v3  }
0x193: {  	v3 =	vld.idx.msk [tilespmem:v1+s31+$0x230 ss:$0x1], $0xffff;
	_ =	sdelay $0x4  }
0x194: {  	v29 =	vshll.u32 v3, $0x10  }
0x195: {  	v3 =	vand.u32 $0xFFFF0000, v3;
	v5 =	vmul.f32 v29, v25  }
0x196: {  	v3 =	vmul.f32 v3, v25  }
0x197: {  	[tilespmem:s29+$0x60] =	vst v5  }
0x198: {  	[tilespmem:s29+$0x70] =	vst v3  }
0x199: {  	v3 =	vld.idx.msk [tilespmem:v1+s31+$0x240 ss:$0x1], $0xffff;
	_ =	sdelay $0x3  }
0x19a: {  	v30 =	vbroadcast v2, $0x9  }
0x19b: {  	v31 =	vshll.u32 v3, $0x10  }
0x19c: {  	v3 =	vand.u32 $0xFFFF0000, v3;
	v5 =	vmul.f32 v31, v30  }
0x19d: {  	v3 =	vmul.f32 v3, v30  }
0x19e: {  	[tilespmem:s29+$0x80] =	vst v5  }
0x19f: {  	[tilespmem:s29+$0x90] =	vst v3  }
0x1a0: {  	v3 =	vld.idx.msk [tilespmem:v1+s31+$0x250 ss:$0x1], $0xffff;
	_ =	sdelay $0x4  }
0x1a1: {  	v32 =	vshll.u32 v3, $0x10  }
0x1a2: {  	v3 =	vand.u32 $0xFFFF0000, v3;
	v5 =	vmul.f32 v32, v30  }
0x1a3: {  	v3 =	vmul.f32 v3, v30  }
0x1a4: {  	[tilespmem:s29+$0xA0] =	vst v5  }
0x1a5: {  	[tilespmem:s29+$0xB0] =	vst v3  }
0x1a6: {  	v3 =	vld.idx.msk [tilespmem:v1+s31+$0x260 ss:$0x1], $0xffff;
	_ =	sdelay $0x4  }
0x1a7: {  	v33 =	vshll.u32 v3, $0x10  }
0x1a8: {  	v3 =	vand.u32 $0xFFFF0000, v3;
	v5 =	vmul.f32 v33, v30  }
0x1a9: {  	v3 =	vmul.f32 v3, v30  }
0x1aa: {  	[tilespmem:s29+$0xC0] =	vst v5  }
0x1ab: {  	[tilespmem:s29+$0xD0] =	vst v3  }
0x1ac: {  	v3 =	vld.idx.msk [tilespmem:v1+s31+$0x270 ss:$0x1], $0xffff;
	_ =	sdelay $0x4  }
0x1ad: {  	v34 =	vshll.u32 v3, $0x10  }
0x1ae: {  	v3 =	vand.u32 $0xFFFF0000, v3;
	v5 =	vmul.f32 v34, v30  }
0x1af: {  	v3 =	vmul.f32 v3, v30  }
0x1b0: {  	[tilespmem:s29+$0xE0] =	vst v5  }
0x1b1: {  	[tilespmem:s29+$0xF0] =	vst v3  }
0x1b2: {  	v3 =	vld.idx.msk [tilespmem:v1+s31+$0x280 ss:$0x1], $0xffff;
	_ =	sdelay $0x3  }
0x1b3: {  	v35 =	vbroadcast v2, $0xA  }
0x1b4: {  	v36 =	vshll.u32 v3, $0x10  }
0x1b5: {  	v3 =	vand.u32 $0xFFFF0000, v3;
	v5 =	vmul.f32 v36, v35  }
0x1b6: {  	v3 =	vmul.f32 v3, v35  }
0x1b7: {  	[tilespmem:s29+$0x100] =	vst v5  }
0x1b8: {  	[tilespmem:s29+$0x110] =	vst v3  }
0x1b9: {  	v3 =	vld.idx.msk [tilespmem:v1+s31+$0x290 ss:$0x1], $0xffff;
	_ =	sdelay $0x4  }
0x1ba: {  	v37 =	vshll.u32 v3, $0x10  }
0x1bb: {  	v3 =	vand.u32 $0xFFFF0000, v3;
	v5 =	vmul.f32 v37, v35  }
0x1bc: {  	v3 =	vmul.f32 v3, v35  }
0x1bd: {  	[tilespmem:s29+$0x120] =	vst v5  }
0x1be: {  	[tilespmem:s29+$0x130] =	vst v3  }
0x1bf: {  	v3 =	vld.idx.msk [tilespmem:v1+s31+$0x2A0 ss:$0x1], $0xffff;
	_ =	sdelay $0x4  }
0x1c0: {  	v38 =	vshll.u32 v3, $0x10  }
0x1c1: {  	v3 =	vand.u32 $0xFFFF0000, v3;
	v5 =	vmul.f32 v38, v35  }
0x1c2: {  	v3 =	vmul.f32 v3, v35  }
0x1c3: {  	[tilespmem:s29+$0x140] =	vst v5  }
0x1c4: {  	[tilespmem:s29+$0x150] =	vst v3  }
0x1c5: {  	v3 =	vld.idx.msk [tilespmem:v1+s31+$0x2B0 ss:$0x1], $0xffff;
	_ =	sdelay $0x4  }
0x1c6: {  	v39 =	vshll.u32 v3, $0x10  }
0x1c7: {  	v3 =	vand.u32 $0xFFFF0000, v3;
	v5 =	vmul.f32 v39, v35  }
0x1c8: {  	v3 =	vmul.f32 v3, v35  }
0x1c9: {  	[tilespmem:s29+$0x160] =	vst v5  }
0x1ca: {  	[tilespmem:s29+$0x170] =	vst v3  }
0x1cb: {  	v3 =	vld.idx.msk [tilespmem:v1+s31+$0x2C0 ss:$0x1], $0xffff;
	_ =	sdelay $0x3  }
0x1cc: {  	v40 =	vbroadcast v2, $0xB  }
0x1cd: {  	v41 =	vshll.u32 v3, $0x10  }
0x1ce: {  	v3 =	vand.u32 $0xFFFF0000, v3;
	v5 =	vmul.f32 v41, v40  }
0x1cf: {  	v3 =	vmul.f32 v3, v40  }
0x1d0: {  	[tilespmem:s29+$0x180] =	vst v5  }
0x1d1: {  	[tilespmem:s29+$0x190] =	vst v3  }
0x1d2: {  	v3 =	vld.idx.msk [tilespmem:v1+s31+$0x2D0 ss:$0x1], $0xffff;
	_ =	sdelay $0x4  }
0x1d3: {  	v42 =	vshll.u32 v3, $0x10  }
0x1d4: {  	v3 =	vand.u32 $0xFFFF0000, v3;
	v5 =	vmul.f32 v42, v40  }
0x1d5: {  	v3 =	vmul.f32 v3, v40  }
0x1d6: {  	[tilespmem:s29+$0x1A0] =	vst v5  }
0x1d7: {  	[tilespmem:s29+$0x1B0] =	vst v3  }
0x1d8: {  	v3 =	vld.idx.msk [tilespmem:v1+s31+$0x2E0 ss:$0x1], $0xffff;
	_ =	sdelay $0x4  }
0x1d9: {  	v43 =	vshll.u32 v3, $0x10  }
0x1da: {  	v3 =	vand.u32 $0xFFFF0000, v3;
	v5 =	vmul.f32 v43, v40  }
0x1db: {  	v3 =	vmul.f32 v3, v40  }
0x1dc: {  	[tilespmem:s29+$0x1C0] =	vst v5  }
0x1dd: {  	[tilespmem:s29+$0x1D0] =	vst v3  }
0x1de: {  	v3 =	vld.idx.msk [tilespmem:v1+s31+$0x2F0 ss:$0x1], $0xffff;
	_ =	sdelay $0x4  }
0x1df: {  	v44 =	vshll.u32 v3, $0x10  }
0x1e0: {  	v3 =	vand.u32 $0xFFFF0000, v3;
	v5 =	vmul.f32 v44, v40  }
0x1e1: {  	v3 =	vmul.f32 v3, v40  }
0x1e2: {  	[tilespmem:s29+$0x1E0] =	vst v5  }
0x1e3: {  	[tilespmem:s29+$0x1F0] =	vst v3  }
0x1e4: {  	v3 =	vld.idx.msk [tilespmem:v1+s31+$0x300 ss:$0x1], $0xffff;
	_ =	sdelay $0x3  }
0x1e5: {  	v45 =	vbroadcast v2, $0xC  }
0x1e6: {  	v46 =	vshll.u32 v3, $0x10  }
0x1e7: {  	v3 =	vand.u32 $0xFFFF0000, v3;
	v5 =	vmul.f32 v46, v45  }
0x1e8: {  	v3 =	vmul.f32 v3, v45  }
0x1e9: {  	[tilespmem:s29+$0x200] =	vst v5  }
0x1ea: {  	[tilespmem:s29+$0x210] =	vst v3  }
0x1eb: {  	v3 =	vld.idx.msk [tilespmem:v1+s31+$0x310 ss:$0x1], $0xffff;
	_ =	sdelay $0x4  }
0x1ec: {  	v47 =	vshll.u32 v3, $0x10  }
0x1ed: {  	v3 =	vand.u32 $0xFFFF0000, v3;
	v5 =	vmul.f32 v47, v45  }
0x1ee: {  	v3 =	vmul.f32 v3, v45  }
0x1ef: {  	[tilespmem:s29+$0x220] =	vst v5  }
0x1f0: {  	[tilespmem:s29+$0x230] =	vst v3  }
0x1f1: {  	v3 =	vld.idx.msk [tilespmem:v1+s31+$0x320 ss:$0x1], $0xffff;
	_ =	sdelay $0x4  }
0x1f2: {  	v48 =	vshll.u32 v3, $0x10  }
0x1f3: {  	v3 =	vand.u32 $0xFFFF0000, v3;
	v5 =	vmul.f32 v48, v45  }
0x1f4: {  	v3 =	vmul.f32 v3, v45  }
0x1f5: {  	[tilespmem:s29+$0x240] =	vst v5  }
0x1f6: {  	[tilespmem:s29+$0x250] =	vst v3  }
0x1f7: {  	v3 =	vld.idx.msk [tilespmem:v1+s31+$0x330 ss:$0x1], $0xffff;
	_ =	sdelay $0x4  }
0x1f8: {  	v49 =	vshll.u32 v3, $0x10  }
0x1f9: {  	v3 =	vand.u32 $0xFFFF0000, v3;
	v5 =	vmul.f32 v49, v45  }
0x1fa: {  	v3 =	vmul.f32 v3, v45  }
0x1fb: {  	[tilespmem:s29+$0x260] =	vst v5  }
0x1fc: {  	[tilespmem:s29+$0x270] =	vst v3  }
0x1fd: {  	v3 =	vld.idx.msk [tilespmem:v1+s31+$0x340 ss:$0x1], $0xffff;
	_ =	sdelay $0x3  }
0x1fe: {  	v50 =	vbroadcast v2, $0xD  }
0x1ff: {  	v51 =	vshll.u32 v3, $0x10  }
0x200: {  	v3 =	vand.u32 $0xFFFF0000, v3;
	v5 =	vmul.f32 v51, v50  }
0x201: {  	v3 =	vmul.f32 v3, v50  }
0x202: {  	[tilespmem:s29+$0x280] =	vst v5  }
0x203: {  	[tilespmem:s29+$0x290] =	vst v3  }
0x204: {  	v3 =	vld.idx.msk [tilespmem:v1+s31+$0x350 ss:$0x1], $0xffff;
	_ =	sdelay $0x4  }
0x205: {  	v52 =	vshll.u32 v3, $0x10  }
0x206: {  	v3 =	vand.u32 $0xFFFF0000, v3;
	v5 =	vmul.f32 v52, v50  }
0x207: {  	v3 =	vmul.f32 v3, v50  }
0x208: {  	[tilespmem:s29+$0x2A0] =	vst v5  }
0x209: {  	[tilespmem:s29+$0x2B0] =	vst v3  }
0x20a: {  	v3 =	vld.idx.msk [tilespmem:v1+s31+$0x360 ss:$0x1], $0xffff;
	_ =	sdelay $0x4  }
0x20b: {  	v53 =	vshll.u32 v3, $0x10  }
0x20c: {  	v3 =	vand.u32 $0xFFFF0000, v3;
	v5 =	vmul.f32 v53, v50  }
0x20d: {  	v3 =	vmul.f32 v3, v50  }
0x20e: {  	[tilespmem:s29+$0x2C0] =	vst v5  }
0x20f: {  	[tilespmem:s29+$0x2D0] =	vst v3  }
0x210: {  	v3 =	vld.idx.msk [tilespmem:v1+s31+$0x370 ss:$0x1], $0xffff;
	_ =	sdelay $0x4  }
0x211: {  	v54 =	vshll.u32 v3, $0x10  }
0x212: {  	v3 =	vand.u32 $0xFFFF0000, v3;
	v5 =	vmul.f32 v54, v50  }
0x213: {  	v3 =	vmul.f32 v3, v50  }
0x214: {  	[tilespmem:s29+$0x2E0] =	vst v5  }
0x215: {  	[tilespmem:s29+$0x2F0] =	vst v3  }
0x216: {  	v3 =	vld.idx.msk [tilespmem:v1+s31+$0x380 ss:$0x1], $0xffff;
	_ =	sdelay $0x3  }
0x217: {  	v55 =	vbroadcast v2, $0xE  }
0x218: {  	v56 =	vshll.u32 v3, $0x10  }
0x219: {  	v3 =	vand.u32 $0xFFFF0000, v3;
	v5 =	vmul.f32 v56, v55  }
0x21a: {  	v3 =	vmul.f32 v3, v55  }
0x21b: {  	[tilespmem:s29+$0x300] =	vst v5  }
0x21c: {  	[tilespmem:s29+$0x310] =	vst v3  }
0x21d: {  	v3 =	vld.idx.msk [tilespmem:v1+s31+$0x390 ss:$0x1], $0xffff;
	_ =	sdelay $0x4  }
0x21e: {  	v57 =	vshll.u32 v3, $0x10  }
0x21f: {  	v3 =	vand.u32 $0xFFFF0000, v3;
	v5 =	vmul.f32 v57, v55  }
0x220: {  	v3 =	vmul.f32 v3, v55  }
0x221: {  	[tilespmem:s29+$0x320] =	vst v5  }
0x222: {  	[tilespmem:s29+$0x330] =	vst v3  }
0x223: {  	v3 =	vld.idx.msk [tilespmem:v1+s31+$0x3A0 ss:$0x1], $0xffff;
	_ =	sdelay $0x4  }
0x224: {  	v58 =	vshll.u32 v3, $0x10  }
0x225: {  	v3 =	vand.u32 $0xFFFF0000, v3;
	v5 =	vmul.f32 v58, v55  }
0x226: {  	v3 =	vmul.f32 v3, v55  }
0x227: {  	[tilespmem:s29+$0x340] =	vst v5  }
0x228: {  	[tilespmem:s29+$0x350] =	vst v3  }
0x229: {  	v3 =	vld.idx.msk [tilespmem:v1+s31+$0x3B0 ss:$0x1], $0xffff;
	_ =	sdelay $0x4  }
0x22a: {  	v59 =	vshll.u32 v3, $0x10  }
0x22b: {  	v3 =	vand.u32 $0xFFFF0000, v3;
	v5 =	vmul.f32 v59, v55  }
0x22c: {  	v3 =	vmul.f32 v3, v55  }
0x22d: {  	[tilespmem:s29+$0x360] =	vst v5  }
0x22e: {  	[tilespmem:s29+$0x370] =	vst v3  }
0x22f: {  	v3 =	vld.idx.msk [tilespmem:v1+s31+$0x3C0 ss:$0x1], $0xffff;
	_ =	sdelay $0x3  }
0x230: {  	v2 =	vbroadcast v2, $0xF  }
0x231: {  	v60 =	vshll.u32 v3, $0x10  }
0x232: {  	v3 =	vand.u32 $0xFFFF0000, v3;
	v4 =	vmul.f32 v60, v2  }
0x233: {  	v3 =	vmul.f32 v3, v2  }
0x234: {  	[tilespmem:s29+$0x380] =	vst v4  }
0x235: {  	[tilespmem:s29+$0x390] =	vst v3  }
0x236: {  	v3 =	vld.idx.msk [tilespmem:v1+s31+$0x3D0 ss:$0x1], $0xffff;
	_ =	sdelay $0x4  }
0x237: {  	v61 =	vshll.u32 v3, $0x10  }
0x238: {  	v3 =	vand.u32 $0xFFFF0000, v3;
	v4 =	vmul.f32 v61, v2  }
0x239: {  	v3 =	vmul.f32 v3, v2  }
0x23a: {  	[tilespmem:s29+$0x3A0] =	vst v4  }
0x23b: {  	[tilespmem:s29+$0x3B0] =	vst v3  }
0x23c: {  	v3 =	vld.idx.msk [tilespmem:v1+s31+$0x3E0 ss:$0x1], $0xffff;
	_ =	sdelay $0x4  }
0x23d: {  	v62 =	vshll.u32 v3, $0x10  }
0x23e: {  	v3 =	vand.u32 $0xFFFF0000, v3;
	v4 =	vmul.f32 v62, v2  }
0x23f: {  	v3 =	vmul.f32 v3, v2  }
0x240: {  	[tilespmem:s29+$0x3C0] =	vst v4  }
0x241: {  	[tilespmem:s29+$0x3D0] =	vst v3  }
0x242: {  	v3 =	vld.idx.msk [tilespmem:v1+s31+$0x3F0 ss:$0x1], $0xffff;
	_ =	sdelay $0x3  }
0x243: {  	p1 =	sne.s32 s30, $0x4000  }
.Ltmp5:
0x244: {  	v63 =	vshll.u32 v3, $0x10;
	(pc) =	sbr.rel @p1 .LBB2_5-.Ltmp5, $4  }
0x245: {  	v3 =	vand.u32 $0xFFFF0000, v3;
	v4 =	vmul.f32 v63, v2  }
0x246: {  	v2 =	vmul.f32 v3, v2  }
0x247: {  	[tilespmem:s29+$0x3E0] =	vst v4  }
0x248: {  	s28 =	sadd.s32 $0x10, s28;
	s30 =	sadd.s32 $0x1000, s30;
	[tilespmem:s29+$0x3F0] =	vst v2;
	s29 =	sadd.s32 $0x800, s29  }
0x249: {  	s28 =	smul.u32 $0xA000, s26  }
0x24a: {  	s12 =	sshrl.u32 s12, $0x2;
	p1 =	seq.s32 s22, $0x0  }
0x24b: {  	s29 =	sor.u32 $0xC, s26;
	p2 =	sgt.u32 @!p1 s22, $0x7B;
	s28 =	sshrl.u32 s28, $0x2  }
0x24c: {  	s12 =	sadd.s32 $0x1E0, s12;
	p2 =	por p1, !p2;
	s28 =	sadd.s32 $0x69A0, s28  }
0x24d: {  	[spmem:s3] =	stream.indirect.scatter.add.f32 [tilespmem:s28], [sflag:s29], $0x80, s12, s11, $0xb8;
	[tilespmem:$0x1F9A0] =	vst v63  }
.Ltmp6:
0x24e: {  	s12 =	sxor.u32 @!p1 $0x1, s26;
	(pc) =	sbr.rel @!p2 .LBB2_8-.Ltmp6, $4  }
0x24f: {  	s12 =	sor.u32 @!p1 $0xC, s12  }
0x250: {  	_ =	swait.ge @!p1 [sflag:s12], $0x2800  }
0x251: {  	[sflag:s12] =	ssyncset.done @!p1 $0x0  }
0x252: {  	[sflag:s12] =	ssyncadd.s32 @!p1 $0xFFFFD800  }
0x253: {  	s12 =	sadd.s32 $0x4, s22  }
0x254: {  	s26 =	sand.u32 $0xFF, s12  }
0x255: {  	s28 =	smul.u32 $0xAB, s26;
	_ =	sdelay $0x1  }
0x256: {  	s28 =	sshrl.u32 s28, $0xA  }
0x257: {  	s28 =	smul.u32 $0x6, s28;
	_ =	sdelay $0x1  }
0x258: {  	s28 =	ssub.s32 s12, s28  }
0x259: {  	s28 =	sand.u32 $0xFF, s28  }
0x25a: {  	s26 =	smul.u32 $0xCD, s26;
	s29 =	sadd.s32 $0x1, s28  }
0x25b: {  	_ =	swait.ge [sflag:s29], $0x50  }
0x25c: {  	s26 =	sshrl.u32 s26, $0xA;
	[sflag:s29] =	ssyncset.done $0x0  }
0x25d: {  	s26 =	smul.u32 $0x5, s26;
	[sflag:s29] =	ssyncadd.s32 $0xFFFFFFB0  }
0x25e: {  	_ =	swait.ge [sflag:s29], $0x50  }
0x25f: {  	s12 =	ssub.s32 s12, s26;
	[sflag:s29] =	ssyncset.done $0x0  }
0x260: {  	s12 =	sand.u32 $0xFF, s12;
	[sflag:s29] =	ssyncadd.s32 $0xFFFFFFB0  }
0x261: {  	p1 =	sgt.u32 s22, $0x7A;
	s31 =	smul.u32 $0x5000, s12;
	_ =	swait.ge [sflag:s29], $0x50  }
0x262: {  	s30 =	smul.u32 $0x140, s28;
	s12 =	sadd.s32 $0x7, s12;
	[sflag:s29] =	ssyncset.done $0x0  }
0x263: {  	s28 =	sshrl.u32 s31, $0x2;
	[sflag:s29] =	ssyncadd.s32 $0xFFFFFFB0;
	s29 =	sadd.s32 @!p1 $0x5, s22  }
0x264: {  	s26 =	sshrl.u32 s30, $0x2;
	s28 =	sadd.s32 $0x5A0, s28;
	s30 =	smul.u32 @!p1 $0xAB, s29  }
0x265: {  	[tilespmem:s28], [sflag:s12] =	stream.indirect.gather [hbm4b:s1+s11], $0x40, s26, s11, $0xb8;
	[tilespmem:$0x1F9A0] =	vst v63  }
0x266: {  	s12 =	sshrl.u32 @!p1 s30, $0xA  }
0x267: {  	s12 =	sand.u32 @!p1 $0x3F, s12  }
0x268: {  	s26 =	sadd.s32 @!p1 s10, s29;
	s12 =	smul.u32 @!p1 $0x6, s12  }
0x269: {  	s26 =	smul.u32 @!p1 $0x50, s26  }
0x26a: {  	s12 =	ssub.s32 @!p1 s29, s12  }
0x26b: {  	s28 =	sadd.s32 @!p1 s7, s26;
	s12 =	sand.u32 @!p1 $0xFF, s12  }
0x26c: {  	s28 =	sshrl.u32 @!p1 s28, $0x3;
	s29 =	smul.u32 @!p1 $0x50, s12  }
0x26d: {  	s30 =	simm.s32 @!p1 $0x0;
	s28 =	sadd.s32 @!p1 s5, s28;
	s12 =	sadd.s32 @!p1 $0x1, s12  }
0x26e: {  	[tilespmem:s29], [sflag:s12] =	stream.linear.gather @!p1 [hbm4b:s28+s30], $0x50, $0x38;
	[tilespmem:$0x1F9A0] =	vst v63  }
.Ltmp7:
0x26f: {  	s26 =	sshrl.u32 @!p1 s26, $0x3;
	(pc) =	sbr.rel .LBB2_8-.Ltmp7, $4  }
0x270: {  	s31 =	sadd.s32 @!p1 s6, s26;
	s28 =	sadd.s32 @!p1 $0x1E0, s29  }
0x271: {  	[tilespmem:s28], [sflag:s12] =	stream.linear.gather @!p1 [hbm4b:s31+s30], $0x50, $0x38;
	[tilespmem:$0x1F9A0] =	vst v63  }
0x272: {  	s26 =	sadd.s32 @!p1 s8, s26;
	s28 =	sadd.s32 @!p1 $0x3C0, s29  }
0x273: {  	[tilespmem:s28], [sflag:s12] =	stream.linear.gather @!p1 [hbm4b:s26+s30], $0x50, $0x38;
	[tilespmem:$0x1F9A0] =	vst v63  }
.LBB2_10:
0x274: {  	_ =	sfence.sel $0x180000  }
0x275: {  	[bflag:$0x0] =	sbarrier.arrive $0xFFFF  }
0x276: {  	_ =	strace $0x90000047  }
0x277: {  	s0 =	stileid.u32;
	[bflag:$0x2] =	sbarrier.arrive $0xFFFF  }
0x278: {  	p0 =	sne.s32 s0, $0x0;
	s0 =	rddreg [dreg:$0x3]  }
0x279: {  	s0 =	sadd.s32 @!p0 $0x100000, s0  }
0x27a: {  	[sflag:s0] =	ssyncadd.tile.s32 @!p0 $0x1;
	_ =	shalt  }
.Lfunc_end2:
_tile_overlayer_lowered:
.L_overlay_start_2:
0x27b: {  	(tag) =	ssettag $0x2  }
0x27c: {  	s0 =	rddreg [dreg:$0x0];
	s2 =	stileid.u32  }
0x27d: {  	s1 =	rddreg [dreg:$0x1];
	p0 =	sne.s32 s2, $0x0  }
0x27e: {  	s3 =	rddreg [dreg:$0x2];
	[bflag:$0x3] =	sbarrier.arrive $0xFFFF;
	s2 =	simm.s32 @!p0 $0x1C0E  }
0x27f: {  	[timem:s3], [sflag:s2] =	dma.local @!p0 [hbm:s0], s1  }
0x280: {  	s0 =	simm.s32 @!p0 $0xE  }
0x281: {  	_ =	swait.ge @!p0 [sflag:s0], s1  }
0x282: {  	s1 =	ssub.s32 @!p0 $0x0, s1;
	[sflag:s0] =	ssyncset.done @!p0 $0x0  }
0x283: {  	[sflag:s0] =	ssyncadd.s32 @!p0 s1  }
0x284: {  	[bflag:$0x3] =	sbarrier.arrive $0xFFFF  }
0x285: {  	_ =	shalt  }

</sc_bundles>
